<compile_context>
chip_gen: v7x
topology: tpu7x:2x2x1
jax: 0.10.2.dev20260603
libtpu: 0.0.44.dev20260713+nightly
codegen_flags: <defaults>
</compile_context>

<pallas_src>
import jax
import jax.numpy as jnp
from jax import lax
from jax.experimental import pallas as pl
from jax.experimental.pallas import tpu as pltpu
from jax.experimental.pallas import tpu_sc as plsc

_NW = 32
_BATCH = 16384
_DIM = 64
_NROW = 1000000
_B_PER_W = _BATCH // _NW
_TAIL_BLOCK = _NROW // 128
_TAIL_OFF = _TAIL_BLOCK * 128
_TAIL_LEN = _NROW - _TAIL_OFF
_SEG_PAD = _B_PER_W + 8


def _issue(params_hbm, blk_v, sems, slot, is_tail, block):
    off = pl.multiple_of(block * 128, 128)
    for s in range(3):
        @pl.when(jnp.logical_and(slot == s, jnp.logical_not(is_tail)))
        def _():
            pltpu.async_copy(
                params_hbm.at[:, pl.ds(off, 128)],
                blk_v.at[s],
                sems[s],
            )


def _wait(params_hbm, blk_v, sems, slot):
    for s in range(3):
        @pl.when(slot == s)
        def _():
            pltpu.make_async_copy(
                params_hbm.at[:, pl.ds(0, 128)],
                blk_v.at[s],
                sems[s],
            ).wait()


def _cycle(p):
    return jnp.where(p == 2, 0, p + 1)


def _body(params_hbm, tail_hbm, idx_hbm, out_hbm, idx_v, blk_v, rows_v,
          seg_s, sem0, sem1, sem2):
    sems = (sem0, sem1, sem2)
    wid = lax.axis_index("s") * 2 + lax.axis_index("c")
    pltpu.sync_copy(idx_hbm.at[wid], idx_v)
    pltpu.sync_copy(tail_hbm, blk_v.at[3])

    def prescan(k16, carry):
        prevb, s = carry
        vec = idx_v[k16 >> 3, pl.ds((k16 & 7) * 16, 16)] >> 7
        for l in range(16):
            b = vec[l]
            new = b != prevb
            s = jnp.where(new, s + 1, s)

            @pl.when(new)
            def _(b=b, s=s):
                seg_s[s] = b
            prevb = b
        return prevb, s

    _, s_last = lax.fori_loop(0, _B_PER_W // 16, prescan,
                              (jnp.int32(-1), jnp.int32(-1)))
    nseg = s_last + 1
    seg_s[nseg] = 0
    seg_s[nseg + 1] = 0

    b0 = seg_s[0]
    b1 = seg_s[1]
    _issue(params_hbm, blk_v, sems, jnp.where(b0 == _TAIL_BLOCK, 3, 0),
           b0 == _TAIL_BLOCK, b0)
    _issue(params_hbm, blk_v, sems, jnp.where(b1 == _TAIL_BLOCK, 3, 1),
           b1 == _TAIL_BLOCK, b1)

    iotas = [lax.iota(jnp.int32, 16) + 16 * g for g in range(4)]

    def chunk(k16, carry):
        prevb, s, p = carry
        sid16 = idx_v[k16 >> 3, pl.ds((k16 & 7) * 16, 16)]
        blk16 = sid16 >> 7
        ir16 = sid16 & 127
        for l in range(16):
            b = blk16[l]
            new = b != prevb
            s = jnp.where(new, s + 1, s)
            p = jnp.where(new, _cycle(p), p)
            slot = jnp.where(b == _TAIL_BLOCK, 3, p)

            @pl.when(new)
            def _(s=s, p=p, slot=slot):
                bp = seg_s[s + 2]
                q = _cycle(_cycle(p))
                _issue(params_hbm, blk_v, sems,
                       jnp.where(bp == _TAIL_BLOCK, 3, q),
                       bp == _TAIL_BLOCK, bp)
                _wait(params_hbm, blk_v, sems, slot)
            slot_v = jnp.full((16,), slot, jnp.int32)
            ir_v = jnp.full((16,), ir16[l], jnp.int32)
            k = k16 * 16 + l
            for g in range(4):
                vals = plsc.load_gather(blk_v, [slot_v, iotas[g], ir_v])
                rows_v[k, pl.ds(16 * g, 16)] = vals
            prevb = b
        return prevb, s, p

    lax.fori_loop(0, _B_PER_W // 16, chunk,
                  (jnp.int32(-1), jnp.int32(-1), jnp.int32(-1)))

    _wait(params_hbm, blk_v, sems, lax.rem(nseg, 3))
    _wait(params_hbm, blk_v, sems, lax.rem(nseg + 1, 3))

    pltpu.sync_copy(rows_v, out_hbm.at[pl.ds(wid * _B_PER_W, _B_PER_W), :])


@jax.jit
def kernel(x, params):
    ids = x[0]
    iota = jnp.arange(_BATCH, dtype=jnp.int32)
    sids, order = lax.sort((ids, iota), num_keys=1)
    idx = sids.reshape(_NW, 4, 128)
    run = pl.kernel(
        _body,
        out_type=jax.ShapeDtypeStruct((_BATCH, _DIM), jnp.float32),
        mesh=plsc.VectorSubcoreMesh(core_axis_name="c", subcore_axis_name="s"),
        scratch_types=[
            pltpu.VMEM((4, 128), jnp.int32),
            pltpu.VMEM((4, _DIM, 128), jnp.float32),
            pltpu.VMEM((_B_PER_W, _DIM), jnp.float32),
            pltpu.SMEM((_SEG_PAD,), jnp.int32),
            pltpu.SemaphoreType.DMA,
            pltpu.SemaphoreType.DMA,
            pltpu.SemaphoreType.DMA,
        ],
        compiler_params=pltpu.CompilerParams(
            use_tc_tiling_on_sc=True, needs_layout_passes=False),
    )
    p_t = params.T
    tail = jnp.pad(p_t[:, _TAIL_OFF:], ((0, 0), (0, 128 - _TAIL_LEN)))
    out_sorted = run(p_t, tail, idx)
    inv = jnp.zeros((_BATCH,), jnp.int32).at[order].set(iota)
    return out_sorted[inv]

# --- scband reference (transcript-rebuilt; emitter-appended) ---
"""Pipeline reference for scband-trunc-direct-policy-51539608282 (READ-ONLY COPY).

The authoritative reference and input builder live on the scoring server;
editing this copy changes nothing except your own understanding.
"""

import jax, jax.numpy as jnp
import numpy as np

N_ACTIONS = 64
PARAM_DIMS = (1000000, 64)
BATCH = 16384

def setup_inputs(seed: int = 0) -> dict:
    key = jax.random.key(seed)
    k1, _ = jax.random.split(key)
    x = jax.random.randint(k1, (1, BATCH), 0, PARAM_DIMS[0], dtype=jnp.int64 if jax.config.jax_enable_x64 else jnp.int32).astype(jnp.int32)
    params = jnp.ones(PARAM_DIMS, dtype=jnp.float32) * (1.0 / N_ACTIONS)
    return {"x": x, "params": params}

def reference(x, params):
    # Faithful to: self.params[*x.int(), :]
    # x has shape [D, B]; unpack its rows as index arrays over the leading
    # dims of params, keeping the trailing action dim.
    idx = tuple(x[i].astype(jnp.int32) for i in range(x.shape[0]))
    return params[idx]  # shape [B, n_actions]

if __name__ == "__main__":
    import jax
    _d = setup_inputs()
    print(jax.jit(kernel)(*tuple(_d.values())))

</pallas_src>

<mosaic_0001>
#map = affine_map<(d0, d1) -> (0, 0)>
#map1 = affine_map<(d0, d1) -> (0, 0, 0)>
module attributes {stable_mosaic.version = 14 : i64} {
  func.func @_body(%arg0: i32, %arg1: i32, %arg2: memref<64x1000000xf32, #tpu.memory_space<hbm>>, %arg3: memref<64x128xf32, #tpu.memory_space<hbm>>, %arg4: memref<32x4x128xi32, #tpu.memory_space<hbm>>, %arg5: memref<16384x64xf32, #tpu.memory_space<hbm>>, %arg6: memref<4x128xi32, #tpu.memory_space<vmem>>, %arg7: memref<4x64x128xf32, #tpu.memory_space<vmem>>, %arg8: memref<512x64xf32, #tpu.memory_space<vmem>>, %arg9: memref<520xi32, #tpu.memory_space<smem>>, %arg10: memref<!tpu.dma_semaphore, #tpu.memory_space<semaphore_mem>>, %arg11: memref<!tpu.dma_semaphore, #tpu.memory_space<semaphore_mem>>, %arg12: memref<!tpu.dma_semaphore, #tpu.memory_space<semaphore_mem>>) attributes {dimension_semantics = [#tpu.dimension_semantics<core_parallel>, #tpu.dimension_semantics<subcore_parallel>], iteration_bounds = array<i64: 2, 16>, scalar_prefetch = 0 : i64, scratch_operands = 7 : i64, tpu.core_type = #tpu.core_type<sc_vector_subcore>, window_params = [{transform_indices = #map}, {transform_indices = #map}, {transform_indices = #map1}, {transform_indices = #map}]} {
    %mul3A = arith.constant 2 : i32
    %mul3A_0 = arith.muli %arg1, %mul3A : i32
    %add3A = arith.addi %mul3A_0, %arg0 : i32
    "tpu.region"() ({
      %run_scoped3A_143 = tpu.sem_alloc : memref<!tpu.dma_semaphore, #tpu.memory_space<semaphore_mem>>
      %dma_start3A = arith.constant 0 : i32
      %dma_start3A_144 = arith.constant 0 : i32
      %dma_start3A_145 = tpu.memref_slice %arg4[%add3A, %dma_start3A, %dma_start3A_144] : memref<32x4x128xi32, #tpu.memory_space<hbm>> -> memref<1x4x128xi32, #tpu.memory_space<hbm>>
      %dma_start3A_146 = tpu.memref_squeeze %dma_start3A_145 : memref<1x4x128xi32, #tpu.memory_space<hbm>> -> memref<4x128xi32, #tpu.memory_space<hbm>>
      %dma_start3A_147 = arith.constant 0 : i32
      %dma_start3A_148 = arith.constant 0 : i32
      %dma_start3A_149 = tpu.memref_slice %arg4[%add3A, %dma_start3A_147, %dma_start3A_148] : memref<32x4x128xi32, #tpu.memory_space<hbm>> -> memref<1x4x128xi32, #tpu.memory_space<hbm>>
      %dma_start3A_150 = tpu.memref_squeeze %dma_start3A_149 : memref<1x4x128xi32, #tpu.memory_space<hbm>> -> memref<4x128xi32, #tpu.memory_space<hbm>>
      tpu.enqueue_dma source(%dma_start3A_150 : memref<4x128xi32, #tpu.memory_space<hbm>>) target(%arg6 : memref<4x128xi32, #tpu.memory_space<vmem>>) target_semaphore(%run_scoped3A_143 : memref<!tpu.dma_semaphore, #tpu.memory_space<semaphore_mem>>)
      %dma_wait3A = arith.constant 0 : i32
      %dma_wait3A_151 = arith.constant 0 : i32
      %dma_wait3A_152 = tpu.memref_slice %arg4[%add3A, %dma_wait3A, %dma_wait3A_151] : memref<32x4x128xi32, #tpu.memory_space<hbm>> -> memref<1x4x128xi32, #tpu.memory_space<hbm>>
      %dma_wait3A_153 = tpu.memref_squeeze %dma_wait3A_152 : memref<1x4x128xi32, #tpu.memory_space<hbm>> -> memref<4x128xi32, #tpu.memory_space<hbm>>
      %dma_wait3A_154 = arith.constant 0 : i32
      %dma_wait3A_155 = arith.constant 0 : i32
      %dma_wait3A_156 = tpu.memref_slice %arg4[%add3A, %dma_wait3A_154, %dma_wait3A_155] : memref<32x4x128xi32, #tpu.memory_space<hbm>> -> memref<1x4x128xi32, #tpu.memory_space<hbm>>
      %dma_wait3A_157 = tpu.memref_squeeze %dma_wait3A_156 : memref<1x4x128xi32, #tpu.memory_space<hbm>> -> memref<4x128xi32, #tpu.memory_space<hbm>>
      tpu.wait_dma2 semaphore(%run_scoped3A_143 : memref<!tpu.dma_semaphore, #tpu.memory_space<semaphore_mem>>) src(%dma_wait3A_157 : memref<4x128xi32, #tpu.memory_space<hbm>>) dst(%arg6 : memref<4x128xi32, #tpu.memory_space<vmem>>)
      tpu.yield
    }) : () -> ()
    %run_scoped3A = arith.constant 3 : i32
    "tpu.region"() ({
      %run_scoped3A_143 = tpu.sem_alloc : memref<!tpu.dma_semaphore, #tpu.memory_space<semaphore_mem>>
      %dma_start3A = arith.constant 0 : i32
      %dma_start3A_144 = arith.constant 0 : i32
      %dma_start3A_145 = tpu.memref_slice %arg7[%run_scoped3A, %dma_start3A, %dma_start3A_144] : memref<4x64x128xf32, #tpu.memory_space<vmem>> -> memref<1x64x128xf32, #tpu.memory_space<vmem>>
      %dma_start3A_146 = tpu.memref_squeeze %dma_start3A_145 : memref<1x64x128xf32, #tpu.memory_space<vmem>> -> memref<64x128xf32, #tpu.memory_space<vmem>>
      %dma_start3A_147 = arith.constant 0 : i32
      %dma_start3A_148 = arith.constant 0 : i32
      %dma_start3A_149 = tpu.memref_slice %arg7[%run_scoped3A, %dma_start3A_147, %dma_start3A_148] : memref<4x64x128xf32, #tpu.memory_space<vmem>> -> memref<1x64x128xf32, #tpu.memory_space<vmem>>
      %dma_start3A_150 = tpu.memref_squeeze %dma_start3A_149 : memref<1x64x128xf32, #tpu.memory_space<vmem>> -> memref<64x128xf32, #tpu.memory_space<vmem>>
      tpu.enqueue_dma source(%arg3 : memref<64x128xf32, #tpu.memory_space<hbm>>) target(%dma_start3A_150 : memref<64x128xf32, #tpu.memory_space<vmem>>) target_semaphore(%run_scoped3A_143 : memref<!tpu.dma_semaphore, #tpu.memory_space<semaphore_mem>>)
      %dma_wait3A = arith.constant 0 : i32
      %dma_wait3A_151 = arith.constant 0 : i32
      %dma_wait3A_152 = tpu.memref_slice %arg7[%run_scoped3A, %dma_wait3A, %dma_wait3A_151] : memref<4x64x128xf32, #tpu.memory_space<vmem>> -> memref<1x64x128xf32, #tpu.memory_space<vmem>>
      %dma_wait3A_153 = tpu.memref_squeeze %dma_wait3A_152 : memref<1x64x128xf32, #tpu.memory_space<vmem>> -> memref<64x128xf32, #tpu.memory_space<vmem>>
      %dma_wait3A_154 = arith.constant 0 : i32
      %dma_wait3A_155 = arith.constant 0 : i32
      %dma_wait3A_156 = tpu.memref_slice %arg7[%run_scoped3A, %dma_wait3A_154, %dma_wait3A_155] : memref<4x64x128xf32, #tpu.memory_space<vmem>> -> memref<1x64x128xf32, #tpu.memory_space<vmem>>
      %dma_wait3A_157 = tpu.memref_squeeze %dma_wait3A_156 : memref<1x64x128xf32, #tpu.memory_space<vmem>> -> memref<64x128xf32, #tpu.memory_space<vmem>>
      tpu.wait_dma2 semaphore(%run_scoped3A_143 : memref<!tpu.dma_semaphore, #tpu.memory_space<semaphore_mem>>) src(%arg3 : memref<64x128xf32, #tpu.memory_space<hbm>>) dst(%dma_wait3A_157 : memref<64x128xf32, #tpu.memory_space<vmem>>)
      tpu.yield
    }) : () -> ()
    %scan3A = arith.constant -1 : i32
    %scan3A_1 = arith.constant -1 : i32
    %scan3A_2 = arith.constant 0 : i32
    %scan3A_3 = arith.constant 32 : i32
    %scan3A_4 = arith.addi %scan3A_2, %scan3A_3 : i32
    %scan3A_5 = arith.constant 1 : i32
    %scan3A_6:2 = scf.for %scan3A_143 = %scan3A_2 to %scan3A_4 step %scan3A_5 iter_args(%scan3A_144 = %scan3A, %scan3A_145 = %scan3A_1) -> (i32, i32)  : i32 {
      %shift_right_arithmetic3A = arith.constant 3 : i32
      %shift_right_arithmetic3A_146 = arith.shrsi %scan3A_143, %shift_right_arithmetic3A : i32
      %and3A_147 = arith.constant 7 : i32
      %and3A_148 = arith.andi %scan3A_143, %and3A_147 : i32
      %mul3A_149 = arith.constant 16 : i32
      %mul3A_150 = arith.muli %and3A_148, %mul3A_149 : i32
      %get3A_151 = arith.index_cast %shift_right_arithmetic3A_146 : i32 to index
      %get3A_152 = arith.index_cast %mul3A_150 : i32 to index
      %get3A_153 = tpu.vector_load %arg6[%get3A_151, %get3A_152] {strides = array<i32>} : memref<4x128xi32, #tpu.memory_space<vmem>>, vector<16xi32>,
      %shift_right_arithmetic3A_154 = arith.constant 7 : i32
      %shift_right_arithmetic3A_155 = vector.broadcast %shift_right_arithmetic3A_154 : i32 to vector<16xi32>
      %shift_right_arithmetic3A_156 = arith.shrsi %get3A_153, %shift_right_arithmetic3A_155 : vector<16xi32>
      %slice3A = vector.extract_strided_slice %shift_right_arithmetic3A_156 {offsets = [0], sizes = [1], strides = [1]} : vector<16xi32> to vector<1xi32>
      %squeeze3A = vector.extract %slice3A[0] : i32 from vector<1xi32>
      %ne3A = arith.cmpi ne, %squeeze3A, %scan3A_144 : i32
      %add3A_157 = arith.constant 1 : i32
      %add3A_158 = arith.addi %scan3A_145, %add3A_157 : i32
      %select_n3A_159 = arith.select %ne3A, %add3A_158, %scan3A_145 : i32
      %convert_element_type3A_160 = arith.extui %ne3A : i1 to i32
      %cond3A_161 = arith.constant 0 : i32
      %cond3A_162 = arith.cmpi ne, %convert_element_type3A_160, %cond3A_161 : i32
      scf.if %cond3A_162 {
        %swap3A_298 = arith.index_cast %select_n3A_159 : i32 to index
        %swap3A_299 = memref.load %arg9[%swap3A_298] : memref<520xi32, #tpu.memory_space<smem>>
        memref.store %squeeze3A, %arg9[%swap3A_298] : memref<520xi32, #tpu.memory_space<smem>>
      } else {
      }
      %slice3A_163 = vector.extract_strided_slice %shift_right_arithmetic3A_156 {offsets = [1], sizes = [1], strides = [1]} : vector<16xi32> to vector<1xi32>
      %squeeze3A_164 = vector.extract %slice3A_163[0] : i32 from vector<1xi32>
      %ne3A_165 = arith.cmpi ne, %squeeze3A_164, %squeeze3A : i32
      %add3A_166 = arith.constant 1 : i32
      %add3A_167 = arith.addi %select_n3A_159, %add3A_166 : i32
      %select_n3A_168 = arith.select %ne3A_165, %add3A_167, %select_n3A_159 : i32
      %convert_element_type3A_169 = arith.extui %ne3A_165 : i1 to i32
      %cond3A_170 = arith.constant 0 : i32
      %cond3A_171 = arith.cmpi ne, %convert_element_type3A_169, %cond3A_170 : i32
      scf.if %cond3A_171 {
        %swap3A_298 = arith.index_cast %select_n3A_168 : i32 to index
        %swap3A_299 = memref.load %arg9[%swap3A_298] : memref<520xi32, #tpu.memory_space<smem>>
        memref.store %squeeze3A_164, %arg9[%swap3A_298] : memref<520xi32, #tpu.memory_space<smem>>
      } else {
      }
      %slice3A_172 = vector.extract_strided_slice %shift_right_arithmetic3A_156 {offsets = [2], sizes = [1], strides = [1]} : vector<16xi32> to vector<1xi32>
      %squeeze3A_173 = vector.extract %slice3A_172[0] : i32 from vector<1xi32>
      %ne3A_174 = arith.cmpi ne, %squeeze3A_173, %squeeze3A_164 : i32
      %add3A_175 = arith.constant 1 : i32
      %add3A_176 = arith.addi %select_n3A_168, %add3A_175 : i32
      %select_n3A_177 = arith.select %ne3A_174, %add3A_176, %select_n3A_168 : i32
      %convert_element_type3A_178 = arith.extui %ne3A_174 : i1 to i32
      %cond3A_179 = arith.constant 0 : i32
      %cond3A_180 = arith.cmpi ne, %convert_element_type3A_178, %cond3A_179 : i32
      scf.if %cond3A_180 {
        %swap3A_298 = arith.index_cast %select_n3A_177 : i32 to index
        %swap3A_299 = memref.load %arg9[%swap3A_298] : memref<520xi32, #tpu.memory_space<smem>>
        memref.store %squeeze3A_173, %arg9[%swap3A_298] : memref<520xi32, #tpu.memory_space<smem>>
      } else {
      }
      %slice3A_181 = vector.extract_strided_slice %shift_right_arithmetic3A_156 {offsets = [3], sizes = [1], strides = [1]} : vector<16xi32> to vector<1xi32>
      %squeeze3A_182 = vector.extract %slice3A_181[0] : i32 from vector<1xi32>
      %ne3A_183 = arith.cmpi ne, %squeeze3A_182, %squeeze3A_173 : i32
      %add3A_184 = arith.constant 1 : i32
      %add3A_185 = arith.addi %select_n3A_177, %add3A_184 : i32
      %select_n3A_186 = arith.select %ne3A_183, %add3A_185, %select_n3A_177 : i32
      %convert_element_type3A_187 = arith.extui %ne3A_183 : i1 to i32
      %cond3A_188 = arith.constant 0 : i32
      %cond3A_189 = arith.cmpi ne, %convert_element_type3A_187, %cond3A_188 : i32
      scf.if %cond3A_189 {
        %swap3A_298 = arith.index_cast %select_n3A_186 : i32 to index
        %swap3A_299 = memref.load %arg9[%swap3A_298] : memref<520xi32, #tpu.memory_space<smem>>
        memref.store %squeeze3A_182, %arg9[%swap3A_298] : memref<520xi32, #tpu.memory_space<smem>>
      } else {
      }
      %slice3A_190 = vector.extract_strided_slice %shift_right_arithmetic3A_156 {offsets = [4], sizes = [1], strides = [1]} : vector<16xi32> to vector<1xi32>
      %squeeze3A_191 = vector.extract %slice3A_190[0] : i32 from vector<1xi32>
      %ne3A_192 = arith.cmpi ne, %squeeze3A_191, %squeeze3A_182 : i32
      %add3A_193 = arith.constant 1 : i32
      %add3A_194 = arith.addi %select_n3A_186, %add3A_193 : i32
      %select_n3A_195 = arith.select %ne3A_192, %add3A_194, %select_n3A_186 : i32
      %convert_element_type3A_196 = arith.extui %ne3A_192 : i1 to i32
      %cond3A_197 = arith.constant 0 : i32
      %cond3A_198 = arith.cmpi ne, %convert_element_type3A_196, %cond3A_197 : i32
      scf.if %cond3A_198 {
        %swap3A_298 = arith.index_cast %select_n3A_195 : i32 to index
        %swap3A_299 = memref.load %arg9[%swap3A_298] : memref<520xi32, #tpu.memory_space<smem>>
        memref.store %squeeze3A_191, %arg9[%swap3A_298] : memref<520xi32, #tpu.memory_space<smem>>
      } else {
      }
      %slice3A_199 = vector.extract_strided_slice %shift_right_arithmetic3A_156 {offsets = [5], sizes = [1], strides = [1]} : vector<16xi32> to vector<1xi32>
      %squeeze3A_200 = vector.extract %slice3A_199[0] : i32 from vector<1xi32>
      %ne3A_201 = arith.cmpi ne, %squeeze3A_200, %squeeze3A_191 : i32
      %add3A_202 = arith.constant 1 : i32
      %add3A_203 = arith.addi %select_n3A_195, %add3A_202 : i32
      %select_n3A_204 = arith.select %ne3A_201, %add3A_203, %select_n3A_195 : i32
      %convert_element_type3A_205 = arith.extui %ne3A_201 : i1 to i32
      %cond3A_206 = arith.constant 0 : i32
      %cond3A_207 = arith.cmpi ne, %convert_element_type3A_205, %cond3A_206 : i32
      scf.if %cond3A_207 {
        %swap3A_298 = arith.index_cast %select_n3A_204 : i32 to index
        %swap3A_299 = memref.load %arg9[%swap3A_298] : memref<520xi32, #tpu.memory_space<smem>>
        memref.store %squeeze3A_200, %arg9[%swap3A_298] : memref<520xi32, #tpu.memory_space<smem>>
      } else {
      }
      %slice3A_208 = vector.extract_strided_slice %shift_right_arithmetic3A_156 {offsets = [6], sizes = [1], strides = [1]} : vector<16xi32> to vector<1xi32>
      %squeeze3A_209 = vector.extract %slice3A_208[0] : i32 from vector<1xi32>
      %ne3A_210 = arith.cmpi ne, %squeeze3A_209, %squeeze3A_200 : i32
      %add3A_211 = arith.constant 1 : i32
      %add3A_212 = arith.addi %select_n3A_204, %add3A_211 : i32
      %select_n3A_213 = arith.select %ne3A_210, %add3A_212, %select_n3A_204 : i32
      %convert_element_type3A_214 = arith.extui %ne3A_210 : i1 to i32
      %cond3A_215 = arith.constant 0 : i32
      %cond3A_216 = arith.cmpi ne, %convert_element_type3A_214, %cond3A_215 : i32
      scf.if %cond3A_216 {
        %swap3A_298 = arith.index_cast %select_n3A_213 : i32 to index
        %swap3A_299 = memref.load %arg9[%swap3A_298] : memref<520xi32, #tpu.memory_space<smem>>
        memref.store %squeeze3A_209, %arg9[%swap3A_298] : memref<520xi32, #tpu.memory_space<smem>>
      } else {
      }
      %slice3A_217 = vector.extract_strided_slice %shift_right_arithmetic3A_156 {offsets = [7], sizes = [1], strides = [1]} : vector<16xi32> to vector<1xi32>
      %squeeze3A_218 = vector.extract %slice3A_217[0] : i32 from vector<1xi32>
      %ne3A_219 = arith.cmpi ne, %squeeze3A_218, %squeeze3A_209 : i32
      %add3A_220 = arith.constant 1 : i32
      %add3A_221 = arith.addi %select_n3A_213, %add3A_220 : i32
      %select_n3A_222 = arith.select %ne3A_219, %add3A_221, %select_n3A_213 : i32
      %convert_element_type3A_223 = arith.extui %ne3A_219 : i1 to i32
      %cond3A_224 = arith.constant 0 : i32
      %cond3A_225 = arith.cmpi ne, %convert_element_type3A_223, %cond3A_224 : i32
      scf.if %cond3A_225 {
        %swap3A_298 = arith.index_cast %select_n3A_222 : i32 to index
        %swap3A_299 = memref.load %arg9[%swap3A_298] : memref<520xi32, #tpu.memory_space<smem>>
        memref.store %squeeze3A_218, %arg9[%swap3A_298] : memref<520xi32, #tpu.memory_space<smem>>
      } else {
      }
      %slice3A_226 = vector.extract_strided_slice %shift_right_arithmetic3A_156 {offsets = [8], sizes = [1], strides = [1]} : vector<16xi32> to vector<1xi32>
      %squeeze3A_227 = vector.extract %slice3A_226[0] : i32 from vector<1xi32>
      %ne3A_228 = arith.cmpi ne, %squeeze3A_227, %squeeze3A_218 : i32
      %add3A_229 = arith.constant 1 : i32
      %add3A_230 = arith.addi %select_n3A_222, %add3A_229 : i32
      %select_n3A_231 = arith.select %ne3A_228, %add3A_230, %select_n3A_222 : i32
      %convert_element_type3A_232 = arith.extui %ne3A_228 : i1 to i32
      %cond3A_233 = arith.constant 0 : i32
      %cond3A_234 = arith.cmpi ne, %convert_element_type3A_232, %cond3A_233 : i32
      scf.if %cond3A_234 {
        %swap3A_298 = arith.index_cast %select_n3A_231 : i32 to index
        %swap3A_299 = memref.load %arg9[%swap3A_298] : memref<520xi32, #tpu.memory_space<smem>>
        memref.store %squeeze3A_227, %arg9[%swap3A_298] : memref<520xi32, #tpu.memory_space<smem>>
      } else {
      }
      %slice3A_235 = vector.extract_strided_slice %shift_right_arithmetic3A_156 {offsets = [9], sizes = [1], strides = [1]} : vector<16xi32> to vector<1xi32>
      %squeeze3A_236 = vector.extract %slice3A_235[0] : i32 from vector<1xi32>
      %ne3A_237 = arith.cmpi ne, %squeeze3A_236, %squeeze3A_227 : i32
      %add3A_238 = arith.constant 1 : i32
      %add3A_239 = arith.addi %select_n3A_231, %add3A_238 : i32
      %select_n3A_240 = arith.select %ne3A_237, %add3A_239, %select_n3A_231 : i32
      %convert_element_type3A_241 = arith.extui %ne3A_237 : i1 to i32
      %cond3A_242 = arith.constant 0 : i32
      %cond3A_243 = arith.cmpi ne, %convert_element_type3A_241, %cond3A_242 : i32
      scf.if %cond3A_243 {
        %swap3A_298 = arith.index_cast %select_n3A_240 : i32 to index
        %swap3A_299 = memref.load %arg9[%swap3A_298] : memref<520xi32, #tpu.memory_space<smem>>
        memref.store %squeeze3A_236, %arg9[%swap3A_298] : memref<520xi32, #tpu.memory_space<smem>>
      } else {
      }
      %slice3A_244 = vector.extract_strided_slice %shift_right_arithmetic3A_156 {offsets = [10], sizes = [1], strides = [1]} : vector<16xi32> to vector<1xi32>
      %squeeze3A_245 = vector.extract %slice3A_244[0] : i32 from vector<1xi32>
      %ne3A_246 = arith.cmpi ne, %squeeze3A_245, %squeeze3A_236 : i32
      %add3A_247 = arith.constant 1 : i32
      %add3A_248 = arith.addi %select_n3A_240, %add3A_247 : i32
      %select_n3A_249 = arith.select %ne3A_246, %add3A_248, %select_n3A_240 : i32
      %convert_element_type3A_250 = arith.extui %ne3A_246 : i1 to i32
      %cond3A_251 = arith.constant 0 : i32
      %cond3A_252 = arith.cmpi ne, %convert_element_type3A_250, %cond3A_251 : i32
      scf.if %cond3A_252 {
        %swap3A_298 = arith.index_cast %select_n3A_249 : i32 to index
        %swap3A_299 = memref.load %arg9[%swap3A_298] : memref<520xi32, #tpu.memory_space<smem>>
        memref.store %squeeze3A_245, %arg9[%swap3A_298] : memref<520xi32, #tpu.memory_space<smem>>
      } else {
      }
      %slice3A_253 = vector.extract_strided_slice %shift_right_arithmetic3A_156 {offsets = [11], sizes = [1], strides = [1]} : vector<16xi32> to vector<1xi32>
      %squeeze3A_254 = vector.extract %slice3A_253[0] : i32 from vector<1xi32>
      %ne3A_255 = arith.cmpi ne, %squeeze3A_254, %squeeze3A_245 : i32
      %add3A_256 = arith.constant 1 : i32
      %add3A_257 = arith.addi %select_n3A_249, %add3A_256 : i32
      %select_n3A_258 = arith.select %ne3A_255, %add3A_257, %select_n3A_249 : i32
      %convert_element_type3A_259 = arith.extui %ne3A_255 : i1 to i32
      %cond3A_260 = arith.constant 0 : i32
      %cond3A_261 = arith.cmpi ne, %convert_element_type3A_259, %cond3A_260 : i32
      scf.if %cond3A_261 {
        %swap3A_298 = arith.index_cast %select_n3A_258 : i32 to index
        %swap3A_299 = memref.load %arg9[%swap3A_298] : memref<520xi32, #tpu.memory_space<smem>>
        memref.store %squeeze3A_254, %arg9[%swap3A_298] : memref<520xi32, #tpu.memory_space<smem>>
      } else {
      }
      %slice3A_262 = vector.extract_strided_slice %shift_right_arithmetic3A_156 {offsets = [12], sizes = [1], strides = [1]} : vector<16xi32> to vector<1xi32>
      %squeeze3A_263 = vector.extract %slice3A_262[0] : i32 from vector<1xi32>
      %ne3A_264 = arith.cmpi ne, %squeeze3A_263, %squeeze3A_254 : i32
      %add3A_265 = arith.constant 1 : i32
      %add3A_266 = arith.addi %select_n3A_258, %add3A_265 : i32
      %select_n3A_267 = arith.select %ne3A_264, %add3A_266, %select_n3A_258 : i32
      %convert_element_type3A_268 = arith.extui %ne3A_264 : i1 to i32
      %cond3A_269 = arith.constant 0 : i32
      %cond3A_270 = arith.cmpi ne, %convert_element_type3A_268, %cond3A_269 : i32
      scf.if %cond3A_270 {
        %swap3A_298 = arith.index_cast %select_n3A_267 : i32 to index
        %swap3A_299 = memref.load %arg9[%swap3A_298] : memref<520xi32, #tpu.memory_space<smem>>
        memref.store %squeeze3A_263, %arg9[%swap3A_298] : memref<520xi32, #tpu.memory_space<smem>>
      } else {
      }
      %slice3A_271 = vector.extract_strided_slice %shift_right_arithmetic3A_156 {offsets = [13], sizes = [1], strides = [1]} : vector<16xi32> to vector<1xi32>
      %squeeze3A_272 = vector.extract %slice3A_271[0] : i32 from vector<1xi32>
      %ne3A_273 = arith.cmpi ne, %squeeze3A_272, %squeeze3A_263 : i32
      %add3A_274 = arith.constant 1 : i32
      %add3A_275 = arith.addi %select_n3A_267, %add3A_274 : i32
      %select_n3A_276 = arith.select %ne3A_273, %add3A_275, %select_n3A_267 : i32
      %convert_element_type3A_277 = arith.extui %ne3A_273 : i1 to i32
      %cond3A_278 = arith.constant 0 : i32
      %cond3A_279 = arith.cmpi ne, %convert_element_type3A_277, %cond3A_278 : i32
      scf.if %cond3A_279 {
        %swap3A_298 = arith.index_cast %select_n3A_276 : i32 to index
        %swap3A_299 = memref.load %arg9[%swap3A_298] : memref<520xi32, #tpu.memory_space<smem>>
        memref.store %squeeze3A_272, %arg9[%swap3A_298] : memref<520xi32, #tpu.memory_space<smem>>
      } else {
      }
      %slice3A_280 = vector.extract_strided_slice %shift_right_arithmetic3A_156 {offsets = [14], sizes = [1], strides = [1]} : vector<16xi32> to vector<1xi32>
      %squeeze3A_281 = vector.extract %slice3A_280[0] : i32 from vector<1xi32>
      %ne3A_282 = arith.cmpi ne, %squeeze3A_281, %squeeze3A_272 : i32
      %add3A_283 = arith.constant 1 : i32
      %add3A_284 = arith.addi %select_n3A_276, %add3A_283 : i32
      %select_n3A_285 = arith.select %ne3A_282, %add3A_284, %select_n3A_276 : i32
      %convert_element_type3A_286 = arith.extui %ne3A_282 : i1 to i32
      %cond3A_287 = arith.constant 0 : i32
      %cond3A_288 = arith.cmpi ne, %convert_element_type3A_286, %cond3A_287 : i32
      scf.if %cond3A_288 {
        %swap3A_298 = arith.index_cast %select_n3A_285 : i32 to index
        %swap3A_299 = memref.load %arg9[%swap3A_298] : memref<520xi32, #tpu.memory_space<smem>>
        memref.store %squeeze3A_281, %arg9[%swap3A_298] : memref<520xi32, #tpu.memory_space<smem>>
      } else {
      }
      %slice3A_289 = vector.extract_strided_slice %shift_right_arithmetic3A_156 {offsets = [15], sizes = [1], strides = [1]} : vector<16xi32> to vector<1xi32>
      %squeeze3A_290 = vector.extract %slice3A_289[0] : i32 from vector<1xi32>
      %ne3A_291 = arith.cmpi ne, %squeeze3A_290, %squeeze3A_281 : i32
      %add3A_292 = arith.constant 1 : i32
      %add3A_293 = arith.addi %select_n3A_285, %add3A_292 : i32
      %select_n3A_294 = arith.select %ne3A_291, %add3A_293, %select_n3A_285 : i32
      %convert_element_type3A_295 = arith.extui %ne3A_291 : i1 to i32
      %cond3A_296 = arith.constant 0 : i32
      %cond3A_297 = arith.cmpi ne, %convert_element_type3A_295, %cond3A_296 : i32
      scf.if %cond3A_297 {
        %swap3A_298 = arith.index_cast %select_n3A_294 : i32 to index
        %swap3A_299 = memref.load %arg9[%swap3A_298] : memref<520xi32, #tpu.memory_space<smem>>
        memref.store %squeeze3A_290, %arg9[%swap3A_298] : memref<520xi32, #tpu.memory_space<smem>>
      } else {
      }
      scf.yield %squeeze3A_290, %select_n3A_294 : i32, i32
    }
    %scan3A_7 = arith.constant 32 : i32
    %add3A_8 = arith.constant 1 : i32
    %add3A_9 = arith.addi %scan3A_6#1, %add3A_8 : i32
    %swap3A = arith.constant 0 : i32
    %swap3A_10 = arith.index_cast %add3A_9 : i32 to index
    %swap3A_11 = memref.load %arg9[%swap3A_10] : memref<520xi32, #tpu.memory_space<smem>>
    memref.store %swap3A, %arg9[%swap3A_10] : memref<520xi32, #tpu.memory_space<smem>>
    %add3A_12 = arith.constant 1 : i32
    %add3A_13 = arith.addi %add3A_9, %add3A_12 : i32
    %swap3A_14 = arith.constant 0 : i32
    %swap3A_15 = arith.index_cast %add3A_13 : i32 to index
    %swap3A_16 = memref.load %arg9[%swap3A_15] : memref<520xi32, #tpu.memory_space<smem>>
    memref.store %swap3A_14, %arg9[%swap3A_15] : memref<520xi32, #tpu.memory_space<smem>>
    %get3A = arith.constant 0 : i32
    %get3A_17 = arith.index_cast %get3A : i32 to index
    %get3A_18 = memref.load %arg9[%get3A_17] : memref<520xi32, #tpu.memory_space<smem>>
    %get3A_19 = arith.constant 1 : i32
    %get3A_20 = arith.index_cast %get3A_19 : i32 to index
    %get3A_21 = memref.load %arg9[%get3A_20] : memref<520xi32, #tpu.memory_space<smem>>
    %eq3A = arith.constant 7812 : i32
    %eq3A_22 = arith.cmpi eq, %get3A_18, %eq3A : i32
    %jit3A = arith.constant 3 : i32
    %jit3A_23 = arith.constant 0 : i32
    %select_n3A = arith.select %eq3A_22, %jit3A, %jit3A_23 : i32
    %eq3A_24 = arith.constant 7812 : i32
    %eq3A_25 = arith.cmpi eq, %get3A_18, %eq3A_24 : i32
    %mul3A_26 = arith.constant 128 : i32
    %mul3A_27 = arith.muli %get3A_18, %mul3A_26 : i32
    %multiple_of3A = tpu.assume_multiple %mul3A_27, 128 : i32
    %eq3A_28 = arith.constant 0 : i32
    %eq3A_29 = arith.cmpi eq, %select_n3A, %eq3A_28 : i32
    %not3A = arith.constant true
    %not3A_30 = arith.xori %eq3A_25, %not3A : i1
    %and3A = arith.andi %eq3A_29, %not3A_30 : i1
    %convert_element_type3A = arith.extui %and3A : i1 to i32
    %cond3A = arith.constant 0 : i32
    %cond3A_31 = arith.cmpi ne, %convert_element_type3A, %cond3A : i32
    scf.if %cond3A_31 {
      %dma_start3A = arith.constant 0 : i32
      %dma_start3A_143 = arith.constant 0 : i32
      %dma_start3A_144 = arith.constant 0 : i32
      %dma_start3A_145 = tpu.memref_slice %arg7[%dma_start3A, %dma_start3A_143, %dma_start3A_144] : memref<4x64x128xf32, #tpu.memory_space<vmem>> -> memref<1x64x128xf32, #tpu.memory_space<vmem>>
      %dma_start3A_146 = tpu.memref_squeeze %dma_start3A_145 : memref<1x64x128xf32, #tpu.memory_space<vmem>> -> memref<64x128xf32, #tpu.memory_space<vmem>>
      %dma_start3A_147 = arith.constant 0 : i32
      %dma_start3A_148 = tpu.memref_slice %arg2[%dma_start3A_147, %multiple_of3A] : memref<64x1000000xf32, #tpu.memory_space<hbm>> -> memref<64x128xf32, #tpu.memory_space<hbm>>
      %dma_start3A_149 = arith.constant 0 : i32
      %dma_start3A_150 = arith.constant 0 : i32
      %dma_start3A_151 = tpu.memref_slice %arg7[%dma_start3A, %dma_start3A_149, %dma_start3A_150] : memref<4x64x128xf32, #tpu.memory_space<vmem>> -> memref<1x64x128xf32, #tpu.memory_space<vmem>>
      %dma_start3A_152 = tpu.memref_squeeze %dma_start3A_151 : memref<1x64x128xf32, #tpu.memory_space<vmem>> -> memref<64x128xf32, #tpu.memory_space<vmem>>
      %dma_start3A_153 = arith.constant 0 : i32
      %dma_start3A_154 = tpu.memref_slice %arg2[%dma_start3A_153, %multiple_of3A] : memref<64x1000000xf32, #tpu.memory_space<hbm>> -> memref<64x128xf32, #tpu.memory_space<hbm>>
      tpu.enqueue_dma source(%dma_start3A_154 : memref<64x128xf32, #tpu.memory_space<hbm>>) target(%dma_start3A_152 : memref<64x128xf32, #tpu.memory_space<vmem>>) target_semaphore(%arg10 : memref<!tpu.dma_semaphore, #tpu.memory_space<semaphore_mem>>)
    } else {
    }
    %eq3A_32 = arith.constant 1 : i32
    %eq3A_33 = arith.cmpi eq, %select_n3A, %eq3A_32 : i32
    %not3A_34 = arith.constant true
    %not3A_35 = arith.xori %eq3A_25, %not3A_34 : i1
    %and3A_36 = arith.andi %eq3A_33, %not3A_35 : i1
    %convert_element_type3A_37 = arith.extui %and3A_36 : i1 to i32
    %cond3A_38 = arith.constant 0 : i32
    %cond3A_39 = arith.cmpi ne, %convert_element_type3A_37, %cond3A_38 : i32
    scf.if %cond3A_39 {
      %dma_start3A = arith.constant 1 : i32
      %dma_start3A_143 = arith.constant 0 : i32
      %dma_start3A_144 = arith.constant 0 : i32
      %dma_start3A_145 = tpu.memref_slice %arg7[%dma_start3A, %dma_start3A_143, %dma_start3A_144] : memref<4x64x128xf32, #tpu.memory_space<vmem>> -> memref<1x64x128xf32, #tpu.memory_space<vmem>>
      %dma_start3A_146 = tpu.memref_squeeze %dma_start3A_145 : memref<1x64x128xf32, #tpu.memory_space<vmem>> -> memref<64x128xf32, #tpu.memory_space<vmem>>
      %dma_start3A_147 = arith.constant 0 : i32
      %dma_start3A_148 = tpu.memref_slice %arg2[%dma_start3A_147, %multiple_of3A] : memref<64x1000000xf32, #tpu.memory_space<hbm>> -> memref<64x128xf32, #tpu.memory_space<hbm>>
      %dma_start3A_149 = arith.constant 0 : i32
      %dma_start3A_150 = arith.constant 0 : i32
      %dma_start3A_151 = tpu.memref_slice %arg7[%dma_start3A, %dma_start3A_149, %dma_start3A_150] : memref<4x64x128xf32, #tpu.memory_space<vmem>> -> memref<1x64x128xf32, #tpu.memory_space<vmem>>
      %dma_start3A_152 = tpu.memref_squeeze %dma_start3A_151 : memref<1x64x128xf32, #tpu.memory_space<vmem>> -> memref<64x128xf32, #tpu.memory_space<vmem>>
      %dma_start3A_153 = arith.constant 0 : i32
      %dma_start3A_154 = tpu.memref_slice %arg2[%dma_start3A_153, %multiple_of3A] : memref<64x1000000xf32, #tpu.memory_space<hbm>> -> memref<64x128xf32, #tpu.memory_space<hbm>>
      tpu.enqueue_dma source(%dma_start3A_154 : memref<64x128xf32, #tpu.memory_space<hbm>>) target(%dma_start3A_152 : memref<64x128xf32, #tpu.memory_space<vmem>>) target_semaphore(%arg11 : memref<!tpu.dma_semaphore, #tpu.memory_space<semaphore_mem>>)
    } else {
    }
    %eq3A_40 = arith.constant 2 : i32
    %eq3A_41 = arith.cmpi eq, %select_n3A, %eq3A_40 : i32
    %not3A_42 = arith.constant true
    %not3A_43 = arith.xori %eq3A_25, %not3A_42 : i1
    %and3A_44 = arith.andi %eq3A_41, %not3A_43 : i1
    %convert_element_type3A_45 = arith.extui %and3A_44 : i1 to i32
    %cond3A_46 = arith.constant 0 : i32
    %cond3A_47 = arith.cmpi ne, %convert_element_type3A_45, %cond3A_46 : i32
    scf.if %cond3A_47 {
      %dma_start3A = arith.constant 2 : i32
      %dma_start3A_143 = arith.constant 0 : i32
      %dma_start3A_144 = arith.constant 0 : i32
      %dma_start3A_145 = tpu.memref_slice %arg7[%dma_start3A, %dma_start3A_143, %dma_start3A_144] : memref<4x64x128xf32, #tpu.memory_space<vmem>> -> memref<1x64x128xf32, #tpu.memory_space<vmem>>
      %dma_start3A_146 = tpu.memref_squeeze %dma_start3A_145 : memref<1x64x128xf32, #tpu.memory_space<vmem>> -> memref<64x128xf32, #tpu.memory_space<vmem>>
      %dma_start3A_147 = arith.constant 0 : i32
      %dma_start3A_148 = tpu.memref_slice %arg2[%dma_start3A_147, %multiple_of3A] : memref<64x1000000xf32, #tpu.memory_space<hbm>> -> memref<64x128xf32, #tpu.memory_space<hbm>>
      %dma_start3A_149 = arith.constant 0 : i32
      %dma_start3A_150 = arith.constant 0 : i32
      %dma_start3A_151 = tpu.memref_slice %arg7[%dma_start3A, %dma_start3A_149, %dma_start3A_150] : memref<4x64x128xf32, #tpu.memory_space<vmem>> -> memref<1x64x128xf32, #tpu.memory_space<vmem>>
      %dma_start3A_152 = tpu.memref_squeeze %dma_start3A_151 : memref<1x64x128xf32, #tpu.memory_space<vmem>> -> memref<64x128xf32, #tpu.memory_space<vmem>>
      %dma_start3A_153 = arith.constant 0 : i32
      %dma_start3A_154 = tpu.memref_slice %arg2[%dma_start3A_153, %multiple_of3A] : memref<64x1000000xf32, #tpu.memory_space<hbm>> -> memref<64x128xf32, #tpu.memory_space<hbm>>
      tpu.enqueue_dma source(%dma_start3A_154 : memref<64x128xf32, #tpu.memory_space<hbm>>) target(%dma_start3A_152 : memref<64x128xf32, #tpu.memory_space<vmem>>) target_semaphore(%arg12 : memref<!tpu.dma_semaphore, #tpu.memory_space<semaphore_mem>>)
    } else {
    }
    %eq3A_48 = arith.constant 7812 : i32
    %eq3A_49 = arith.cmpi eq, %get3A_21, %eq3A_48 : i32
    %jit3A_50 = arith.constant 3 : i32
    %jit3A_51 = arith.constant 1 : i32
    %select_n3A_52 = arith.select %eq3A_49, %jit3A_50, %jit3A_51 : i32
    %eq3A_53 = arith.constant 7812 : i32
    %eq3A_54 = arith.cmpi eq, %get3A_21, %eq3A_53 : i32
    %mul3A_55 = arith.constant 128 : i32
    %mul3A_56 = arith.muli %get3A_21, %mul3A_55 : i32
    %multiple_of3A_57 = tpu.assume_multiple %mul3A_56, 128 : i32
    %eq3A_58 = arith.constant 0 : i32
    %eq3A_59 = arith.cmpi eq, %select_n3A_52, %eq3A_58 : i32
    %not3A_60 = arith.constant true
    %not3A_61 = arith.xori %eq3A_54, %not3A_60 : i1
    %and3A_62 = arith.andi %eq3A_59, %not3A_61 : i1
    %convert_element_type3A_63 = arith.extui %and3A_62 : i1 to i32
    %cond3A_64 = arith.constant 0 : i32
    %cond3A_65 = arith.cmpi ne, %convert_element_type3A_63, %cond3A_64 : i32
    scf.if %cond3A_65 {
      %dma_start3A = arith.constant 0 : i32
      %dma_start3A_143 = arith.constant 0 : i32
      %dma_start3A_144 = arith.constant 0 : i32
      %dma_start3A_145 = tpu.memref_slice %arg7[%dma_start3A, %dma_start3A_143, %dma_start3A_144] : memref<4x64x128xf32, #tpu.memory_space<vmem>> -> memref<1x64x128xf32, #tpu.memory_space<vmem>>
      %dma_start3A_146 = tpu.memref_squeeze %dma_start3A_145 : memref<1x64x128xf32, #tpu.memory_space<vmem>> -> memref<64x128xf32, #tpu.memory_space<vmem>>
      %dma_start3A_147 = arith.constant 0 : i32
      %dma_start3A_148 = tpu.memref_slice %arg2[%dma_start3A_147, %multiple_of3A_57] : memref<64x1000000xf32, #tpu.memory_space<hbm>> -> memref<64x128xf32, #tpu.memory_space<hbm>>
      %dma_start3A_149 = arith.constant 0 : i32
      %dma_start3A_150 = arith.constant 0 : i32
      %dma_start3A_151 = tpu.memref_slice %arg7[%dma_start3A, %dma_start3A_149, %dma_start3A_150] : memref<4x64x128xf32, #tpu.memory_space<vmem>> -> memref<1x64x128xf32, #tpu.memory_space<vmem>>
      %dma_start3A_152 = tpu.memref_squeeze %dma_start3A_151 : memref<1x64x128xf32, #tpu.memory_space<vmem>> -> memref<64x128xf32, #tpu.memory_space<vmem>>
      %dma_start3A_153 = arith.constant 0 : i32
      %dma_start3A_154 = tpu.memref_slice %arg2[%dma_start3A_153, %multiple_of3A_57] : memref<64x1000000xf32, #tpu.memory_space<hbm>> -> memref<64x128xf32, #tpu.memory_space<hbm>>
      tpu.enqueue_dma source(%dma_start3A_154 : memref<64x128xf32, #tpu.memory_space<hbm>>) target(%dma_start3A_152 : memref<64x128xf32, #tpu.memory_space<vmem>>) target_semaphore(%arg10 : memref<!tpu.dma_semaphore, #tpu.memory_space<semaphore_mem>>)
    } else {
    }
    %eq3A_66 = arith.constant 1 : i32
    %eq3A_67 = arith.cmpi eq, %select_n3A_52, %eq3A_66 : i32
    %not3A_68 = arith.constant true
    %not3A_69 = arith.xori %eq3A_54, %not3A_68 : i1
    %and3A_70 = arith.andi %eq3A_67, %not3A_69 : i1
    %convert_element_type3A_71 = arith.extui %and3A_70 : i1 to i32
    %cond3A_72 = arith.constant 0 : i32
    %cond3A_73 = arith.cmpi ne, %convert_element_type3A_71, %cond3A_72 : i32
    scf.if %cond3A_73 {
      %dma_start3A = arith.constant 1 : i32
      %dma_start3A_143 = arith.constant 0 : i32
      %dma_start3A_144 = arith.constant 0 : i32
      %dma_start3A_145 = tpu.memref_slice %arg7[%dma_start3A, %dma_start3A_143, %dma_start3A_144] : memref<4x64x128xf32, #tpu.memory_space<vmem>> -> memref<1x64x128xf32, #tpu.memory_space<vmem>>
      %dma_start3A_146 = tpu.memref_squeeze %dma_start3A_145 : memref<1x64x128xf32, #tpu.memory_space<vmem>> -> memref<64x128xf32, #tpu.memory_space<vmem>>
      %dma_start3A_147 = arith.constant 0 : i32
      %dma_start3A_148 = tpu.memref_slice %arg2[%dma_start3A_147, %multiple_of3A_57] : memref<64x1000000xf32, #tpu.memory_space<hbm>> -> memref<64x128xf32, #tpu.memory_space<hbm>>
      %dma_start3A_149 = arith.constant 0 : i32
      %dma_start3A_150 = arith.constant 0 : i32
      %dma_start3A_151 = tpu.memref_slice %arg7[%dma_start3A, %dma_start3A_149, %dma_start3A_150] : memref<4x64x128xf32, #tpu.memory_space<vmem>> -> memref<1x64x128xf32, #tpu.memory_space<vmem>>
      %dma_start3A_152 = tpu.memref_squeeze %dma_start3A_151 : memref<1x64x128xf32, #tpu.memory_space<vmem>> -> memref<64x128xf32, #tpu.memory_space<vmem>>
      %dma_start3A_153 = arith.constant 0 : i32
      %dma_start3A_154 = tpu.memref_slice %arg2[%dma_start3A_153, %multiple_of3A_57] : memref<64x1000000xf32, #tpu.memory_space<hbm>> -> memref<64x128xf32, #tpu.memory_space<hbm>>
      tpu.enqueue_dma source(%dma_start3A_154 : memref<64x128xf32, #tpu.memory_space<hbm>>) target(%dma_start3A_152 : memref<64x128xf32, #tpu.memory_space<vmem>>) target_semaphore(%arg11 : memref<!tpu.dma_semaphore, #tpu.memory_space<semaphore_mem>>)
    } else {
    }
    %eq3A_74 = arith.constant 2 : i32
    %eq3A_75 = arith.cmpi eq, %select_n3A_52, %eq3A_74 : i32
    %not3A_76 = arith.constant true
    %not3A_77 = arith.xori %eq3A_54, %not3A_76 : i1
    %and3A_78 = arith.andi %eq3A_75, %not3A_77 : i1
    %convert_element_type3A_79 = arith.extui %and3A_78 : i1 to i32
    %cond3A_80 = arith.constant 0 : i32
    %cond3A_81 = arith.cmpi ne, %convert_element_type3A_79, %cond3A_80 : i32
    scf.if %cond3A_81 {
      %dma_start3A = arith.constant 2 : i32
      %dma_start3A_143 = arith.constant 0 : i32
      %dma_start3A_144 = arith.constant 0 : i32
      %dma_start3A_145 = tpu.memref_slice %arg7[%dma_start3A, %dma_start3A_143, %dma_start3A_144] : memref<4x64x128xf32, #tpu.memory_space<vmem>> -> memref<1x64x128xf32, #tpu.memory_space<vmem>>
      %dma_start3A_146 = tpu.memref_squeeze %dma_start3A_145 : memref<1x64x128xf32, #tpu.memory_space<vmem>> -> memref<64x128xf32, #tpu.memory_space<vmem>>
      %dma_start3A_147 = arith.constant 0 : i32
      %dma_start3A_148 = tpu.memref_slice %arg2[%dma_start3A_147, %multiple_of3A_57] : memref<64x1000000xf32, #tpu.memory_space<hbm>> -> memref<64x128xf32, #tpu.memory_space<hbm>>
      %dma_start3A_149 = arith.constant 0 : i32
      %dma_start3A_150 = arith.constant 0 : i32
      %dma_start3A_151 = tpu.memref_slice %arg7[%dma_start3A, %dma_start3A_149, %dma_start3A_150] : memref<4x64x128xf32, #tpu.memory_space<vmem>> -> memref<1x64x128xf32, #tpu.memory_space<vmem>>
      %dma_start3A_152 = tpu.memref_squeeze %dma_start3A_151 : memref<1x64x128xf32, #tpu.memory_space<vmem>> -> memref<64x128xf32, #tpu.memory_space<vmem>>
      %dma_start3A_153 = arith.constant 0 : i32
      %dma_start3A_154 = tpu.memref_slice %arg2[%dma_start3A_153, %multiple_of3A_57] : memref<64x1000000xf32, #tpu.memory_space<hbm>> -> memref<64x128xf32, #tpu.memory_space<hbm>>
      tpu.enqueue_dma source(%dma_start3A_154 : memref<64x128xf32, #tpu.memory_space<hbm>>) target(%dma_start3A_152 : memref<64x128xf32, #tpu.memory_space<vmem>>) target_semaphore(%arg12 : memref<!tpu.dma_semaphore, #tpu.memory_space<semaphore_mem>>)
    } else {
    }
    %iota3A = tpu.iota {dimensions = array<i32: 0>} : vector<16xi32>
    %add3A_82 = arith.constant 0 : i32
    %add3A_83 = vector.broadcast %add3A_82 : i32 to vector<16xi32>
    %add3A_84 = arith.addi %iota3A, %add3A_83 : vector<16xi32>
    %iota3A_85 = tpu.iota {dimensions = array<i32: 0>} : vector<16xi32>
    %add3A_86 = arith.constant 16 : i32
    %add3A_87 = vector.broadcast %add3A_86 : i32 to vector<16xi32>
    %add3A_88 = arith.addi %iota3A_85, %add3A_87 : vector<16xi32>
    %iota3A_89 = tpu.iota {dimensions = array<i32: 0>} : vector<16xi32>
    %add3A_90 = arith.constant 32 : i32
    %add3A_91 = vector.broadcast %add3A_90 : i32 to vector<16xi32>
    %add3A_92 = arith.addi %iota3A_89, %add3A_91 : vector<16xi32>
    %iota3A_93 = tpu.iota {dimensions = array<i32: 0>} : vector<16xi32>
    %add3A_94 = arith.constant 48 : i32
    %add3A_95 = vector.broadcast %add3A_94 : i32 to vector<16xi32>
    %add3A_96 = arith.addi %iota3A_93, %add3A_95 : vector<16xi32>
    %scan3A_97 = arith.constant -1 : i32
    %scan3A_98 = arith.constant -1 : i32
    %scan3A_99 = arith.constant -1 : i32
    %scan3A_100 = arith.constant 0 : i32
    %scan3A_101 = arith.constant 32 : i32
    %scan3A_102 = arith.addi %scan3A_100, %scan3A_101 : i32
    %scan3A_103 = arith.constant 1 : i32
    %scan3A_104:3 = scf.for %scan3A_143 = %scan3A_100 to %scan3A_102 step %scan3A_103 iter_args(%scan3A_144 = %scan3A_97, %scan3A_145 = %scan3A_98, %scan3A_146 = %scan3A_99) -> (i32, i32, i32)  : i32 {
      %shift_right_arithmetic3A = arith.constant 3 : i32
      %shift_right_arithmetic3A_147 = arith.shrsi %scan3A_143, %shift_right_arithmetic3A : i32
      %and3A_148 = arith.constant 7 : i32
      %and3A_149 = arith.andi %scan3A_143, %and3A_148 : i32
      %mul3A_150 = arith.constant 16 : i32
      %mul3A_151 = arith.muli %and3A_149, %mul3A_150 : i32
      %get3A_152 = arith.index_cast %shift_right_arithmetic3A_147 : i32 to index
      %get3A_153 = arith.index_cast %mul3A_151 : i32 to index
      %get3A_154 = tpu.vector_load %arg6[%get3A_152, %get3A_153] {strides = array<i32>} : memref<4x128xi32, #tpu.memory_space<vmem>>, vector<16xi32>,
      %shift_right_arithmetic3A_155 = arith.constant 7 : i32
      %shift_right_arithmetic3A_156 = vector.broadcast %shift_right_arithmetic3A_155 : i32 to vector<16xi32>
      %shift_right_arithmetic3A_157 = arith.shrsi %get3A_154, %shift_right_arithmetic3A_156 : vector<16xi32>
      %and3A_158 = arith.constant 127 : i32
      %and3A_159 = vector.broadcast %and3A_158 : i32 to vector<16xi32>
      %and3A_160 = arith.andi %get3A_154, %and3A_159 : vector<16xi32>
      %slice3A = vector.extract_strided_slice %shift_right_arithmetic3A_157 {offsets = [0], sizes = [1], strides = [1]} : vector<16xi32> to vector<1xi32>
      %squeeze3A = vector.extract %slice3A[0] : i32 from vector<1xi32>
      %ne3A = arith.cmpi ne, %squeeze3A, %scan3A_144 : i32
      %add3A_161 = arith.constant 1 : i32
      %add3A_162 = arith.addi %scan3A_145, %add3A_161 : i32
      %select_n3A_163 = arith.select %ne3A, %add3A_162, %scan3A_145 : i32
      %eq3A_164 = arith.constant 2 : i32
      %eq3A_165 = arith.cmpi eq, %scan3A_146, %eq3A_164 : i32
      %add3A_166 = arith.constant 1 : i32
      %add3A_167 = arith.addi %scan3A_146, %add3A_166 : i32
      %jit3A_168 = arith.constant 0 : i32
      %select_n3A_169 = arith.select %eq3A_165, %jit3A_168, %add3A_167 : i32
      %select_n3A_170 = arith.select %ne3A, %select_n3A_169, %scan3A_146 : i32
      %eq3A_171 = arith.constant 7812 : i32
      %eq3A_172 = arith.cmpi eq, %squeeze3A, %eq3A_171 : i32
      %jit3A_173 = arith.constant 3 : i32
      %select_n3A_174 = arith.select %eq3A_172, %jit3A_173, %select_n3A_170 : i32
      %convert_element_type3A_175 = arith.extui %ne3A : i1 to i32
      %cond3A_176 = arith.constant 0 : i32
      %cond3A_177 = arith.cmpi ne, %convert_element_type3A_175, %cond3A_176 : i32
      scf.if %cond3A_177 {
        %add3A_860 = arith.constant 2 : i32
        %add3A_861 = arith.addi %select_n3A_163, %add3A_860 : i32
        %get3A_862 = arith.index_cast %add3A_861 : i32 to index
        %get3A_863 = memref.load %arg9[%get3A_862] : memref<520xi32, #tpu.memory_space<smem>>
        %eq3A_864 = arith.constant 2 : i32
        %eq3A_865 = arith.cmpi eq, %select_n3A_170, %eq3A_864 : i32
        %add3A_866 = arith.constant 1 : i32
        %add3A_867 = arith.addi %select_n3A_170, %add3A_866 : i32
        %jit3A_868 = arith.constant 0 : i32
        %select_n3A_869 = arith.select %eq3A_865, %jit3A_868, %add3A_867 : i32
        %eq3A_870 = arith.constant 2 : i32
        %eq3A_871 = arith.cmpi eq, %select_n3A_869, %eq3A_870 : i32
        %add3A_872 = arith.constant 1 : i32
        %add3A_873 = arith.addi %select_n3A_869, %add3A_872 : i32
        %jit3A_874 = arith.constant 0 : i32
        %select_n3A_875 = arith.select %eq3A_871, %jit3A_874, %add3A_873 : i32
        %eq3A_876 = arith.constant 7812 : i32
        %eq3A_877 = arith.cmpi eq, %get3A_863, %eq3A_876 : i32
        %jit3A_878 = arith.constant 3 : i32
        %select_n3A_879 = arith.select %eq3A_877, %jit3A_878, %select_n3A_875 : i32
        %eq3A_880 = arith.constant 7812 : i32
        %eq3A_881 = arith.cmpi eq, %get3A_863, %eq3A_880 : i32
        %mul3A_882 = arith.constant 128 : i32
        %mul3A_883 = arith.muli %get3A_863, %mul3A_882 : i32
        %multiple_of3A_884 = tpu.assume_multiple %mul3A_883, 128 : i32
        %eq3A_885 = arith.constant 0 : i32
        %eq3A_886 = arith.cmpi eq, %select_n3A_879, %eq3A_885 : i32
        %not3A_887 = arith.constant true
        %not3A_888 = arith.xori %eq3A_881, %not3A_887 : i1
        %and3A_889 = arith.andi %eq3A_886, %not3A_888 : i1
        %convert_element_type3A_890 = arith.extui %and3A_889 : i1 to i32
        %cond3A_891 = arith.constant 0 : i32
        %cond3A_892 = arith.cmpi ne, %convert_element_type3A_890, %cond3A_891 : i32
        scf.if %cond3A_892 {
          %dma_start3A = arith.constant 0 : i32
          %dma_start3A_924 = arith.constant 0 : i32
          %dma_start3A_925 = arith.constant 0 : i32
          %dma_start3A_926 = tpu.memref_slice %arg7[%dma_start3A, %dma_start3A_924, %dma_start3A_925] : memref<4x64x128xf32, #tpu.memory_space<vmem>> -> memref<1x64x128xf32, #tpu.memory_space<vmem>>
          %dma_start3A_927 = tpu.memref_squeeze %dma_start3A_926 : memref<1x64x128xf32, #tpu.memory_space<vmem>> -> memref<64x128xf32, #tpu.memory_space<vmem>>
          %dma_start3A_928 = arith.constant 0 : i32
          %dma_start3A_929 = tpu.memref_slice %arg2[%dma_start3A_928, %multiple_of3A_884] : memref<64x1000000xf32, #tpu.memory_space<hbm>> -> memref<64x128xf32, #tpu.memory_space<hbm>>
          %dma_start3A_930 = arith.constant 0 : i32
          %dma_start3A_931 = arith.constant 0 : i32
          %dma_start3A_932 = tpu.memref_slice %arg7[%dma_start3A, %dma_start3A_930, %dma_start3A_931] : memref<4x64x128xf32, #tpu.memory_space<vmem>> -> memref<1x64x128xf32, #tpu.memory_space<vmem>>
          %dma_start3A_933 = tpu.memref_squeeze %dma_start3A_932 : memref<1x64x128xf32, #tpu.memory_space<vmem>> -> memref<64x128xf32, #tpu.memory_space<vmem>>
          %dma_start3A_934 = arith.constant 0 : i32
          %dma_start3A_935 = tpu.memref_slice %arg2[%dma_start3A_934, %multiple_of3A_884] : memref<64x1000000xf32, #tpu.memory_space<hbm>> -> memref<64x128xf32, #tpu.memory_space<hbm>>
          tpu.enqueue_dma source(%dma_start3A_935 : memref<64x128xf32, #tpu.memory_space<hbm>>) target(%dma_start3A_933 : memref<64x128xf32, #tpu.memory_space<vmem>>) target_semaphore(%arg10 : memref<!tpu.dma_semaphore, #tpu.memory_space<semaphore_mem>>)
        } else {
        }
        %eq3A_893 = arith.constant 1 : i32
        %eq3A_894 = arith.cmpi eq, %select_n3A_879, %eq3A_893 : i32
        %not3A_895 = arith.constant true
        %not3A_896 = arith.xori %eq3A_881, %not3A_895 : i1
        %and3A_897 = arith.andi %eq3A_894, %not3A_896 : i1
        %convert_element_type3A_898 = arith.extui %and3A_897 : i1 to i32
        %cond3A_899 = arith.constant 0 : i32
        %cond3A_900 = arith.cmpi ne, %convert_element_type3A_898, %cond3A_899 : i32
        scf.if %cond3A_900 {
          %dma_start3A = arith.constant 1 : i32
          %dma_start3A_924 = arith.constant 0 : i32
          %dma_start3A_925 = arith.constant 0 : i32
          %dma_start3A_926 = tpu.memref_slice %arg7[%dma_start3A, %dma_start3A_924, %dma_start3A_925] : memref<4x64x128xf32, #tpu.memory_space<vmem>> -> memref<1x64x128xf32, #tpu.memory_space<vmem>>
          %dma_start3A_927 = tpu.memref_squeeze %dma_start3A_926 : memref<1x64x128xf32, #tpu.memory_space<vmem>> -> memref<64x128xf32, #tpu.memory_space<vmem>>
          %dma_start3A_928 = arith.constant 0 : i32
          %dma_start3A_929 = tpu.memref_slice %arg2[%dma_start3A_928, %multiple_of3A_884] : memref<64x1000000xf32, #tpu.memory_space<hbm>> -> memref<64x128xf32, #tpu.memory_space<hbm>>
          %dma_start3A_930 = arith.constant 0 : i32
          %dma_start3A_931 = arith.constant 0 : i32
          %dma_start3A_932 = tpu.memref_slice %arg7[%dma_start3A, %dma_start3A_930, %dma_start3A_931] : memref<4x64x128xf32, #tpu.memory_space<vmem>> -> memref<1x64x128xf32, #tpu.memory_space<vmem>>
          %dma_start3A_933 = tpu.memref_squeeze %dma_start3A_932 : memref<1x64x128xf32, #tpu.memory_space<vmem>> -> memref<64x128xf32, #tpu.memory_space<vmem>>
          %dma_start3A_934 = arith.constant 0 : i32
          %dma_start3A_935 = tpu.memref_slice %arg2[%dma_start3A_934, %multiple_of3A_884] : memref<64x1000000xf32, #tpu.memory_space<hbm>> -> memref<64x128xf32, #tpu.memory_space<hbm>>
          tpu.enqueue_dma source(%dma_start3A_935 : memref<64x128xf32, #tpu.memory_space<hbm>>) target(%dma_start3A_933 : memref<64x128xf32, #tpu.memory_space<vmem>>) target_semaphore(%arg11 : memref<!tpu.dma_semaphore, #tpu.memory_space<semaphore_mem>>)
        } else {
        }
        %eq3A_901 = arith.constant 2 : i32
        %eq3A_902 = arith.cmpi eq, %select_n3A_879, %eq3A_901 : i32
        %not3A_903 = arith.constant true
        %not3A_904 = arith.xori %eq3A_881, %not3A_903 : i1
        %and3A_905 = arith.andi %eq3A_902, %not3A_904 : i1
        %convert_element_type3A_906 = arith.extui %and3A_905 : i1 to i32
        %cond3A_907 = arith.constant 0 : i32
        %cond3A_908 = arith.cmpi ne, %convert_element_type3A_906, %cond3A_907 : i32
        scf.if %cond3A_908 {
          %dma_start3A = arith.constant 2 : i32
          %dma_start3A_924 = arith.constant 0 : i32
          %dma_start3A_925 = arith.constant 0 : i32
          %dma_start3A_926 = tpu.memref_slice %arg7[%dma_start3A, %dma_start3A_924, %dma_start3A_925] : memref<4x64x128xf32, #tpu.memory_space<vmem>> -> memref<1x64x128xf32, #tpu.memory_space<vmem>>
          %dma_start3A_927 = tpu.memref_squeeze %dma_start3A_926 : memref<1x64x128xf32, #tpu.memory_space<vmem>> -> memref<64x128xf32, #tpu.memory_space<vmem>>
          %dma_start3A_928 = arith.constant 0 : i32
          %dma_start3A_929 = tpu.memref_slice %arg2[%dma_start3A_928, %multiple_of3A_884] : memref<64x1000000xf32, #tpu.memory_space<hbm>> -> memref<64x128xf32, #tpu.memory_space<hbm>>
          %dma_start3A_930 = arith.constant 0 : i32
          %dma_start3A_931 = arith.constant 0 : i32
          %dma_start3A_932 = tpu.memref_slice %arg7[%dma_start3A, %dma_start3A_930, %dma_start3A_931] : memref<4x64x128xf32, #tpu.memory_space<vmem>> -> memref<1x64x128xf32, #tpu.memory_space<vmem>>
          %dma_start3A_933 = tpu.memref_squeeze %dma_start3A_932 : memref<1x64x128xf32, #tpu.memory_space<vmem>> -> memref<64x128xf32, #tpu.memory_space<vmem>>
          %dma_start3A_934 = arith.constant 0 : i32
          %dma_start3A_935 = tpu.memref_slice %arg2[%dma_start3A_934, %multiple_of3A_884] : memref<64x1000000xf32, #tpu.memory_space<hbm>> -> memref<64x128xf32, #tpu.memory_space<hbm>>
          tpu.enqueue_dma source(%dma_start3A_935 : memref<64x128xf32, #tpu.memory_space<hbm>>) target(%dma_start3A_933 : memref<64x128xf32, #tpu.memory_space<vmem>>) target_semaphore(%arg12 : memref<!tpu.dma_semaphore, #tpu.memory_space<semaphore_mem>>)
        } else {
        }
        %eq3A_909 = arith.constant 0 : i32
        %eq3A_910 = arith.cmpi eq, %select_n3A_174, %eq3A_909 : i32
        %convert_element_type3A_911 = arith.extui %eq3A_910 : i1 to i32
        %cond3A_912 = arith.constant 0 : i32
        %cond3A_913 = arith.cmpi ne, %convert_element_type3A_911, %cond3A_912 : i32
        scf.if %cond3A_913 {
          %dma_wait3A = arith.constant 0 : i32
          %dma_wait3A_924 = arith.constant 0 : i32
          %dma_wait3A_925 = arith.constant 0 : i32
          %dma_wait3A_926 = tpu.memref_slice %arg7[%dma_wait3A, %dma_wait3A_924, %dma_wait3A_925] : memref<4x64x128xf32, #tpu.memory_space<vmem>> -> memref<1x64x128xf32, #tpu.memory_space<vmem>>
          %dma_wait3A_927 = tpu.memref_squeeze %dma_wait3A_926 : memref<1x64x128xf32, #tpu.memory_space<vmem>> -> memref<64x128xf32, #tpu.memory_space<vmem>>
          %dma_wait3A_928 = arith.constant 0 : i32
          %dma_wait3A_929 = arith.constant 0 : i32
          %dma_wait3A_930 = tpu.memref_slice %arg2[%dma_wait3A_928, %dma_wait3A_929] : memref<64x1000000xf32, #tpu.memory_space<hbm>> -> memref<64x128xf32, #tpu.memory_space<hbm>>
          %dma_wait3A_931 = arith.constant 0 : i32
          %dma_wait3A_932 = arith.constant 0 : i32
          %dma_wait3A_933 = tpu.memref_slice %arg7[%dma_wait3A, %dma_wait3A_931, %dma_wait3A_932] : memref<4x64x128xf32, #tpu.memory_space<vmem>> -> memref<1x64x128xf32, #tpu.memory_space<vmem>>
          %dma_wait3A_934 = tpu.memref_squeeze %dma_wait3A_933 : memref<1x64x128xf32, #tpu.memory_space<vmem>> -> memref<64x128xf32, #tpu.memory_space<vmem>>
          %dma_wait3A_935 = arith.constant 0 : i32
          %dma_wait3A_936 = arith.constant 0 : i32
          %dma_wait3A_937 = tpu.memref_slice %arg2[%dma_wait3A_935, %dma_wait3A_936] : memref<64x1000000xf32, #tpu.memory_space<hbm>> -> memref<64x128xf32, #tpu.memory_space<hbm>>
          tpu.wait_dma2 semaphore(%arg10 : memref<!tpu.dma_semaphore, #tpu.memory_space<semaphore_mem>>) src(%dma_wait3A_937 : memref<64x128xf32, #tpu.memory_space<hbm>>) dst(%dma_wait3A_934 : memref<64x128xf32, #tpu.memory_space<vmem>>)
        } else {
        }
        %eq3A_914 = arith.constant 1 : i32
        %eq3A_915 = arith.cmpi eq, %select_n3A_174, %eq3A_914 : i32
        %convert_element_type3A_916 = arith.extui %eq3A_915 : i1 to i32
        %cond3A_917 = arith.constant 0 : i32
        %cond3A_918 = arith.cmpi ne, %convert_element_type3A_916, %cond3A_917 : i32
        scf.if %cond3A_918 {
          %dma_wait3A = arith.constant 1 : i32
          %dma_wait3A_924 = arith.constant 0 : i32
          %dma_wait3A_925 = arith.constant 0 : i32
          %dma_wait3A_926 = tpu.memref_slice %arg7[%dma_wait3A, %dma_wait3A_924, %dma_wait3A_925] : memref<4x64x128xf32, #tpu.memory_space<vmem>> -> memref<1x64x128xf32, #tpu.memory_space<vmem>>
          %dma_wait3A_927 = tpu.memref_squeeze %dma_wait3A_926 : memref<1x64x128xf32, #tpu.memory_space<vmem>> -> memref<64x128xf32, #tpu.memory_space<vmem>>
          %dma_wait3A_928 = arith.constant 0 : i32
          %dma_wait3A_929 = arith.constant 0 : i32
          %dma_wait3A_930 = tpu.memref_slice %arg2[%dma_wait3A_928, %dma_wait3A_929] : memref<64x1000000xf32, #tpu.memory_space<hbm>> -> memref<64x128xf32, #tpu.memory_space<hbm>>
          %dma_wait3A_931 = arith.constant 0 : i32
          %dma_wait3A_932 = arith.constant 0 : i32
          %dma_wait3A_933 = tpu.memref_slice %arg7[%dma_wait3A, %dma_wait3A_931, %dma_wait3A_932] : memref<4x64x128xf32, #tpu.memory_space<vmem>> -> memref<1x64x128xf32, #tpu.memory_space<vmem>>
          %dma_wait3A_934 = tpu.memref_squeeze %dma_wait3A_933 : memref<1x64x128xf32, #tpu.memory_space<vmem>> -> memref<64x128xf32, #tpu.memory_space<vmem>>
          %dma_wait3A_935 = arith.constant 0 : i32
          %dma_wait3A_936 = arith.constant 0 : i32
          %dma_wait3A_937 = tpu.memref_slice %arg2[%dma_wait3A_935, %dma_wait3A_936] : memref<64x1000000xf32, #tpu.memory_space<hbm>> -> memref<64x128xf32, #tpu.memory_space<hbm>>
          tpu.wait_dma2 semaphore(%arg11 : memref<!tpu.dma_semaphore, #tpu.memory_space<semaphore_mem>>) src(%dma_wait3A_937 : memref<64x128xf32, #tpu.memory_space<hbm>>) dst(%dma_wait3A_934 : memref<64x128xf32, #tpu.memory_space<vmem>>)
        } else {
        }
        %eq3A_919 = arith.constant 2 : i32
        %eq3A_920 = arith.cmpi eq, %select_n3A_174, %eq3A_919 : i32
        %convert_element_type3A_921 = arith.extui %eq3A_920 : i1 to i32
        %cond3A_922 = arith.constant 0 : i32
        %cond3A_923 = arith.cmpi ne, %convert_element_type3A_921, %cond3A_922 : i32
        scf.if %cond3A_923 {
          %dma_wait3A = arith.constant 2 : i32
          %dma_wait3A_924 = arith.constant 0 : i32
          %dma_wait3A_925 = arith.constant 0 : i32
          %dma_wait3A_926 = tpu.memref_slice %arg7[%dma_wait3A, %dma_wait3A_924, %dma_wait3A_925] : memref<4x64x128xf32, #tpu.memory_space<vmem>> -> memref<1x64x128xf32, #tpu.memory_space<vmem>>
          %dma_wait3A_927 = tpu.memref_squeeze %dma_wait3A_926 : memref<1x64x128xf32, #tpu.memory_space<vmem>> -> memref<64x128xf32, #tpu.memory_space<vmem>>
          %dma_wait3A_928 = arith.constant 0 : i32
          %dma_wait3A_929 = arith.constant 0 : i32
          %dma_wait3A_930 = tpu.memref_slice %arg2[%dma_wait3A_928, %dma_wait3A_929] : memref<64x1000000xf32, #tpu.memory_space<hbm>> -> memref<64x128xf32, #tpu.memory_space<hbm>>
          %dma_wait3A_931 = arith.constant 0 : i32
          %dma_wait3A_932 = arith.constant 0 : i32
          %dma_wait3A_933 = tpu.memref_slice %arg7[%dma_wait3A, %dma_wait3A_931, %dma_wait3A_932] : memref<4x64x128xf32, #tpu.memory_space<vmem>> -> memref<1x64x128xf32, #tpu.memory_space<vmem>>
          %dma_wait3A_934 = tpu.memref_squeeze %dma_wait3A_933 : memref<1x64x128xf32, #tpu.memory_space<vmem>> -> memref<64x128xf32, #tpu.memory_space<vmem>>
          %dma_wait3A_935 = arith.constant 0 : i32
          %dma_wait3A_936 = arith.constant 0 : i32
          %dma_wait3A_937 = tpu.memref_slice %arg2[%dma_wait3A_935, %dma_wait3A_936] : memref<64x1000000xf32, #tpu.memory_space<hbm>> -> memref<64x128xf32, #tpu.memory_space<hbm>>
          tpu.wait_dma2 semaphore(%arg12 : memref<!tpu.dma_semaphore, #tpu.memory_space<semaphore_mem>>) src(%dma_wait3A_937 : memref<64x128xf32, #tpu.memory_space<hbm>>) dst(%dma_wait3A_934 : memref<64x128xf32, #tpu.memory_space<vmem>>)
        } else {
        }
      } else {
      }
      %broadcast_in_dim3A = vector.broadcast %select_n3A_174 : i32 to vector<16xi32>
      %slice3A_178 = vector.extract_strided_slice %and3A_160 {offsets = [0], sizes = [1], strides = [1]} : vector<16xi32> to vector<1xi32>
      %squeeze3A_179 = vector.extract %slice3A_178[0] : i32 from vector<1xi32>
      %broadcast_in_dim3A_180 = vector.broadcast %squeeze3A_179 : i32 to vector<16xi32>
      %mul3A_181 = arith.constant 16 : i32
      %mul3A_182 = arith.muli %scan3A_143, %mul3A_181 : i32
      %add3A_183 = arith.constant 0 : i32
      %add3A_184 = arith.addi %mul3A_182, %add3A_183 : i32
      %gather3A = tpu.vector_load_idx %arg7[%broadcast_in_dim3A, %add3A_84, %broadcast_in_dim3A_180] : memref<4x64x128xf32, #tpu.memory_space<vmem>>[vector<16xi32>, vector<16xi32>, vector<16xi32>], vector<16xf32>,
      %swap3A_185 = arith.index_cast %add3A_184 : i32 to index
      %swap3A_186 = arith.constant 0 : index
      %swap3A_187 = tpu.vector_load %arg8[%swap3A_185, %swap3A_186] {strides = array<i32>} : memref<512x64xf32, #tpu.memory_space<vmem>>, vector<16xf32>,
      tpu.vector_store %arg8[%swap3A_185, %swap3A_186], %gather3A {strides = array<i32>} : memref<512x64xf32, #tpu.memory_space<vmem>>, vector<16xf32>,
      %gather3A_188 = tpu.vector_load_idx %arg7[%broadcast_in_dim3A, %add3A_88, %broadcast_in_dim3A_180] : memref<4x64x128xf32, #tpu.memory_space<vmem>>[vector<16xi32>, vector<16xi32>, vector<16xi32>], vector<16xf32>,
      %swap3A_189 = arith.index_cast %add3A_184 : i32 to index
      %swap3A_190 = arith.constant 16 : index
      %swap3A_191 = tpu.vector_load %arg8[%swap3A_189, %swap3A_190] {strides = array<i32>} : memref<512x64xf32, #tpu.memory_space<vmem>>, vector<16xf32>,
      tpu.vector_store %arg8[%swap3A_189, %swap3A_190], %gather3A_188 {strides = array<i32>} : memref<512x64xf32, #tpu.memory_space<vmem>>, vector<16xf32>,
      %gather3A_192 = tpu.vector_load_idx %arg7[%broadcast_in_dim3A, %add3A_92, %broadcast_in_dim3A_180] : memref<4x64x128xf32, #tpu.memory_space<vmem>>[vector<16xi32>, vector<16xi32>, vector<16xi32>], vector<16xf32>,
      %swap3A_193 = arith.index_cast %add3A_184 : i32 to index
      %swap3A_194 = arith.constant 32 : index
      %swap3A_195 = tpu.vector_load %arg8[%swap3A_193, %swap3A_194] {strides = array<i32>} : memref<512x64xf32, #tpu.memory_space<vmem>>, vector<16xf32>,
      tpu.vector_store %arg8[%swap3A_193, %swap3A_194], %gather3A_192 {strides = array<i32>} : memref<512x64xf32, #tpu.memory_space<vmem>>, vector<16xf32>,
      %gather3A_196 = tpu.vector_load_idx %arg7[%broadcast_in_dim3A, %add3A_96, %broadcast_in_dim3A_180] : memref<4x64x128xf32, #tpu.memory_space<vmem>>[vector<16xi32>, vector<16xi32>, vector<16xi32>], vector<16xf32>,
      %swap3A_197 = arith.index_cast %add3A_184 : i32 to index
      %swap3A_198 = arith.constant 48 : index
      %swap3A_199 = tpu.vector_load %arg8[%swap3A_197, %swap3A_198] {strides = array<i32>} : memref<512x64xf32, #tpu.memory_space<vmem>>, vector<16xf32>,
      tpu.vector_store %arg8[%swap3A_197, %swap3A_198], %gather3A_196 {strides = array<i32>} : memref<512x64xf32, #tpu.memory_space<vmem>>, vector<16xf32>,
      %slice3A_200 = vector.extract_strided_slice %shift_right_arithmetic3A_157 {offsets = [1], sizes = [1], strides = [1]} : vector<16xi32> to vector<1xi32>
      %squeeze3A_201 = vector.extract %slice3A_200[0] : i32 from vector<1xi32>
      %ne3A_202 = arith.cmpi ne, %squeeze3A_201, %squeeze3A : i32
      %add3A_203 = arith.constant 1 : i32
      %add3A_204 = arith.addi %select_n3A_163, %add3A_203 : i32
      %select_n3A_205 = arith.select %ne3A_202, %add3A_204, %select_n3A_163 : i32
      %eq3A_206 = arith.constant 2 : i32
      %eq3A_207 = arith.cmpi eq, %select_n3A_170, %eq3A_206 : i32
      %add3A_208 = arith.constant 1 : i32
      %add3A_209 = arith.addi %select_n3A_170, %add3A_208 : i32
      %jit3A_210 = arith.constant 0 : i32
      %select_n3A_211 = arith.select %eq3A_207, %jit3A_210, %add3A_209 : i32
      %select_n3A_212 = arith.select %ne3A_202, %select_n3A_211, %select_n3A_170 : i32
      %eq3A_213 = arith.constant 7812 : i32
      %eq3A_214 = arith.cmpi eq, %squeeze3A_201, %eq3A_213 : i32
      %jit3A_215 = arith.constant 3 : i32
      %select_n3A_216 = arith.select %eq3A_214, %jit3A_215, %select_n3A_212 : i32
      %convert_element_type3A_217 = arith.extui %ne3A_202 : i1 to i32
      %cond3A_218 = arith.constant 0 : i32
      %cond3A_219 = arith.cmpi ne, %convert_element_type3A_217, %cond3A_218 : i32
      scf.if %cond3A_219 {
        %add3A_860 = arith.constant 2 : i32
        %add3A_861 = arith.addi %select_n3A_205, %add3A_860 : i32
        %get3A_862 = arith.index_cast %add3A_861 : i32 to index
        %get3A_863 = memref.load %arg9[%get3A_862] : memref<520xi32, #tpu.memory_space<smem>>
        %eq3A_864 = arith.constant 2 : i32
        %eq3A_865 = arith.cmpi eq, %select_n3A_212, %eq3A_864 : i32
        %add3A_866 = arith.constant 1 : i32
        %add3A_867 = arith.addi %select_n3A_212, %add3A_866 : i32
        %jit3A_868 = arith.constant 0 : i32
        %select_n3A_869 = arith.select %eq3A_865, %jit3A_868, %add3A_867 : i32
        %eq3A_870 = arith.constant 2 : i32
        %eq3A_871 = arith.cmpi eq, %select_n3A_869, %eq3A_870 : i32
        %add3A_872 = arith.constant 1 : i32
        %add3A_873 = arith.addi %select_n3A_869, %add3A_872 : i32
        %jit3A_874 = arith.constant 0 : i32
        %select_n3A_875 = arith.select %eq3A_871, %jit3A_874, %add3A_873 : i32
        %eq3A_876 = arith.constant 7812 : i32
        %eq3A_877 = arith.cmpi eq, %get3A_863, %eq3A_876 : i32
        %jit3A_878 = arith.constant 3 : i32
        %select_n3A_879 = arith.select %eq3A_877, %jit3A_878, %select_n3A_875 : i32
        %eq3A_880 = arith.constant 7812 : i32
        %eq3A_881 = arith.cmpi eq, %get3A_863, %eq3A_880 : i32
        %mul3A_882 = arith.constant 128 : i32
        %mul3A_883 = arith.muli %get3A_863, %mul3A_882 : i32
        %multiple_of3A_884 = tpu.assume_multiple %mul3A_883, 128 : i32
        %eq3A_885 = arith.constant 0 : i32
        %eq3A_886 = arith.cmpi eq, %select_n3A_879, %eq3A_885 : i32
        %not3A_887 = arith.constant true
        %not3A_888 = arith.xori %eq3A_881, %not3A_887 : i1
        %and3A_889 = arith.andi %eq3A_886, %not3A_888 : i1
        %convert_element_type3A_890 = arith.extui %and3A_889 : i1 to i32
        %cond3A_891 = arith.constant 0 : i32
        %cond3A_892 = arith.cmpi ne, %convert_element_type3A_890, %cond3A_891 : i32
        scf.if %cond3A_892 {
          %dma_start3A = arith.constant 0 : i32
          %dma_start3A_924 = arith.constant 0 : i32
          %dma_start3A_925 = arith.constant 0 : i32
          %dma_start3A_926 = tpu.memref_slice %arg7[%dma_start3A, %dma_start3A_924, %dma_start3A_925] : memref<4x64x128xf32, #tpu.memory_space<vmem>> -> memref<1x64x128xf32, #tpu.memory_space<vmem>>
          %dma_start3A_927 = tpu.memref_squeeze %dma_start3A_926 : memref<1x64x128xf32, #tpu.memory_space<vmem>> -> memref<64x128xf32, #tpu.memory_space<vmem>>
          %dma_start3A_928 = arith.constant 0 : i32
          %dma_start3A_929 = tpu.memref_slice %arg2[%dma_start3A_928, %multiple_of3A_884] : memref<64x1000000xf32, #tpu.memory_space<hbm>> -> memref<64x128xf32, #tpu.memory_space<hbm>>
          %dma_start3A_930 = arith.constant 0 : i32
          %dma_start3A_931 = arith.constant 0 : i32
          %dma_start3A_932 = tpu.memref_slice %arg7[%dma_start3A, %dma_start3A_930, %dma_start3A_931] : memref<4x64x128xf32, #tpu.memory_space<vmem>> -> memref<1x64x128xf32, #tpu.memory_space<vmem>>
          %dma_start3A_933 = tpu.memref_squeeze %dma_start3A_932 : memref<1x64x128xf32, #tpu.memory_space<vmem>> -> memref<64x128xf32, #tpu.memory_space<vmem>>
          %dma_start3A_934 = arith.constant 0 : i32
          %dma_start3A_935 = tpu.memref_slice %arg2[%dma_start3A_934, %multiple_of3A_884] : memref<64x1000000xf32, #tpu.memory_space<hbm>> -> memref<64x128xf32, #tpu.memory_space<hbm>>
          tpu.enqueue_dma source(%dma_start3A_935 : memref<64x128xf32, #tpu.memory_space<hbm>>) target(%dma_start3A_933 : memref<64x128xf32, #tpu.memory_space<vmem>>) target_semaphore(%arg10 : memref<!tpu.dma_semaphore, #tpu.memory_space<semaphore_mem>>)
        } else {
        }
        %eq3A_893 = arith.constant 1 : i32
        %eq3A_894 = arith.cmpi eq, %select_n3A_879, %eq3A_893 : i32
        %not3A_895 = arith.constant true
        %not3A_896 = arith.xori %eq3A_881, %not3A_895 : i1
        %and3A_897 = arith.andi %eq3A_894, %not3A_896 : i1
        %convert_element_type3A_898 = arith.extui %and3A_897 : i1 to i32
        %cond3A_899 = arith.constant 0 : i32
        %cond3A_900 = arith.cmpi ne, %convert_element_type3A_898, %cond3A_899 : i32
        scf.if %cond3A_900 {
          %dma_start3A = arith.constant 1 : i32
          %dma_start3A_924 = arith.constant 0 : i32
          %dma_start3A_925 = arith.constant 0 : i32
          %dma_start3A_926 = tpu.memref_slice %arg7[%dma_start3A, %dma_start3A_924, %dma_start3A_925] : memref<4x64x128xf32, #tpu.memory_space<vmem>> -> memref<1x64x128xf32, #tpu.memory_space<vmem>>
          %dma_start3A_927 = tpu.memref_squeeze %dma_start3A_926 : memref<1x64x128xf32, #tpu.memory_space<vmem>> -> memref<64x128xf32, #tpu.memory_space<vmem>>
          %dma_start3A_928 = arith.constant 0 : i32
          %dma_start3A_929 = tpu.memref_slice %arg2[%dma_start3A_928, %multiple_of3A_884] : memref<64x1000000xf32, #tpu.memory_space<hbm>> -> memref<64x128xf32, #tpu.memory_space<hbm>>
          %dma_start3A_930 = arith.constant 0 : i32
          %dma_start3A_931 = arith.constant 0 : i32
          %dma_start3A_932 = tpu.memref_slice %arg7[%dma_start3A, %dma_start3A_930, %dma_start3A_931] : memref<4x64x128xf32, #tpu.memory_space<vmem>> -> memref<1x64x128xf32, #tpu.memory_space<vmem>>
          %dma_start3A_933 = tpu.memref_squeeze %dma_start3A_932 : memref<1x64x128xf32, #tpu.memory_space<vmem>> -> memref<64x128xf32, #tpu.memory_space<vmem>>
          %dma_start3A_934 = arith.constant 0 : i32
          %dma_start3A_935 = tpu.memref_slice %arg2[%dma_start3A_934, %multiple_of3A_884] : memref<64x1000000xf32, #tpu.memory_space<hbm>> -> memref<64x128xf32, #tpu.memory_space<hbm>>
          tpu.enqueue_dma source(%dma_start3A_935 : memref<64x128xf32, #tpu.memory_space<hbm>>) target(%dma_start3A_933 : memref<64x128xf32, #tpu.memory_space<vmem>>) target_semaphore(%arg11 : memref<!tpu.dma_semaphore, #tpu.memory_space<semaphore_mem>>)
        } else {
        }
        %eq3A_901 = arith.constant 2 : i32
        %eq3A_902 = arith.cmpi eq, %select_n3A_879, %eq3A_901 : i32
        %not3A_903 = arith.constant true
        %not3A_904 = arith.xori %eq3A_881, %not3A_903 : i1
        %and3A_905 = arith.andi %eq3A_902, %not3A_904 : i1
        %convert_element_type3A_906 = arith.extui %and3A_905 : i1 to i32
        %cond3A_907 = arith.constant 0 : i32
        %cond3A_908 = arith.cmpi ne, %convert_element_type3A_906, %cond3A_907 : i32
        scf.if %cond3A_908 {
          %dma_start3A = arith.constant 2 : i32
          %dma_start3A_924 = arith.constant 0 : i32
          %dma_start3A_925 = arith.constant 0 : i32
          %dma_start3A_926 = tpu.memref_slice %arg7[%dma_start3A, %dma_start3A_924, %dma_start3A_925] : memref<4x64x128xf32, #tpu.memory_space<vmem>> -> memref<1x64x128xf32, #tpu.memory_space<vmem>>
          %dma_start3A_927 = tpu.memref_squeeze %dma_start3A_926 : memref<1x64x128xf32, #tpu.memory_space<vmem>> -> memref<64x128xf32, #tpu.memory_space<vmem>>
          %dma_start3A_928 = arith.constant 0 : i32
          %dma_start3A_929 = tpu.memref_slice %arg2[%dma_start3A_928, %multiple_of3A_884] : memref<64x1000000xf32, #tpu.memory_space<hbm>> -> memref<64x128xf32, #tpu.memory_space<hbm>>
          %dma_start3A_930 = arith.constant 0 : i32
          %dma_start3A_931 = arith.constant 0 : i32
          %dma_start3A_932 = tpu.memref_slice %arg7[%dma_start3A, %dma_start3A_930, %dma_start3A_931] : memref<4x64x128xf32, #tpu.memory_space<vmem>> -> memref<1x64x128xf32, #tpu.memory_space<vmem>>
          %dma_start3A_933 = tpu.memref_squeeze %dma_start3A_932 : memref<1x64x128xf32, #tpu.memory_space<vmem>> -> memref<64x128xf32, #tpu.memory_space<vmem>>
          %dma_start3A_934 = arith.constant 0 : i32
          %dma_start3A_935 = tpu.memref_slice %arg2[%dma_start3A_934, %multiple_of3A_884] : memref<64x1000000xf32, #tpu.memory_space<hbm>> -> memref<64x128xf32, #tpu.memory_space<hbm>>
          tpu.enqueue_dma source(%dma_start3A_935 : memref<64x128xf32, #tpu.memory_space<hbm>>) target(%dma_start3A_933 : memref<64x128xf32, #tpu.memory_space<vmem>>) target_semaphore(%arg12 : memref<!tpu.dma_semaphore, #tpu.memory_space<semaphore_mem>>)
        } else {
        }
        %eq3A_909 = arith.constant 0 : i32
        %eq3A_910 = arith.cmpi eq, %select_n3A_216, %eq3A_909 : i32
        %convert_element_type3A_911 = arith.extui %eq3A_910 : i1 to i32
        %cond3A_912 = arith.constant 0 : i32
        %cond3A_913 = arith.cmpi ne, %convert_element_type3A_911, %cond3A_912 : i32
        scf.if %cond3A_913 {
          %dma_wait3A = arith.constant 0 : i32
          %dma_wait3A_924 = arith.constant 0 : i32
          %dma_wait3A_925 = arith.constant 0 : i32
          %dma_wait3A_926 = tpu.memref_slice %arg7[%dma_wait3A, %dma_wait3A_924, %dma_wait3A_925] : memref<4x64x128xf32, #tpu.memory_space<vmem>> -> memref<1x64x128xf32, #tpu.memory_space<vmem>>
          %dma_wait3A_927 = tpu.memref_squeeze %dma_wait3A_926 : memref<1x64x128xf32, #tpu.memory_space<vmem>> -> memref<64x128xf32, #tpu.memory_space<vmem>>
          %dma_wait3A_928 = arith.constant 0 : i32
          %dma_wait3A_929 = arith.constant 0 : i32
          %dma_wait3A_930 = tpu.memref_slice %arg2[%dma_wait3A_928, %dma_wait3A_929] : memref<64x1000000xf32, #tpu.memory_space<hbm>> -> memref<64x128xf32, #tpu.memory_space<hbm>>
          %dma_wait3A_931 = arith.constant 0 : i32
          %dma_wait3A_932 = arith.constant 0 : i32
          %dma_wait3A_933 = tpu.memref_slice %arg7[%dma_wait3A, %dma_wait3A_931, %dma_wait3A_932] : memref<4x64x128xf32, #tpu.memory_space<vmem>> -> memref<1x64x128xf32, #tpu.memory_space<vmem>>
          %dma_wait3A_934 = tpu.memref_squeeze %dma_wait3A_933 : memref<1x64x128xf32, #tpu.memory_space<vmem>> -> memref<64x128xf32, #tpu.memory_space<vmem>>
          %dma_wait3A_935 = arith.constant 0 : i32
          %dma_wait3A_936 = arith.constant 0 : i32
          %dma_wait3A_937 = tpu.memref_slice %arg2[%dma_wait3A_935, %dma_wait3A_936] : memref<64x1000000xf32, #tpu.memory_space<hbm>> -> memref<64x128xf32, #tpu.memory_space<hbm>>
          tpu.wait_dma2 semaphore(%arg10 : memref<!tpu.dma_semaphore, #tpu.memory_space<semaphore_mem>>) src(%dma_wait3A_937 : memref<64x128xf32, #tpu.memory_space<hbm>>) dst(%dma_wait3A_934 : memref<64x128xf32, #tpu.memory_space<vmem>>)
        } else {
        }
        %eq3A_914 = arith.constant 1 : i32
        %eq3A_915 = arith.cmpi eq, %select_n3A_216, %eq3A_914 : i32
        %convert_element_type3A_916 = arith.extui %eq3A_915 : i1 to i32
        %cond3A_917 = arith.constant 0 : i32
        %cond3A_918 = arith.cmpi ne, %convert_element_type3A_916, %cond3A_917 : i32
        scf.if %cond3A_918 {
          %dma_wait3A = arith.constant 1 : i32
          %dma_wait3A_924 = arith.constant 0 : i32
          %dma_wait3A_925 = arith.constant 0 : i32
          %dma_wait3A_926 = tpu.memref_slice %arg7[%dma_wait3A, %dma_wait3A_924, %dma_wait3A_925] : memref<4x64x128xf32, #tpu.memory_space<vmem>> -> memref<1x64x128xf32, #tpu.memory_space<vmem>>
          %dma_wait3A_927 = tpu.memref_squeeze %dma_wait3A_926 : memref<1x64x128xf32, #tpu.memory_space<vmem>> -> memref<64x128xf32, #tpu.memory_space<vmem>>
          %dma_wait3A_928 = arith.constant 0 : i32
          %dma_wait3A_929 = arith.constant 0 : i32
          %dma_wait3A_930 = tpu.memref_slice %arg2[%dma_wait3A_928, %dma_wait3A_929] : memref<64x1000000xf32, #tpu.memory_space<hbm>> -> memref<64x128xf32, #tpu.memory_space<hbm>>
          %dma_wait3A_931 = arith.constant 0 : i32
          %dma_wait3A_932 = arith.constant 0 : i32
          %dma_wait3A_933 = tpu.memref_slice %arg7[%dma_wait3A, %dma_wait3A_931, %dma_wait3A_932] : memref<4x64x128xf32, #tpu.memory_space<vmem>> -> memref<1x64x128xf32, #tpu.memory_space<vmem>>
          %dma_wait3A_934 = tpu.memref_squeeze %dma_wait3A_933 : memref<1x64x128xf32, #tpu.memory_space<vmem>> -> memref<64x128xf32, #tpu.memory_space<vmem>>
          %dma_wait3A_935 = arith.constant 0 : i32
          %dma_wait3A_936 = arith.constant 0 : i32
          %dma_wait3A_937 = tpu.memref_slice %arg2[%dma_wait3A_935, %dma_wait3A_936] : memref<64x1000000xf32, #tpu.memory_space<hbm>> -> memref<64x128xf32, #tpu.memory_space<hbm>>
          tpu.wait_dma2 semaphore(%arg11 : memref<!tpu.dma_semaphore, #tpu.memory_space<semaphore_mem>>) src(%dma_wait3A_937 : memref<64x128xf32, #tpu.memory_space<hbm>>) dst(%dma_wait3A_934 : memref<64x128xf32, #tpu.memory_space<vmem>>)
        } else {
        }
        %eq3A_919 = arith.constant 2 : i32
        %eq3A_920 = arith.cmpi eq, %select_n3A_216, %eq3A_919 : i32
        %convert_element_type3A_921 = arith.extui %eq3A_920 : i1 to i32
        %cond3A_922 = arith.constant 0 : i32
        %cond3A_923 = arith.cmpi ne, %convert_element_type3A_921, %cond3A_922 : i32
        scf.if %cond3A_923 {
          %dma_wait3A = arith.constant 2 : i32
          %dma_wait3A_924 = arith.constant 0 : i32
          %dma_wait3A_925 = arith.constant 0 : i32
          %dma_wait3A_926 = tpu.memref_slice %arg7[%dma_wait3A, %dma_wait3A_924, %dma_wait3A_925] : memref<4x64x128xf32, #tpu.memory_space<vmem>> -> memref<1x64x128xf32, #tpu.memory_space<vmem>>
          %dma_wait3A_927 = tpu.memref_squeeze %dma_wait3A_926 : memref<1x64x128xf32, #tpu.memory_space<vmem>> -> memref<64x128xf32, #tpu.memory_space<vmem>>
          %dma_wait3A_928 = arith.constant 0 : i32
          %dma_wait3A_929 = arith.constant 0 : i32
          %dma_wait3A_930 = tpu.memref_slice %arg2[%dma_wait3A_928, %dma_wait3A_929] : memref<64x1000000xf32, #tpu.memory_space<hbm>> -> memref<64x128xf32, #tpu.memory_space<hbm>>
          %dma_wait3A_931 = arith.constant 0 : i32
          %dma_wait3A_932 = arith.constant 0 : i32
          %dma_wait3A_933 = tpu.memref_slice %arg7[%dma_wait3A, %dma_wait3A_931, %dma_wait3A_932] : memref<4x64x128xf32, #tpu.memory_space<vmem>> -> memref<1x64x128xf32, #tpu.memory_space<vmem>>
          %dma_wait3A_934 = tpu.memref_squeeze %dma_wait3A_933 : memref<1x64x128xf32, #tpu.memory_space<vmem>> -> memref<64x128xf32, #tpu.memory_space<vmem>>
          %dma_wait3A_935 = arith.constant 0 : i32
          %dma_wait3A_936 = arith.constant 0 : i32
          %dma_wait3A_937 = tpu.memref_slice %arg2[%dma_wait3A_935, %dma_wait3A_936] : memref<64x1000000xf32, #tpu.memory_space<hbm>> -> memref<64x128xf32, #tpu.memory_space<hbm>>
          tpu.wait_dma2 semaphore(%arg12 : memref<!tpu.dma_semaphore, #tpu.memory_space<semaphore_mem>>) src(%dma_wait3A_937 : memref<64x128xf32, #tpu.memory_space<hbm>>) dst(%dma_wait3A_934 : memref<64x128xf32, #tpu.memory_space<vmem>>)
        } else {
        }
      } else {
      }
      %broadcast_in_dim3A_220 = vector.broadcast %select_n3A_216 : i32 to vector<16xi32>
      %slice3A_221 = vector.extract_strided_slice %and3A_160 {offsets = [1], sizes = [1], strides = [1]} : vector<16xi32> to vector<1xi32>
      %squeeze3A_222 = vector.extract %slice3A_221[0] : i32 from vector<1xi32>
      %broadcast_in_dim3A_223 = vector.broadcast %squeeze3A_222 : i32 to vector<16xi32>
      %mul3A_224 = arith.constant 16 : i32
      %mul3A_225 = arith.muli %scan3A_143, %mul3A_224 : i32
      %add3A_226 = arith.constant 1 : i32
      %add3A_227 = arith.addi %mul3A_225, %add3A_226 : i32
      %gather3A_228 = tpu.vector_load_idx %arg7[%broadcast_in_dim3A_220, %add3A_84, %broadcast_in_dim3A_223] : memref<4x64x128xf32, #tpu.memory_space<vmem>>[vector<16xi32>, vector<16xi32>, vector<16xi32>], vector<16xf32>,
      %swap3A_229 = arith.index_cast %add3A_227 : i32 to index
      %swap3A_230 = arith.constant 0 : index
      %swap3A_231 = tpu.vector_load %arg8[%swap3A_229, %swap3A_230] {strides = array<i32>} : memref<512x64xf32, #tpu.memory_space<vmem>>, vector<16xf32>,
      tpu.vector_store %arg8[%swap3A_229, %swap3A_230], %gather3A_228 {strides = array<i32>} : memref<512x64xf32, #tpu.memory_space<vmem>>, vector<16xf32>,
      %gather3A_232 = tpu.vector_load_idx %arg7[%broadcast_in_dim3A_220, %add3A_88, %broadcast_in_dim3A_223] : memref<4x64x128xf32, #tpu.memory_space<vmem>>[vector<16xi32>, vector<16xi32>, vector<16xi32>], vector<16xf32>,
      %swap3A_233 = arith.index_cast %add3A_227 : i32 to index
      %swap3A_234 = arith.constant 16 : index
      %swap3A_235 = tpu.vector_load %arg8[%swap3A_233, %swap3A_234] {strides = array<i32>} : memref<512x64xf32, #tpu.memory_space<vmem>>, vector<16xf32>,
      tpu.vector_store %arg8[%swap3A_233, %swap3A_234], %gather3A_232 {strides = array<i32>} : memref<512x64xf32, #tpu.memory_space<vmem>>, vector<16xf32>,
      %gather3A_236 = tpu.vector_load_idx %arg7[%broadcast_in_dim3A_220, %add3A_92, %broadcast_in_dim3A_223] : memref<4x64x128xf32, #tpu.memory_space<vmem>>[vector<16xi32>, vector<16xi32>, vector<16xi32>], vector<16xf32>,
      %swap3A_237 = arith.index_cast %add3A_227 : i32 to index
      %swap3A_238 = arith.constant 32 : index
      %swap3A_239 = tpu.vector_load %arg8[%swap3A_237, %swap3A_238] {strides = array<i32>} : memref<512x64xf32, #tpu.memory_space<vmem>>, vector<16xf32>,
      tpu.vector_store %arg8[%swap3A_237, %swap3A_238], %gather3A_236 {strides = array<i32>} : memref<512x64xf32, #tpu.memory_space<vmem>>, vector<16xf32>,
      %gather3A_240 = tpu.vector_load_idx %arg7[%broadcast_in_dim3A_220, %add3A_96, %broadcast_in_dim3A_223] : memref<4x64x128xf32, #tpu.memory_space<vmem>>[vector<16xi32>, vector<16xi32>, vector<16xi32>], vector<16xf32>,
      %swap3A_241 = arith.index_cast %add3A_227 : i32 to index
      %swap3A_242 = arith.constant 48 : index
      %swap3A_243 = tpu.vector_load %arg8[%swap3A_241, %swap3A_242] {strides = array<i32>} : memref<512x64xf32, #tpu.memory_space<vmem>>, vector<16xf32>,
      tpu.vector_store %arg8[%swap3A_241, %swap3A_242], %gather3A_240 {strides = array<i32>} : memref<512x64xf32, #tpu.memory_space<vmem>>, vector<16xf32>,
      %slice3A_244 = vector.extract_strided_slice %shift_right_arithmetic3A_157 {offsets = [2], sizes = [1], strides = [1]} : vector<16xi32> to vector<1xi32>
      %squeeze3A_245 = vector.extract %slice3A_244[0] : i32 from vector<1xi32>
      %ne3A_246 = arith.cmpi ne, %squeeze3A_245, %squeeze3A_201 : i32
      %add3A_247 = arith.constant 1 : i32
      %add3A_248 = arith.addi %select_n3A_205, %add3A_247 : i32
      %select_n3A_249 = arith.select %ne3A_246, %add3A_248, %select_n3A_205 : i32
      %eq3A_250 = arith.constant 2 : i32
      %eq3A_251 = arith.cmpi eq, %select_n3A_212, %eq3A_250 : i32
      %add3A_252 = arith.constant 1 : i32
      %add3A_253 = arith.addi %select_n3A_212, %add3A_252 : i32
      %jit3A_254 = arith.constant 0 : i32
      %select_n3A_255 = arith.select %eq3A_251, %jit3A_254, %add3A_253 : i32
      %select_n3A_256 = arith.select %ne3A_246, %select_n3A_255, %select_n3A_212 : i32
      %eq3A_257 = arith.constant 7812 : i32
      %eq3A_258 = arith.cmpi eq, %squeeze3A_245, %eq3A_257 : i32
      %jit3A_259 = arith.constant 3 : i32
      %select_n3A_260 = arith.select %eq3A_258, %jit3A_259, %select_n3A_256 : i32
      %convert_element_type3A_261 = arith.extui %ne3A_246 : i1 to i32
      %cond3A_262 = arith.constant 0 : i32
      %cond3A_263 = arith.cmpi ne, %convert_element_type3A_261, %cond3A_262 : i32
      scf.if %cond3A_263 {
        %add3A_860 = arith.constant 2 : i32
        %add3A_861 = arith.addi %select_n3A_249, %add3A_860 : i32
        %get3A_862 = arith.index_cast %add3A_861 : i32 to index
        %get3A_863 = memref.load %arg9[%get3A_862] : memref<520xi32, #tpu.memory_space<smem>>
        %eq3A_864 = arith.constant 2 : i32
        %eq3A_865 = arith.cmpi eq, %select_n3A_256, %eq3A_864 : i32
        %add3A_866 = arith.constant 1 : i32
        %add3A_867 = arith.addi %select_n3A_256, %add3A_866 : i32
        %jit3A_868 = arith.constant 0 : i32
        %select_n3A_869 = arith.select %eq3A_865, %jit3A_868, %add3A_867 : i32
        %eq3A_870 = arith.constant 2 : i32
        %eq3A_871 = arith.cmpi eq, %select_n3A_869, %eq3A_870 : i32
        %add3A_872 = arith.constant 1 : i32
        %add3A_873 = arith.addi %select_n3A_869, %add3A_872 : i32
        %jit3A_874 = arith.constant 0 : i32
        %select_n3A_875 = arith.select %eq3A_871, %jit3A_874, %add3A_873 : i32
        %eq3A_876 = arith.constant 7812 : i32
        %eq3A_877 = arith.cmpi eq, %get3A_863, %eq3A_876 : i32
        %jit3A_878 = arith.constant 3 : i32
        %select_n3A_879 = arith.select %eq3A_877, %jit3A_878, %select_n3A_875 : i32
        %eq3A_880 = arith.constant 7812 : i32
        %eq3A_881 = arith.cmpi eq, %get3A_863, %eq3A_880 : i32
        %mul3A_882 = arith.constant 128 : i32
        %mul3A_883 = arith.muli %get3A_863, %mul3A_882 : i32
        %multiple_of3A_884 = tpu.assume_multiple %mul3A_883, 128 : i32
        %eq3A_885 = arith.constant 0 : i32
        %eq3A_886 = arith.cmpi eq, %select_n3A_879, %eq3A_885 : i32
        %not3A_887 = arith.constant true
        %not3A_888 = arith.xori %eq3A_881, %not3A_887 : i1
        %and3A_889 = arith.andi %eq3A_886, %not3A_888 : i1
        %convert_element_type3A_890 = arith.extui %and3A_889 : i1 to i32
        %cond3A_891 = arith.constant 0 : i32
        %cond3A_892 = arith.cmpi ne, %convert_element_type3A_890, %cond3A_891 : i32
        scf.if %cond3A_892 {
          %dma_start3A = arith.constant 0 : i32
          %dma_start3A_924 = arith.constant 0 : i32
          %dma_start3A_925 = arith.constant 0 : i32
          %dma_start3A_926 = tpu.memref_slice %arg7[%dma_start3A, %dma_start3A_924, %dma_start3A_925] : memref<4x64x128xf32, #tpu.memory_space<vmem>> -> memref<1x64x128xf32, #tpu.memory_space<vmem>>
          %dma_start3A_927 = tpu.memref_squeeze %dma_start3A_926 : memref<1x64x128xf32, #tpu.memory_space<vmem>> -> memref<64x128xf32, #tpu.memory_space<vmem>>
          %dma_start3A_928 = arith.constant 0 : i32
          %dma_start3A_929 = tpu.memref_slice %arg2[%dma_start3A_928, %multiple_of3A_884] : memref<64x1000000xf32, #tpu.memory_space<hbm>> -> memref<64x128xf32, #tpu.memory_space<hbm>>
          %dma_start3A_930 = arith.constant 0 : i32
          %dma_start3A_931 = arith.constant 0 : i32
          %dma_start3A_932 = tpu.memref_slice %arg7[%dma_start3A, %dma_start3A_930, %dma_start3A_931] : memref<4x64x128xf32, #tpu.memory_space<vmem>> -> memref<1x64x128xf32, #tpu.memory_space<vmem>>
          %dma_start3A_933 = tpu.memref_squeeze %dma_start3A_932 : memref<1x64x128xf32, #tpu.memory_space<vmem>> -> memref<64x128xf32, #tpu.memory_space<vmem>>
          %dma_start3A_934 = arith.constant 0 : i32
          %dma_start3A_935 = tpu.memref_slice %arg2[%dma_start3A_934, %multiple_of3A_884] : memref<64x1000000xf32, #tpu.memory_space<hbm>> -> memref<64x128xf32, #tpu.memory_space<hbm>>
          tpu.enqueue_dma source(%dma_start3A_935 : memref<64x128xf32, #tpu.memory_space<hbm>>) target(%dma_start3A_933 : memref<64x128xf32, #tpu.memory_space<vmem>>) target_semaphore(%arg10 : memref<!tpu.dma_semaphore, #tpu.memory_space<semaphore_mem>>)
        } else {
        }
        %eq3A_893 = arith.constant 1 : i32
        %eq3A_894 = arith.cmpi eq, %select_n3A_879, %eq3A_893 : i32
        %not3A_895 = arith.constant true
        %not3A_896 = arith.xori %eq3A_881, %not3A_895 : i1
        %and3A_897 = arith.andi %eq3A_894, %not3A_896 : i1
        %convert_element_type3A_898 = arith.extui %and3A_897 : i1 to i32
        %cond3A_899 = arith.constant 0 : i32
        %cond3A_900 = arith.cmpi ne, %convert_element_type3A_898, %cond3A_899 : i32
        scf.if %cond3A_900 {
          %dma_start3A = arith.constant 1 : i32
          %dma_start3A_924 = arith.constant 0 : i32
          %dma_start3A_925 = arith.constant 0 : i32
          %dma_start3A_926 = tpu.memref_slice %arg7[%dma_start3A, %dma_start3A_924, %dma_start3A_925] : memref<4x64x128xf32, #tpu.memory_space<vmem>> -> memref<1x64x128xf32, #tpu.memory_space<vmem>>
          %dma_start3A_927 = tpu.memref_squeeze %dma_start3A_926 : memref<1x64x128xf32, #tpu.memory_space<vmem>> -> memref<64x128xf32, #tpu.memory_space<vmem>>
          %dma_start3A_928 = arith.constant 0 : i32
          %dma_start3A_929 = tpu.memref_slice %arg2[%dma_start3A_928, %multiple_of3A_884] : memref<64x1000000xf32, #tpu.memory_space<hbm>> -> memref<64x128xf32, #tpu.memory_space<hbm>>
          %dma_start3A_930 = arith.constant 0 : i32
          %dma_start3A_931 = arith.constant 0 : i32
          %dma_start3A_932 = tpu.memref_slice %arg7[%dma_start3A, %dma_start3A_930, %dma_start3A_931] : memref<4x64x128xf32, #tpu.memory_space<vmem>> -> memref<1x64x128xf32, #tpu.memory_space<vmem>>
          %dma_start3A_933 = tpu.memref_squeeze %dma_start3A_932 : memref<1x64x128xf32, #tpu.memory_space<vmem>> -> memref<64x128xf32, #tpu.memory_space<vmem>>
          %dma_start3A_934 = arith.constant 0 : i32
          %dma_start3A_935 = tpu.memref_slice %arg2[%dma_start3A_934, %multiple_of3A_884] : memref<64x1000000xf32, #tpu.memory_space<hbm>> -> memref<64x128xf32, #tpu.memory_space<hbm>>
          tpu.enqueue_dma source(%dma_start3A_935 : memref<64x128xf32, #tpu.memory_space<hbm>>) target(%dma_start3A_933 : memref<64x128xf32, #tpu.memory_space<vmem>>) target_semaphore(%arg11 : memref<!tpu.dma_semaphore, #tpu.memory_space<semaphore_mem>>)
        } else {
        }
        %eq3A_901 = arith.constant 2 : i32
        %eq3A_902 = arith.cmpi eq, %select_n3A_879, %eq3A_901 : i32
        %not3A_903 = arith.constant true
        %not3A_904 = arith.xori %eq3A_881, %not3A_903 : i1
        %and3A_905 = arith.andi %eq3A_902, %not3A_904 : i1
        %convert_element_type3A_906 = arith.extui %and3A_905 : i1 to i32
        %cond3A_907 = arith.constant 0 : i32
        %cond3A_908 = arith.cmpi ne, %convert_element_type3A_906, %cond3A_907 : i32
        scf.if %cond3A_908 {
          %dma_start3A = arith.constant 2 : i32
          %dma_start3A_924 = arith.constant 0 : i32
          %dma_start3A_925 = arith.constant 0 : i32
          %dma_start3A_926 = tpu.memref_slice %arg7[%dma_start3A, %dma_start3A_924, %dma_start3A_925] : memref<4x64x128xf32, #tpu.memory_space<vmem>> -> memref<1x64x128xf32, #tpu.memory_space<vmem>>
          %dma_start3A_927 = tpu.memref_squeeze %dma_start3A_926 : memref<1x64x128xf32, #tpu.memory_space<vmem>> -> memref<64x128xf32, #tpu.memory_space<vmem>>
          %dma_start3A_928 = arith.constant 0 : i32
          %dma_start3A_929 = tpu.memref_slice %arg2[%dma_start3A_928, %multiple_of3A_884] : memref<64x1000000xf32, #tpu.memory_space<hbm>> -> memref<64x128xf32, #tpu.memory_space<hbm>>
          %dma_start3A_930 = arith.constant 0 : i32
          %dma_start3A_931 = arith.constant 0 : i32
          %dma_start3A_932 = tpu.memref_slice %arg7[%dma_start3A, %dma_start3A_930, %dma_start3A_931] : memref<4x64x128xf32, #tpu.memory_space<vmem>> -> memref<1x64x128xf32, #tpu.memory_space<vmem>>
          %dma_start3A_933 = tpu.memref_squeeze %dma_start3A_932 : memref<1x64x128xf32, #tpu.memory_space<vmem>> -> memref<64x128xf32, #tpu.memory_space<vmem>>
          %dma_start3A_934 = arith.constant 0 : i32
          %dma_start3A_935 = tpu.memref_slice %arg2[%dma_start3A_934, %multiple_of3A_884] : memref<64x1000000xf32, #tpu.memory_space<hbm>> -> memref<64x128xf32, #tpu.memory_space<hbm>>
          tpu.enqueue_dma source(%dma_start3A_935 : memref<64x128xf32, #tpu.memory_space<hbm>>) target(%dma_start3A_933 : memref<64x128xf32, #tpu.memory_space<vmem>>) target_semaphore(%arg12 : memref<!tpu.dma_semaphore, #tpu.memory_space<semaphore_mem>>)
        } else {
        }
        %eq3A_909 = arith.constant 0 : i32
        %eq3A_910 = arith.cmpi eq, %select_n3A_260, %eq3A_909 : i32
        %convert_element_type3A_911 = arith.extui %eq3A_910 : i1 to i32
        %cond3A_912 = arith.constant 0 : i32
        %cond3A_913 = arith.cmpi ne, %convert_element_type3A_911, %cond3A_912 : i32
        scf.if %cond3A_913 {
          %dma_wait3A = arith.constant 0 : i32
          %dma_wait3A_924 = arith.constant 0 : i32
          %dma_wait3A_925 = arith.constant 0 : i32
          %dma_wait3A_926 = tpu.memref_slice %arg7[%dma_wait3A, %dma_wait3A_924, %dma_wait3A_925] : memref<4x64x128xf32, #tpu.memory_space<vmem>> -> memref<1x64x128xf32, #tpu.memory_space<vmem>>
          %dma_wait3A_927 = tpu.memref_squeeze %dma_wait3A_926 : memref<1x64x128xf32, #tpu.memory_space<vmem>> -> memref<64x128xf32, #tpu.memory_space<vmem>>
          %dma_wait3A_928 = arith.constant 0 : i32
          %dma_wait3A_929 = arith.constant 0 : i32
          %dma_wait3A_930 = tpu.memref_slice %arg2[%dma_wait3A_928, %dma_wait3A_929] : memref<64x1000000xf32, #tpu.memory_space<hbm>> -> memref<64x128xf32, #tpu.memory_space<hbm>>
          %dma_wait3A_931 = arith.constant 0 : i32
          %dma_wait3A_932 = arith.constant 0 : i32
          %dma_wait3A_933 = tpu.memref_slice %arg7[%dma_wait3A, %dma_wait3A_931, %dma_wait3A_932] : memref<4x64x128xf32, #tpu.memory_space<vmem>> -> memref<1x64x128xf32, #tpu.memory_space<vmem>>
          %dma_wait3A_934 = tpu.memref_squeeze %dma_wait3A_933 : memref<1x64x128xf32, #tpu.memory_space<vmem>> -> memref<64x128xf32, #tpu.memory_space<vmem>>
          %dma_wait3A_935 = arith.constant 0 : i32
          %dma_wait3A_936 = arith.constant 0 : i32
          %dma_wait3A_937 = tpu.memref_slice %arg2[%dma_wait3A_935, %dma_wait3A_936] : memref<64x1000000xf32, #tpu.memory_space<hbm>> -> memref<64x128xf32, #tpu.memory_space<hbm>>
          tpu.wait_dma2 semaphore(%arg10 : memref<!tpu.dma_semaphore, #tpu.memory_space<semaphore_mem>>) src(%dma_wait3A_937 : memref<64x128xf32, #tpu.memory_space<hbm>>) dst(%dma_wait3A_934 : memref<64x128xf32, #tpu.memory_space<vmem>>)
        } else {
        }
        %eq3A_914 = arith.constant 1 : i32
        %eq3A_915 = arith.cmpi eq, %select_n3A_260, %eq3A_914 : i32
        %convert_element_type3A_916 = arith.extui %eq3A_915 : i1 to i32
        %cond3A_917 = arith.constant 0 : i32
        %cond3A_918 = arith.cmpi ne, %convert_element_type3A_916, %cond3A_917 : i32
        scf.if %cond3A_918 {
          %dma_wait3A = arith.constant 1 : i32
          %dma_wait3A_924 = arith.constant 0 : i32
          %dma_wait3A_925 = arith.constant 0 : i32
          %dma_wait3A_926 = tpu.memref_slice %arg7[%dma_wait3A, %dma_wait3A_924, %dma_wait3A_925] : memref<4x64x128xf32, #tpu.memory_space<vmem>> -> memref<1x64x128xf32, #tpu.memory_space<vmem>>
          %dma_wait3A_927 = tpu.memref_squeeze %dma_wait3A_926 : memref<1x64x128xf32, #tpu.memory_space<vmem>> -> memref<64x128xf32, #tpu.memory_space<vmem>>
          %dma_wait3A_928 = arith.constant 0 : i32
          %dma_wait3A_929 = arith.constant 0 : i32
          %dma_wait3A_930 = tpu.memref_slice %arg2[%dma_wait3A_928, %dma_wait3A_929] : memref<64x1000000xf32, #tpu.memory_space<hbm>> -> memref<64x128xf32, #tpu.memory_space<hbm>>
          %dma_wait3A_931 = arith.constant 0 : i32
          %dma_wait3A_932 = arith.constant 0 : i32
          %dma_wait3A_933 = tpu.memref_slice %arg7[%dma_wait3A, %dma_wait3A_931, %dma_wait3A_932] : memref<4x64x128xf32, #tpu.memory_space<vmem>> -> memref<1x64x128xf32, #tpu.memory_space<vmem>>
          %dma_wait3A_934 = tpu.memref_squeeze %dma_wait3A_933 : memref<1x64x128xf32, #tpu.memory_space<vmem>> -> memref<64x128xf32, #tpu.memory_space<vmem>>
          %dma_wait3A_935 = arith.constant 0 : i32
          %dma_wait3A_936 = arith.constant 0 : i32
          %dma_wait3A_937 = tpu.memref_slice %arg2[%dma_wait3A_935, %dma_wait3A_936] : memref<64x1000000xf32, #tpu.memory_space<hbm>> -> memref<64x128xf32, #tpu.memory_space<hbm>>
          tpu.wait_dma2 semaphore(%arg11 : memref<!tpu.dma_semaphore, #tpu.memory_space<semaphore_mem>>) src(%dma_wait3A_937 : memref<64x128xf32, #tpu.memory_space<hbm>>) dst(%dma_wait3A_934 : memref<64x128xf32, #tpu.memory_space<vmem>>)
        } else {
        }
        %eq3A_919 = arith.constant 2 : i32
        %eq3A_920 = arith.cmpi eq, %select_n3A_260, %eq3A_919 : i32
        %convert_element_type3A_921 = arith.extui %eq3A_920 : i1 to i32
        %cond3A_922 = arith.constant 0 : i32
        %cond3A_923 = arith.cmpi ne, %convert_element_type3A_921, %cond3A_922 : i32
        scf.if %cond3A_923 {
          %dma_wait3A = arith.constant 2 : i32
          %dma_wait3A_924 = arith.constant 0 : i32
          %dma_wait3A_925 = arith.constant 0 : i32
          %dma_wait3A_926 = tpu.memref_slice %arg7[%dma_wait3A, %dma_wait3A_924, %dma_wait3A_925] : memref<4x64x128xf32, #tpu.memory_space<vmem>> -> memref<1x64x128xf32, #tpu.memory_space<vmem>>
          %dma_wait3A_927 = tpu.memref_squeeze %dma_wait3A_926 : memref<1x64x128xf32, #tpu.memory_space<vmem>> -> memref<64x128xf32, #tpu.memory_space<vmem>>
          %dma_wait3A_928 = arith.constant 0 : i32
          %dma_wait3A_929 = arith.constant 0 : i32
          %dma_wait3A_930 = tpu.memref_slice %arg2[%dma_wait3A_928, %dma_wait3A_929] : memref<64x1000000xf32, #tpu.memory_space<hbm>> -> memref<64x128xf32, #tpu.memory_space<hbm>>
          %dma_wait3A_931 = arith.constant 0 : i32
          %dma_wait3A_932 = arith.constant 0 : i32
          %dma_wait3A_933 = tpu.memref_slice %arg7[%dma_wait3A, %dma_wait3A_931, %dma_wait3A_932] : memref<4x64x128xf32, #tpu.memory_space<vmem>> -> memref<1x64x128xf32, #tpu.memory_space<vmem>>
          %dma_wait3A_934 = tpu.memref_squeeze %dma_wait3A_933 : memref<1x64x128xf32, #tpu.memory_space<vmem>> -> memref<64x128xf32, #tpu.memory_space<vmem>>
          %dma_wait3A_935 = arith.constant 0 : i32
          %dma_wait3A_936 = arith.constant 0 : i32
          %dma_wait3A_937 = tpu.memref_slice %arg2[%dma_wait3A_935, %dma_wait3A_936] : memref<64x1000000xf32, #tpu.memory_space<hbm>> -> memref<64x128xf32, #tpu.memory_space<hbm>>
          tpu.wait_dma2 semaphore(%arg12 : memref<!tpu.dma_semaphore, #tpu.memory_space<semaphore_mem>>) src(%dma_wait3A_937 : memref<64x128xf32, #tpu.memory_space<hbm>>) dst(%dma_wait3A_934 : memref<64x128xf32, #tpu.memory_space<vmem>>)
        } else {
        }
      } else {
      }
      %broadcast_in_dim3A_264 = vector.broadcast %select_n3A_260 : i32 to vector<16xi32>
      %slice3A_265 = vector.extract_strided_slice %and3A_160 {offsets = [2], sizes = [1], strides = [1]} : vector<16xi32> to vector<1xi32>
      %squeeze3A_266 = vector.extract %slice3A_265[0] : i32 from vector<1xi32>
      %broadcast_in_dim3A_267 = vector.broadcast %squeeze3A_266 : i32 to vector<16xi32>
      %mul3A_268 = arith.constant 16 : i32
      %mul3A_269 = arith.muli %scan3A_143, %mul3A_268 : i32
      %add3A_270 = arith.constant 2 : i32
      %add3A_271 = arith.addi %mul3A_269, %add3A_270 : i32
      %gather3A_272 = tpu.vector_load_idx %arg7[%broadcast_in_dim3A_264, %add3A_84, %broadcast_in_dim3A_267] : memref<4x64x128xf32, #tpu.memory_space<vmem>>[vector<16xi32>, vector<16xi32>, vector<16xi32>], vector<16xf32>,
      %swap3A_273 = arith.index_cast %add3A_271 : i32 to index
      %swap3A_274 = arith.constant 0 : index
      %swap3A_275 = tpu.vector_load %arg8[%swap3A_273, %swap3A_274] {strides = array<i32>} : memref<512x64xf32, #tpu.memory_space<vmem>>, vector<16xf32>,
      tpu.vector_store %arg8[%swap3A_273, %swap3A_274], %gather3A_272 {strides = array<i32>} : memref<512x64xf32, #tpu.memory_space<vmem>>, vector<16xf32>,
      %gather3A_276 = tpu.vector_load_idx %arg7[%broadcast_in_dim3A_264, %add3A_88, %broadcast_in_dim3A_267] : memref<4x64x128xf32, #tpu.memory_space<vmem>>[vector<16xi32>, vector<16xi32>, vector<16xi32>], vector<16xf32>,
      %swap3A_277 = arith.index_cast %add3A_271 : i32 to index
      %swap3A_278 = arith.constant 16 : index
      %swap3A_279 = tpu.vector_load %arg8[%swap3A_277, %swap3A_278] {strides = array<i32>} : memref<512x64xf32, #tpu.memory_space<vmem>>, vector<16xf32>,
      tpu.vector_store %arg8[%swap3A_277, %swap3A_278], %gather3A_276 {strides = array<i32>} : memref<512x64xf32, #tpu.memory_space<vmem>>, vector<16xf32>,
      %gather3A_280 = tpu.vector_load_idx %arg7[%broadcast_in_dim3A_264, %add3A_92, %broadcast_in_dim3A_267] : memref<4x64x128xf32, #tpu.memory_space<vmem>>[vector<16xi32>, vector<16xi32>, vector<16xi32>], vector<16xf32>,
      %swap3A_281 = arith.index_cast %add3A_271 : i32 to index
      %swap3A_282 = arith.constant 32 : index
      %swap3A_283 = tpu.vector_load %arg8[%swap3A_281, %swap3A_282] {strides = array<i32>} : memref<512x64xf32, #tpu.memory_space<vmem>>, vector<16xf32>,
      tpu.vector_store %arg8[%swap3A_281, %swap3A_282], %gather3A_280 {strides = array<i32>} : memref<512x64xf32, #tpu.memory_space<vmem>>, vector<16xf32>,
      %gather3A_284 = tpu.vector_load_idx %arg7[%broadcast_in_dim3A_264, %add3A_96, %broadcast_in_dim3A_267] : memref<4x64x128xf32, #tpu.memory_space<vmem>>[vector<16xi32>, vector<16xi32>, vector<16xi32>], vector<16xf32>,
      %swap3A_285 = arith.index_cast %add3A_271 : i32 to index
      %swap3A_286 = arith.constant 48 : index
      %swap3A_287 = tpu.vector_load %arg8[%swap3A_285, %swap3A_286] {strides = array<i32>} : memref<512x64xf32, #tpu.memory_space<vmem>>, vector<16xf32>,
      tpu.vector_store %arg8[%swap3A_285, %swap3A_286], %gather3A_284 {strides = array<i32>} : memref<512x64xf32, #tpu.memory_space<vmem>>, vector<16xf32>,
      %slice3A_288 = vector.extract_strided_slice %shift_right_arithmetic3A_157 {offsets = [3], sizes = [1], strides = [1]} : vector<16xi32> to vector<1xi32>
      %squeeze3A_289 = vector.extract %slice3A_288[0] : i32 from vector<1xi32>
      %ne3A_290 = arith.cmpi ne, %squeeze3A_289, %squeeze3A_245 : i32
      %add3A_291 = arith.constant 1 : i32
      %add3A_292 = arith.addi %select_n3A_249, %add3A_291 : i32
      %select_n3A_293 = arith.select %ne3A_290, %add3A_292, %select_n3A_249 : i32
      %eq3A_294 = arith.constant 2 : i32
      %eq3A_295 = arith.cmpi eq, %select_n3A_256, %eq3A_294 : i32
      %add3A_296 = arith.constant 1 : i32
      %add3A_297 = arith.addi %select_n3A_256, %add3A_296 : i32
      %jit3A_298 = arith.constant 0 : i32
      %select_n3A_299 = arith.select %eq3A_295, %jit3A_298, %add3A_297 : i32
      %select_n3A_300 = arith.select %ne3A_290, %select_n3A_299, %select_n3A_256 : i32
      %eq3A_301 = arith.constant 7812 : i32
      %eq3A_302 = arith.cmpi eq, %squeeze3A_289, %eq3A_301 : i32
      %jit3A_303 = arith.constant 3 : i32
      %select_n3A_304 = arith.select %eq3A_302, %jit3A_303, %select_n3A_300 : i32
      %convert_element_type3A_305 = arith.extui %ne3A_290 : i1 to i32
      %cond3A_306 = arith.constant 0 : i32
      %cond3A_307 = arith.cmpi ne, %convert_element_type3A_305, %cond3A_306 : i32
      scf.if %cond3A_307 {
        %add3A_860 = arith.constant 2 : i32
        %add3A_861 = arith.addi %select_n3A_293, %add3A_860 : i32
        %get3A_862 = arith.index_cast %add3A_861 : i32 to index
        %get3A_863 = memref.load %arg9[%get3A_862] : memref<520xi32, #tpu.memory_space<smem>>
        %eq3A_864 = arith.constant 2 : i32
        %eq3A_865 = arith.cmpi eq, %select_n3A_300, %eq3A_864 : i32
        %add3A_866 = arith.constant 1 : i32
        %add3A_867 = arith.addi %select_n3A_300, %add3A_866 : i32
        %jit3A_868 = arith.constant 0 : i32
        %select_n3A_869 = arith.select %eq3A_865, %jit3A_868, %add3A_867 : i32
        %eq3A_870 = arith.constant 2 : i32
        %eq3A_871 = arith.cmpi eq, %select_n3A_869, %eq3A_870 : i32
        %add3A_872 = arith.constant 1 : i32
        %add3A_873 = arith.addi %select_n3A_869, %add3A_872 : i32
        %jit3A_874 = arith.constant 0 : i32
        %select_n3A_875 = arith.select %eq3A_871, %jit3A_874, %add3A_873 : i32
        %eq3A_876 = arith.constant 7812 : i32
        %eq3A_877 = arith.cmpi eq, %get3A_863, %eq3A_876 : i32
        %jit3A_878 = arith.constant 3 : i32
        %select_n3A_879 = arith.select %eq3A_877, %jit3A_878, %select_n3A_875 : i32
        %eq3A_880 = arith.constant 7812 : i32
        %eq3A_881 = arith.cmpi eq, %get3A_863, %eq3A_880 : i32
        %mul3A_882 = arith.constant 128 : i32
        %mul3A_883 = arith.muli %get3A_863, %mul3A_882 : i32
        %multiple_of3A_884 = tpu.assume_multiple %mul3A_883, 128 : i32
        %eq3A_885 = arith.constant 0 : i32
        %eq3A_886 = arith.cmpi eq, %select_n3A_879, %eq3A_885 : i32
        %not3A_887 = arith.constant true
        %not3A_888 = arith.xori %eq3A_881, %not3A_887 : i1
        %and3A_889 = arith.andi %eq3A_886, %not3A_888 : i1
        %convert_element_type3A_890 = arith.extui %and3A_889 : i1 to i32
        %cond3A_891 = arith.constant 0 : i32
        %cond3A_892 = arith.cmpi ne, %convert_element_type3A_890, %cond3A_891 : i32
        scf.if %cond3A_892 {
          %dma_start3A = arith.constant 0 : i32
          %dma_start3A_924 = arith.constant 0 : i32
          %dma_start3A_925 = arith.constant 0 : i32
          %dma_start3A_926 = tpu.memref_slice %arg7[%dma_start3A, %dma_start3A_924, %dma_start3A_925] : memref<4x64x128xf32, #tpu.memory_space<vmem>> -> memref<1x64x128xf32, #tpu.memory_space<vmem>>
          %dma_start3A_927 = tpu.memref_squeeze %dma_start3A_926 : memref<1x64x128xf32, #tpu.memory_space<vmem>> -> memref<64x128xf32, #tpu.memory_space<vmem>>
          %dma_start3A_928 = arith.constant 0 : i32
          %dma_start3A_929 = tpu.memref_slice %arg2[%dma_start3A_928, %multiple_of3A_884] : memref<64x1000000xf32, #tpu.memory_space<hbm>> -> memref<64x128xf32, #tpu.memory_space<hbm>>
          %dma_start3A_930 = arith.constant 0 : i32
          %dma_start3A_931 = arith.constant 0 : i32
          %dma_start3A_932 = tpu.memref_slice %arg7[%dma_start3A, %dma_start3A_930, %dma_start3A_931] : memref<4x64x128xf32, #tpu.memory_space<vmem>> -> memref<1x64x128xf32, #tpu.memory_space<vmem>>
          %dma_start3A_933 = tpu.memref_squeeze %dma_start3A_932 : memref<1x64x128xf32, #tpu.memory_space<vmem>> -> memref<64x128xf32, #tpu.memory_space<vmem>>
          %dma_start3A_934 = arith.constant 0 : i32
          %dma_start3A_935 = tpu.memref_slice %arg2[%dma_start3A_934, %multiple_of3A_884] : memref<64x1000000xf32, #tpu.memory_space<hbm>> -> memref<64x128xf32, #tpu.memory_space<hbm>>
          tpu.enqueue_dma source(%dma_start3A_935 : memref<64x128xf32, #tpu.memory_space<hbm>>) target(%dma_start3A_933 : memref<64x128xf32, #tpu.memory_space<vmem>>) target_semaphore(%arg10 : memref<!tpu.dma_semaphore, #tpu.memory_space<semaphore_mem>>)
        } else {
        }
        %eq3A_893 = arith.constant 1 : i32
        %eq3A_894 = arith.cmpi eq, %select_n3A_879, %eq3A_893 : i32
        %not3A_895 = arith.constant true
        %not3A_896 = arith.xori %eq3A_881, %not3A_895 : i1
        %and3A_897 = arith.andi %eq3A_894, %not3A_896 : i1
        %convert_element_type3A_898 = arith.extui %and3A_897 : i1 to i32
        %cond3A_899 = arith.constant 0 : i32
        %cond3A_900 = arith.cmpi ne, %convert_element_type3A_898, %cond3A_899 : i32
        scf.if %cond3A_900 {
          %dma_start3A = arith.constant 1 : i32
          %dma_start3A_924 = arith.constant 0 : i32
          %dma_start3A_925 = arith.constant 0 : i32
          %dma_start3A_926 = tpu.memref_slice %arg7[%dma_start3A, %dma_start3A_924, %dma_start3A_925] : memref<4x64x128xf32, #tpu.memory_space<vmem>> -> memref<1x64x128xf32, #tpu.memory_space<vmem>>
          %dma_start3A_927 = tpu.memref_squeeze %dma_start3A_926 : memref<1x64x128xf32, #tpu.memory_space<vmem>> -> memref<64x128xf32, #tpu.memory_space<vmem>>
          %dma_start3A_928 = arith.constant 0 : i32
          %dma_start3A_929 = tpu.memref_slice %arg2[%dma_start3A_928, %multiple_of3A_884] : memref<64x1000000xf32, #tpu.memory_space<hbm>> -> memref<64x128xf32, #tpu.memory_space<hbm>>
          %dma_start3A_930 = arith.constant 0 : i32
          %dma_start3A_931 = arith.constant 0 : i32
          %dma_start3A_932 = tpu.memref_slice %arg7[%dma_start3A, %dma_start3A_930, %dma_start3A_931] : memref<4x64x128xf32, #tpu.memory_space<vmem>> -> memref<1x64x128xf32, #tpu.memory_space<vmem>>
          %dma_start3A_933 = tpu.memref_squeeze %dma_start3A_932 : memref<1x64x128xf32, #tpu.memory_space<vmem>> -> memref<64x128xf32, #tpu.memory_space<vmem>>
          %dma_start3A_934 = arith.constant 0 : i32
          %dma_start3A_935 = tpu.memref_slice %arg2[%dma_start3A_934, %multiple_of3A_884] : memref<64x1000000xf32, #tpu.memory_space<hbm>> -> memref<64x128xf32, #tpu.memory_space<hbm>>
          tpu.enqueue_dma source(%dma_start3A_935 : memref<64x128xf32, #tpu.memory_space<hbm>>) target(%dma_start3A_933 : memref<64x128xf32, #tpu.memory_space<vmem>>) target_semaphore(%arg11 : memref<!tpu.dma_semaphore, #tpu.memory_space<semaphore_mem>>)
        } else {
        }
        %eq3A_901 = arith.constant 2 : i32
        %eq3A_902 = arith.cmpi eq, %select_n3A_879, %eq3A_901 : i32
        %not3A_903 = arith.constant true
        %not3A_904 = arith.xori %eq3A_881, %not3A_903 : i1
        %and3A_905 = arith.andi %eq3A_902, %not3A_904 : i1
        %convert_element_type3A_906 = arith.extui %and3A_905 : i1 to i32
        %cond3A_907 = arith.constant 0 : i32
        %cond3A_908 = arith.cmpi ne, %convert_element_type3A_906, %cond3A_907 : i32
        scf.if %cond3A_908 {
          %dma_start3A = arith.constant 2 : i32
          %dma_start3A_924 = arith.constant 0 : i32
          %dma_start3A_925 = arith.constant 0 : i32
          %dma_start3A_926 = tpu.memref_slice %arg7[%dma_start3A, %dma_start3A_924, %dma_start3A_925] : memref<4x64x128xf32, #tpu.memory_space<vmem>> -> memref<1x64x128xf32, #tpu.memory_space<vmem>>
          %dma_start3A_927 = tpu.memref_squeeze %dma_start3A_926 : memref<1x64x128xf32, #tpu.memory_space<vmem>> -> memref<64x128xf32, #tpu.memory_space<vmem>>
          %dma_start3A_928 = arith.constant 0 : i32
          %dma_start3A_929 = tpu.memref_slice %arg2[%dma_start3A_928, %multiple_of3A_884] : memref<64x1000000xf32, #tpu.memory_space<hbm>> -> memref<64x128xf32, #tpu.memory_space<hbm>>
          %dma_start3A_930 = arith.constant 0 : i32
          %dma_start3A_931 = arith.constant 0 : i32
          %dma_start3A_932 = tpu.memref_slice %arg7[%dma_start3A, %dma_start3A_930, %dma_start3A_931] : memref<4x64x128xf32, #tpu.memory_space<vmem>> -> memref<1x64x128xf32, #tpu.memory_space<vmem>>
          %dma_start3A_933 = tpu.memref_squeeze %dma_start3A_932 : memref<1x64x128xf32, #tpu.memory_space<vmem>> -> memref<64x128xf32, #tpu.memory_space<vmem>>
          %dma_start3A_934 = arith.constant 0 : i32
          %dma_start3A_935 = tpu.memref_slice %arg2[%dma_start3A_934, %multiple_of3A_884] : memref<64x1000000xf32, #tpu.memory_space<hbm>> -> memref<64x128xf32, #tpu.memory_space<hbm>>
          tpu.enqueue_dma source(%dma_start3A_935 : memref<64x128xf32, #tpu.memory_space<hbm>>) target(%dma_start3A_933 : memref<64x128xf32, #tpu.memory_space<vmem>>) target_semaphore(%arg12 : memref<!tpu.dma_semaphore, #tpu.memory_space<semaphore_mem>>)
        } else {
        }
        %eq3A_909 = arith.constant 0 : i32
        %eq3A_910 = arith.cmpi eq, %select_n3A_304, %eq3A_909 : i32
        %convert_element_type3A_911 = arith.extui %eq3A_910 : i1 to i32
        %cond3A_912 = arith.constant 0 : i32
        %cond3A_913 = arith.cmpi ne, %convert_element_type3A_911, %cond3A_912 : i32
        scf.if %cond3A_913 {
          %dma_wait3A = arith.constant 0 : i32
          %dma_wait3A_924 = arith.constant 0 : i32
          %dma_wait3A_925 = arith.constant 0 : i32
          %dma_wait3A_926 = tpu.memref_slice %arg7[%dma_wait3A, %dma_wait3A_924, %dma_wait3A_925] : memref<4x64x128xf32, #tpu.memory_space<vmem>> -> memref<1x64x128xf32, #tpu.memory_space<vmem>>
          %dma_wait3A_927 = tpu.memref_squeeze %dma_wait3A_926 : memref<1x64x128xf32, #tpu.memory_space<vmem>> -> memref<64x128xf32, #tpu.memory_space<vmem>>
          %dma_wait3A_928 = arith.constant 0 : i32
          %dma_wait3A_929 = arith.constant 0 : i32
          %dma_wait3A_930 = tpu.memref_slice %arg2[%dma_wait3A_928, %dma_wait3A_929] : memref<64x1000000xf32, #tpu.memory_space<hbm>> -> memref<64x128xf32, #tpu.memory_space<hbm>>
          %dma_wait3A_931 = arith.constant 0 : i32
          %dma_wait3A_932 = arith.constant 0 : i32
          %dma_wait3A_933 = tpu.memref_slice %arg7[%dma_wait3A, %dma_wait3A_931, %dma_wait3A_932] : memref<4x64x128xf32, #tpu.memory_space<vmem>> -> memref<1x64x128xf32, #tpu.memory_space<vmem>>
          %dma_wait3A_934 = tpu.memref_squeeze %dma_wait3A_933 : memref<1x64x128xf32, #tpu.memory_space<vmem>> -> memref<64x128xf32, #tpu.memory_space<vmem>>
          %dma_wait3A_935 = arith.constant 0 : i32
          %dma_wait3A_936 = arith.constant 0 : i32
          %dma_wait3A_937 = tpu.memref_slice %arg2[%dma_wait3A_935, %dma_wait3A_936] : memref<64x1000000xf32, #tpu.memory_space<hbm>> -> memref<64x128xf32, #tpu.memory_space<hbm>>
          tpu.wait_dma2 semaphore(%arg10 : memref<!tpu.dma_semaphore, #tpu.memory_space<semaphore_mem>>) src(%dma_wait3A_937 : memref<64x128xf32, #tpu.memory_space<hbm>>) dst(%dma_wait3A_934 : memref<64x128xf32, #tpu.memory_space<vmem>>)
        } else {
        }
        %eq3A_914 = arith.constant 1 : i32
        %eq3A_915 = arith.cmpi eq, %select_n3A_304, %eq3A_914 : i32
        %convert_element_type3A_916 = arith.extui %eq3A_915 : i1 to i32
        %cond3A_917 = arith.constant 0 : i32
        %cond3A_918 = arith.cmpi ne, %convert_element_type3A_916, %cond3A_917 : i32
        scf.if %cond3A_918 {
          %dma_wait3A = arith.constant 1 : i32
          %dma_wait3A_924 = arith.constant 0 : i32
          %dma_wait3A_925 = arith.constant 0 : i32
          %dma_wait3A_926 = tpu.memref_slice %arg7[%dma_wait3A, %dma_wait3A_924, %dma_wait3A_925] : memref<4x64x128xf32, #tpu.memory_space<vmem>> -> memref<1x64x128xf32, #tpu.memory_space<vmem>>
          %dma_wait3A_927 = tpu.memref_squeeze %dma_wait3A_926 : memref<1x64x128xf32, #tpu.memory_space<vmem>> -> memref<64x128xf32, #tpu.memory_space<vmem>>
          %dma_wait3A_928 = arith.constant 0 : i32
          %dma_wait3A_929 = arith.constant 0 : i32
          %dma_wait3A_930 = tpu.memref_slice %arg2[%dma_wait3A_928, %dma_wait3A_929] : memref<64x1000000xf32, #tpu.memory_space<hbm>> -> memref<64x128xf32, #tpu.memory_space<hbm>>
          %dma_wait3A_931 = arith.constant 0 : i32
          %dma_wait3A_932 = arith.constant 0 : i32
          %dma_wait3A_933 = tpu.memref_slice %arg7[%dma_wait3A, %dma_wait3A_931, %dma_wait3A_932] : memref<4x64x128xf32, #tpu.memory_space<vmem>> -> memref<1x64x128xf32, #tpu.memory_space<vmem>>
          %dma_wait3A_934 = tpu.memref_squeeze %dma_wait3A_933 : memref<1x64x128xf32, #tpu.memory_space<vmem>> -> memref<64x128xf32, #tpu.memory_space<vmem>>
          %dma_wait3A_935 = arith.constant 0 : i32
          %dma_wait3A_936 = arith.constant 0 : i32
          %dma_wait3A_937 = tpu.memref_slice %arg2[%dma_wait3A_935, %dma_wait3A_936] : memref<64x1000000xf32, #tpu.memory_space<hbm>> -> memref<64x128xf32, #tpu.memory_space<hbm>>
          tpu.wait_dma2 semaphore(%arg11 : memref<!tpu.dma_semaphore, #tpu.memory_space<semaphore_mem>>) src(%dma_wait3A_937 : memref<64x128xf32, #tpu.memory_space<hbm>>) dst(%dma_wait3A_934 : memref<64x128xf32, #tpu.memory_space<vmem>>)
        } else {
        }
        %eq3A_919 = arith.constant 2 : i32
        %eq3A_920 = arith.cmpi eq, %select_n3A_304, %eq3A_919 : i32
        %convert_element_type3A_921 = arith.extui %eq3A_920 : i1 to i32
        %cond3A_922 = arith.constant 0 : i32
        %cond3A_923 = arith.cmpi ne, %convert_element_type3A_921, %cond3A_922 : i32
        scf.if %cond3A_923 {
          %dma_wait3A = arith.constant 2 : i32
          %dma_wait3A_924 = arith.constant 0 : i32
          %dma_wait3A_925 = arith.constant 0 : i32
          %dma_wait3A_926 = tpu.memref_slice %arg7[%dma_wait3A, %dma_wait3A_924, %dma_wait3A_925] : memref<4x64x128xf32, #tpu.memory_space<vmem>> -> memref<1x64x128xf32, #tpu.memory_space<vmem>>
          %dma_wait3A_927 = tpu.memref_squeeze %dma_wait3A_926 : memref<1x64x128xf32, #tpu.memory_space<vmem>> -> memref<64x128xf32, #tpu.memory_space<vmem>>
          %dma_wait3A_928 = arith.constant 0 : i32
          %dma_wait3A_929 = arith.constant 0 : i32
          %dma_wait3A_930 = tpu.memref_slice %arg2[%dma_wait3A_928, %dma_wait3A_929] : memref<64x1000000xf32, #tpu.memory_space<hbm>> -> memref<64x128xf32, #tpu.memory_space<hbm>>
          %dma_wait3A_931 = arith.constant 0 : i32
          %dma_wait3A_932 = arith.constant 0 : i32
          %dma_wait3A_933 = tpu.memref_slice %arg7[%dma_wait3A, %dma_wait3A_931, %dma_wait3A_932] : memref<4x64x128xf32, #tpu.memory_space<vmem>> -> memref<1x64x128xf32, #tpu.memory_space<vmem>>
          %dma_wait3A_934 = tpu.memref_squeeze %dma_wait3A_933 : memref<1x64x128xf32, #tpu.memory_space<vmem>> -> memref<64x128xf32, #tpu.memory_space<vmem>>
          %dma_wait3A_935 = arith.constant 0 : i32
          %dma_wait3A_936 = arith.constant 0 : i32
          %dma_wait3A_937 = tpu.memref_slice %arg2[%dma_wait3A_935, %dma_wait3A_936] : memref<64x1000000xf32, #tpu.memory_space<hbm>> -> memref<64x128xf32, #tpu.memory_space<hbm>>
          tpu.wait_dma2 semaphore(%arg12 : memref<!tpu.dma_semaphore, #tpu.memory_space<semaphore_mem>>) src(%dma_wait3A_937 : memref<64x128xf32, #tpu.memory_space<hbm>>) dst(%dma_wait3A_934 : memref<64x128xf32, #tpu.memory_space<vmem>>)
        } else {
        }
      } else {
      }
      %broadcast_in_dim3A_308 = vector.broadcast %select_n3A_304 : i32 to vector<16xi32>
      %slice3A_309 = vector.extract_strided_slice %and3A_160 {offsets = [3], sizes = [1], strides = [1]} : vector<16xi32> to vector<1xi32>
      %squeeze3A_310 = vector.extract %slice3A_309[0] : i32 from vector<1xi32>
      %broadcast_in_dim3A_311 = vector.broadcast %squeeze3A_310 : i32 to vector<16xi32>
      %mul3A_312 = arith.constant 16 : i32
      %mul3A_313 = arith.muli %scan3A_143, %mul3A_312 : i32
      %add3A_314 = arith.constant 3 : i32
      %add3A_315 = arith.addi %mul3A_313, %add3A_314 : i32
      %gather3A_316 = tpu.vector_load_idx %arg7[%broadcast_in_dim3A_308, %add3A_84, %broadcast_in_dim3A_311] : memref<4x64x128xf32, #tpu.memory_space<vmem>>[vector<16xi32>, vector<16xi32>, vector<16xi32>], vector<16xf32>,
      %swap3A_317 = arith.index_cast %add3A_315 : i32 to index
      %swap3A_318 = arith.constant 0 : index
      %swap3A_319 = tpu.vector_load %arg8[%swap3A_317, %swap3A_318] {strides = array<i32>} : memref<512x64xf32, #tpu.memory_space<vmem>>, vector<16xf32>,
      tpu.vector_store %arg8[%swap3A_317, %swap3A_318], %gather3A_316 {strides = array<i32>} : memref<512x64xf32, #tpu.memory_space<vmem>>, vector<16xf32>,
      %gather3A_320 = tpu.vector_load_idx %arg7[%broadcast_in_dim3A_308, %add3A_88, %broadcast_in_dim3A_311] : memref<4x64x128xf32, #tpu.memory_space<vmem>>[vector<16xi32>, vector<16xi32>, vector<16xi32>], vector<16xf32>,
      %swap3A_321 = arith.index_cast %add3A_315 : i32 to index
      %swap3A_322 = arith.constant 16 : index
      %swap3A_323 = tpu.vector_load %arg8[%swap3A_321, %swap3A_322] {strides = array<i32>} : memref<512x64xf32, #tpu.memory_space<vmem>>, vector<16xf32>,
      tpu.vector_store %arg8[%swap3A_321, %swap3A_322], %gather3A_320 {strides = array<i32>} : memref<512x64xf32, #tpu.memory_space<vmem>>, vector<16xf32>,
      %gather3A_324 = tpu.vector_load_idx %arg7[%broadcast_in_dim3A_308, %add3A_92, %broadcast_in_dim3A_311] : memref<4x64x128xf32, #tpu.memory_space<vmem>>[vector<16xi32>, vector<16xi32>, vector<16xi32>], vector<16xf32>,
      %swap3A_325 = arith.index_cast %add3A_315 : i32 to index
      %swap3A_326 = arith.constant 32 : index
      %swap3A_327 = tpu.vector_load %arg8[%swap3A_325, %swap3A_326] {strides = array<i32>} : memref<512x64xf32, #tpu.memory_space<vmem>>, vector<16xf32>,
      tpu.vector_store %arg8[%swap3A_325, %swap3A_326], %gather3A_324 {strides = array<i32>} : memref<512x64xf32, #tpu.memory_space<vmem>>, vector<16xf32>,
      %gather3A_328 = tpu.vector_load_idx %arg7[%broadcast_in_dim3A_308, %add3A_96, %broadcast_in_dim3A_311] : memref<4x64x128xf32, #tpu.memory_space<vmem>>[vector<16xi32>, vector<16xi32>, vector<16xi32>], vector<16xf32>,
      %swap3A_329 = arith.index_cast %add3A_315 : i32 to index
      %swap3A_330 = arith.constant 48 : index
      %swap3A_331 = tpu.vector_load %arg8[%swap3A_329, %swap3A_330] {strides = array<i32>} : memref<512x64xf32, #tpu.memory_space<vmem>>, vector<16xf32>,
      tpu.vector_store %arg8[%swap3A_329, %swap3A_330], %gather3A_328 {strides = array<i32>} : memref<512x64xf32, #tpu.memory_space<vmem>>, vector<16xf32>,
      %slice3A_332 = vector.extract_strided_slice %shift_right_arithmetic3A_157 {offsets = [4], sizes = [1], strides = [1]} : vector<16xi32> to vector<1xi32>
      %squeeze3A_333 = vector.extract %slice3A_332[0] : i32 from vector<1xi32>
      %ne3A_334 = arith.cmpi ne, %squeeze3A_333, %squeeze3A_289 : i32
      %add3A_335 = arith.constant 1 : i32
      %add3A_336 = arith.addi %select_n3A_293, %add3A_335 : i32
      %select_n3A_337 = arith.select %ne3A_334, %add3A_336, %select_n3A_293 : i32
      %eq3A_338 = arith.constant 2 : i32
      %eq3A_339 = arith.cmpi eq, %select_n3A_300, %eq3A_338 : i32
      %add3A_340 = arith.constant 1 : i32
      %add3A_341 = arith.addi %select_n3A_300, %add3A_340 : i32
      %jit3A_342 = arith.constant 0 : i32
      %select_n3A_343 = arith.select %eq3A_339, %jit3A_342, %add3A_341 : i32
      %select_n3A_344 = arith.select %ne3A_334, %select_n3A_343, %select_n3A_300 : i32
      %eq3A_345 = arith.constant 7812 : i32
      %eq3A_346 = arith.cmpi eq, %squeeze3A_333, %eq3A_345 : i32
      %jit3A_347 = arith.constant 3 : i32
      %select_n3A_348 = arith.select %eq3A_346, %jit3A_347, %select_n3A_344 : i32
      %convert_element_type3A_349 = arith.extui %ne3A_334 : i1 to i32
      %cond3A_350 = arith.constant 0 : i32
      %cond3A_351 = arith.cmpi ne, %convert_element_type3A_349, %cond3A_350 : i32
      scf.if %cond3A_351 {
        %add3A_860 = arith.constant 2 : i32
        %add3A_861 = arith.addi %select_n3A_337, %add3A_860 : i32
        %get3A_862 = arith.index_cast %add3A_861 : i32 to index
        %get3A_863 = memref.load %arg9[%get3A_862] : memref<520xi32, #tpu.memory_space<smem>>
        %eq3A_864 = arith.constant 2 : i32
        %eq3A_865 = arith.cmpi eq, %select_n3A_344, %eq3A_864 : i32
        %add3A_866 = arith.constant 1 : i32
        %add3A_867 = arith.addi %select_n3A_344, %add3A_866 : i32
        %jit3A_868 = arith.constant 0 : i32
        %select_n3A_869 = arith.select %eq3A_865, %jit3A_868, %add3A_867 : i32
        %eq3A_870 = arith.constant 2 : i32
        %eq3A_871 = arith.cmpi eq, %select_n3A_869, %eq3A_870 : i32
        %add3A_872 = arith.constant 1 : i32
        %add3A_873 = arith.addi %select_n3A_869, %add3A_872 : i32
        %jit3A_874 = arith.constant 0 : i32
        %select_n3A_875 = arith.select %eq3A_871, %jit3A_874, %add3A_873 : i32
        %eq3A_876 = arith.constant 7812 : i32
        %eq3A_877 = arith.cmpi eq, %get3A_863, %eq3A_876 : i32
        %jit3A_878 = arith.constant 3 : i32
        %select_n3A_879 = arith.select %eq3A_877, %jit3A_878, %select_n3A_875 : i32
        %eq3A_880 = arith.constant 7812 : i32
        %eq3A_881 = arith.cmpi eq, %get3A_863, %eq3A_880 : i32
        %mul3A_882 = arith.constant 128 : i32
        %mul3A_883 = arith.muli %get3A_863, %mul3A_882 : i32
        %multiple_of3A_884 = tpu.assume_multiple %mul3A_883, 128 : i32
        %eq3A_885 = arith.constant 0 : i32
        %eq3A_886 = arith.cmpi eq, %select_n3A_879, %eq3A_885 : i32
        %not3A_887 = arith.constant true
        %not3A_888 = arith.xori %eq3A_881, %not3A_887 : i1
        %and3A_889 = arith.andi %eq3A_886, %not3A_888 : i1
        %convert_element_type3A_890 = arith.extui %and3A_889 : i1 to i32
        %cond3A_891 = arith.constant 0 : i32
        %cond3A_892 = arith.cmpi ne, %convert_element_type3A_890, %cond3A_891 : i32
        scf.if %cond3A_892 {
          %dma_start3A = arith.constant 0 : i32
          %dma_start3A_924 = arith.constant 0 : i32
          %dma_start3A_925 = arith.constant 0 : i32
          %dma_start3A_926 = tpu.memref_slice %arg7[%dma_start3A, %dma_start3A_924, %dma_start3A_925] : memref<4x64x128xf32, #tpu.memory_space<vmem>> -> memref<1x64x128xf32, #tpu.memory_space<vmem>>
          %dma_start3A_927 = tpu.memref_squeeze %dma_start3A_926 : memref<1x64x128xf32, #tpu.memory_space<vmem>> -> memref<64x128xf32, #tpu.memory_space<vmem>>
          %dma_start3A_928 = arith.constant 0 : i32
          %dma_start3A_929 = tpu.memref_slice %arg2[%dma_start3A_928, %multiple_of3A_884] : memref<64x1000000xf32, #tpu.memory_space<hbm>> -> memref<64x128xf32, #tpu.memory_space<hbm>>
          %dma_start3A_930 = arith.constant 0 : i32
          %dma_start3A_931 = arith.constant 0 : i32
          %dma_start3A_932 = tpu.memref_slice %arg7[%dma_start3A, %dma_start3A_930, %dma_start3A_931] : memref<4x64x128xf32, #tpu.memory_space<vmem>> -> memref<1x64x128xf32, #tpu.memory_space<vmem>>
          %dma_start3A_933 = tpu.memref_squeeze %dma_start3A_932 : memref<1x64x128xf32, #tpu.memory_space<vmem>> -> memref<64x128xf32, #tpu.memory_space<vmem>>
          %dma_start3A_934 = arith.constant 0 : i32
          %dma_start3A_935 = tpu.memref_slice %arg2[%dma_start3A_934, %multiple_of3A_884] : memref<64x1000000xf32, #tpu.memory_space<hbm>> -> memref<64x128xf32, #tpu.memory_space<hbm>>
          tpu.enqueue_dma source(%dma_start3A_935 : memref<64x128xf32, #tpu.memory_space<hbm>>) target(%dma_start3A_933 : memref<64x128xf32, #tpu.memory_space<vmem>>) target_semaphore(%arg10 : memref<!tpu.dma_semaphore, #tpu.memory_space<semaphore_mem>>)
        } else {
        }
        %eq3A_893 = arith.constant 1 : i32
        %eq3A_894 = arith.cmpi eq, %select_n3A_879, %eq3A_893 : i32
        %not3A_895 = arith.constant true
        %not3A_896 = arith.xori %eq3A_881, %not3A_895 : i1
        %and3A_897 = arith.andi %eq3A_894, %not3A_896 : i1
        %convert_element_type3A_898 = arith.extui %and3A_897 : i1 to i32
        %cond3A_899 = arith.constant 0 : i32
        %cond3A_900 = arith.cmpi ne, %convert_element_type3A_898, %cond3A_899 : i32
        scf.if %cond3A_900 {
          %dma_start3A = arith.constant 1 : i32
          %dma_start3A_924 = arith.constant 0 : i32
          %dma_start3A_925 = arith.constant 0 : i32
          %dma_start3A_926 = tpu.memref_slice %arg7[%dma_start3A, %dma_start3A_924, %dma_start3A_925] : memref<4x64x128xf32, #tpu.memory_space<vmem>> -> memref<1x64x128xf32, #tpu.memory_space<vmem>>
          %dma_start3A_927 = tpu.memref_squeeze %dma_start3A_926 : memref<1x64x128xf32, #tpu.memory_space<vmem>> -> memref<64x128xf32, #tpu.memory_space<vmem>>
          %dma_start3A_928 = arith.constant 0 : i32
          %dma_start3A_929 = tpu.memref_slice %arg2[%dma_start3A_928, %multiple_of3A_884] : memref<64x1000000xf32, #tpu.memory_space<hbm>> -> memref<64x128xf32, #tpu.memory_space<hbm>>
          %dma_start3A_930 = arith.constant 0 : i32
          %dma_start3A_931 = arith.constant 0 : i32
          %dma_start3A_932 = tpu.memref_slice %arg7[%dma_start3A, %dma_start3A_930, %dma_start3A_931] : memref<4x64x128xf32, #tpu.memory_space<vmem>> -> memref<1x64x128xf32, #tpu.memory_space<vmem>>
          %dma_start3A_933 = tpu.memref_squeeze %dma_start3A_932 : memref<1x64x128xf32, #tpu.memory_space<vmem>> -> memref<64x128xf32, #tpu.memory_space<vmem>>
          %dma_start3A_934 = arith.constant 0 : i32
          %dma_start3A_935 = tpu.memref_slice %arg2[%dma_start3A_934, %multiple_of3A_884] : memref<64x1000000xf32, #tpu.memory_space<hbm>> -> memref<64x128xf32, #tpu.memory_space<hbm>>
          tpu.enqueue_dma source(%dma_start3A_935 : memref<64x128xf32, #tpu.memory_space<hbm>>) target(%dma_start3A_933 : memref<64x128xf32, #tpu.memory_space<vmem>>) target_semaphore(%arg11 : memref<!tpu.dma_semaphore, #tpu.memory_space<semaphore_mem>>)
        } else {
        }
        %eq3A_901 = arith.constant 2 : i32
        %eq3A_902 = arith.cmpi eq, %select_n3A_879, %eq3A_901 : i32
        %not3A_903 = arith.constant true
        %not3A_904 = arith.xori %eq3A_881, %not3A_903 : i1
        %and3A_905 = arith.andi %eq3A_902, %not3A_904 : i1
        %convert_element_type3A_906 = arith.extui %and3A_905 : i1 to i32
        %cond3A_907 = arith.constant 0 : i32
        %cond3A_908 = arith.cmpi ne, %convert_element_type3A_906, %cond3A_907 : i32
        scf.if %cond3A_908 {
          %dma_start3A = arith.constant 2 : i32
          %dma_start3A_924 = arith.constant 0 : i32
          %dma_start3A_925 = arith.constant 0 : i32
          %dma_start3A_926 = tpu.memref_slice %arg7[%dma_start3A, %dma_start3A_924, %dma_start3A_925] : memref<4x64x128xf32, #tpu.memory_space<vmem>> -> memref<1x64x128xf32, #tpu.memory_space<vmem>>
          %dma_start3A_927 = tpu.memref_squeeze %dma_start3A_926 : memref<1x64x128xf32, #tpu.memory_space<vmem>> -> memref<64x128xf32, #tpu.memory_space<vmem>>
          %dma_start3A_928 = arith.constant 0 : i32
          %dma_start3A_929 = tpu.memref_slice %arg2[%dma_start3A_928, %multiple_of3A_884] : memref<64x1000000xf32, #tpu.memory_space<hbm>> -> memref<64x128xf32, #tpu.memory_space<hbm>>
          %dma_start3A_930 = arith.constant 0 : i32
          %dma_start3A_931 = arith.constant 0 : i32
          %dma_start3A_932 = tpu.memref_slice %arg7[%dma_start3A, %dma_start3A_930, %dma_start3A_931] : memref<4x64x128xf32, #tpu.memory_space<vmem>> -> memref<1x64x128xf32, #tpu.memory_space<vmem>>
          %dma_start3A_933 = tpu.memref_squeeze %dma_start3A_932 : memref<1x64x128xf32, #tpu.memory_space<vmem>> -> memref<64x128xf32, #tpu.memory_space<vmem>>
          %dma_start3A_934 = arith.constant 0 : i32
          %dma_start3A_935 = tpu.memref_slice %arg2[%dma_start3A_934, %multiple_of3A_884] : memref<64x1000000xf32, #tpu.memory_space<hbm>> -> memref<64x128xf32, #tpu.memory_space<hbm>>
          tpu.enqueue_dma source(%dma_start3A_935 : memref<64x128xf32, #tpu.memory_space<hbm>>) target(%dma_start3A_933 : memref<64x128xf32, #tpu.memory_space<vmem>>) target_semaphore(%arg12 : memref<!tpu.dma_semaphore, #tpu.memory_space<semaphore_mem>>)
        } else {
        }
        %eq3A_909 = arith.constant 0 : i32
        %eq3A_910 = arith.cmpi eq, %select_n3A_348, %eq3A_909 : i32
        %convert_element_type3A_911 = arith.extui %eq3A_910 : i1 to i32
        %cond3A_912 = arith.constant 0 : i32
        %cond3A_913 = arith.cmpi ne, %convert_element_type3A_911, %cond3A_912 : i32
        scf.if %cond3A_913 {
          %dma_wait3A = arith.constant 0 : i32
          %dma_wait3A_924 = arith.constant 0 : i32
          %dma_wait3A_925 = arith.constant 0 : i32
          %dma_wait3A_926 = tpu.memref_slice %arg7[%dma_wait3A, %dma_wait3A_924, %dma_wait3A_925] : memref<4x64x128xf32, #tpu.memory_space<vmem>> -> memref<1x64x128xf32, #tpu.memory_space<vmem>>
          %dma_wait3A_927 = tpu.memref_squeeze %dma_wait3A_926 : memref<1x64x128xf32, #tpu.memory_space<vmem>> -> memref<64x128xf32, #tpu.memory_space<vmem>>
          %dma_wait3A_928 = arith.constant 0 : i32
          %dma_wait3A_929 = arith.constant 0 : i32
          %dma_wait3A_930 = tpu.memref_slice %arg2[%dma_wait3A_928, %dma_wait3A_929] : memref<64x1000000xf32, #tpu.memory_space<hbm>> -> memref<64x128xf32, #tpu.memory_space<hbm>>
          %dma_wait3A_931 = arith.constant 0 : i32
          %dma_wait3A_932 = arith.constant 0 : i32
          %dma_wait3A_933 = tpu.memref_slice %arg7[%dma_wait3A, %dma_wait3A_931, %dma_wait3A_932] : memref<4x64x128xf32, #tpu.memory_space<vmem>> -> memref<1x64x128xf32, #tpu.memory_space<vmem>>
          %dma_wait3A_934 = tpu.memref_squeeze %dma_wait3A_933 : memref<1x64x128xf32, #tpu.memory_space<vmem>> -> memref<64x128xf32, #tpu.memory_space<vmem>>
          %dma_wait3A_935 = arith.constant 0 : i32
          %dma_wait3A_936 = arith.constant 0 : i32
          %dma_wait3A_937 = tpu.memref_slice %arg2[%dma_wait3A_935, %dma_wait3A_936] : memref<64x1000000xf32, #tpu.memory_space<hbm>> -> memref<64x128xf32, #tpu.memory_space<hbm>>
          tpu.wait_dma2 semaphore(%arg10 : memref<!tpu.dma_semaphore, #tpu.memory_space<semaphore_mem>>) src(%dma_wait3A_937 : memref<64x128xf32, #tpu.memory_space<hbm>>) dst(%dma_wait3A_934 : memref<64x128xf32, #tpu.memory_space<vmem>>)
        } else {
        }
        %eq3A_914 = arith.constant 1 : i32
        %eq3A_915 = arith.cmpi eq, %select_n3A_348, %eq3A_914 : i32
        %convert_element_type3A_916 = arith.extui %eq3A_915 : i1 to i32
        %cond3A_917 = arith.constant 0 : i32
        %cond3A_918 = arith.cmpi ne, %convert_element_type3A_916, %cond3A_917 : i32
        scf.if %cond3A_918 {
          %dma_wait3A = arith.constant 1 : i32
          %dma_wait3A_924 = arith.constant 0 : i32
          %dma_wait3A_925 = arith.constant 0 : i32
          %dma_wait3A_926 = tpu.memref_slice %arg7[%dma_wait3A, %dma_wait3A_924, %dma_wait3A_925] : memref<4x64x128xf32, #tpu.memory_space<vmem>> -> memref<1x64x128xf32, #tpu.memory_space<vmem>>
          %dma_wait3A_927 = tpu.memref_squeeze %dma_wait3A_926 : memref<1x64x128xf32, #tpu.memory_space<vmem>> -> memref<64x128xf32, #tpu.memory_space<vmem>>
          %dma_wait3A_928 = arith.constant 0 : i32
          %dma_wait3A_929 = arith.constant 0 : i32
          %dma_wait3A_930 = tpu.memref_slice %arg2[%dma_wait3A_928, %dma_wait3A_929] : memref<64x1000000xf32, #tpu.memory_space<hbm>> -> memref<64x128xf32, #tpu.memory_space<hbm>>
          %dma_wait3A_931 = arith.constant 0 : i32
          %dma_wait3A_932 = arith.constant 0 : i32
          %dma_wait3A_933 = tpu.memref_slice %arg7[%dma_wait3A, %dma_wait3A_931, %dma_wait3A_932] : memref<4x64x128xf32, #tpu.memory_space<vmem>> -> memref<1x64x128xf32, #tpu.memory_space<vmem>>
          %dma_wait3A_934 = tpu.memref_squeeze %dma_wait3A_933 : memref<1x64x128xf32, #tpu.memory_space<vmem>> -> memref<64x128xf32, #tpu.memory_space<vmem>>
          %dma_wait3A_935 = arith.constant 0 : i32
          %dma_wait3A_936 = arith.constant 0 : i32
          %dma_wait3A_937 = tpu.memref_slice %arg2[%dma_wait3A_935, %dma_wait3A_936] : memref<64x1000000xf32, #tpu.memory_space<hbm>> -> memref<64x128xf32, #tpu.memory_space<hbm>>
          tpu.wait_dma2 semaphore(%arg11 : memref<!tpu.dma_semaphore, #tpu.memory_space<semaphore_mem>>) src(%dma_wait3A_937 : memref<64x128xf32, #tpu.memory_space<hbm>>) dst(%dma_wait3A_934 : memref<64x128xf32, #tpu.memory_space<vmem>>)
        } else {
        }
        %eq3A_919 = arith.constant 2 : i32
        %eq3A_920 = arith.cmpi eq, %select_n3A_348, %eq3A_919 : i32
        %convert_element_type3A_921 = arith.extui %eq3A_920 : i1 to i32
        %cond3A_922 = arith.constant 0 : i32
        %cond3A_923 = arith.cmpi ne, %convert_element_type3A_921, %cond3A_922 : i32
        scf.if %cond3A_923 {
          %dma_wait3A = arith.constant 2 : i32
          %dma_wait3A_924 = arith.constant 0 : i32
          %dma_wait3A_925 = arith.constant 0 : i32
          %dma_wait3A_926 = tpu.memref_slice %arg7[%dma_wait3A, %dma_wait3A_924, %dma_wait3A_925] : memref<4x64x128xf32, #tpu.memory_space<vmem>> -> memref<1x64x128xf32, #tpu.memory_space<vmem>>
          %dma_wait3A_927 = tpu.memref_squeeze %dma_wait3A_926 : memref<1x64x128xf32, #tpu.memory_space<vmem>> -> memref<64x128xf32, #tpu.memory_space<vmem>>
          %dma_wait3A_928 = arith.constant 0 : i32
          %dma_wait3A_929 = arith.constant 0 : i32
          %dma_wait3A_930 = tpu.memref_slice %arg2[%dma_wait3A_928, %dma_wait3A_929] : memref<64x1000000xf32, #tpu.memory_space<hbm>> -> memref<64x128xf32, #tpu.memory_space<hbm>>
          %dma_wait3A_931 = arith.constant 0 : i32
          %dma_wait3A_932 = arith.constant 0 : i32
          %dma_wait3A_933 = tpu.memref_slice %arg7[%dma_wait3A, %dma_wait3A_931, %dma_wait3A_932] : memref<4x64x128xf32, #tpu.memory_space<vmem>> -> memref<1x64x128xf32, #tpu.memory_space<vmem>>
          %dma_wait3A_934 = tpu.memref_squeeze %dma_wait3A_933 : memref<1x64x128xf32, #tpu.memory_space<vmem>> -> memref<64x128xf32, #tpu.memory_space<vmem>>
          %dma_wait3A_935 = arith.constant 0 : i32
          %dma_wait3A_936 = arith.constant 0 : i32
          %dma_wait3A_937 = tpu.memref_slice %arg2[%dma_wait3A_935, %dma_wait3A_936] : memref<64x1000000xf32, #tpu.memory_space<hbm>> -> memref<64x128xf32, #tpu.memory_space<hbm>>
          tpu.wait_dma2 semaphore(%arg12 : memref<!tpu.dma_semaphore, #tpu.memory_space<semaphore_mem>>) src(%dma_wait3A_937 : memref<64x128xf32, #tpu.memory_space<hbm>>) dst(%dma_wait3A_934 : memref<64x128xf32, #tpu.memory_space<vmem>>)
        } else {
        }
      } else {
      }
      %broadcast_in_dim3A_352 = vector.broadcast %select_n3A_348 : i32 to vector<16xi32>
      %slice3A_353 = vector.extract_strided_slice %and3A_160 {offsets = [4], sizes = [1], strides = [1]} : vector<16xi32> to vector<1xi32>
      %squeeze3A_354 = vector.extract %slice3A_353[0] : i32 from vector<1xi32>
      %broadcast_in_dim3A_355 = vector.broadcast %squeeze3A_354 : i32 to vector<16xi32>
      %mul3A_356 = arith.constant 16 : i32
      %mul3A_357 = arith.muli %scan3A_143, %mul3A_356 : i32
      %add3A_358 = arith.constant 4 : i32
      %add3A_359 = arith.addi %mul3A_357, %add3A_358 : i32
      %gather3A_360 = tpu.vector_load_idx %arg7[%broadcast_in_dim3A_352, %add3A_84, %broadcast_in_dim3A_355] : memref<4x64x128xf32, #tpu.memory_space<vmem>>[vector<16xi32>, vector<16xi32>, vector<16xi32>], vector<16xf32>,
      %swap3A_361 = arith.index_cast %add3A_359 : i32 to index
      %swap3A_362 = arith.constant 0 : index
      %swap3A_363 = tpu.vector_load %arg8[%swap3A_361, %swap3A_362] {strides = array<i32>} : memref<512x64xf32, #tpu.memory_space<vmem>>, vector<16xf32>,
      tpu.vector_store %arg8[%swap3A_361, %swap3A_362], %gather3A_360 {strides = array<i32>} : memref<512x64xf32, #tpu.memory_space<vmem>>, vector<16xf32>,
      %gather3A_364 = tpu.vector_load_idx %arg7[%broadcast_in_dim3A_352, %add3A_88, %broadcast_in_dim3A_355] : memref<4x64x128xf32, #tpu.memory_space<vmem>>[vector<16xi32>, vector<16xi32>, vector<16xi32>], vector<16xf32>,
      %swap3A_365 = arith.index_cast %add3A_359 : i32 to index
      %swap3A_366 = arith.constant 16 : index
      %swap3A_367 = tpu.vector_load %arg8[%swap3A_365, %swap3A_366] {strides = array<i32>} : memref<512x64xf32, #tpu.memory_space<vmem>>, vector<16xf32>,
      tpu.vector_store %arg8[%swap3A_365, %swap3A_366], %gather3A_364 {strides = array<i32>} : memref<512x64xf32, #tpu.memory_space<vmem>>, vector<16xf32>,
      %gather3A_368 = tpu.vector_load_idx %arg7[%broadcast_in_dim3A_352, %add3A_92, %broadcast_in_dim3A_355] : memref<4x64x128xf32, #tpu.memory_space<vmem>>[vector<16xi32>, vector<16xi32>, vector<16xi32>], vector<16xf32>,
      %swap3A_369 = arith.index_cast %add3A_359 : i32 to index
      %swap3A_370 = arith.constant 32 : index
      %swap3A_371 = tpu.vector_load %arg8[%swap3A_369, %swap3A_370] {strides = array<i32>} : memref<512x64xf32, #tpu.memory_space<vmem>>, vector<16xf32>,
      tpu.vector_store %arg8[%swap3A_369, %swap3A_370], %gather3A_368 {strides = array<i32>} : memref<512x64xf32, #tpu.memory_space<vmem>>, vector<16xf32>,
      %gather3A_372 = tpu.vector_load_idx %arg7[%broadcast_in_dim3A_352, %add3A_96, %broadcast_in_dim3A_355] : memref<4x64x128xf32, #tpu.memory_space<vmem>>[vector<16xi32>, vector<16xi32>, vector<16xi32>], vector<16xf32>,
      %swap3A_373 = arith.index_cast %add3A_359 : i32 to index
      %swap3A_374 = arith.constant 48 : index
      %swap3A_375 = tpu.vector_load %arg8[%swap3A_373, %swap3A_374] {strides = array<i32>} : memref<512x64xf32, #tpu.memory_space<vmem>>, vector<16xf32>,
      tpu.vector_store %arg8[%swap3A_373, %swap3A_374], %gather3A_372 {strides = array<i32>} : memref<512x64xf32, #tpu.memory_space<vmem>>, vector<16xf32>,
      %slice3A_376 = vector.extract_strided_slice %shift_right_arithmetic3A_157 {offsets = [5], sizes = [1], strides = [1]} : vector<16xi32> to vector<1xi32>
      %squeeze3A_377 = vector.extract %slice3A_376[0] : i32 from vector<1xi32>
      %ne3A_378 = arith.cmpi ne, %squeeze3A_377, %squeeze3A_333 : i32
      %add3A_379 = arith.constant 1 : i32
      %add3A_380 = arith.addi %select_n3A_337, %add3A_379 : i32
      %select_n3A_381 = arith.select %ne3A_378, %add3A_380, %select_n3A_337 : i32
      %eq3A_382 = arith.constant 2 : i32
      %eq3A_383 = arith.cmpi eq, %select_n3A_344, %eq3A_382 : i32
      %add3A_384 = arith.constant 1 : i32
      %add3A_385 = arith.addi %select_n3A_344, %add3A_384 : i32
      %jit3A_386 = arith.constant 0 : i32
      %select_n3A_387 = arith.select %eq3A_383, %jit3A_386, %add3A_385 : i32
      %select_n3A_388 = arith.select %ne3A_378, %select_n3A_387, %select_n3A_344 : i32
      %eq3A_389 = arith.constant 7812 : i32
      %eq3A_390 = arith.cmpi eq, %squeeze3A_377, %eq3A_389 : i32
      %jit3A_391 = arith.constant 3 : i32
      %select_n3A_392 = arith.select %eq3A_390, %jit3A_391, %select_n3A_388 : i32
      %convert_element_type3A_393 = arith.extui %ne3A_378 : i1 to i32
      %cond3A_394 = arith.constant 0 : i32
      %cond3A_395 = arith.cmpi ne, %convert_element_type3A_393, %cond3A_394 : i32
      scf.if %cond3A_395 {
        %add3A_860 = arith.constant 2 : i32
        %add3A_861 = arith.addi %select_n3A_381, %add3A_860 : i32
        %get3A_862 = arith.index_cast %add3A_861 : i32 to index
        %get3A_863 = memref.load %arg9[%get3A_862] : memref<520xi32, #tpu.memory_space<smem>>
        %eq3A_864 = arith.constant 2 : i32
        %eq3A_865 = arith.cmpi eq, %select_n3A_388, %eq3A_864 : i32
        %add3A_866 = arith.constant 1 : i32
        %add3A_867 = arith.addi %select_n3A_388, %add3A_866 : i32
        %jit3A_868 = arith.constant 0 : i32
        %select_n3A_869 = arith.select %eq3A_865, %jit3A_868, %add3A_867 : i32
        %eq3A_870 = arith.constant 2 : i32
        %eq3A_871 = arith.cmpi eq, %select_n3A_869, %eq3A_870 : i32
        %add3A_872 = arith.constant 1 : i32
        %add3A_873 = arith.addi %select_n3A_869, %add3A_872 : i32
        %jit3A_874 = arith.constant 0 : i32
        %select_n3A_875 = arith.select %eq3A_871, %jit3A_874, %add3A_873 : i32
        %eq3A_876 = arith.constant 7812 : i32
        %eq3A_877 = arith.cmpi eq, %get3A_863, %eq3A_876 : i32
        %jit3A_878 = arith.constant 3 : i32
        %select_n3A_879 = arith.select %eq3A_877, %jit3A_878, %select_n3A_875 : i32
        %eq3A_880 = arith.constant 7812 : i32
        %eq3A_881 = arith.cmpi eq, %get3A_863, %eq3A_880 : i32
        %mul3A_882 = arith.constant 128 : i32
        %mul3A_883 = arith.muli %get3A_863, %mul3A_882 : i32
        %multiple_of3A_884 = tpu.assume_multiple %mul3A_883, 128 : i32
        %eq3A_885 = arith.constant 0 : i32
        %eq3A_886 = arith.cmpi eq, %select_n3A_879, %eq3A_885 : i32
        %not3A_887 = arith.constant true
        %not3A_888 = arith.xori %eq3A_881, %not3A_887 : i1
        %and3A_889 = arith.andi %eq3A_886, %not3A_888 : i1
        %convert_element_type3A_890 = arith.extui %and3A_889 : i1 to i32
        %cond3A_891 = arith.constant 0 : i32
        %cond3A_892 = arith.cmpi ne, %convert_element_type3A_890, %cond3A_891 : i32
        scf.if %cond3A_892 {
          %dma_start3A = arith.constant 0 : i32
          %dma_start3A_924 = arith.constant 0 : i32
          %dma_start3A_925 = arith.constant 0 : i32
          %dma_start3A_926 = tpu.memref_slice %arg7[%dma_start3A, %dma_start3A_924, %dma_start3A_925] : memref<4x64x128xf32, #tpu.memory_space<vmem>> -> memref<1x64x128xf32, #tpu.memory_space<vmem>>
          %dma_start3A_927 = tpu.memref_squeeze %dma_start3A_926 : memref<1x64x128xf32, #tpu.memory_space<vmem>> -> memref<64x128xf32, #tpu.memory_space<vmem>>
          %dma_start3A_928 = arith.constant 0 : i32
          %dma_start3A_929 = tpu.memref_slice %arg2[%dma_start3A_928, %multiple_of3A_884] : memref<64x1000000xf32, #tpu.memory_space<hbm>> -> memref<64x128xf32, #tpu.memory_space<hbm>>
          %dma_start3A_930 = arith.constant 0 : i32
          %dma_start3A_931 = arith.constant 0 : i32
          %dma_start3A_932 = tpu.memref_slice %arg7[%dma_start3A, %dma_start3A_930, %dma_start3A_931] : memref<4x64x128xf32, #tpu.memory_space<vmem>> -> memref<1x64x128xf32, #tpu.memory_space<vmem>>
          %dma_start3A_933 = tpu.memref_squeeze %dma_start3A_932 : memref<1x64x128xf32, #tpu.memory_space<vmem>> -> memref<64x128xf32, #tpu.memory_space<vmem>>
          %dma_start3A_934 = arith.constant 0 : i32
          %dma_start3A_935 = tpu.memref_slice %arg2[%dma_start3A_934, %multiple_of3A_884] : memref<64x1000000xf32, #tpu.memory_space<hbm>> -> memref<64x128xf32, #tpu.memory_space<hbm>>
          tpu.enqueue_dma source(%dma_start3A_935 : memref<64x128xf32, #tpu.memory_space<hbm>>) target(%dma_start3A_933 : memref<64x128xf32, #tpu.memory_space<vmem>>) target_semaphore(%arg10 : memref<!tpu.dma_semaphore, #tpu.memory_space<semaphore_mem>>)
        } else {
        }
        %eq3A_893 = arith.constant 1 : i32
        %eq3A_894 = arith.cmpi eq, %select_n3A_879, %eq3A_893 : i32
        %not3A_895 = arith.constant true
        %not3A_896 = arith.xori %eq3A_881, %not3A_895 : i1
        %and3A_897 = arith.andi %eq3A_894, %not3A_896 : i1
        %convert_element_type3A_898 = arith.extui %and3A_897 : i1 to i32
        %cond3A_899 = arith.constant 0 : i32
        %cond3A_900 = arith.cmpi ne, %convert_element_type3A_898, %cond3A_899 : i32
        scf.if %cond3A_900 {
          %dma_start3A = arith.constant 1 : i32
          %dma_start3A_924 = arith.constant 0 : i32
          %dma_start3A_925 = arith.constant 0 : i32
          %dma_start3A_926 = tpu.memref_slice %arg7[%dma_start3A, %dma_start3A_924, %dma_start3A_925] : memref<4x64x128xf32, #tpu.memory_space<vmem>> -> memref<1x64x128xf32, #tpu.memory_space<vmem>>
          %dma_start3A_927 = tpu.memref_squeeze %dma_start3A_926 : memref<1x64x128xf32, #tpu.memory_space<vmem>> -> memref<64x128xf32, #tpu.memory_space<vmem>>
          %dma_start3A_928 = arith.constant 0 : i32
          %dma_start3A_929 = tpu.memref_slice %arg2[%dma_start3A_928, %multiple_of3A_884] : memref<64x1000000xf32, #tpu.memory_space<hbm>> -> memref<64x128xf32, #tpu.memory_space<hbm>>
          %dma_start3A_930 = arith.constant 0 : i32
          %dma_start3A_931 = arith.constant 0 : i32
          %dma_start3A_932 = tpu.memref_slice %arg7[%dma_start3A, %dma_start3A_930, %dma_start3A_931] : memref<4x64x128xf32, #tpu.memory_space<vmem>> -> memref<1x64x128xf32, #tpu.memory_space<vmem>>
          %dma_start3A_933 = tpu.memref_squeeze %dma_start3A_932 : memref<1x64x128xf32, #tpu.memory_space<vmem>> -> memref<64x128xf32, #tpu.memory_space<vmem>>
          %dma_start3A_934 = arith.constant 0 : i32
          %dma_start3A_935 = tpu.memref_slice %arg2[%dma_start3A_934, %multiple_of3A_884] : memref<64x1000000xf32, #tpu.memory_space<hbm>> -> memref<64x128xf32, #tpu.memory_space<hbm>>
          tpu.enqueue_dma source(%dma_start3A_935 : memref<64x128xf32, #tpu.memory_space<hbm>>) target(%dma_start3A_933 : memref<64x128xf32, #tpu.memory_space<vmem>>) target_semaphore(%arg11 : memref<!tpu.dma_semaphore, #tpu.memory_space<semaphore_mem>>)
        } else {
        }
        %eq3A_901 = arith.constant 2 : i32
        %eq3A_902 = arith.cmpi eq, %select_n3A_879, %eq3A_901 : i32
        %not3A_903 = arith.constant true
        %not3A_904 = arith.xori %eq3A_881, %not3A_903 : i1
        %and3A_905 = arith.andi %eq3A_902, %not3A_904 : i1
        %convert_element_type3A_906 = arith.extui %and3A_905 : i1 to i32
        %cond3A_907 = arith.constant 0 : i32
        %cond3A_908 = arith.cmpi ne, %convert_element_type3A_906, %cond3A_907 : i32
        scf.if %cond3A_908 {
          %dma_start3A = arith.constant 2 : i32
          %dma_start3A_924 = arith.constant 0 : i32
          %dma_start3A_925 = arith.constant 0 : i32
          %dma_start3A_926 = tpu.memref_slice %arg7[%dma_start3A, %dma_start3A_924, %dma_start3A_925] : memref<4x64x128xf32, #tpu.memory_space<vmem>> -> memref<1x64x128xf32, #tpu.memory_space<vmem>>
          %dma_start3A_927 = tpu.memref_squeeze %dma_start3A_926 : memref<1x64x128xf32, #tpu.memory_space<vmem>> -> memref<64x128xf32, #tpu.memory_space<vmem>>
          %dma_start3A_928 = arith.constant 0 : i32
          %dma_start3A_929 = tpu.memref_slice %arg2[%dma_start3A_928, %multiple_of3A_884] : memref<64x1000000xf32, #tpu.memory_space<hbm>> -> memref<64x128xf32, #tpu.memory_space<hbm>>
          %dma_start3A_930 = arith.constant 0 : i32
          %dma_start3A_931 = arith.constant 0 : i32
          %dma_start3A_932 = tpu.memref_slice %arg7[%dma_start3A, %dma_start3A_930, %dma_start3A_931] : memref<4x64x128xf32, #tpu.memory_space<vmem>> -> memref<1x64x128xf32, #tpu.memory_space<vmem>>
          %dma_start3A_933 = tpu.memref_squeeze %dma_start3A_932 : memref<1x64x128xf32, #tpu.memory_space<vmem>> -> memref<64x128xf32, #tpu.memory_space<vmem>>
          %dma_start3A_934 = arith.constant 0 : i32
          %dma_start3A_935 = tpu.memref_slice %arg2[%dma_start3A_934, %multiple_of3A_884] : memref<64x1000000xf32, #tpu.memory_space<hbm>> -> memref<64x128xf32, #tpu.memory_space<hbm>>
          tpu.enqueue_dma source(%dma_start3A_935 : memref<64x128xf32, #tpu.memory_space<hbm>>) target(%dma_start3A_933 : memref<64x128xf32, #tpu.memory_space<vmem>>) target_semaphore(%arg12 : memref<!tpu.dma_semaphore, #tpu.memory_space<semaphore_mem>>)
        } else {
        }
        %eq3A_909 = arith.constant 0 : i32
        %eq3A_910 = arith.cmpi eq, %select_n3A_392, %eq3A_909 : i32
        %convert_element_type3A_911 = arith.extui %eq3A_910 : i1 to i32
        %cond3A_912 = arith.constant 0 : i32
        %cond3A_913 = arith.cmpi ne, %convert_element_type3A_911, %cond3A_912 : i32
        scf.if %cond3A_913 {
          %dma_wait3A = arith.constant 0 : i32
          %dma_wait3A_924 = arith.constant 0 : i32
          %dma_wait3A_925 = arith.constant 0 : i32
          %dma_wait3A_926 = tpu.memref_slice %arg7[%dma_wait3A, %dma_wait3A_924, %dma_wait3A_925] : memref<4x64x128xf32, #tpu.memory_space<vmem>> -> memref<1x64x128xf32, #tpu.memory_space<vmem>>
          %dma_wait3A_927 = tpu.memref_squeeze %dma_wait3A_926 : memref<1x64x128xf32, #tpu.memory_space<vmem>> -> memref<64x128xf32, #tpu.memory_space<vmem>>
          %dma_wait3A_928 = arith.constant 0 : i32
          %dma_wait3A_929 = arith.constant 0 : i32
          %dma_wait3A_930 = tpu.memref_slice %arg2[%dma_wait3A_928, %dma_wait3A_929] : memref<64x1000000xf32, #tpu.memory_space<hbm>> -> memref<64x128xf32, #tpu.memory_space<hbm>>
          %dma_wait3A_931 = arith.constant 0 : i32
          %dma_wait3A_932 = arith.constant 0 : i32
          %dma_wait3A_933 = tpu.memref_slice %arg7[%dma_wait3A, %dma_wait3A_931, %dma_wait3A_932] : memref<4x64x128xf32, #tpu.memory_space<vmem>> -> memref<1x64x128xf32, #tpu.memory_space<vmem>>
          %dma_wait3A_934 = tpu.memref_squeeze %dma_wait3A_933 : memref<1x64x128xf32, #tpu.memory_space<vmem>> -> memref<64x128xf32, #tpu.memory_space<vmem>>
          %dma_wait3A_935 = arith.constant 0 : i32
          %dma_wait3A_936 = arith.constant 0 : i32
          %dma_wait3A_937 = tpu.memref_slice %arg2[%dma_wait3A_935, %dma_wait3A_936] : memref<64x1000000xf32, #tpu.memory_space<hbm>> -> memref<64x128xf32, #tpu.memory_space<hbm>>
          tpu.wait_dma2 semaphore(%arg10 : memref<!tpu.dma_semaphore, #tpu.memory_space<semaphore_mem>>) src(%dma_wait3A_937 : memref<64x128xf32, #tpu.memory_space<hbm>>) dst(%dma_wait3A_934 : memref<64x128xf32, #tpu.memory_space<vmem>>)
        } else {
        }
        %eq3A_914 = arith.constant 1 : i32
        %eq3A_915 = arith.cmpi eq, %select_n3A_392, %eq3A_914 : i32
        %convert_element_type3A_916 = arith.extui %eq3A_915 : i1 to i32
        %cond3A_917 = arith.constant 0 : i32
        %cond3A_918 = arith.cmpi ne, %convert_element_type3A_916, %cond3A_917 : i32
        scf.if %cond3A_918 {
          %dma_wait3A = arith.constant 1 : i32
          %dma_wait3A_924 = arith.constant 0 : i32
          %dma_wait3A_925 = arith.constant 0 : i32
          %dma_wait3A_926 = tpu.memref_slice %arg7[%dma_wait3A, %dma_wait3A_924, %dma_wait3A_925] : memref<4x64x128xf32, #tpu.memory_space<vmem>> -> memref<1x64x128xf32, #tpu.memory_space<vmem>>
          %dma_wait3A_927 = tpu.memref_squeeze %dma_wait3A_926 : memref<1x64x128xf32, #tpu.memory_space<vmem>> -> memref<64x128xf32, #tpu.memory_space<vmem>>
          %dma_wait3A_928 = arith.constant 0 : i32
          %dma_wait3A_929 = arith.constant 0 : i32
          %dma_wait3A_930 = tpu.memref_slice %arg2[%dma_wait3A_928, %dma_wait3A_929] : memref<64x1000000xf32, #tpu.memory_space<hbm>> -> memref<64x128xf32, #tpu.memory_space<hbm>>
          %dma_wait3A_931 = arith.constant 0 : i32
          %dma_wait3A_932 = arith.constant 0 : i32
          %dma_wait3A_933 = tpu.memref_slice %arg7[%dma_wait3A, %dma_wait3A_931, %dma_wait3A_932] : memref<4x64x128xf32, #tpu.memory_space<vmem>> -> memref<1x64x128xf32, #tpu.memory_space<vmem>>
          %dma_wait3A_934 = tpu.memref_squeeze %dma_wait3A_933 : memref<1x64x128xf32, #tpu.memory_space<vmem>> -> memref<64x128xf32, #tpu.memory_space<vmem>>
          %dma_wait3A_935 = arith.constant 0 : i32
          %dma_wait3A_936 = arith.constant 0 : i32
          %dma_wait3A_937 = tpu.memref_slice %arg2[%dma_wait3A_935, %dma_wait3A_936] : memref<64x1000000xf32, #tpu.memory_space<hbm>> -> memref<64x128xf32, #tpu.memory_space<hbm>>
          tpu.wait_dma2 semaphore(%arg11 : memref<!tpu.dma_semaphore, #tpu.memory_space<semaphore_mem>>) src(%dma_wait3A_937 : memref<64x128xf32, #tpu.memory_space<hbm>>) dst(%dma_wait3A_934 : memref<64x128xf32, #tpu.memory_space<vmem>>)
        } else {
        }
        %eq3A_919 = arith.constant 2 : i32
        %eq3A_920 = arith.cmpi eq, %select_n3A_392, %eq3A_919 : i32
        %convert_element_type3A_921 = arith.extui %eq3A_920 : i1 to i32
        %cond3A_922 = arith.constant 0 : i32
        %cond3A_923 = arith.cmpi ne, %convert_element_type3A_921, %cond3A_922 : i32
        scf.if %cond3A_923 {
          %dma_wait3A = arith.constant 2 : i32
          %dma_wait3A_924 = arith.constant 0 : i32
          %dma_wait3A_925 = arith.constant 0 : i32
          %dma_wait3A_926 = tpu.memref_slice %arg7[%dma_wait3A, %dma_wait3A_924, %dma_wait3A_925] : memref<4x64x128xf32, #tpu.memory_space<vmem>> -> memref<1x64x128xf32, #tpu.memory_space<vmem>>
          %dma_wait3A_927 = tpu.memref_squeeze %dma_wait3A_926 : memref<1x64x128xf32, #tpu.memory_space<vmem>> -> memref<64x128xf32, #tpu.memory_space<vmem>>
          %dma_wait3A_928 = arith.constant 0 : i32
          %dma_wait3A_929 = arith.constant 0 : i32
          %dma_wait3A_930 = tpu.memref_slice %arg2[%dma_wait3A_928, %dma_wait3A_929] : memref<64x1000000xf32, #tpu.memory_space<hbm>> -> memref<64x128xf32, #tpu.memory_space<hbm>>
          %dma_wait3A_931 = arith.constant 0 : i32
          %dma_wait3A_932 = arith.constant 0 : i32
          %dma_wait3A_933 = tpu.memref_slice %arg7[%dma_wait3A, %dma_wait3A_931, %dma_wait3A_932] : memref<4x64x128xf32, #tpu.memory_space<vmem>> -> memref<1x64x128xf32, #tpu.memory_space<vmem>>
          %dma_wait3A_934 = tpu.memref_squeeze %dma_wait3A_933 : memref<1x64x128xf32, #tpu.memory_space<vmem>> -> memref<64x128xf32, #tpu.memory_space<vmem>>
          %dma_wait3A_935 = arith.constant 0 : i32
          %dma_wait3A_936 = arith.constant 0 : i32
          %dma_wait3A_937 = tpu.memref_slice %arg2[%dma_wait3A_935, %dma_wait3A_936] : memref<64x1000000xf32, #tpu.memory_space<hbm>> -> memref<64x128xf32, #tpu.memory_space<hbm>>
          tpu.wait_dma2 semaphore(%arg12 : memref<!tpu.dma_semaphore, #tpu.memory_space<semaphore_mem>>) src(%dma_wait3A_937 : memref<64x128xf32, #tpu.memory_space<hbm>>) dst(%dma_wait3A_934 : memref<64x128xf32, #tpu.memory_space<vmem>>)
        } else {
        }
      } else {
      }
      %broadcast_in_dim3A_396 = vector.broadcast %select_n3A_392 : i32 to vector<16xi32>
      %slice3A_397 = vector.extract_strided_slice %and3A_160 {offsets = [5], sizes = [1], strides = [1]} : vector<16xi32> to vector<1xi32>
      %squeeze3A_398 = vector.extract %slice3A_397[0] : i32 from vector<1xi32>
      %broadcast_in_dim3A_399 = vector.broadcast %squeeze3A_398 : i32 to vector<16xi32>
      %mul3A_400 = arith.constant 16 : i32
      %mul3A_401 = arith.muli %scan3A_143, %mul3A_400 : i32
      %add3A_402 = arith.constant 5 : i32
      %add3A_403 = arith.addi %mul3A_401, %add3A_402 : i32
      %gather3A_404 = tpu.vector_load_idx %arg7[%broadcast_in_dim3A_396, %add3A_84, %broadcast_in_dim3A_399] : memref<4x64x128xf32, #tpu.memory_space<vmem>>[vector<16xi32>, vector<16xi32>, vector<16xi32>], vector<16xf32>,
      %swap3A_405 = arith.index_cast %add3A_403 : i32 to index
      %swap3A_406 = arith.constant 0 : index
      %swap3A_407 = tpu.vector_load %arg8[%swap3A_405, %swap3A_406] {strides = array<i32>} : memref<512x64xf32, #tpu.memory_space<vmem>>, vector<16xf32>,
      tpu.vector_store %arg8[%swap3A_405, %swap3A_406], %gather3A_404 {strides = array<i32>} : memref<512x64xf32, #tpu.memory_space<vmem>>, vector<16xf32>,
      %gather3A_408 = tpu.vector_load_idx %arg7[%broadcast_in_dim3A_396, %add3A_88, %broadcast_in_dim3A_399] : memref<4x64x128xf32, #tpu.memory_space<vmem>>[vector<16xi32>, vector<16xi32>, vector<16xi32>], vector<16xf32>,
      %swap3A_409 = arith.index_cast %add3A_403 : i32 to index
      %swap3A_410 = arith.constant 16 : index
      %swap3A_411 = tpu.vector_load %arg8[%swap3A_409, %swap3A_410] {strides = array<i32>} : memref<512x64xf32, #tpu.memory_space<vmem>>, vector<16xf32>,
      tpu.vector_store %arg8[%swap3A_409, %swap3A_410], %gather3A_408 {strides = array<i32>} : memref<512x64xf32, #tpu.memory_space<vmem>>, vector<16xf32>,
      %gather3A_412 = tpu.vector_load_idx %arg7[%broadcast_in_dim3A_396, %add3A_92, %broadcast_in_dim3A_399] : memref<4x64x128xf32, #tpu.memory_space<vmem>>[vector<16xi32>, vector<16xi32>, vector<16xi32>], vector<16xf32>,
      %swap3A_413 = arith.index_cast %add3A_403 : i32 to index
      %swap3A_414 = arith.constant 32 : index
      %swap3A_415 = tpu.vector_load %arg8[%swap3A_413, %swap3A_414] {strides = array<i32>} : memref<512x64xf32, #tpu.memory_space<vmem>>, vector<16xf32>,
      tpu.vector_store %arg8[%swap3A_413, %swap3A_414], %gather3A_412 {strides = array<i32>} : memref<512x64xf32, #tpu.memory_space<vmem>>, vector<16xf32>,
      %gather3A_416 = tpu.vector_load_idx %arg7[%broadcast_in_dim3A_396, %add3A_96, %broadcast_in_dim3A_399] : memref<4x64x128xf32, #tpu.memory_space<vmem>>[vector<16xi32>, vector<16xi32>, vector<16xi32>], vector<16xf32>,
      %swap3A_417 = arith.index_cast %add3A_403 : i32 to index
      %swap3A_418 = arith.constant 48 : index
      %swap3A_419 = tpu.vector_load %arg8[%swap3A_417, %swap3A_418] {strides = array<i32>} : memref<512x64xf32, #tpu.memory_space<vmem>>, vector<16xf32>,
      tpu.vector_store %arg8[%swap3A_417, %swap3A_418], %gather3A_416 {strides = array<i32>} : memref<512x64xf32, #tpu.memory_space<vmem>>, vector<16xf32>,
      %slice3A_420 = vector.extract_strided_slice %shift_right_arithmetic3A_157 {offsets = [6], sizes = [1], strides = [1]} : vector<16xi32> to vector<1xi32>
      %squeeze3A_421 = vector.extract %slice3A_420[0] : i32 from vector<1xi32>
      %ne3A_422 = arith.cmpi ne, %squeeze3A_421, %squeeze3A_377 : i32
      %add3A_423 = arith.constant 1 : i32
      %add3A_424 = arith.addi %select_n3A_381, %add3A_423 : i32
      %select_n3A_425 = arith.select %ne3A_422, %add3A_424, %select_n3A_381 : i32
      %eq3A_426 = arith.constant 2 : i32
      %eq3A_427 = arith.cmpi eq, %select_n3A_388, %eq3A_426 : i32
      %add3A_428 = arith.constant 1 : i32
      %add3A_429 = arith.addi %select_n3A_388, %add3A_428 : i32
      %jit3A_430 = arith.constant 0 : i32
      %select_n3A_431 = arith.select %eq3A_427, %jit3A_430, %add3A_429 : i32
      %select_n3A_432 = arith.select %ne3A_422, %select_n3A_431, %select_n3A_388 : i32
      %eq3A_433 = arith.constant 7812 : i32
      %eq3A_434 = arith.cmpi eq, %squeeze3A_421, %eq3A_433 : i32
      %jit3A_435 = arith.constant 3 : i32
      %select_n3A_436 = arith.select %eq3A_434, %jit3A_435, %select_n3A_432 : i32
      %convert_element_type3A_437 = arith.extui %ne3A_422 : i1 to i32
      %cond3A_438 = arith.constant 0 : i32
      %cond3A_439 = arith.cmpi ne, %convert_element_type3A_437, %cond3A_438 : i32
      scf.if %cond3A_439 {
        %add3A_860 = arith.constant 2 : i32
        %add3A_861 = arith.addi %select_n3A_425, %add3A_860 : i32
        %get3A_862 = arith.index_cast %add3A_861 : i32 to index
        %get3A_863 = memref.load %arg9[%get3A_862] : memref<520xi32, #tpu.memory_space<smem>>
        %eq3A_864 = arith.constant 2 : i32
        %eq3A_865 = arith.cmpi eq, %select_n3A_432, %eq3A_864 : i32
        %add3A_866 = arith.constant 1 : i32
        %add3A_867 = arith.addi %select_n3A_432, %add3A_866 : i32
        %jit3A_868 = arith.constant 0 : i32
        %select_n3A_869 = arith.select %eq3A_865, %jit3A_868, %add3A_867 : i32
        %eq3A_870 = arith.constant 2 : i32
        %eq3A_871 = arith.cmpi eq, %select_n3A_869, %eq3A_870 : i32
        %add3A_872 = arith.constant 1 : i32
        %add3A_873 = arith.addi %select_n3A_869, %add3A_872 : i32
        %jit3A_874 = arith.constant 0 : i32
        %select_n3A_875 = arith.select %eq3A_871, %jit3A_874, %add3A_873 : i32
        %eq3A_876 = arith.constant 7812 : i32
        %eq3A_877 = arith.cmpi eq, %get3A_863, %eq3A_876 : i32
        %jit3A_878 = arith.constant 3 : i32
        %select_n3A_879 = arith.select %eq3A_877, %jit3A_878, %select_n3A_875 : i32
        %eq3A_880 = arith.constant 7812 : i32
        %eq3A_881 = arith.cmpi eq, %get3A_863, %eq3A_880 : i32
        %mul3A_882 = arith.constant 128 : i32
        %mul3A_883 = arith.muli %get3A_863, %mul3A_882 : i32
        %multiple_of3A_884 = tpu.assume_multiple %mul3A_883, 128 : i32
        %eq3A_885 = arith.constant 0 : i32
        %eq3A_886 = arith.cmpi eq, %select_n3A_879, %eq3A_885 : i32
        %not3A_887 = arith.constant true
        %not3A_888 = arith.xori %eq3A_881, %not3A_887 : i1
        %and3A_889 = arith.andi %eq3A_886, %not3A_888 : i1
        %convert_element_type3A_890 = arith.extui %and3A_889 : i1 to i32
        %cond3A_891 = arith.constant 0 : i32
        %cond3A_892 = arith.cmpi ne, %convert_element_type3A_890, %cond3A_891 : i32
        scf.if %cond3A_892 {
          %dma_start3A = arith.constant 0 : i32
          %dma_start3A_924 = arith.constant 0 : i32
          %dma_start3A_925 = arith.constant 0 : i32
          %dma_start3A_926 = tpu.memref_slice %arg7[%dma_start3A, %dma_start3A_924, %dma_start3A_925] : memref<4x64x128xf32, #tpu.memory_space<vmem>> -> memref<1x64x128xf32, #tpu.memory_space<vmem>>
          %dma_start3A_927 = tpu.memref_squeeze %dma_start3A_926 : memref<1x64x128xf32, #tpu.memory_space<vmem>> -> memref<64x128xf32, #tpu.memory_space<vmem>>
          %dma_start3A_928 = arith.constant 0 : i32
          %dma_start3A_929 = tpu.memref_slice %arg2[%dma_start3A_928, %multiple_of3A_884] : memref<64x1000000xf32, #tpu.memory_space<hbm>> -> memref<64x128xf32, #tpu.memory_space<hbm>>
          %dma_start3A_930 = arith.constant 0 : i32
          %dma_start3A_931 = arith.constant 0 : i32
          %dma_start3A_932 = tpu.memref_slice %arg7[%dma_start3A, %dma_start3A_930, %dma_start3A_931] : memref<4x64x128xf32, #tpu.memory_space<vmem>> -> memref<1x64x128xf32, #tpu.memory_space<vmem>>
          %dma_start3A_933 = tpu.memref_squeeze %dma_start3A_932 : memref<1x64x128xf32, #tpu.memory_space<vmem>> -> memref<64x128xf32, #tpu.memory_space<vmem>>
          %dma_start3A_934 = arith.constant 0 : i32
          %dma_start3A_935 = tpu.memref_slice %arg2[%dma_start3A_934, %multiple_of3A_884] : memref<64x1000000xf32, #tpu.memory_space<hbm>> -> memref<64x128xf32, #tpu.memory_space<hbm>>
          tpu.enqueue_dma source(%dma_start3A_935 : memref<64x128xf32, #tpu.memory_space<hbm>>) target(%dma_start3A_933 : memref<64x128xf32, #tpu.memory_space<vmem>>) target_semaphore(%arg10 : memref<!tpu.dma_semaphore, #tpu.memory_space<semaphore_mem>>)
        } else {
        }
        %eq3A_893 = arith.constant 1 : i32
        %eq3A_894 = arith.cmpi eq, %select_n3A_879, %eq3A_893 : i32
        %not3A_895 = arith.constant true
        %not3A_896 = arith.xori %eq3A_881, %not3A_895 : i1
        %and3A_897 = arith.andi %eq3A_894, %not3A_896 : i1
        %convert_element_type3A_898 = arith.extui %and3A_897 : i1 to i32
        %cond3A_899 = arith.constant 0 : i32
        %cond3A_900 = arith.cmpi ne, %convert_element_type3A_898, %cond3A_899 : i32
        scf.if %cond3A_900 {
          %dma_start3A = arith.constant 1 : i32
          %dma_start3A_924 = arith.constant 0 : i32
          %dma_start3A_925 = arith.constant 0 : i32
          %dma_start3A_926 = tpu.memref_slice %arg7[%dma_start3A, %dma_start3A_924, %dma_start3A_925] : memref<4x64x128xf32, #tpu.memory_space<vmem>> -> memref<1x64x128xf32, #tpu.memory_space<vmem>>
          %dma_start3A_927 = tpu.memref_squeeze %dma_start3A_926 : memref<1x64x128xf32, #tpu.memory_space<vmem>> -> memref<64x128xf32, #tpu.memory_space<vmem>>
          %dma_start3A_928 = arith.constant 0 : i32
          %dma_start3A_929 = tpu.memref_slice %arg2[%dma_start3A_928, %multiple_of3A_884] : memref<64x1000000xf32, #tpu.memory_space<hbm>> -> memref<64x128xf32, #tpu.memory_space<hbm>>
          %dma_start3A_930 = arith.constant 0 : i32
          %dma_start3A_931 = arith.constant 0 : i32
          %dma_start3A_932 = tpu.memref_slice %arg7[%dma_start3A, %dma_start3A_930, %dma_start3A_931] : memref<4x64x128xf32, #tpu.memory_space<vmem>> -> memref<1x64x128xf32, #tpu.memory_space<vmem>>
          %dma_start3A_933 = tpu.memref_squeeze %dma_start3A_932 : memref<1x64x128xf32, #tpu.memory_space<vmem>> -> memref<64x128xf32, #tpu.memory_space<vmem>>
          %dma_start3A_934 = arith.constant 0 : i32
          %dma_start3A_935 = tpu.memref_slice %arg2[%dma_start3A_934, %multiple_of3A_884] : memref<64x1000000xf32, #tpu.memory_space<hbm>> -> memref<64x128xf32, #tpu.memory_space<hbm>>
          tpu.enqueue_dma source(%dma_start3A_935 : memref<64x128xf32, #tpu.memory_space<hbm>>) target(%dma_start3A_933 : memref<64x128xf32, #tpu.memory_space<vmem>>) target_semaphore(%arg11 : memref<!tpu.dma_semaphore, #tpu.memory_space<semaphore_mem>>)
        } else {
        }
        %eq3A_901 = arith.constant 2 : i32
        %eq3A_902 = arith.cmpi eq, %select_n3A_879, %eq3A_901 : i32
        %not3A_903 = arith.constant true
        %not3A_904 = arith.xori %eq3A_881, %not3A_903 : i1
        %and3A_905 = arith.andi %eq3A_902, %not3A_904 : i1
        %convert_element_type3A_906 = arith.extui %and3A_905 : i1 to i32
        %cond3A_907 = arith.constant 0 : i32
        %cond3A_908 = arith.cmpi ne, %convert_element_type3A_906, %cond3A_907 : i32
        scf.if %cond3A_908 {
          %dma_start3A = arith.constant 2 : i32
          %dma_start3A_924 = arith.constant 0 : i32
          %dma_start3A_925 = arith.constant 0 : i32
          %dma_start3A_926 = tpu.memref_slice %arg7[%dma_start3A, %dma_start3A_924, %dma_start3A_925] : memref<4x64x128xf32, #tpu.memory_space<vmem>> -> memref<1x64x128xf32, #tpu.memory_space<vmem>>
          %dma_start3A_927 = tpu.memref_squeeze %dma_start3A_926 : memref<1x64x128xf32, #tpu.memory_space<vmem>> -> memref<64x128xf32, #tpu.memory_space<vmem>>
          %dma_start3A_928 = arith.constant 0 : i32
          %dma_start3A_929 = tpu.memref_slice %arg2[%dma_start3A_928, %multiple_of3A_884] : memref<64x1000000xf32, #tpu.memory_space<hbm>> -> memref<64x128xf32, #tpu.memory_space<hbm>>
          %dma_start3A_930 = arith.constant 0 : i32
          %dma_start3A_931 = arith.constant 0 : i32
          %dma_start3A_932 = tpu.memref_slice %arg7[%dma_start3A, %dma_start3A_930, %dma_start3A_931] : memref<4x64x128xf32, #tpu.memory_space<vmem>> -> memref<1x64x128xf32, #tpu.memory_space<vmem>>
          %dma_start3A_933 = tpu.memref_squeeze %dma_start3A_932 : memref<1x64x128xf32, #tpu.memory_space<vmem>> -> memref<64x128xf32, #tpu.memory_space<vmem>>
          %dma_start3A_934 = arith.constant 0 : i32
          %dma_start3A_935 = tpu.memref_slice %arg2[%dma_start3A_934, %multiple_of3A_884] : memref<64x1000000xf32, #tpu.memory_space<hbm>> -> memref<64x128xf32, #tpu.memory_space<hbm>>
          tpu.enqueue_dma source(%dma_start3A_935 : memref<64x128xf32, #tpu.memory_space<hbm>>) target(%dma_start3A_933 : memref<64x128xf32, #tpu.memory_space<vmem>>) target_semaphore(%arg12 : memref<!tpu.dma_semaphore, #tpu.memory_space<semaphore_mem>>)
        } else {
        }
        %eq3A_909 = arith.constant 0 : i32
        %eq3A_910 = arith.cmpi eq, %select_n3A_436, %eq3A_909 : i32
        %convert_element_type3A_911 = arith.extui %eq3A_910 : i1 to i32
        %cond3A_912 = arith.constant 0 : i32
        %cond3A_913 = arith.cmpi ne, %convert_element_type3A_911, %cond3A_912 : i32
        scf.if %cond3A_913 {
          %dma_wait3A = arith.constant 0 : i32
          %dma_wait3A_924 = arith.constant 0 : i32
          %dma_wait3A_925 = arith.constant 0 : i32
          %dma_wait3A_926 = tpu.memref_slice %arg7[%dma_wait3A, %dma_wait3A_924, %dma_wait3A_925] : memref<4x64x128xf32, #tpu.memory_space<vmem>> -> memref<1x64x128xf32, #tpu.memory_space<vmem>>
          %dma_wait3A_927 = tpu.memref_squeeze %dma_wait3A_926 : memref<1x64x128xf32, #tpu.memory_space<vmem>> -> memref<64x128xf32, #tpu.memory_space<vmem>>
          %dma_wait3A_928 = arith.constant 0 : i32
          %dma_wait3A_929 = arith.constant 0 : i32
          %dma_wait3A_930 = tpu.memref_slice %arg2[%dma_wait3A_928, %dma_wait3A_929] : memref<64x1000000xf32, #tpu.memory_space<hbm>> -> memref<64x128xf32, #tpu.memory_space<hbm>>
          %dma_wait3A_931 = arith.constant 0 : i32
          %dma_wait3A_932 = arith.constant 0 : i32
          %dma_wait3A_933 = tpu.memref_slice %arg7[%dma_wait3A, %dma_wait3A_931, %dma_wait3A_932] : memref<4x64x128xf32, #tpu.memory_space<vmem>> -> memref<1x64x128xf32, #tpu.memory_space<vmem>>
          %dma_wait3A_934 = tpu.memref_squeeze %dma_wait3A_933 : memref<1x64x128xf32, #tpu.memory_space<vmem>> -> memref<64x128xf32, #tpu.memory_space<vmem>>
          %dma_wait3A_935 = arith.constant 0 : i32
          %dma_wait3A_936 = arith.constant 0 : i32
          %dma_wait3A_937 = tpu.memref_slice %arg2[%dma_wait3A_935, %dma_wait3A_936] : memref<64x1000000xf32, #tpu.memory_space<hbm>> -> memref<64x128xf32, #tpu.memory_space<hbm>>
          tpu.wait_dma2 semaphore(%arg10 : memref<!tpu.dma_semaphore, #tpu.memory_space<semaphore_mem>>) src(%dma_wait3A_937 : memref<64x128xf32, #tpu.memory_space<hbm>>) dst(%dma_wait3A_934 : memref<64x128xf32, #tpu.memory_space<vmem>>)
        } else {
        }
        %eq3A_914 = arith.constant 1 : i32
        %eq3A_915 = arith.cmpi eq, %select_n3A_436, %eq3A_914 : i32
        %convert_element_type3A_916 = arith.extui %eq3A_915 : i1 to i32
        %cond3A_917 = arith.constant 0 : i32
        %cond3A_918 = arith.cmpi ne, %convert_element_type3A_916, %cond3A_917 : i32
        scf.if %cond3A_918 {
          %dma_wait3A = arith.constant 1 : i32
          %dma_wait3A_924 = arith.constant 0 : i32
          %dma_wait3A_925 = arith.constant 0 : i32
          %dma_wait3A_926 = tpu.memref_slice %arg7[%dma_wait3A, %dma_wait3A_924, %dma_wait3A_925] : memref<4x64x128xf32, #tpu.memory_space<vmem>> -> memref<1x64x128xf32, #tpu.memory_space<vmem>>
          %dma_wait3A_927 = tpu.memref_squeeze %dma_wait3A_926 : memref<1x64x128xf32, #tpu.memory_space<vmem>> -> memref<64x128xf32, #tpu.memory_space<vmem>>
          %dma_wait3A_928 = arith.constant 0 : i32
          %dma_wait3A_929 = arith.constant 0 : i32
          %dma_wait3A_930 = tpu.memref_slice %arg2[%dma_wait3A_928, %dma_wait3A_929] : memref<64x1000000xf32, #tpu.memory_space<hbm>> -> memref<64x128xf32, #tpu.memory_space<hbm>>
          %dma_wait3A_931 = arith.constant 0 : i32
          %dma_wait3A_932 = arith.constant 0 : i32
          %dma_wait3A_933 = tpu.memref_slice %arg7[%dma_wait3A, %dma_wait3A_931, %dma_wait3A_932] : memref<4x64x128xf32, #tpu.memory_space<vmem>> -> memref<1x64x128xf32, #tpu.memory_space<vmem>>
          %dma_wait3A_934 = tpu.memref_squeeze %dma_wait3A_933 : memref<1x64x128xf32, #tpu.memory_space<vmem>> -> memref<64x128xf32, #tpu.memory_space<vmem>>
          %dma_wait3A_935 = arith.constant 0 : i32
          %dma_wait3A_936 = arith.constant 0 : i32
          %dma_wait3A_937 = tpu.memref_slice %arg2[%dma_wait3A_935, %dma_wait3A_936] : memref<64x1000000xf32, #tpu.memory_space<hbm>> -> memref<64x128xf32, #tpu.memory_space<hbm>>
          tpu.wait_dma2 semaphore(%arg11 : memref<!tpu.dma_semaphore, #tpu.memory_space<semaphore_mem>>) src(%dma_wait3A_937 : memref<64x128xf32, #tpu.memory_space<hbm>>) dst(%dma_wait3A_934 : memref<64x128xf32, #tpu.memory_space<vmem>>)
        } else {
        }
        %eq3A_919 = arith.constant 2 : i32
        %eq3A_920 = arith.cmpi eq, %select_n3A_436, %eq3A_919 : i32
        %convert_element_type3A_921 = arith.extui %eq3A_920 : i1 to i32
        %cond3A_922 = arith.constant 0 : i32
        %cond3A_923 = arith.cmpi ne, %convert_element_type3A_921, %cond3A_922 : i32
        scf.if %cond3A_923 {
          %dma_wait3A = arith.constant 2 : i32
          %dma_wait3A_924 = arith.constant 0 : i32
          %dma_wait3A_925 = arith.constant 0 : i32
          %dma_wait3A_926 = tpu.memref_slice %arg7[%dma_wait3A, %dma_wait3A_924, %dma_wait3A_925] : memref<4x64x128xf32, #tpu.memory_space<vmem>> -> memref<1x64x128xf32, #tpu.memory_space<vmem>>
          %dma_wait3A_927 = tpu.memref_squeeze %dma_wait3A_926 : memref<1x64x128xf32, #tpu.memory_space<vmem>> -> memref<64x128xf32, #tpu.memory_space<vmem>>
          %dma_wait3A_928 = arith.constant 0 : i32
          %dma_wait3A_929 = arith.constant 0 : i32
          %dma_wait3A_930 = tpu.memref_slice %arg2[%dma_wait3A_928, %dma_wait3A_929] : memref<64x1000000xf32, #tpu.memory_space<hbm>> -> memref<64x128xf32, #tpu.memory_space<hbm>>
          %dma_wait3A_931 = arith.constant 0 : i32
          %dma_wait3A_932 = arith.constant 0 : i32
          %dma_wait3A_933 = tpu.memref_slice %arg7[%dma_wait3A, %dma_wait3A_931, %dma_wait3A_932] : memref<4x64x128xf32, #tpu.memory_space<vmem>> -> memref<1x64x128xf32, #tpu.memory_space<vmem>>
          %dma_wait3A_934 = tpu.memref_squeeze %dma_wait3A_933 : memref<1x64x128xf32, #tpu.memory_space<vmem>> -> memref<64x128xf32, #tpu.memory_space<vmem>>
          %dma_wait3A_935 = arith.constant 0 : i32
          %dma_wait3A_936 = arith.constant 0 : i32
          %dma_wait3A_937 = tpu.memref_slice %arg2[%dma_wait3A_935, %dma_wait3A_936] : memref<64x1000000xf32, #tpu.memory_space<hbm>> -> memref<64x128xf32, #tpu.memory_space<hbm>>
          tpu.wait_dma2 semaphore(%arg12 : memref<!tpu.dma_semaphore, #tpu.memory_space<semaphore_mem>>) src(%dma_wait3A_937 : memref<64x128xf32, #tpu.memory_space<hbm>>) dst(%dma_wait3A_934 : memref<64x128xf32, #tpu.memory_space<vmem>>)
        } else {
        }
      } else {
      }
      %broadcast_in_dim3A_440 = vector.broadcast %select_n3A_436 : i32 to vector<16xi32>
      %slice3A_441 = vector.extract_strided_slice %and3A_160 {offsets = [6], sizes = [1], strides = [1]} : vector<16xi32> to vector<1xi32>
      %squeeze3A_442 = vector.extract %slice3A_441[0] : i32 from vector<1xi32>
      %broadcast_in_dim3A_443 = vector.broadcast %squeeze3A_442 : i32 to vector<16xi32>
      %mul3A_444 = arith.constant 16 : i32
      %mul3A_445 = arith.muli %scan3A_143, %mul3A_444 : i32
      %add3A_446 = arith.constant 6 : i32
      %add3A_447 = arith.addi %mul3A_445, %add3A_446 : i32
      %gather3A_448 = tpu.vector_load_idx %arg7[%broadcast_in_dim3A_440, %add3A_84, %broadcast_in_dim3A_443] : memref<4x64x128xf32, #tpu.memory_space<vmem>>[vector<16xi32>, vector<16xi32>, vector<16xi32>], vector<16xf32>,
      %swap3A_449 = arith.index_cast %add3A_447 : i32 to index
      %swap3A_450 = arith.constant 0 : index
      %swap3A_451 = tpu.vector_load %arg8[%swap3A_449, %swap3A_450] {strides = array<i32>} : memref<512x64xf32, #tpu.memory_space<vmem>>, vector<16xf32>,
      tpu.vector_store %arg8[%swap3A_449, %swap3A_450], %gather3A_448 {strides = array<i32>} : memref<512x64xf32, #tpu.memory_space<vmem>>, vector<16xf32>,
      %gather3A_452 = tpu.vector_load_idx %arg7[%broadcast_in_dim3A_440, %add3A_88, %broadcast_in_dim3A_443] : memref<4x64x128xf32, #tpu.memory_space<vmem>>[vector<16xi32>, vector<16xi32>, vector<16xi32>], vector<16xf32>,
      %swap3A_453 = arith.index_cast %add3A_447 : i32 to index
      %swap3A_454 = arith.constant 16 : index
      %swap3A_455 = tpu.vector_load %arg8[%swap3A_453, %swap3A_454] {strides = array<i32>} : memref<512x64xf32, #tpu.memory_space<vmem>>, vector<16xf32>,
      tpu.vector_store %arg8[%swap3A_453, %swap3A_454], %gather3A_452 {strides = array<i32>} : memref<512x64xf32, #tpu.memory_space<vmem>>, vector<16xf32>,
      %gather3A_456 = tpu.vector_load_idx %arg7[%broadcast_in_dim3A_440, %add3A_92, %broadcast_in_dim3A_443] : memref<4x64x128xf32, #tpu.memory_space<vmem>>[vector<16xi32>, vector<16xi32>, vector<16xi32>], vector<16xf32>,
      %swap3A_457 = arith.index_cast %add3A_447 : i32 to index
      %swap3A_458 = arith.constant 32 : index
      %swap3A_459 = tpu.vector_load %arg8[%swap3A_457, %swap3A_458] {strides = array<i32>} : memref<512x64xf32, #tpu.memory_space<vmem>>, vector<16xf32>,
      tpu.vector_store %arg8[%swap3A_457, %swap3A_458], %gather3A_456 {strides = array<i32>} : memref<512x64xf32, #tpu.memory_space<vmem>>, vector<16xf32>,
      %gather3A_460 = tpu.vector_load_idx %arg7[%broadcast_in_dim3A_440, %add3A_96, %broadcast_in_dim3A_443] : memref<4x64x128xf32, #tpu.memory_space<vmem>>[vector<16xi32>, vector<16xi32>, vector<16xi32>], vector<16xf32>,
      %swap3A_461 = arith.index_cast %add3A_447 : i32 to index
      %swap3A_462 = arith.constant 48 : index
      %swap3A_463 = tpu.vector_load %arg8[%swap3A_461, %swap3A_462] {strides = array<i32>} : memref<512x64xf32, #tpu.memory_space<vmem>>, vector<16xf32>,
      tpu.vector_store %arg8[%swap3A_461, %swap3A_462], %gather3A_460 {strides = array<i32>} : memref<512x64xf32, #tpu.memory_space<vmem>>, vector<16xf32>,
      %slice3A_464 = vector.extract_strided_slice %shift_right_arithmetic3A_157 {offsets = [7], sizes = [1], strides = [1]} : vector<16xi32> to vector<1xi32>
      %squeeze3A_465 = vector.extract %slice3A_464[0] : i32 from vector<1xi32>
      %ne3A_466 = arith.cmpi ne, %squeeze3A_465, %squeeze3A_421 : i32
      %add3A_467 = arith.constant 1 : i32
      %add3A_468 = arith.addi %select_n3A_425, %add3A_467 : i32
      %select_n3A_469 = arith.select %ne3A_466, %add3A_468, %select_n3A_425 : i32
      %eq3A_470 = arith.constant 2 : i32
      %eq3A_471 = arith.cmpi eq, %select_n3A_432, %eq3A_470 : i32
      %add3A_472 = arith.constant 1 : i32
      %add3A_473 = arith.addi %select_n3A_432, %add3A_472 : i32
      %jit3A_474 = arith.constant 0 : i32
      %select_n3A_475 = arith.select %eq3A_471, %jit3A_474, %add3A_473 : i32
      %select_n3A_476 = arith.select %ne3A_466, %select_n3A_475, %select_n3A_432 : i32
      %eq3A_477 = arith.constant 7812 : i32
      %eq3A_478 = arith.cmpi eq, %squeeze3A_465, %eq3A_477 : i32
      %jit3A_479 = arith.constant 3 : i32
      %select_n3A_480 = arith.select %eq3A_478, %jit3A_479, %select_n3A_476 : i32
      %convert_element_type3A_481 = arith.extui %ne3A_466 : i1 to i32
      %cond3A_482 = arith.constant 0 : i32
      %cond3A_483 = arith.cmpi ne, %convert_element_type3A_481, %cond3A_482 : i32
      scf.if %cond3A_483 {
        %add3A_860 = arith.constant 2 : i32
        %add3A_861 = arith.addi %select_n3A_469, %add3A_860 : i32
        %get3A_862 = arith.index_cast %add3A_861 : i32 to index
        %get3A_863 = memref.load %arg9[%get3A_862] : memref<520xi32, #tpu.memory_space<smem>>
        %eq3A_864 = arith.constant 2 : i32
        %eq3A_865 = arith.cmpi eq, %select_n3A_476, %eq3A_864 : i32
        %add3A_866 = arith.constant 1 : i32
        %add3A_867 = arith.addi %select_n3A_476, %add3A_866 : i32
        %jit3A_868 = arith.constant 0 : i32
        %select_n3A_869 = arith.select %eq3A_865, %jit3A_868, %add3A_867 : i32
        %eq3A_870 = arith.constant 2 : i32
        %eq3A_871 = arith.cmpi eq, %select_n3A_869, %eq3A_870 : i32
        %add3A_872 = arith.constant 1 : i32
        %add3A_873 = arith.addi %select_n3A_869, %add3A_872 : i32
        %jit3A_874 = arith.constant 0 : i32
        %select_n3A_875 = arith.select %eq3A_871, %jit3A_874, %add3A_873 : i32
        %eq3A_876 = arith.constant 7812 : i32
        %eq3A_877 = arith.cmpi eq, %get3A_863, %eq3A_876 : i32
        %jit3A_878 = arith.constant 3 : i32
        %select_n3A_879 = arith.select %eq3A_877, %jit3A_878, %select_n3A_875 : i32
        %eq3A_880 = arith.constant 7812 : i32
        %eq3A_881 = arith.cmpi eq, %get3A_863, %eq3A_880 : i32
        %mul3A_882 = arith.constant 128 : i32
        %mul3A_883 = arith.muli %get3A_863, %mul3A_882 : i32
        %multiple_of3A_884 = tpu.assume_multiple %mul3A_883, 128 : i32
        %eq3A_885 = arith.constant 0 : i32
        %eq3A_886 = arith.cmpi eq, %select_n3A_879, %eq3A_885 : i32
        %not3A_887 = arith.constant true
        %not3A_888 = arith.xori %eq3A_881, %not3A_887 : i1
        %and3A_889 = arith.andi %eq3A_886, %not3A_888 : i1
        %convert_element_type3A_890 = arith.extui %and3A_889 : i1 to i32
        %cond3A_891 = arith.constant 0 : i32
        %cond3A_892 = arith.cmpi ne, %convert_element_type3A_890, %cond3A_891 : i32
        scf.if %cond3A_892 {
          %dma_start3A = arith.constant 0 : i32
          %dma_start3A_924 = arith.constant 0 : i32
          %dma_start3A_925 = arith.constant 0 : i32
          %dma_start3A_926 = tpu.memref_slice %arg7[%dma_start3A, %dma_start3A_924, %dma_start3A_925] : memref<4x64x128xf32, #tpu.memory_space<vmem>> -> memref<1x64x128xf32, #tpu.memory_space<vmem>>
          %dma_start3A_927 = tpu.memref_squeeze %dma_start3A_926 : memref<1x64x128xf32, #tpu.memory_space<vmem>> -> memref<64x128xf32, #tpu.memory_space<vmem>>
          %dma_start3A_928 = arith.constant 0 : i32
          %dma_start3A_929 = tpu.memref_slice %arg2[%dma_start3A_928, %multiple_of3A_884] : memref<64x1000000xf32, #tpu.memory_space<hbm>> -> memref<64x128xf32, #tpu.memory_space<hbm>>
          %dma_start3A_930 = arith.constant 0 : i32
          %dma_start3A_931 = arith.constant 0 : i32
          %dma_start3A_932 = tpu.memref_slice %arg7[%dma_start3A, %dma_start3A_930, %dma_start3A_931] : memref<4x64x128xf32, #tpu.memory_space<vmem>> -> memref<1x64x128xf32, #tpu.memory_space<vmem>>
          %dma_start3A_933 = tpu.memref_squeeze %dma_start3A_932 : memref<1x64x128xf32, #tpu.memory_space<vmem>> -> memref<64x128xf32, #tpu.memory_space<vmem>>
          %dma_start3A_934 = arith.constant 0 : i32
          %dma_start3A_935 = tpu.memref_slice %arg2[%dma_start3A_934, %multiple_of3A_884] : memref<64x1000000xf32, #tpu.memory_space<hbm>> -> memref<64x128xf32, #tpu.memory_space<hbm>>
          tpu.enqueue_dma source(%dma_start3A_935 : memref<64x128xf32, #tpu.memory_space<hbm>>) target(%dma_start3A_933 : memref<64x128xf32, #tpu.memory_space<vmem>>) target_semaphore(%arg10 : memref<!tpu.dma_semaphore, #tpu.memory_space<semaphore_mem>>)
        } else {
        }
        %eq3A_893 = arith.constant 1 : i32
        %eq3A_894 = arith.cmpi eq, %select_n3A_879, %eq3A_893 : i32
        %not3A_895 = arith.constant true
        %not3A_896 = arith.xori %eq3A_881, %not3A_895 : i1
        %and3A_897 = arith.andi %eq3A_894, %not3A_896 : i1
        %convert_element_type3A_898 = arith.extui %and3A_897 : i1 to i32
        %cond3A_899 = arith.constant 0 : i32
        %cond3A_900 = arith.cmpi ne, %convert_element_type3A_898, %cond3A_899 : i32
        scf.if %cond3A_900 {
          %dma_start3A = arith.constant 1 : i32
          %dma_start3A_924 = arith.constant 0 : i32
          %dma_start3A_925 = arith.constant 0 : i32
          %dma_start3A_926 = tpu.memref_slice %arg7[%dma_start3A, %dma_start3A_924, %dma_start3A_925] : memref<4x64x128xf32, #tpu.memory_space<vmem>> -> memref<1x64x128xf32, #tpu.memory_space<vmem>>
          %dma_start3A_927 = tpu.memref_squeeze %dma_start3A_926 : memref<1x64x128xf32, #tpu.memory_space<vmem>> -> memref<64x128xf32, #tpu.memory_space<vmem>>
          %dma_start3A_928 = arith.constant 0 : i32
          %dma_start3A_929 = tpu.memref_slice %arg2[%dma_start3A_928, %multiple_of3A_884] : memref<64x1000000xf32, #tpu.memory_space<hbm>> -> memref<64x128xf32, #tpu.memory_space<hbm>>
          %dma_start3A_930 = arith.constant 0 : i32
          %dma_start3A_931 = arith.constant 0 : i32
          %dma_start3A_932 = tpu.memref_slice %arg7[%dma_start3A, %dma_start3A_930, %dma_start3A_931] : memref<4x64x128xf32, #tpu.memory_space<vmem>> -> memref<1x64x128xf32, #tpu.memory_space<vmem>>
          %dma_start3A_933 = tpu.memref_squeeze %dma_start3A_932 : memref<1x64x128xf32, #tpu.memory_space<vmem>> -> memref<64x128xf32, #tpu.memory_space<vmem>>
          %dma_start3A_934 = arith.constant 0 : i32
          %dma_start3A_935 = tpu.memref_slice %arg2[%dma_start3A_934, %multiple_of3A_884] : memref<64x1000000xf32, #tpu.memory_space<hbm>> -> memref<64x128xf32, #tpu.memory_space<hbm>>
          tpu.enqueue_dma source(%dma_start3A_935 : memref<64x128xf32, #tpu.memory_space<hbm>>) target(%dma_start3A_933 : memref<64x128xf32, #tpu.memory_space<vmem>>) target_semaphore(%arg11 : memref<!tpu.dma_semaphore, #tpu.memory_space<semaphore_mem>>)
        } else {
        }
        %eq3A_901 = arith.constant 2 : i32
        %eq3A_902 = arith.cmpi eq, %select_n3A_879, %eq3A_901 : i32
        %not3A_903 = arith.constant true
        %not3A_904 = arith.xori %eq3A_881, %not3A_903 : i1
        %and3A_905 = arith.andi %eq3A_902, %not3A_904 : i1
        %convert_element_type3A_906 = arith.extui %and3A_905 : i1 to i32
        %cond3A_907 = arith.constant 0 : i32
        %cond3A_908 = arith.cmpi ne, %convert_element_type3A_906, %cond3A_907 : i32
        scf.if %cond3A_908 {
          %dma_start3A = arith.constant 2 : i32
          %dma_start3A_924 = arith.constant 0 : i32
          %dma_start3A_925 = arith.constant 0 : i32
          %dma_start3A_926 = tpu.memref_slice %arg7[%dma_start3A, %dma_start3A_924, %dma_start3A_925] : memref<4x64x128xf32, #tpu.memory_space<vmem>> -> memref<1x64x128xf32, #tpu.memory_space<vmem>>
          %dma_start3A_927 = tpu.memref_squeeze %dma_start3A_926 : memref<1x64x128xf32, #tpu.memory_space<vmem>> -> memref<64x128xf32, #tpu.memory_space<vmem>>
          %dma_start3A_928 = arith.constant 0 : i32
          %dma_start3A_929 = tpu.memref_slice %arg2[%dma_start3A_928, %multiple_of3A_884] : memref<64x1000000xf32, #tpu.memory_space<hbm>> -> memref<64x128xf32, #tpu.memory_space<hbm>>
          %dma_start3A_930 = arith.constant 0 : i32
          %dma_start3A_931 = arith.constant 0 : i32
          %dma_start3A_932 = tpu.memref_slice %arg7[%dma_start3A, %dma_start3A_930, %dma_start3A_931] : memref<4x64x128xf32, #tpu.memory_space<vmem>> -> memref<1x64x128xf32, #tpu.memory_space<vmem>>
          %dma_start3A_933 = tpu.memref_squeeze %dma_start3A_932 : memref<1x64x128xf32, #tpu.memory_space<vmem>> -> memref<64x128xf32, #tpu.memory_space<vmem>>
          %dma_start3A_934 = arith.constant 0 : i32
          %dma_start3A_935 = tpu.memref_slice %arg2[%dma_start3A_934, %multiple_of3A_884] : memref<64x1000000xf32, #tpu.memory_space<hbm>> -> memref<64x128xf32, #tpu.memory_space<hbm>>
          tpu.enqueue_dma source(%dma_start3A_935 : memref<64x128xf32, #tpu.memory_space<hbm>>) target(%dma_start3A_933 : memref<64x128xf32, #tpu.memory_space<vmem>>) target_semaphore(%arg12 : memref<!tpu.dma_semaphore, #tpu.memory_space<semaphore_mem>>)
        } else {
        }
        %eq3A_909 = arith.constant 0 : i32
        %eq3A_910 = arith.cmpi eq, %select_n3A_480, %eq3A_909 : i32
        %convert_element_type3A_911 = arith.extui %eq3A_910 : i1 to i32
        %cond3A_912 = arith.constant 0 : i32
        %cond3A_913 = arith.cmpi ne, %convert_element_type3A_911, %cond3A_912 : i32
        scf.if %cond3A_913 {
          %dma_wait3A = arith.constant 0 : i32
          %dma_wait3A_924 = arith.constant 0 : i32
          %dma_wait3A_925 = arith.constant 0 : i32
          %dma_wait3A_926 = tpu.memref_slice %arg7[%dma_wait3A, %dma_wait3A_924, %dma_wait3A_925] : memref<4x64x128xf32, #tpu.memory_space<vmem>> -> memref<1x64x128xf32, #tpu.memory_space<vmem>>
          %dma_wait3A_927 = tpu.memref_squeeze %dma_wait3A_926 : memref<1x64x128xf32, #tpu.memory_space<vmem>> -> memref<64x128xf32, #tpu.memory_space<vmem>>
          %dma_wait3A_928 = arith.constant 0 : i32
          %dma_wait3A_929 = arith.constant 0 : i32
          %dma_wait3A_930 = tpu.memref_slice %arg2[%dma_wait3A_928, %dma_wait3A_929] : memref<64x1000000xf32, #tpu.memory_space<hbm>> -> memref<64x128xf32, #tpu.memory_space<hbm>>
          %dma_wait3A_931 = arith.constant 0 : i32
          %dma_wait3A_932 = arith.constant 0 : i32
          %dma_wait3A_933 = tpu.memref_slice %arg7[%dma_wait3A, %dma_wait3A_931, %dma_wait3A_932] : memref<4x64x128xf32, #tpu.memory_space<vmem>> -> memref<1x64x128xf32, #tpu.memory_space<vmem>>
          %dma_wait3A_934 = tpu.memref_squeeze %dma_wait3A_933 : memref<1x64x128xf32, #tpu.memory_space<vmem>> -> memref<64x128xf32, #tpu.memory_space<vmem>>
          %dma_wait3A_935 = arith.constant 0 : i32
          %dma_wait3A_936 = arith.constant 0 : i32
          %dma_wait3A_937 = tpu.memref_slice %arg2[%dma_wait3A_935, %dma_wait3A_936] : memref<64x1000000xf32, #tpu.memory_space<hbm>> -> memref<64x128xf32, #tpu.memory_space<hbm>>
          tpu.wait_dma2 semaphore(%arg10 : memref<!tpu.dma_semaphore, #tpu.memory_space<semaphore_mem>>) src(%dma_wait3A_937 : memref<64x128xf32, #tpu.memory_space<hbm>>) dst(%dma_wait3A_934 : memref<64x128xf32, #tpu.memory_space<vmem>>)
        } else {
        }
        %eq3A_914 = arith.constant 1 : i32
        %eq3A_915 = arith.cmpi eq, %select_n3A_480, %eq3A_914 : i32
        %convert_element_type3A_916 = arith.extui %eq3A_915 : i1 to i32
        %cond3A_917 = arith.constant 0 : i32
        %cond3A_918 = arith.cmpi ne, %convert_element_type3A_916, %cond3A_917 : i32
        scf.if %cond3A_918 {
          %dma_wait3A = arith.constant 1 : i32
          %dma_wait3A_924 = arith.constant 0 : i32
          %dma_wait3A_925 = arith.constant 0 : i32
          %dma_wait3A_926 = tpu.memref_slice %arg7[%dma_wait3A, %dma_wait3A_924, %dma_wait3A_925] : memref<4x64x128xf32, #tpu.memory_space<vmem>> -> memref<1x64x128xf32, #tpu.memory_space<vmem>>
          %dma_wait3A_927 = tpu.memref_squeeze %dma_wait3A_926 : memref<1x64x128xf32, #tpu.memory_space<vmem>> -> memref<64x128xf32, #tpu.memory_space<vmem>>
          %dma_wait3A_928 = arith.constant 0 : i32
          %dma_wait3A_929 = arith.constant 0 : i32
          %dma_wait3A_930 = tpu.memref_slice %arg2[%dma_wait3A_928, %dma_wait3A_929] : memref<64x1000000xf32, #tpu.memory_space<hbm>> -> memref<64x128xf32, #tpu.memory_space<hbm>>
          %dma_wait3A_931 = arith.constant 0 : i32
          %dma_wait3A_932 = arith.constant 0 : i32
          %dma_wait3A_933 = tpu.memref_slice %arg7[%dma_wait3A, %dma_wait3A_931, %dma_wait3A_932] : memref<4x64x128xf32, #tpu.memory_space<vmem>> -> memref<1x64x128xf32, #tpu.memory_space<vmem>>
          %dma_wait3A_934 = tpu.memref_squeeze %dma_wait3A_933 : memref<1x64x128xf32, #tpu.memory_space<vmem>> -> memref<64x128xf32, #tpu.memory_space<vmem>>
          %dma_wait3A_935 = arith.constant 0 : i32
          %dma_wait3A_936 = arith.constant 0 : i32
          %dma_wait3A_937 = tpu.memref_slice %arg2[%dma_wait3A_935, %dma_wait3A_936] : memref<64x1000000xf32, #tpu.memory_space<hbm>> -> memref<64x128xf32, #tpu.memory_space<hbm>>
          tpu.wait_dma2 semaphore(%arg11 : memref<!tpu.dma_semaphore, #tpu.memory_space<semaphore_mem>>) src(%dma_wait3A_937 : memref<64x128xf32, #tpu.memory_space<hbm>>) dst(%dma_wait3A_934 : memref<64x128xf32, #tpu.memory_space<vmem>>)
        } else {
        }
        %eq3A_919 = arith.constant 2 : i32
        %eq3A_920 = arith.cmpi eq, %select_n3A_480, %eq3A_919 : i32
        %convert_element_type3A_921 = arith.extui %eq3A_920 : i1 to i32
        %cond3A_922 = arith.constant 0 : i32
        %cond3A_923 = arith.cmpi ne, %convert_element_type3A_921, %cond3A_922 : i32
        scf.if %cond3A_923 {
          %dma_wait3A = arith.constant 2 : i32
          %dma_wait3A_924 = arith.constant 0 : i32
          %dma_wait3A_925 = arith.constant 0 : i32
          %dma_wait3A_926 = tpu.memref_slice %arg7[%dma_wait3A, %dma_wait3A_924, %dma_wait3A_925] : memref<4x64x128xf32, #tpu.memory_space<vmem>> -> memref<1x64x128xf32, #tpu.memory_space<vmem>>
          %dma_wait3A_927 = tpu.memref_squeeze %dma_wait3A_926 : memref<1x64x128xf32, #tpu.memory_space<vmem>> -> memref<64x128xf32, #tpu.memory_space<vmem>>
          %dma_wait3A_928 = arith.constant 0 : i32
          %dma_wait3A_929 = arith.constant 0 : i32
          %dma_wait3A_930 = tpu.memref_slice %arg2[%dma_wait3A_928, %dma_wait3A_929] : memref<64x1000000xf32, #tpu.memory_space<hbm>> -> memref<64x128xf32, #tpu.memory_space<hbm>>
          %dma_wait3A_931 = arith.constant 0 : i32
          %dma_wait3A_932 = arith.constant 0 : i32
          %dma_wait3A_933 = tpu.memref_slice %arg7[%dma_wait3A, %dma_wait3A_931, %dma_wait3A_932] : memref<4x64x128xf32, #tpu.memory_space<vmem>> -> memref<1x64x128xf32, #tpu.memory_space<vmem>>
          %dma_wait3A_934 = tpu.memref_squeeze %dma_wait3A_933 : memref<1x64x128xf32, #tpu.memory_space<vmem>> -> memref<64x128xf32, #tpu.memory_space<vmem>>
          %dma_wait3A_935 = arith.constant 0 : i32
          %dma_wait3A_936 = arith.constant 0 : i32
          %dma_wait3A_937 = tpu.memref_slice %arg2[%dma_wait3A_935, %dma_wait3A_936] : memref<64x1000000xf32, #tpu.memory_space<hbm>> -> memref<64x128xf32, #tpu.memory_space<hbm>>
          tpu.wait_dma2 semaphore(%arg12 : memref<!tpu.dma_semaphore, #tpu.memory_space<semaphore_mem>>) src(%dma_wait3A_937 : memref<64x128xf32, #tpu.memory_space<hbm>>) dst(%dma_wait3A_934 : memref<64x128xf32, #tpu.memory_space<vmem>>)
        } else {
        }
      } else {
      }
      %broadcast_in_dim3A_484 = vector.broadcast %select_n3A_480 : i32 to vector<16xi32>
      %slice3A_485 = vector.extract_strided_slice %and3A_160 {offsets = [7], sizes = [1], strides = [1]} : vector<16xi32> to vector<1xi32>
      %squeeze3A_486 = vector.extract %slice3A_485[0] : i32 from vector<1xi32>
      %broadcast_in_dim3A_487 = vector.broadcast %squeeze3A_486 : i32 to vector<16xi32>
      %mul3A_488 = arith.constant 16 : i32
      %mul3A_489 = arith.muli %scan3A_143, %mul3A_488 : i32
      %add3A_490 = arith.constant 7 : i32
      %add3A_491 = arith.addi %mul3A_489, %add3A_490 : i32
      %gather3A_492 = tpu.vector_load_idx %arg7[%broadcast_in_dim3A_484, %add3A_84, %broadcast_in_dim3A_487] : memref<4x64x128xf32, #tpu.memory_space<vmem>>[vector<16xi32>, vector<16xi32>, vector<16xi32>], vector<16xf32>,
      %swap3A_493 = arith.index_cast %add3A_491 : i32 to index
      %swap3A_494 = arith.constant 0 : index
      %swap3A_495 = tpu.vector_load %arg8[%swap3A_493, %swap3A_494] {strides = array<i32>} : memref<512x64xf32, #tpu.memory_space<vmem>>, vector<16xf32>,
      tpu.vector_store %arg8[%swap3A_493, %swap3A_494], %gather3A_492 {strides = array<i32>} : memref<512x64xf32, #tpu.memory_space<vmem>>, vector<16xf32>,
      %gather3A_496 = tpu.vector_load_idx %arg7[%broadcast_in_dim3A_484, %add3A_88, %broadcast_in_dim3A_487] : memref<4x64x128xf32, #tpu.memory_space<vmem>>[vector<16xi32>, vector<16xi32>, vector<16xi32>], vector<16xf32>,
      %swap3A_497 = arith.index_cast %add3A_491 : i32 to index
      %swap3A_498 = arith.constant 16 : index
      %swap3A_499 = tpu.vector_load %arg8[%swap3A_497, %swap3A_498] {strides = array<i32>} : memref<512x64xf32, #tpu.memory_space<vmem>>, vector<16xf32>,
      tpu.vector_store %arg8[%swap3A_497, %swap3A_498], %gather3A_496 {strides = array<i32>} : memref<512x64xf32, #tpu.memory_space<vmem>>, vector<16xf32>,
      %gather3A_500 = tpu.vector_load_idx %arg7[%broadcast_in_dim3A_484, %add3A_92, %broadcast_in_dim3A_487] : memref<4x64x128xf32, #tpu.memory_space<vmem>>[vector<16xi32>, vector<16xi32>, vector<16xi32>], vector<16xf32>,
      %swap3A_501 = arith.index_cast %add3A_491 : i32 to index
      %swap3A_502 = arith.constant 32 : index
      %swap3A_503 = tpu.vector_load %arg8[%swap3A_501, %swap3A_502] {strides = array<i32>} : memref<512x64xf32, #tpu.memory_space<vmem>>, vector<16xf32>,
      tpu.vector_store %arg8[%swap3A_501, %swap3A_502], %gather3A_500 {strides = array<i32>} : memref<512x64xf32, #tpu.memory_space<vmem>>, vector<16xf32>,
      %gather3A_504 = tpu.vector_load_idx %arg7[%broadcast_in_dim3A_484, %add3A_96, %broadcast_in_dim3A_487] : memref<4x64x128xf32, #tpu.memory_space<vmem>>[vector<16xi32>, vector<16xi32>, vector<16xi32>], vector<16xf32>,
      %swap3A_505 = arith.index_cast %add3A_491 : i32 to index
      %swap3A_506 = arith.constant 48 : index
      %swap3A_507 = tpu.vector_load %arg8[%swap3A_505, %swap3A_506] {strides = array<i32>} : memref<512x64xf32, #tpu.memory_space<vmem>>, vector<16xf32>,
      tpu.vector_store %arg8[%swap3A_505, %swap3A_506], %gather3A_504 {strides = array<i32>} : memref<512x64xf32, #tpu.memory_space<vmem>>, vector<16xf32>,
      %slice3A_508 = vector.extract_strided_slice %shift_right_arithmetic3A_157 {offsets = [8], sizes = [1], strides = [1]} : vector<16xi32> to vector<1xi32>
      %squeeze3A_509 = vector.extract %slice3A_508[0] : i32 from vector<1xi32>
      %ne3A_510 = arith.cmpi ne, %squeeze3A_509, %squeeze3A_465 : i32
      %add3A_511 = arith.constant 1 : i32
      %add3A_512 = arith.addi %select_n3A_469, %add3A_511 : i32
      %select_n3A_513 = arith.select %ne3A_510, %add3A_512, %select_n3A_469 : i32
      %eq3A_514 = arith.constant 2 : i32
      %eq3A_515 = arith.cmpi eq, %select_n3A_476, %eq3A_514 : i32
      %add3A_516 = arith.constant 1 : i32
      %add3A_517 = arith.addi %select_n3A_476, %add3A_516 : i32
      %jit3A_518 = arith.constant 0 : i32
      %select_n3A_519 = arith.select %eq3A_515, %jit3A_518, %add3A_517 : i32
      %select_n3A_520 = arith.select %ne3A_510, %select_n3A_519, %select_n3A_476 : i32
      %eq3A_521 = arith.constant 7812 : i32
      %eq3A_522 = arith.cmpi eq, %squeeze3A_509, %eq3A_521 : i32
      %jit3A_523 = arith.constant 3 : i32
      %select_n3A_524 = arith.select %eq3A_522, %jit3A_523, %select_n3A_520 : i32
      %convert_element_type3A_525 = arith.extui %ne3A_510 : i1 to i32
      %cond3A_526 = arith.constant 0 : i32
      %cond3A_527 = arith.cmpi ne, %convert_element_type3A_525, %cond3A_526 : i32
      scf.if %cond3A_527 {
        %add3A_860 = arith.constant 2 : i32
        %add3A_861 = arith.addi %select_n3A_513, %add3A_860 : i32
        %get3A_862 = arith.index_cast %add3A_861 : i32 to index
        %get3A_863 = memref.load %arg9[%get3A_862] : memref<520xi32, #tpu.memory_space<smem>>
        %eq3A_864 = arith.constant 2 : i32
        %eq3A_865 = arith.cmpi eq, %select_n3A_520, %eq3A_864 : i32
        %add3A_866 = arith.constant 1 : i32
        %add3A_867 = arith.addi %select_n3A_520, %add3A_866 : i32
        %jit3A_868 = arith.constant 0 : i32
        %select_n3A_869 = arith.select %eq3A_865, %jit3A_868, %add3A_867 : i32
        %eq3A_870 = arith.constant 2 : i32
        %eq3A_871 = arith.cmpi eq, %select_n3A_869, %eq3A_870 : i32
        %add3A_872 = arith.constant 1 : i32
        %add3A_873 = arith.addi %select_n3A_869, %add3A_872 : i32
        %jit3A_874 = arith.constant 0 : i32
        %select_n3A_875 = arith.select %eq3A_871, %jit3A_874, %add3A_873 : i32
        %eq3A_876 = arith.constant 7812 : i32
        %eq3A_877 = arith.cmpi eq, %get3A_863, %eq3A_876 : i32
        %jit3A_878 = arith.constant 3 : i32
        %select_n3A_879 = arith.select %eq3A_877, %jit3A_878, %select_n3A_875 : i32
        %eq3A_880 = arith.constant 7812 : i32
        %eq3A_881 = arith.cmpi eq, %get3A_863, %eq3A_880 : i32
        %mul3A_882 = arith.constant 128 : i32
        %mul3A_883 = arith.muli %get3A_863, %mul3A_882 : i32
        %multiple_of3A_884 = tpu.assume_multiple %mul3A_883, 128 : i32
        %eq3A_885 = arith.constant 0 : i32
        %eq3A_886 = arith.cmpi eq, %select_n3A_879, %eq3A_885 : i32
        %not3A_887 = arith.constant true
        %not3A_888 = arith.xori %eq3A_881, %not3A_887 : i1
        %and3A_889 = arith.andi %eq3A_886, %not3A_888 : i1
        %convert_element_type3A_890 = arith.extui %and3A_889 : i1 to i32
        %cond3A_891 = arith.constant 0 : i32
        %cond3A_892 = arith.cmpi ne, %convert_element_type3A_890, %cond3A_891 : i32
        scf.if %cond3A_892 {
          %dma_start3A = arith.constant 0 : i32
          %dma_start3A_924 = arith.constant 0 : i32
          %dma_start3A_925 = arith.constant 0 : i32
          %dma_start3A_926 = tpu.memref_slice %arg7[%dma_start3A, %dma_start3A_924, %dma_start3A_925] : memref<4x64x128xf32, #tpu.memory_space<vmem>> -> memref<1x64x128xf32, #tpu.memory_space<vmem>>
          %dma_start3A_927 = tpu.memref_squeeze %dma_start3A_926 : memref<1x64x128xf32, #tpu.memory_space<vmem>> -> memref<64x128xf32, #tpu.memory_space<vmem>>
          %dma_start3A_928 = arith.constant 0 : i32
          %dma_start3A_929 = tpu.memref_slice %arg2[%dma_start3A_928, %multiple_of3A_884] : memref<64x1000000xf32, #tpu.memory_space<hbm>> -> memref<64x128xf32, #tpu.memory_space<hbm>>
          %dma_start3A_930 = arith.constant 0 : i32
          %dma_start3A_931 = arith.constant 0 : i32
          %dma_start3A_932 = tpu.memref_slice %arg7[%dma_start3A, %dma_start3A_930, %dma_start3A_931] : memref<4x64x128xf32, #tpu.memory_space<vmem>> -> memref<1x64x128xf32, #tpu.memory_space<vmem>>
          %dma_start3A_933 = tpu.memref_squeeze %dma_start3A_932 : memref<1x64x128xf32, #tpu.memory_space<vmem>> -> memref<64x128xf32, #tpu.memory_space<vmem>>
          %dma_start3A_934 = arith.constant 0 : i32
          %dma_start3A_935 = tpu.memref_slice %arg2[%dma_start3A_934, %multiple_of3A_884] : memref<64x1000000xf32, #tpu.memory_space<hbm>> -> memref<64x128xf32, #tpu.memory_space<hbm>>
          tpu.enqueue_dma source(%dma_start3A_935 : memref<64x128xf32, #tpu.memory_space<hbm>>) target(%dma_start3A_933 : memref<64x128xf32, #tpu.memory_space<vmem>>) target_semaphore(%arg10 : memref<!tpu.dma_semaphore, #tpu.memory_space<semaphore_mem>>)
        } else {
        }
        %eq3A_893 = arith.constant 1 : i32
        %eq3A_894 = arith.cmpi eq, %select_n3A_879, %eq3A_893 : i32
        %not3A_895 = arith.constant true
        %not3A_896 = arith.xori %eq3A_881, %not3A_895 : i1
        %and3A_897 = arith.andi %eq3A_894, %not3A_896 : i1
        %convert_element_type3A_898 = arith.extui %and3A_897 : i1 to i32
        %cond3A_899 = arith.constant 0 : i32
        %cond3A_900 = arith.cmpi ne, %convert_element_type3A_898, %cond3A_899 : i32
        scf.if %cond3A_900 {
          %dma_start3A = arith.constant 1 : i32
          %dma_start3A_924 = arith.constant 0 : i32
          %dma_start3A_925 = arith.constant 0 : i32
          %dma_start3A_926 = tpu.memref_slice %arg7[%dma_start3A, %dma_start3A_924, %dma_start3A_925] : memref<4x64x128xf32, #tpu.memory_space<vmem>> -> memref<1x64x128xf32, #tpu.memory_space<vmem>>
          %dma_start3A_927 = tpu.memref_squeeze %dma_start3A_926 : memref<1x64x128xf32, #tpu.memory_space<vmem>> -> memref<64x128xf32, #tpu.memory_space<vmem>>
          %dma_start3A_928 = arith.constant 0 : i32
          %dma_start3A_929 = tpu.memref_slice %arg2[%dma_start3A_928, %multiple_of3A_884] : memref<64x1000000xf32, #tpu.memory_space<hbm>> -> memref<64x128xf32, #tpu.memory_space<hbm>>
          %dma_start3A_930 = arith.constant 0 : i32
          %dma_start3A_931 = arith.constant 0 : i32
          %dma_start3A_932 = tpu.memref_slice %arg7[%dma_start3A, %dma_start3A_930, %dma_start3A_931] : memref<4x64x128xf32, #tpu.memory_space<vmem>> -> memref<1x64x128xf32, #tpu.memory_space<vmem>>
          %dma_start3A_933 = tpu.memref_squeeze %dma_start3A_932 : memref<1x64x128xf32, #tpu.memory_space<vmem>> -> memref<64x128xf32, #tpu.memory_space<vmem>>
          %dma_start3A_934 = arith.constant 0 : i32
          %dma_start3A_935 = tpu.memref_slice %arg2[%dma_start3A_934, %multiple_of3A_884] : memref<64x1000000xf32, #tpu.memory_space<hbm>> -> memref<64x128xf32, #tpu.memory_space<hbm>>
          tpu.enqueue_dma source(%dma_start3A_935 : memref<64x128xf32, #tpu.memory_space<hbm>>) target(%dma_start3A_933 : memref<64x128xf32, #tpu.memory_space<vmem>>) target_semaphore(%arg11 : memref<!tpu.dma_semaphore, #tpu.memory_space<semaphore_mem>>)
        } else {
        }
        %eq3A_901 = arith.constant 2 : i32
        %eq3A_902 = arith.cmpi eq, %select_n3A_879, %eq3A_901 : i32
        %not3A_903 = arith.constant true
        %not3A_904 = arith.xori %eq3A_881, %not3A_903 : i1
        %and3A_905 = arith.andi %eq3A_902, %not3A_904 : i1
        %convert_element_type3A_906 = arith.extui %and3A_905 : i1 to i32
        %cond3A_907 = arith.constant 0 : i32
        %cond3A_908 = arith.cmpi ne, %convert_element_type3A_906, %cond3A_907 : i32
        scf.if %cond3A_908 {
          %dma_start3A = arith.constant 2 : i32
          %dma_start3A_924 = arith.constant 0 : i32
          %dma_start3A_925 = arith.constant 0 : i32
          %dma_start3A_926 = tpu.memref_slice %arg7[%dma_start3A, %dma_start3A_924, %dma_start3A_925] : memref<4x64x128xf32, #tpu.memory_space<vmem>> -> memref<1x64x128xf32, #tpu.memory_space<vmem>>
          %dma_start3A_927 = tpu.memref_squeeze %dma_start3A_926 : memref<1x64x128xf32, #tpu.memory_space<vmem>> -> memref<64x128xf32, #tpu.memory_space<vmem>>
          %dma_start3A_928 = arith.constant 0 : i32
          %dma_start3A_929 = tpu.memref_slice %arg2[%dma_start3A_928, %multiple_of3A_884] : memref<64x1000000xf32, #tpu.memory_space<hbm>> -> memref<64x128xf32, #tpu.memory_space<hbm>>
          %dma_start3A_930 = arith.constant 0 : i32
          %dma_start3A_931 = arith.constant 0 : i32
          %dma_start3A_932 = tpu.memref_slice %arg7[%dma_start3A, %dma_start3A_930, %dma_start3A_931] : memref<4x64x128xf32, #tpu.memory_space<vmem>> -> memref<1x64x128xf32, #tpu.memory_space<vmem>>
          %dma_start3A_933 = tpu.memref_squeeze %dma_start3A_932 : memref<1x64x128xf32, #tpu.memory_space<vmem>> -> memref<64x128xf32, #tpu.memory_space<vmem>>
          %dma_start3A_934 = arith.constant 0 : i32
          %dma_start3A_935 = tpu.memref_slice %arg2[%dma_start3A_934, %multiple_of3A_884] : memref<64x1000000xf32, #tpu.memory_space<hbm>> -> memref<64x128xf32, #tpu.memory_space<hbm>>
          tpu.enqueue_dma source(%dma_start3A_935 : memref<64x128xf32, #tpu.memory_space<hbm>>) target(%dma_start3A_933 : memref<64x128xf32, #tpu.memory_space<vmem>>) target_semaphore(%arg12 : memref<!tpu.dma_semaphore, #tpu.memory_space<semaphore_mem>>)
        } else {
        }
        %eq3A_909 = arith.constant 0 : i32
        %eq3A_910 = arith.cmpi eq, %select_n3A_524, %eq3A_909 : i32
        %convert_element_type3A_911 = arith.extui %eq3A_910 : i1 to i32
        %cond3A_912 = arith.constant 0 : i32
        %cond3A_913 = arith.cmpi ne, %convert_element_type3A_911, %cond3A_912 : i32
        scf.if %cond3A_913 {
          %dma_wait3A = arith.constant 0 : i32
          %dma_wait3A_924 = arith.constant 0 : i32
          %dma_wait3A_925 = arith.constant 0 : i32
          %dma_wait3A_926 = tpu.memref_slice %arg7[%dma_wait3A, %dma_wait3A_924, %dma_wait3A_925] : memref<4x64x128xf32, #tpu.memory_space<vmem>> -> memref<1x64x128xf32, #tpu.memory_space<vmem>>
          %dma_wait3A_927 = tpu.memref_squeeze %dma_wait3A_926 : memref<1x64x128xf32, #tpu.memory_space<vmem>> -> memref<64x128xf32, #tpu.memory_space<vmem>>
          %dma_wait3A_928 = arith.constant 0 : i32
          %dma_wait3A_929 = arith.constant 0 : i32
          %dma_wait3A_930 = tpu.memref_slice %arg2[%dma_wait3A_928, %dma_wait3A_929] : memref<64x1000000xf32, #tpu.memory_space<hbm>> -> memref<64x128xf32, #tpu.memory_space<hbm>>
          %dma_wait3A_931 = arith.constant 0 : i32
          %dma_wait3A_932 = arith.constant 0 : i32
          %dma_wait3A_933 = tpu.memref_slice %arg7[%dma_wait3A, %dma_wait3A_931, %dma_wait3A_932] : memref<4x64x128xf32, #tpu.memory_space<vmem>> -> memref<1x64x128xf32, #tpu.memory_space<vmem>>
          %dma_wait3A_934 = tpu.memref_squeeze %dma_wait3A_933 : memref<1x64x128xf32, #tpu.memory_space<vmem>> -> memref<64x128xf32, #tpu.memory_space<vmem>>
          %dma_wait3A_935 = arith.constant 0 : i32
          %dma_wait3A_936 = arith.constant 0 : i32
          %dma_wait3A_937 = tpu.memref_slice %arg2[%dma_wait3A_935, %dma_wait3A_936] : memref<64x1000000xf32, #tpu.memory_space<hbm>> -> memref<64x128xf32, #tpu.memory_space<hbm>>
          tpu.wait_dma2 semaphore(%arg10 : memref<!tpu.dma_semaphore, #tpu.memory_space<semaphore_mem>>) src(%dma_wait3A_937 : memref<64x128xf32, #tpu.memory_space<hbm>>) dst(%dma_wait3A_934 : memref<64x128xf32, #tpu.memory_space<vmem>>)
        } else {
        }
        %eq3A_914 = arith.constant 1 : i32
        %eq3A_915 = arith.cmpi eq, %select_n3A_524, %eq3A_914 : i32
        %convert_element_type3A_916 = arith.extui %eq3A_915 : i1 to i32
        %cond3A_917 = arith.constant 0 : i32
        %cond3A_918 = arith.cmpi ne, %convert_element_type3A_916, %cond3A_917 : i32
        scf.if %cond3A_918 {
          %dma_wait3A = arith.constant 1 : i32
          %dma_wait3A_924 = arith.constant 0 : i32
          %dma_wait3A_925 = arith.constant 0 : i32
          %dma_wait3A_926 = tpu.memref_slice %arg7[%dma_wait3A, %dma_wait3A_924, %dma_wait3A_925] : memref<4x64x128xf32, #tpu.memory_space<vmem>> -> memref<1x64x128xf32, #tpu.memory_space<vmem>>
          %dma_wait3A_927 = tpu.memref_squeeze %dma_wait3A_926 : memref<1x64x128xf32, #tpu.memory_space<vmem>> -> memref<64x128xf32, #tpu.memory_space<vmem>>
          %dma_wait3A_928 = arith.constant 0 : i32
          %dma_wait3A_929 = arith.constant 0 : i32
          %dma_wait3A_930 = tpu.memref_slice %arg2[%dma_wait3A_928, %dma_wait3A_929] : memref<64x1000000xf32, #tpu.memory_space<hbm>> -> memref<64x128xf32, #tpu.memory_space<hbm>>
          %dma_wait3A_931 = arith.constant 0 : i32
          %dma_wait3A_932 = arith.constant 0 : i32
          %dma_wait3A_933 = tpu.memref_slice %arg7[%dma_wait3A, %dma_wait3A_931, %dma_wait3A_932] : memref<4x64x128xf32, #tpu.memory_space<vmem>> -> memref<1x64x128xf32, #tpu.memory_space<vmem>>
          %dma_wait3A_934 = tpu.memref_squeeze %dma_wait3A_933 : memref<1x64x128xf32, #tpu.memory_space<vmem>> -> memref<64x128xf32, #tpu.memory_space<vmem>>
          %dma_wait3A_935 = arith.constant 0 : i32
          %dma_wait3A_936 = arith.constant 0 : i32
          %dma_wait3A_937 = tpu.memref_slice %arg2[%dma_wait3A_935, %dma_wait3A_936] : memref<64x1000000xf32, #tpu.memory_space<hbm>> -> memref<64x128xf32, #tpu.memory_space<hbm>>
          tpu.wait_dma2 semaphore(%arg11 : memref<!tpu.dma_semaphore, #tpu.memory_space<semaphore_mem>>) src(%dma_wait3A_937 : memref<64x128xf32, #tpu.memory_space<hbm>>) dst(%dma_wait3A_934 : memref<64x128xf32, #tpu.memory_space<vmem>>)
        } else {
        }
        %eq3A_919 = arith.constant 2 : i32
        %eq3A_920 = arith.cmpi eq, %select_n3A_524, %eq3A_919 : i32
        %convert_element_type3A_921 = arith.extui %eq3A_920 : i1 to i32
        %cond3A_922 = arith.constant 0 : i32
        %cond3A_923 = arith.cmpi ne, %convert_element_type3A_921, %cond3A_922 : i32
        scf.if %cond3A_923 {
          %dma_wait3A = arith.constant 2 : i32
          %dma_wait3A_924 = arith.constant 0 : i32
          %dma_wait3A_925 = arith.constant 0 : i32
          %dma_wait3A_926 = tpu.memref_slice %arg7[%dma_wait3A, %dma_wait3A_924, %dma_wait3A_925] : memref<4x64x128xf32, #tpu.memory_space<vmem>> -> memref<1x64x128xf32, #tpu.memory_space<vmem>>
          %dma_wait3A_927 = tpu.memref_squeeze %dma_wait3A_926 : memref<1x64x128xf32, #tpu.memory_space<vmem>> -> memref<64x128xf32, #tpu.memory_space<vmem>>
          %dma_wait3A_928 = arith.constant 0 : i32
          %dma_wait3A_929 = arith.constant 0 : i32
          %dma_wait3A_930 = tpu.memref_slice %arg2[%dma_wait3A_928, %dma_wait3A_929] : memref<64x1000000xf32, #tpu.memory_space<hbm>> -> memref<64x128xf32, #tpu.memory_space<hbm>>
          %dma_wait3A_931 = arith.constant 0 : i32
          %dma_wait3A_932 = arith.constant 0 : i32
          %dma_wait3A_933 = tpu.memref_slice %arg7[%dma_wait3A, %dma_wait3A_931, %dma_wait3A_932] : memref<4x64x128xf32, #tpu.memory_space<vmem>> -> memref<1x64x128xf32, #tpu.memory_space<vmem>>
          %dma_wait3A_934 = tpu.memref_squeeze %dma_wait3A_933 : memref<1x64x128xf32, #tpu.memory_space<vmem>> -> memref<64x128xf32, #tpu.memory_space<vmem>>
          %dma_wait3A_935 = arith.constant 0 : i32
          %dma_wait3A_936 = arith.constant 0 : i32
          %dma_wait3A_937 = tpu.memref_slice %arg2[%dma_wait3A_935, %dma_wait3A_936] : memref<64x1000000xf32, #tpu.memory_space<hbm>> -> memref<64x128xf32, #tpu.memory_space<hbm>>
          tpu.wait_dma2 semaphore(%arg12 : memref<!tpu.dma_semaphore, #tpu.memory_space<semaphore_mem>>) src(%dma_wait3A_937 : memref<64x128xf32, #tpu.memory_space<hbm>>) dst(%dma_wait3A_934 : memref<64x128xf32, #tpu.memory_space<vmem>>)
        } else {
        }
      } else {
      }
      %broadcast_in_dim3A_528 = vector.broadcast %select_n3A_524 : i32 to vector<16xi32>
      %slice3A_529 = vector.extract_strided_slice %and3A_160 {offsets = [8], sizes = [1], strides = [1]} : vector<16xi32> to vector<1xi32>
      %squeeze3A_530 = vector.extract %slice3A_529[0] : i32 from vector<1xi32>
      %broadcast_in_dim3A_531 = vector.broadcast %squeeze3A_530 : i32 to vector<16xi32>
      %mul3A_532 = arith.constant 16 : i32
      %mul3A_533 = arith.muli %scan3A_143, %mul3A_532 : i32
      %add3A_534 = arith.constant 8 : i32
      %add3A_535 = arith.addi %mul3A_533, %add3A_534 : i32
      %gather3A_536 = tpu.vector_load_idx %arg7[%broadcast_in_dim3A_528, %add3A_84, %broadcast_in_dim3A_531] : memref<4x64x128xf32, #tpu.memory_space<vmem>>[vector<16xi32>, vector<16xi32>, vector<16xi32>], vector<16xf32>,
      %swap3A_537 = arith.index_cast %add3A_535 : i32 to index
      %swap3A_538 = arith.constant 0 : index
      %swap3A_539 = tpu.vector_load %arg8[%swap3A_537, %swap3A_538] {strides = array<i32>} : memref<512x64xf32, #tpu.memory_space<vmem>>, vector<16xf32>,
      tpu.vector_store %arg8[%swap3A_537, %swap3A_538], %gather3A_536 {strides = array<i32>} : memref<512x64xf32, #tpu.memory_space<vmem>>, vector<16xf32>,
      %gather3A_540 = tpu.vector_load_idx %arg7[%broadcast_in_dim3A_528, %add3A_88, %broadcast_in_dim3A_531] : memref<4x64x128xf32, #tpu.memory_space<vmem>>[vector<16xi32>, vector<16xi32>, vector<16xi32>], vector<16xf32>,
      %swap3A_541 = arith.index_cast %add3A_535 : i32 to index
      %swap3A_542 = arith.constant 16 : index
      %swap3A_543 = tpu.vector_load %arg8[%swap3A_541, %swap3A_542] {strides = array<i32>} : memref<512x64xf32, #tpu.memory_space<vmem>>, vector<16xf32>,
      tpu.vector_store %arg8[%swap3A_541, %swap3A_542], %gather3A_540 {strides = array<i32>} : memref<512x64xf32, #tpu.memory_space<vmem>>, vector<16xf32>,
      %gather3A_544 = tpu.vector_load_idx %arg7[%broadcast_in_dim3A_528, %add3A_92, %broadcast_in_dim3A_531] : memref<4x64x128xf32, #tpu.memory_space<vmem>>[vector<16xi32>, vector<16xi32>, vector<16xi32>], vector<16xf32>,
      %swap3A_545 = arith.index_cast %add3A_535 : i32 to index
      %swap3A_546 = arith.constant 32 : index
      %swap3A_547 = tpu.vector_load %arg8[%swap3A_545, %swap3A_546] {strides = array<i32>} : memref<512x64xf32, #tpu.memory_space<vmem>>, vector<16xf32>,
      tpu.vector_store %arg8[%swap3A_545, %swap3A_546], %gather3A_544 {strides = array<i32>} : memref<512x64xf32, #tpu.memory_space<vmem>>, vector<16xf32>,
      %gather3A_548 = tpu.vector_load_idx %arg7[%broadcast_in_dim3A_528, %add3A_96, %broadcast_in_dim3A_531] : memref<4x64x128xf32, #tpu.memory_space<vmem>>[vector<16xi32>, vector<16xi32>, vector<16xi32>], vector<16xf32>,
      %swap3A_549 = arith.index_cast %add3A_535 : i32 to index
      %swap3A_550 = arith.constant 48 : index
      %swap3A_551 = tpu.vector_load %arg8[%swap3A_549, %swap3A_550] {strides = array<i32>} : memref<512x64xf32, #tpu.memory_space<vmem>>, vector<16xf32>,
      tpu.vector_store %arg8[%swap3A_549, %swap3A_550], %gather3A_548 {strides = array<i32>} : memref<512x64xf32, #tpu.memory_space<vmem>>, vector<16xf32>,
      %slice3A_552 = vector.extract_strided_slice %shift_right_arithmetic3A_157 {offsets = [9], sizes = [1], strides = [1]} : vector<16xi32> to vector<1xi32>
      %squeeze3A_553 = vector.extract %slice3A_552[0] : i32 from vector<1xi32>
      %ne3A_554 = arith.cmpi ne, %squeeze3A_553, %squeeze3A_509 : i32
      %add3A_555 = arith.constant 1 : i32
      %add3A_556 = arith.addi %select_n3A_513, %add3A_555 : i32
      %select_n3A_557 = arith.select %ne3A_554, %add3A_556, %select_n3A_513 : i32
      %eq3A_558 = arith.constant 2 : i32
      %eq3A_559 = arith.cmpi eq, %select_n3A_520, %eq3A_558 : i32
      %add3A_560 = arith.constant 1 : i32
      %add3A_561 = arith.addi %select_n3A_520, %add3A_560 : i32
      %jit3A_562 = arith.constant 0 : i32
      %select_n3A_563 = arith.select %eq3A_559, %jit3A_562, %add3A_561 : i32
      %select_n3A_564 = arith.select %ne3A_554, %select_n3A_563, %select_n3A_520 : i32
      %eq3A_565 = arith.constant 7812 : i32
      %eq3A_566 = arith.cmpi eq, %squeeze3A_553, %eq3A_565 : i32
      %jit3A_567 = arith.constant 3 : i32
      %select_n3A_568 = arith.select %eq3A_566, %jit3A_567, %select_n3A_564 : i32
      %convert_element_type3A_569 = arith.extui %ne3A_554 : i1 to i32
      %cond3A_570 = arith.constant 0 : i32
      %cond3A_571 = arith.cmpi ne, %convert_element_type3A_569, %cond3A_570 : i32
      scf.if %cond3A_571 {
        %add3A_860 = arith.constant 2 : i32
        %add3A_861 = arith.addi %select_n3A_557, %add3A_860 : i32
        %get3A_862 = arith.index_cast %add3A_861 : i32 to index
        %get3A_863 = memref.load %arg9[%get3A_862] : memref<520xi32, #tpu.memory_space<smem>>
        %eq3A_864 = arith.constant 2 : i32
        %eq3A_865 = arith.cmpi eq, %select_n3A_564, %eq3A_864 : i32
        %add3A_866 = arith.constant 1 : i32
        %add3A_867 = arith.addi %select_n3A_564, %add3A_866 : i32
        %jit3A_868 = arith.constant 0 : i32
        %select_n3A_869 = arith.select %eq3A_865, %jit3A_868, %add3A_867 : i32
        %eq3A_870 = arith.constant 2 : i32
        %eq3A_871 = arith.cmpi eq, %select_n3A_869, %eq3A_870 : i32
        %add3A_872 = arith.constant 1 : i32
        %add3A_873 = arith.addi %select_n3A_869, %add3A_872 : i32
        %jit3A_874 = arith.constant 0 : i32
        %select_n3A_875 = arith.select %eq3A_871, %jit3A_874, %add3A_873 : i32
        %eq3A_876 = arith.constant 7812 : i32
        %eq3A_877 = arith.cmpi eq, %get3A_863, %eq3A_876 : i32
        %jit3A_878 = arith.constant 3 : i32
        %select_n3A_879 = arith.select %eq3A_877, %jit3A_878, %select_n3A_875 : i32
        %eq3A_880 = arith.constant 7812 : i32
        %eq3A_881 = arith.cmpi eq, %get3A_863, %eq3A_880 : i32
        %mul3A_882 = arith.constant 128 : i32
        %mul3A_883 = arith.muli %get3A_863, %mul3A_882 : i32
        %multiple_of3A_884 = tpu.assume_multiple %mul3A_883, 128 : i32
        %eq3A_885 = arith.constant 0 : i32
        %eq3A_886 = arith.cmpi eq, %select_n3A_879, %eq3A_885 : i32
        %not3A_887 = arith.constant true
        %not3A_888 = arith.xori %eq3A_881, %not3A_887 : i1
        %and3A_889 = arith.andi %eq3A_886, %not3A_888 : i1
        %convert_element_type3A_890 = arith.extui %and3A_889 : i1 to i32
        %cond3A_891 = arith.constant 0 : i32
        %cond3A_892 = arith.cmpi ne, %convert_element_type3A_890, %cond3A_891 : i32
        scf.if %cond3A_892 {
          %dma_start3A = arith.constant 0 : i32
          %dma_start3A_924 = arith.constant 0 : i32
          %dma_start3A_925 = arith.constant 0 : i32
          %dma_start3A_926 = tpu.memref_slice %arg7[%dma_start3A, %dma_start3A_924, %dma_start3A_925] : memref<4x64x128xf32, #tpu.memory_space<vmem>> -> memref<1x64x128xf32, #tpu.memory_space<vmem>>
          %dma_start3A_927 = tpu.memref_squeeze %dma_start3A_926 : memref<1x64x128xf32, #tpu.memory_space<vmem>> -> memref<64x128xf32, #tpu.memory_space<vmem>>
          %dma_start3A_928 = arith.constant 0 : i32
          %dma_start3A_929 = tpu.memref_slice %arg2[%dma_start3A_928, %multiple_of3A_884] : memref<64x1000000xf32, #tpu.memory_space<hbm>> -> memref<64x128xf32, #tpu.memory_space<hbm>>
          %dma_start3A_930 = arith.constant 0 : i32
          %dma_start3A_931 = arith.constant 0 : i32
          %dma_start3A_932 = tpu.memref_slice %arg7[%dma_start3A, %dma_start3A_930, %dma_start3A_931] : memref<4x64x128xf32, #tpu.memory_space<vmem>> -> memref<1x64x128xf32, #tpu.memory_space<vmem>>
          %dma_start3A_933 = tpu.memref_squeeze %dma_start3A_932 : memref<1x64x128xf32, #tpu.memory_space<vmem>> -> memref<64x128xf32, #tpu.memory_space<vmem>>
          %dma_start3A_934 = arith.constant 0 : i32
          %dma_start3A_935 = tpu.memref_slice %arg2[%dma_start3A_934, %multiple_of3A_884] : memref<64x1000000xf32, #tpu.memory_space<hbm>> -> memref<64x128xf32, #tpu.memory_space<hbm>>
          tpu.enqueue_dma source(%dma_start3A_935 : memref<64x128xf32, #tpu.memory_space<hbm>>) target(%dma_start3A_933 : memref<64x128xf32, #tpu.memory_space<vmem>>) target_semaphore(%arg10 : memref<!tpu.dma_semaphore, #tpu.memory_space<semaphore_mem>>)
        } else {
        }
        %eq3A_893 = arith.constant 1 : i32
        %eq3A_894 = arith.cmpi eq, %select_n3A_879, %eq3A_893 : i32
        %not3A_895 = arith.constant true
        %not3A_896 = arith.xori %eq3A_881, %not3A_895 : i1
        %and3A_897 = arith.andi %eq3A_894, %not3A_896 : i1
        %convert_element_type3A_898 = arith.extui %and3A_897 : i1 to i32
        %cond3A_899 = arith.constant 0 : i32
        %cond3A_900 = arith.cmpi ne, %convert_element_type3A_898, %cond3A_899 : i32
        scf.if %cond3A_900 {
          %dma_start3A = arith.constant 1 : i32
          %dma_start3A_924 = arith.constant 0 : i32
          %dma_start3A_925 = arith.constant 0 : i32
          %dma_start3A_926 = tpu.memref_slice %arg7[%dma_start3A, %dma_start3A_924, %dma_start3A_925] : memref<4x64x128xf32, #tpu.memory_space<vmem>> -> memref<1x64x128xf32, #tpu.memory_space<vmem>>
          %dma_start3A_927 = tpu.memref_squeeze %dma_start3A_926 : memref<1x64x128xf32, #tpu.memory_space<vmem>> -> memref<64x128xf32, #tpu.memory_space<vmem>>
          %dma_start3A_928 = arith.constant 0 : i32
          %dma_start3A_929 = tpu.memref_slice %arg2[%dma_start3A_928, %multiple_of3A_884] : memref<64x1000000xf32, #tpu.memory_space<hbm>> -> memref<64x128xf32, #tpu.memory_space<hbm>>
          %dma_start3A_930 = arith.constant 0 : i32
          %dma_start3A_931 = arith.constant 0 : i32
          %dma_start3A_932 = tpu.memref_slice %arg7[%dma_start3A, %dma_start3A_930, %dma_start3A_931] : memref<4x64x128xf32, #tpu.memory_space<vmem>> -> memref<1x64x128xf32, #tpu.memory_space<vmem>>
          %dma_start3A_933 = tpu.memref_squeeze %dma_start3A_932 : memref<1x64x128xf32, #tpu.memory_space<vmem>> -> memref<64x128xf32, #tpu.memory_space<vmem>>
          %dma_start3A_934 = arith.constant 0 : i32
          %dma_start3A_935 = tpu.memref_slice %arg2[%dma_start3A_934, %multiple_of3A_884] : memref<64x1000000xf32, #tpu.memory_space<hbm>> -> memref<64x128xf32, #tpu.memory_space<hbm>>
          tpu.enqueue_dma source(%dma_start3A_935 : memref<64x128xf32, #tpu.memory_space<hbm>>) target(%dma_start3A_933 : memref<64x128xf32, #tpu.memory_space<vmem>>) target_semaphore(%arg11 : memref<!tpu.dma_semaphore, #tpu.memory_space<semaphore_mem>>)
        } else {
        }
        %eq3A_901 = arith.constant 2 : i32
        %eq3A_902 = arith.cmpi eq, %select_n3A_879, %eq3A_901 : i32
        %not3A_903 = arith.constant true
        %not3A_904 = arith.xori %eq3A_881, %not3A_903 : i1
        %and3A_905 = arith.andi %eq3A_902, %not3A_904 : i1
        %convert_element_type3A_906 = arith.extui %and3A_905 : i1 to i32
        %cond3A_907 = arith.constant 0 : i32
        %cond3A_908 = arith.cmpi ne, %convert_element_type3A_906, %cond3A_907 : i32
        scf.if %cond3A_908 {
          %dma_start3A = arith.constant 2 : i32
          %dma_start3A_924 = arith.constant 0 : i32
          %dma_start3A_925 = arith.constant 0 : i32
          %dma_start3A_926 = tpu.memref_slice %arg7[%dma_start3A, %dma_start3A_924, %dma_start3A_925] : memref<4x64x128xf32, #tpu.memory_space<vmem>> -> memref<1x64x128xf32, #tpu.memory_space<vmem>>
          %dma_start3A_927 = tpu.memref_squeeze %dma_start3A_926 : memref<1x64x128xf32, #tpu.memory_space<vmem>> -> memref<64x128xf32, #tpu.memory_space<vmem>>
          %dma_start3A_928 = arith.constant 0 : i32
          %dma_start3A_929 = tpu.memref_slice %arg2[%dma_start3A_928, %multiple_of3A_884] : memref<64x1000000xf32, #tpu.memory_space<hbm>> -> memref<64x128xf32, #tpu.memory_space<hbm>>
          %dma_start3A_930 = arith.constant 0 : i32
          %dma_start3A_931 = arith.constant 0 : i32
          %dma_start3A_932 = tpu.memref_slice %arg7[%dma_start3A, %dma_start3A_930, %dma_start3A_931] : memref<4x64x128xf32, #tpu.memory_space<vmem>> -> memref<1x64x128xf32, #tpu.memory_space<vmem>>
          %dma_start3A_933 = tpu.memref_squeeze %dma_start3A_932 : memref<1x64x128xf32, #tpu.memory_space<vmem>> -> memref<64x128xf32, #tpu.memory_space<vmem>>
          %dma_start3A_934 = arith.constant 0 : i32
          %dma_start3A_935 = tpu.memref_slice %arg2[%dma_start3A_934, %multiple_of3A_884] : memref<64x1000000xf32, #tpu.memory_space<hbm>> -> memref<64x128xf32, #tpu.memory_space<hbm>>
          tpu.enqueue_dma source(%dma_start3A_935 : memref<64x128xf32, #tpu.memory_space<hbm>>) target(%dma_start3A_933 : memref<64x128xf32, #tpu.memory_space<vmem>>) target_semaphore(%arg12 : memref<!tpu.dma_semaphore, #tpu.memory_space<semaphore_mem>>)
        } else {
        }
        %eq3A_909 = arith.constant 0 : i32
        %eq3A_910 = arith.cmpi eq, %select_n3A_568, %eq3A_909 : i32
        %convert_element_type3A_911 = arith.extui %eq3A_910 : i1 to i32
        %cond3A_912 = arith.constant 0 : i32
        %cond3A_913 = arith.cmpi ne, %convert_element_type3A_911, %cond3A_912 : i32
        scf.if %cond3A_913 {
          %dma_wait3A = arith.constant 0 : i32
          %dma_wait3A_924 = arith.constant 0 : i32
          %dma_wait3A_925 = arith.constant 0 : i32
          %dma_wait3A_926 = tpu.memref_slice %arg7[%dma_wait3A, %dma_wait3A_924, %dma_wait3A_925] : memref<4x64x128xf32, #tpu.memory_space<vmem>> -> memref<1x64x128xf32, #tpu.memory_space<vmem>>
          %dma_wait3A_927 = tpu.memref_squeeze %dma_wait3A_926 : memref<1x64x128xf32, #tpu.memory_space<vmem>> -> memref<64x128xf32, #tpu.memory_space<vmem>>
          %dma_wait3A_928 = arith.constant 0 : i32
          %dma_wait3A_929 = arith.constant 0 : i32
          %dma_wait3A_930 = tpu.memref_slice %arg2[%dma_wait3A_928, %dma_wait3A_929] : memref<64x1000000xf32, #tpu.memory_space<hbm>> -> memref<64x128xf32, #tpu.memory_space<hbm>>
          %dma_wait3A_931 = arith.constant 0 : i32
          %dma_wait3A_932 = arith.constant 0 : i32
          %dma_wait3A_933 = tpu.memref_slice %arg7[%dma_wait3A, %dma_wait3A_931, %dma_wait3A_932] : memref<4x64x128xf32, #tpu.memory_space<vmem>> -> memref<1x64x128xf32, #tpu.memory_space<vmem>>
          %dma_wait3A_934 = tpu.memref_squeeze %dma_wait3A_933 : memref<1x64x128xf32, #tpu.memory_space<vmem>> -> memref<64x128xf32, #tpu.memory_space<vmem>>
          %dma_wait3A_935 = arith.constant 0 : i32
          %dma_wait3A_936 = arith.constant 0 : i32
          %dma_wait3A_937 = tpu.memref_slice %arg2[%dma_wait3A_935, %dma_wait3A_936] : memref<64x1000000xf32, #tpu.memory_space<hbm>> -> memref<64x128xf32, #tpu.memory_space<hbm>>
          tpu.wait_dma2 semaphore(%arg10 : memref<!tpu.dma_semaphore, #tpu.memory_space<semaphore_mem>>) src(%dma_wait3A_937 : memref<64x128xf32, #tpu.memory_space<hbm>>) dst(%dma_wait3A_934 : memref<64x128xf32, #tpu.memory_space<vmem>>)
        } else {
        }
        %eq3A_914 = arith.constant 1 : i32
        %eq3A_915 = arith.cmpi eq, %select_n3A_568, %eq3A_914 : i32
        %convert_element_type3A_916 = arith.extui %eq3A_915 : i1 to i32
        %cond3A_917 = arith.constant 0 : i32
        %cond3A_918 = arith.cmpi ne, %convert_element_type3A_916, %cond3A_917 : i32
        scf.if %cond3A_918 {
          %dma_wait3A = arith.constant 1 : i32
          %dma_wait3A_924 = arith.constant 0 : i32
          %dma_wait3A_925 = arith.constant 0 : i32
          %dma_wait3A_926 = tpu.memref_slice %arg7[%dma_wait3A, %dma_wait3A_924, %dma_wait3A_925] : memref<4x64x128xf32, #tpu.memory_space<vmem>> -> memref<1x64x128xf32, #tpu.memory_space<vmem>>
          %dma_wait3A_927 = tpu.memref_squeeze %dma_wait3A_926 : memref<1x64x128xf32, #tpu.memory_space<vmem>> -> memref<64x128xf32, #tpu.memory_space<vmem>>
          %dma_wait3A_928 = arith.constant 0 : i32
          %dma_wait3A_929 = arith.constant 0 : i32
          %dma_wait3A_930 = tpu.memref_slice %arg2[%dma_wait3A_928, %dma_wait3A_929] : memref<64x1000000xf32, #tpu.memory_space<hbm>> -> memref<64x128xf32, #tpu.memory_space<hbm>>
          %dma_wait3A_931 = arith.constant 0 : i32
          %dma_wait3A_932 = arith.constant 0 : i32
          %dma_wait3A_933 = tpu.memref_slice %arg7[%dma_wait3A, %dma_wait3A_931, %dma_wait3A_932] : memref<4x64x128xf32, #tpu.memory_space<vmem>> -> memref<1x64x128xf32, #tpu.memory_space<vmem>>
          %dma_wait3A_934 = tpu.memref_squeeze %dma_wait3A_933 : memref<1x64x128xf32, #tpu.memory_space<vmem>> -> memref<64x128xf32, #tpu.memory_space<vmem>>
          %dma_wait3A_935 = arith.constant 0 : i32
          %dma_wait3A_936 = arith.constant 0 : i32
          %dma_wait3A_937 = tpu.memref_slice %arg2[%dma_wait3A_935, %dma_wait3A_936] : memref<64x1000000xf32, #tpu.memory_space<hbm>> -> memref<64x128xf32, #tpu.memory_space<hbm>>
          tpu.wait_dma2 semaphore(%arg11 : memref<!tpu.dma_semaphore, #tpu.memory_space<semaphore_mem>>) src(%dma_wait3A_937 : memref<64x128xf32, #tpu.memory_space<hbm>>) dst(%dma_wait3A_934 : memref<64x128xf32, #tpu.memory_space<vmem>>)
        } else {
        }
        %eq3A_919 = arith.constant 2 : i32
        %eq3A_920 = arith.cmpi eq, %select_n3A_568, %eq3A_919 : i32
        %convert_element_type3A_921 = arith.extui %eq3A_920 : i1 to i32
        %cond3A_922 = arith.constant 0 : i32
        %cond3A_923 = arith.cmpi ne, %convert_element_type3A_921, %cond3A_922 : i32
        scf.if %cond3A_923 {
          %dma_wait3A = arith.constant 2 : i32
          %dma_wait3A_924 = arith.constant 0 : i32
          %dma_wait3A_925 = arith.constant 0 : i32
          %dma_wait3A_926 = tpu.memref_slice %arg7[%dma_wait3A, %dma_wait3A_924, %dma_wait3A_925] : memref<4x64x128xf32, #tpu.memory_space<vmem>> -> memref<1x64x128xf32, #tpu.memory_space<vmem>>
          %dma_wait3A_927 = tpu.memref_squeeze %dma_wait3A_926 : memref<1x64x128xf32, #tpu.memory_space<vmem>> -> memref<64x128xf32, #tpu.memory_space<vmem>>
          %dma_wait3A_928 = arith.constant 0 : i32
          %dma_wait3A_929 = arith.constant 0 : i32
          %dma_wait3A_930 = tpu.memref_slice %arg2[%dma_wait3A_928, %dma_wait3A_929] : memref<64x1000000xf32, #tpu.memory_space<hbm>> -> memref<64x128xf32, #tpu.memory_space<hbm>>
          %dma_wait3A_931 = arith.constant 0 : i32
          %dma_wait3A_932 = arith.constant 0 : i32
          %dma_wait3A_933 = tpu.memref_slice %arg7[%dma_wait3A, %dma_wait3A_931, %dma_wait3A_932] : memref<4x64x128xf32, #tpu.memory_space<vmem>> -> memref<1x64x128xf32, #tpu.memory_space<vmem>>
          %dma_wait3A_934 = tpu.memref_squeeze %dma_wait3A_933 : memref<1x64x128xf32, #tpu.memory_space<vmem>> -> memref<64x128xf32, #tpu.memory_space<vmem>>
          %dma_wait3A_935 = arith.constant 0 : i32
          %dma_wait3A_936 = arith.constant 0 : i32
          %dma_wait3A_937 = tpu.memref_slice %arg2[%dma_wait3A_935, %dma_wait3A_936] : memref<64x1000000xf32, #tpu.memory_space<hbm>> -> memref<64x128xf32, #tpu.memory_space<hbm>>
          tpu.wait_dma2 semaphore(%arg12 : memref<!tpu.dma_semaphore, #tpu.memory_space<semaphore_mem>>) src(%dma_wait3A_937 : memref<64x128xf32, #tpu.memory_space<hbm>>) dst(%dma_wait3A_934 : memref<64x128xf32, #tpu.memory_space<vmem>>)
        } else {
        }
      } else {
      }
      %broadcast_in_dim3A_572 = vector.broadcast %select_n3A_568 : i32 to vector<16xi32>
      %slice3A_573 = vector.extract_strided_slice %and3A_160 {offsets = [9], sizes = [1], strides = [1]} : vector<16xi32> to vector<1xi32>
      %squeeze3A_574 = vector.extract %slice3A_573[0] : i32 from vector<1xi32>
      %broadcast_in_dim3A_575 = vector.broadcast %squeeze3A_574 : i32 to vector<16xi32>
      %mul3A_576 = arith.constant 16 : i32
      %mul3A_577 = arith.muli %scan3A_143, %mul3A_576 : i32
      %add3A_578 = arith.constant 9 : i32
      %add3A_579 = arith.addi %mul3A_577, %add3A_578 : i32
      %gather3A_580 = tpu.vector_load_idx %arg7[%broadcast_in_dim3A_572, %add3A_84, %broadcast_in_dim3A_575] : memref<4x64x128xf32, #tpu.memory_space<vmem>>[vector<16xi32>, vector<16xi32>, vector<16xi32>], vector<16xf32>,
      %swap3A_581 = arith.index_cast %add3A_579 : i32 to index
      %swap3A_582 = arith.constant 0 : index
      %swap3A_583 = tpu.vector_load %arg8[%swap3A_581, %swap3A_582] {strides = array<i32>} : memref<512x64xf32, #tpu.memory_space<vmem>>, vector<16xf32>,
      tpu.vector_store %arg8[%swap3A_581, %swap3A_582], %gather3A_580 {strides = array<i32>} : memref<512x64xf32, #tpu.memory_space<vmem>>, vector<16xf32>,
      %gather3A_584 = tpu.vector_load_idx %arg7[%broadcast_in_dim3A_572, %add3A_88, %broadcast_in_dim3A_575] : memref<4x64x128xf32, #tpu.memory_space<vmem>>[vector<16xi32>, vector<16xi32>, vector<16xi32>], vector<16xf32>,
      %swap3A_585 = arith.index_cast %add3A_579 : i32 to index
      %swap3A_586 = arith.constant 16 : index
      %swap3A_587 = tpu.vector_load %arg8[%swap3A_585, %swap3A_586] {strides = array<i32>} : memref<512x64xf32, #tpu.memory_space<vmem>>, vector<16xf32>,
      tpu.vector_store %arg8[%swap3A_585, %swap3A_586], %gather3A_584 {strides = array<i32>} : memref<512x64xf32, #tpu.memory_space<vmem>>, vector<16xf32>,
      %gather3A_588 = tpu.vector_load_idx %arg7[%broadcast_in_dim3A_572, %add3A_92, %broadcast_in_dim3A_575] : memref<4x64x128xf32, #tpu.memory_space<vmem>>[vector<16xi32>, vector<16xi32>, vector<16xi32>], vector<16xf32>,
      %swap3A_589 = arith.index_cast %add3A_579 : i32 to index
      %swap3A_590 = arith.constant 32 : index
      %swap3A_591 = tpu.vector_load %arg8[%swap3A_589, %swap3A_590] {strides = array<i32>} : memref<512x64xf32, #tpu.memory_space<vmem>>, vector<16xf32>,
      tpu.vector_store %arg8[%swap3A_589, %swap3A_590], %gather3A_588 {strides = array<i32>} : memref<512x64xf32, #tpu.memory_space<vmem>>, vector<16xf32>,
      %gather3A_592 = tpu.vector_load_idx %arg7[%broadcast_in_dim3A_572, %add3A_96, %broadcast_in_dim3A_575] : memref<4x64x128xf32, #tpu.memory_space<vmem>>[vector<16xi32>, vector<16xi32>, vector<16xi32>], vector<16xf32>,
      %swap3A_593 = arith.index_cast %add3A_579 : i32 to index
      %swap3A_594 = arith.constant 48 : index
      %swap3A_595 = tpu.vector_load %arg8[%swap3A_593, %swap3A_594] {strides = array<i32>} : memref<512x64xf32, #tpu.memory_space<vmem>>, vector<16xf32>,
      tpu.vector_store %arg8[%swap3A_593, %swap3A_594], %gather3A_592 {strides = array<i32>} : memref<512x64xf32, #tpu.memory_space<vmem>>, vector<16xf32>,
      %slice3A_596 = vector.extract_strided_slice %shift_right_arithmetic3A_157 {offsets = [10], sizes = [1], strides = [1]} : vector<16xi32> to vector<1xi32>
      %squeeze3A_597 = vector.extract %slice3A_596[0] : i32 from vector<1xi32>
      %ne3A_598 = arith.cmpi ne, %squeeze3A_597, %squeeze3A_553 : i32
      %add3A_599 = arith.constant 1 : i32
      %add3A_600 = arith.addi %select_n3A_557, %add3A_599 : i32
      %select_n3A_601 = arith.select %ne3A_598, %add3A_600, %select_n3A_557 : i32
      %eq3A_602 = arith.constant 2 : i32
      %eq3A_603 = arith.cmpi eq, %select_n3A_564, %eq3A_602 : i32
      %add3A_604 = arith.constant 1 : i32
      %add3A_605 = arith.addi %select_n3A_564, %add3A_604 : i32
      %jit3A_606 = arith.constant 0 : i32
      %select_n3A_607 = arith.select %eq3A_603, %jit3A_606, %add3A_605 : i32
      %select_n3A_608 = arith.select %ne3A_598, %select_n3A_607, %select_n3A_564 : i32
      %eq3A_609 = arith.constant 7812 : i32
      %eq3A_610 = arith.cmpi eq, %squeeze3A_597, %eq3A_609 : i32
      %jit3A_611 = arith.constant 3 : i32
      %select_n3A_612 = arith.select %eq3A_610, %jit3A_611, %select_n3A_608 : i32
      %convert_element_type3A_613 = arith.extui %ne3A_598 : i1 to i32
      %cond3A_614 = arith.constant 0 : i32
      %cond3A_615 = arith.cmpi ne, %convert_element_type3A_613, %cond3A_614 : i32
      scf.if %cond3A_615 {
        %add3A_860 = arith.constant 2 : i32
        %add3A_861 = arith.addi %select_n3A_601, %add3A_860 : i32
        %get3A_862 = arith.index_cast %add3A_861 : i32 to index
        %get3A_863 = memref.load %arg9[%get3A_862] : memref<520xi32, #tpu.memory_space<smem>>
        %eq3A_864 = arith.constant 2 : i32
        %eq3A_865 = arith.cmpi eq, %select_n3A_608, %eq3A_864 : i32
        %add3A_866 = arith.constant 1 : i32
        %add3A_867 = arith.addi %select_n3A_608, %add3A_866 : i32
        %jit3A_868 = arith.constant 0 : i32
        %select_n3A_869 = arith.select %eq3A_865, %jit3A_868, %add3A_867 : i32
        %eq3A_870 = arith.constant 2 : i32
        %eq3A_871 = arith.cmpi eq, %select_n3A_869, %eq3A_870 : i32
        %add3A_872 = arith.constant 1 : i32
        %add3A_873 = arith.addi %select_n3A_869, %add3A_872 : i32
        %jit3A_874 = arith.constant 0 : i32
        %select_n3A_875 = arith.select %eq3A_871, %jit3A_874, %add3A_873 : i32
        %eq3A_876 = arith.constant 7812 : i32
        %eq3A_877 = arith.cmpi eq, %get3A_863, %eq3A_876 : i32
        %jit3A_878 = arith.constant 3 : i32
        %select_n3A_879 = arith.select %eq3A_877, %jit3A_878, %select_n3A_875 : i32
        %eq3A_880 = arith.constant 7812 : i32
        %eq3A_881 = arith.cmpi eq, %get3A_863, %eq3A_880 : i32
        %mul3A_882 = arith.constant 128 : i32
        %mul3A_883 = arith.muli %get3A_863, %mul3A_882 : i32
        %multiple_of3A_884 = tpu.assume_multiple %mul3A_883, 128 : i32
        %eq3A_885 = arith.constant 0 : i32
        %eq3A_886 = arith.cmpi eq, %select_n3A_879, %eq3A_885 : i32
        %not3A_887 = arith.constant true
        %not3A_888 = arith.xori %eq3A_881, %not3A_887 : i1
        %and3A_889 = arith.andi %eq3A_886, %not3A_888 : i1
        %convert_element_type3A_890 = arith.extui %and3A_889 : i1 to i32
        %cond3A_891 = arith.constant 0 : i32
        %cond3A_892 = arith.cmpi ne, %convert_element_type3A_890, %cond3A_891 : i32
        scf.if %cond3A_892 {
          %dma_start3A = arith.constant 0 : i32
          %dma_start3A_924 = arith.constant 0 : i32
          %dma_start3A_925 = arith.constant 0 : i32
          %dma_start3A_926 = tpu.memref_slice %arg7[%dma_start3A, %dma_start3A_924, %dma_start3A_925] : memref<4x64x128xf32, #tpu.memory_space<vmem>> -> memref<1x64x128xf32, #tpu.memory_space<vmem>>
          %dma_start3A_927 = tpu.memref_squeeze %dma_start3A_926 : memref<1x64x128xf32, #tpu.memory_space<vmem>> -> memref<64x128xf32, #tpu.memory_space<vmem>>
          %dma_start3A_928 = arith.constant 0 : i32
          %dma_start3A_929 = tpu.memref_slice %arg2[%dma_start3A_928, %multiple_of3A_884] : memref<64x1000000xf32, #tpu.memory_space<hbm>> -> memref<64x128xf32, #tpu.memory_space<hbm>>
          %dma_start3A_930 = arith.constant 0 : i32
          %dma_start3A_931 = arith.constant 0 : i32
          %dma_start3A_932 = tpu.memref_slice %arg7[%dma_start3A, %dma_start3A_930, %dma_start3A_931] : memref<4x64x128xf32, #tpu.memory_space<vmem>> -> memref<1x64x128xf32, #tpu.memory_space<vmem>>
          %dma_start3A_933 = tpu.memref_squeeze %dma_start3A_932 : memref<1x64x128xf32, #tpu.memory_space<vmem>> -> memref<64x128xf32, #tpu.memory_space<vmem>>
          %dma_start3A_934 = arith.constant 0 : i32
          %dma_start3A_935 = tpu.memref_slice %arg2[%dma_start3A_934, %multiple_of3A_884] : memref<64x1000000xf32, #tpu.memory_space<hbm>> -> memref<64x128xf32, #tpu.memory_space<hbm>>
          tpu.enqueue_dma source(%dma_start3A_935 : memref<64x128xf32, #tpu.memory_space<hbm>>) target(%dma_start3A_933 : memref<64x128xf32, #tpu.memory_space<vmem>>) target_semaphore(%arg10 : memref<!tpu.dma_semaphore, #tpu.memory_space<semaphore_mem>>)
        } else {
        }
        %eq3A_893 = arith.constant 1 : i32
        %eq3A_894 = arith.cmpi eq, %select_n3A_879, %eq3A_893 : i32
        %not3A_895 = arith.constant true
        %not3A_896 = arith.xori %eq3A_881, %not3A_895 : i1
        %and3A_897 = arith.andi %eq3A_894, %not3A_896 : i1
        %convert_element_type3A_898 = arith.extui %and3A_897 : i1 to i32
        %cond3A_899 = arith.constant 0 : i32
        %cond3A_900 = arith.cmpi ne, %convert_element_type3A_898, %cond3A_899 : i32
        scf.if %cond3A_900 {
          %dma_start3A = arith.constant 1 : i32
          %dma_start3A_924 = arith.constant 0 : i32
          %dma_start3A_925 = arith.constant 0 : i32
          %dma_start3A_926 = tpu.memref_slice %arg7[%dma_start3A, %dma_start3A_924, %dma_start3A_925] : memref<4x64x128xf32, #tpu.memory_space<vmem>> -> memref<1x64x128xf32, #tpu.memory_space<vmem>>
          %dma_start3A_927 = tpu.memref_squeeze %dma_start3A_926 : memref<1x64x128xf32, #tpu.memory_space<vmem>> -> memref<64x128xf32, #tpu.memory_space<vmem>>
          %dma_start3A_928 = arith.constant 0 : i32
          %dma_start3A_929 = tpu.memref_slice %arg2[%dma_start3A_928, %multiple_of3A_884] : memref<64x1000000xf32, #tpu.memory_space<hbm>> -> memref<64x128xf32, #tpu.memory_space<hbm>>
          %dma_start3A_930 = arith.constant 0 : i32
          %dma_start3A_931 = arith.constant 0 : i32
          %dma_start3A_932 = tpu.memref_slice %arg7[%dma_start3A, %dma_start3A_930, %dma_start3A_931] : memref<4x64x128xf32, #tpu.memory_space<vmem>> -> memref<1x64x128xf32, #tpu.memory_space<vmem>>
          %dma_start3A_933 = tpu.memref_squeeze %dma_start3A_932 : memref<1x64x128xf32, #tpu.memory_space<vmem>> -> memref<64x128xf32, #tpu.memory_space<vmem>>
          %dma_start3A_934 = arith.constant 0 : i32
          %dma_start3A_935 = tpu.memref_slice %arg2[%dma_start3A_934, %multiple_of3A_884] : memref<64x1000000xf32, #tpu.memory_space<hbm>> -> memref<64x128xf32, #tpu.memory_space<hbm>>
          tpu.enqueue_dma source(%dma_start3A_935 : memref<64x128xf32, #tpu.memory_space<hbm>>) target(%dma_start3A_933 : memref<64x128xf32, #tpu.memory_space<vmem>>) target_semaphore(%arg11 : memref<!tpu.dma_semaphore, #tpu.memory_space<semaphore_mem>>)
        } else {
        }
        %eq3A_901 = arith.constant 2 : i32
        %eq3A_902 = arith.cmpi eq, %select_n3A_879, %eq3A_901 : i32
        %not3A_903 = arith.constant true
        %not3A_904 = arith.xori %eq3A_881, %not3A_903 : i1
        %and3A_905 = arith.andi %eq3A_902, %not3A_904 : i1
        %convert_element_type3A_906 = arith.extui %and3A_905 : i1 to i32
        %cond3A_907 = arith.constant 0 : i32
        %cond3A_908 = arith.cmpi ne, %convert_element_type3A_906, %cond3A_907 : i32
        scf.if %cond3A_908 {
          %dma_start3A = arith.constant 2 : i32
          %dma_start3A_924 = arith.constant 0 : i32
          %dma_start3A_925 = arith.constant 0 : i32
          %dma_start3A_926 = tpu.memref_slice %arg7[%dma_start3A, %dma_start3A_924, %dma_start3A_925] : memref<4x64x128xf32, #tpu.memory_space<vmem>> -> memref<1x64x128xf32, #tpu.memory_space<vmem>>
          %dma_start3A_927 = tpu.memref_squeeze %dma_start3A_926 : memref<1x64x128xf32, #tpu.memory_space<vmem>> -> memref<64x128xf32, #tpu.memory_space<vmem>>
          %dma_start3A_928 = arith.constant 0 : i32
          %dma_start3A_929 = tpu.memref_slice %arg2[%dma_start3A_928, %multiple_of3A_884] : memref<64x1000000xf32, #tpu.memory_space<hbm>> -> memref<64x128xf32, #tpu.memory_space<hbm>>
          %dma_start3A_930 = arith.constant 0 : i32
          %dma_start3A_931 = arith.constant 0 : i32
          %dma_start3A_932 = tpu.memref_slice %arg7[%dma_start3A, %dma_start3A_930, %dma_start3A_931] : memref<4x64x128xf32, #tpu.memory_space<vmem>> -> memref<1x64x128xf32, #tpu.memory_space<vmem>>
          %dma_start3A_933 = tpu.memref_squeeze %dma_start3A_932 : memref<1x64x128xf32, #tpu.memory_space<vmem>> -> memref<64x128xf32, #tpu.memory_space<vmem>>
          %dma_start3A_934 = arith.constant 0 : i32
          %dma_start3A_935 = tpu.memref_slice %arg2[%dma_start3A_934, %multiple_of3A_884] : memref<64x1000000xf32, #tpu.memory_space<hbm>> -> memref<64x128xf32, #tpu.memory_space<hbm>>
          tpu.enqueue_dma source(%dma_start3A_935 : memref<64x128xf32, #tpu.memory_space<hbm>>) target(%dma_start3A_933 : memref<64x128xf32, #tpu.memory_space<vmem>>) target_semaphore(%arg12 : memref<!tpu.dma_semaphore, #tpu.memory_space<semaphore_mem>>)
        } else {
        }
        %eq3A_909 = arith.constant 0 : i32
        %eq3A_910 = arith.cmpi eq, %select_n3A_612, %eq3A_909 : i32
        %convert_element_type3A_911 = arith.extui %eq3A_910 : i1 to i32
        %cond3A_912 = arith.constant 0 : i32
        %cond3A_913 = arith.cmpi ne, %convert_element_type3A_911, %cond3A_912 : i32
        scf.if %cond3A_913 {
          %dma_wait3A = arith.constant 0 : i32
          %dma_wait3A_924 = arith.constant 0 : i32
          %dma_wait3A_925 = arith.constant 0 : i32
          %dma_wait3A_926 = tpu.memref_slice %arg7[%dma_wait3A, %dma_wait3A_924, %dma_wait3A_925] : memref<4x64x128xf32, #tpu.memory_space<vmem>> -> memref<1x64x128xf32, #tpu.memory_space<vmem>>
          %dma_wait3A_927 = tpu.memref_squeeze %dma_wait3A_926 : memref<1x64x128xf32, #tpu.memory_space<vmem>> -> memref<64x128xf32, #tpu.memory_space<vmem>>
          %dma_wait3A_928 = arith.constant 0 : i32
          %dma_wait3A_929 = arith.constant 0 : i32
          %dma_wait3A_930 = tpu.memref_slice %arg2[%dma_wait3A_928, %dma_wait3A_929] : memref<64x1000000xf32, #tpu.memory_space<hbm>> -> memref<64x128xf32, #tpu.memory_space<hbm>>
          %dma_wait3A_931 = arith.constant 0 : i32
          %dma_wait3A_932 = arith.constant 0 : i32
          %dma_wait3A_933 = tpu.memref_slice %arg7[%dma_wait3A, %dma_wait3A_931, %dma_wait3A_932] : memref<4x64x128xf32, #tpu.memory_space<vmem>> -> memref<1x64x128xf32, #tpu.memory_space<vmem>>
          %dma_wait3A_934 = tpu.memref_squeeze %dma_wait3A_933 : memref<1x64x128xf32, #tpu.memory_space<vmem>> -> memref<64x128xf32, #tpu.memory_space<vmem>>
          %dma_wait3A_935 = arith.constant 0 : i32
          %dma_wait3A_936 = arith.constant 0 : i32
          %dma_wait3A_937 = tpu.memref_slice %arg2[%dma_wait3A_935, %dma_wait3A_936] : memref<64x1000000xf32, #tpu.memory_space<hbm>> -> memref<64x128xf32, #tpu.memory_space<hbm>>
          tpu.wait_dma2 semaphore(%arg10 : memref<!tpu.dma_semaphore, #tpu.memory_space<semaphore_mem>>) src(%dma_wait3A_937 : memref<64x128xf32, #tpu.memory_space<hbm>>) dst(%dma_wait3A_934 : memref<64x128xf32, #tpu.memory_space<vmem>>)
        } else {
        }
        %eq3A_914 = arith.constant 1 : i32
        %eq3A_915 = arith.cmpi eq, %select_n3A_612, %eq3A_914 : i32
        %convert_element_type3A_916 = arith.extui %eq3A_915 : i1 to i32
        %cond3A_917 = arith.constant 0 : i32
        %cond3A_918 = arith.cmpi ne, %convert_element_type3A_916, %cond3A_917 : i32
        scf.if %cond3A_918 {
          %dma_wait3A = arith.constant 1 : i32
          %dma_wait3A_924 = arith.constant 0 : i32
          %dma_wait3A_925 = arith.constant 0 : i32
          %dma_wait3A_926 = tpu.memref_slice %arg7[%dma_wait3A, %dma_wait3A_924, %dma_wait3A_925] : memref<4x64x128xf32, #tpu.memory_space<vmem>> -> memref<1x64x128xf32, #tpu.memory_space<vmem>>
          %dma_wait3A_927 = tpu.memref_squeeze %dma_wait3A_926 : memref<1x64x128xf32, #tpu.memory_space<vmem>> -> memref<64x128xf32, #tpu.memory_space<vmem>>
          %dma_wait3A_928 = arith.constant 0 : i32
          %dma_wait3A_929 = arith.constant 0 : i32
          %dma_wait3A_930 = tpu.memref_slice %arg2[%dma_wait3A_928, %dma_wait3A_929] : memref<64x1000000xf32, #tpu.memory_space<hbm>> -> memref<64x128xf32, #tpu.memory_space<hbm>>
          %dma_wait3A_931 = arith.constant 0 : i32
          %dma_wait3A_932 = arith.constant 0 : i32
          %dma_wait3A_933 = tpu.memref_slice %arg7[%dma_wait3A, %dma_wait3A_931, %dma_wait3A_932] : memref<4x64x128xf32, #tpu.memory_space<vmem>> -> memref<1x64x128xf32, #tpu.memory_space<vmem>>
          %dma_wait3A_934 = tpu.memref_squeeze %dma_wait3A_933 : memref<1x64x128xf32, #tpu.memory_space<vmem>> -> memref<64x128xf32, #tpu.memory_space<vmem>>
          %dma_wait3A_935 = arith.constant 0 : i32
          %dma_wait3A_936 = arith.constant 0 : i32
          %dma_wait3A_937 = tpu.memref_slice %arg2[%dma_wait3A_935, %dma_wait3A_936] : memref<64x1000000xf32, #tpu.memory_space<hbm>> -> memref<64x128xf32, #tpu.memory_space<hbm>>
          tpu.wait_dma2 semaphore(%arg11 : memref<!tpu.dma_semaphore, #tpu.memory_space<semaphore_mem>>) src(%dma_wait3A_937 : memref<64x128xf32, #tpu.memory_space<hbm>>) dst(%dma_wait3A_934 : memref<64x128xf32, #tpu.memory_space<vmem>>)
        } else {
        }
        %eq3A_919 = arith.constant 2 : i32
        %eq3A_920 = arith.cmpi eq, %select_n3A_612, %eq3A_919 : i32
        %convert_element_type3A_921 = arith.extui %eq3A_920 : i1 to i32
        %cond3A_922 = arith.constant 0 : i32
        %cond3A_923 = arith.cmpi ne, %convert_element_type3A_921, %cond3A_922 : i32
        scf.if %cond3A_923 {
          %dma_wait3A = arith.constant 2 : i32
          %dma_wait3A_924 = arith.constant 0 : i32
          %dma_wait3A_925 = arith.constant 0 : i32
          %dma_wait3A_926 = tpu.memref_slice %arg7[%dma_wait3A, %dma_wait3A_924, %dma_wait3A_925] : memref<4x64x128xf32, #tpu.memory_space<vmem>> -> memref<1x64x128xf32, #tpu.memory_space<vmem>>
          %dma_wait3A_927 = tpu.memref_squeeze %dma_wait3A_926 : memref<1x64x128xf32, #tpu.memory_space<vmem>> -> memref<64x128xf32, #tpu.memory_space<vmem>>
          %dma_wait3A_928 = arith.constant 0 : i32
          %dma_wait3A_929 = arith.constant 0 : i32
          %dma_wait3A_930 = tpu.memref_slice %arg2[%dma_wait3A_928, %dma_wait3A_929] : memref<64x1000000xf32, #tpu.memory_space<hbm>> -> memref<64x128xf32, #tpu.memory_space<hbm>>
          %dma_wait3A_931 = arith.constant 0 : i32
          %dma_wait3A_932 = arith.constant 0 : i32
          %dma_wait3A_933 = tpu.memref_slice %arg7[%dma_wait3A, %dma_wait3A_931, %dma_wait3A_932] : memref<4x64x128xf32, #tpu.memory_space<vmem>> -> memref<1x64x128xf32, #tpu.memory_space<vmem>>
          %dma_wait3A_934 = tpu.memref_squeeze %dma_wait3A_933 : memref<1x64x128xf32, #tpu.memory_space<vmem>> -> memref<64x128xf32, #tpu.memory_space<vmem>>
          %dma_wait3A_935 = arith.constant 0 : i32
          %dma_wait3A_936 = arith.constant 0 : i32
          %dma_wait3A_937 = tpu.memref_slice %arg2[%dma_wait3A_935, %dma_wait3A_936] : memref<64x1000000xf32, #tpu.memory_space<hbm>> -> memref<64x128xf32, #tpu.memory_space<hbm>>
          tpu.wait_dma2 semaphore(%arg12 : memref<!tpu.dma_semaphore, #tpu.memory_space<semaphore_mem>>) src(%dma_wait3A_937 : memref<64x128xf32, #tpu.memory_space<hbm>>) dst(%dma_wait3A_934 : memref<64x128xf32, #tpu.memory_space<vmem>>)
        } else {
        }
      } else {
      }
      %broadcast_in_dim3A_616 = vector.broadcast %select_n3A_612 : i32 to vector<16xi32>
      %slice3A_617 = vector.extract_strided_slice %and3A_160 {offsets = [10], sizes = [1], strides = [1]} : vector<16xi32> to vector<1xi32>
      %squeeze3A_618 = vector.extract %slice3A_617[0] : i32 from vector<1xi32>
      %broadcast_in_dim3A_619 = vector.broadcast %squeeze3A_618 : i32 to vector<16xi32>
      %mul3A_620 = arith.constant 16 : i32
      %mul3A_621 = arith.muli %scan3A_143, %mul3A_620 : i32
      %add3A_622 = arith.constant 10 : i32
      %add3A_623 = arith.addi %mul3A_621, %add3A_622 : i32
      %gather3A_624 = tpu.vector_load_idx %arg7[%broadcast_in_dim3A_616, %add3A_84, %broadcast_in_dim3A_619] : memref<4x64x128xf32, #tpu.memory_space<vmem>>[vector<16xi32>, vector<16xi32>, vector<16xi32>], vector<16xf32>,
      %swap3A_625 = arith.index_cast %add3A_623 : i32 to index
      %swap3A_626 = arith.constant 0 : index
      %swap3A_627 = tpu.vector_load %arg8[%swap3A_625, %swap3A_626] {strides = array<i32>} : memref<512x64xf32, #tpu.memory_space<vmem>>, vector<16xf32>,
      tpu.vector_store %arg8[%swap3A_625, %swap3A_626], %gather3A_624 {strides = array<i32>} : memref<512x64xf32, #tpu.memory_space<vmem>>, vector<16xf32>,
      %gather3A_628 = tpu.vector_load_idx %arg7[%broadcast_in_dim3A_616, %add3A_88, %broadcast_in_dim3A_619] : memref<4x64x128xf32, #tpu.memory_space<vmem>>[vector<16xi32>, vector<16xi32>, vector<16xi32>], vector<16xf32>,
      %swap3A_629 = arith.index_cast %add3A_623 : i32 to index
      %swap3A_630 = arith.constant 16 : index
      %swap3A_631 = tpu.vector_load %arg8[%swap3A_629, %swap3A_630] {strides = array<i32>} : memref<512x64xf32, #tpu.memory_space<vmem>>, vector<16xf32>,
      tpu.vector_store %arg8[%swap3A_629, %swap3A_630], %gather3A_628 {strides = array<i32>} : memref<512x64xf32, #tpu.memory_space<vmem>>, vector<16xf32>,
      %gather3A_632 = tpu.vector_load_idx %arg7[%broadcast_in_dim3A_616, %add3A_92, %broadcast_in_dim3A_619] : memref<4x64x128xf32, #tpu.memory_space<vmem>>[vector<16xi32>, vector<16xi32>, vector<16xi32>], vector<16xf32>,
      %swap3A_633 = arith.index_cast %add3A_623 : i32 to index
      %swap3A_634 = arith.constant 32 : index
      %swap3A_635 = tpu.vector_load %arg8[%swap3A_633, %swap3A_634] {strides = array<i32>} : memref<512x64xf32, #tpu.memory_space<vmem>>, vector<16xf32>,
      tpu.vector_store %arg8[%swap3A_633, %swap3A_634], %gather3A_632 {strides = array<i32>} : memref<512x64xf32, #tpu.memory_space<vmem>>, vector<16xf32>,
      %gather3A_636 = tpu.vector_load_idx %arg7[%broadcast_in_dim3A_616, %add3A_96, %broadcast_in_dim3A_619] : memref<4x64x128xf32, #tpu.memory_space<vmem>>[vector<16xi32>, vector<16xi32>, vector<16xi32>], vector<16xf32>,
      %swap3A_637 = arith.index_cast %add3A_623 : i32 to index
      %swap3A_638 = arith.constant 48 : index
      %swap3A_639 = tpu.vector_load %arg8[%swap3A_637, %swap3A_638] {strides = array<i32>} : memref<512x64xf32, #tpu.memory_space<vmem>>, vector<16xf32>,
      tpu.vector_store %arg8[%swap3A_637, %swap3A_638], %gather3A_636 {strides = array<i32>} : memref<512x64xf32, #tpu.memory_space<vmem>>, vector<16xf32>,
      %slice3A_640 = vector.extract_strided_slice %shift_right_arithmetic3A_157 {offsets = [11], sizes = [1], strides = [1]} : vector<16xi32> to vector<1xi32>
      %squeeze3A_641 = vector.extract %slice3A_640[0] : i32 from vector<1xi32>
      %ne3A_642 = arith.cmpi ne, %squeeze3A_641, %squeeze3A_597 : i32
      %add3A_643 = arith.constant 1 : i32
      %add3A_644 = arith.addi %select_n3A_601, %add3A_643 : i32
      %select_n3A_645 = arith.select %ne3A_642, %add3A_644, %select_n3A_601 : i32
      %eq3A_646 = arith.constant 2 : i32
      %eq3A_647 = arith.cmpi eq, %select_n3A_608, %eq3A_646 : i32
      %add3A_648 = arith.constant 1 : i32
      %add3A_649 = arith.addi %select_n3A_608, %add3A_648 : i32
      %jit3A_650 = arith.constant 0 : i32
      %select_n3A_651 = arith.select %eq3A_647, %jit3A_650, %add3A_649 : i32
      %select_n3A_652 = arith.select %ne3A_642, %select_n3A_651, %select_n3A_608 : i32
      %eq3A_653 = arith.constant 7812 : i32
      %eq3A_654 = arith.cmpi eq, %squeeze3A_641, %eq3A_653 : i32
      %jit3A_655 = arith.constant 3 : i32
      %select_n3A_656 = arith.select %eq3A_654, %jit3A_655, %select_n3A_652 : i32
      %convert_element_type3A_657 = arith.extui %ne3A_642 : i1 to i32
      %cond3A_658 = arith.constant 0 : i32
      %cond3A_659 = arith.cmpi ne, %convert_element_type3A_657, %cond3A_658 : i32
      scf.if %cond3A_659 {
        %add3A_860 = arith.constant 2 : i32
        %add3A_861 = arith.addi %select_n3A_645, %add3A_860 : i32
        %get3A_862 = arith.index_cast %add3A_861 : i32 to index
        %get3A_863 = memref.load %arg9[%get3A_862] : memref<520xi32, #tpu.memory_space<smem>>
        %eq3A_864 = arith.constant 2 : i32
        %eq3A_865 = arith.cmpi eq, %select_n3A_652, %eq3A_864 : i32
        %add3A_866 = arith.constant 1 : i32
        %add3A_867 = arith.addi %select_n3A_652, %add3A_866 : i32
        %jit3A_868 = arith.constant 0 : i32
        %select_n3A_869 = arith.select %eq3A_865, %jit3A_868, %add3A_867 : i32
        %eq3A_870 = arith.constant 2 : i32
        %eq3A_871 = arith.cmpi eq, %select_n3A_869, %eq3A_870 : i32
        %add3A_872 = arith.constant 1 : i32
        %add3A_873 = arith.addi %select_n3A_869, %add3A_872 : i32
        %jit3A_874 = arith.constant 0 : i32
        %select_n3A_875 = arith.select %eq3A_871, %jit3A_874, %add3A_873 : i32
        %eq3A_876 = arith.constant 7812 : i32
        %eq3A_877 = arith.cmpi eq, %get3A_863, %eq3A_876 : i32
        %jit3A_878 = arith.constant 3 : i32
        %select_n3A_879 = arith.select %eq3A_877, %jit3A_878, %select_n3A_875 : i32
        %eq3A_880 = arith.constant 7812 : i32
        %eq3A_881 = arith.cmpi eq, %get3A_863, %eq3A_880 : i32
        %mul3A_882 = arith.constant 128 : i32
        %mul3A_883 = arith.muli %get3A_863, %mul3A_882 : i32
        %multiple_of3A_884 = tpu.assume_multiple %mul3A_883, 128 : i32
        %eq3A_885 = arith.constant 0 : i32
        %eq3A_886 = arith.cmpi eq, %select_n3A_879, %eq3A_885 : i32
        %not3A_887 = arith.constant true
        %not3A_888 = arith.xori %eq3A_881, %not3A_887 : i1
        %and3A_889 = arith.andi %eq3A_886, %not3A_888 : i1
        %convert_element_type3A_890 = arith.extui %and3A_889 : i1 to i32
        %cond3A_891 = arith.constant 0 : i32
        %cond3A_892 = arith.cmpi ne, %convert_element_type3A_890, %cond3A_891 : i32
        scf.if %cond3A_892 {
          %dma_start3A = arith.constant 0 : i32
          %dma_start3A_924 = arith.constant 0 : i32
          %dma_start3A_925 = arith.constant 0 : i32
          %dma_start3A_926 = tpu.memref_slice %arg7[%dma_start3A, %dma_start3A_924, %dma_start3A_925] : memref<4x64x128xf32, #tpu.memory_space<vmem>> -> memref<1x64x128xf32, #tpu.memory_space<vmem>>
          %dma_start3A_927 = tpu.memref_squeeze %dma_start3A_926 : memref<1x64x128xf32, #tpu.memory_space<vmem>> -> memref<64x128xf32, #tpu.memory_space<vmem>>
          %dma_start3A_928 = arith.constant 0 : i32
          %dma_start3A_929 = tpu.memref_slice %arg2[%dma_start3A_928, %multiple_of3A_884] : memref<64x1000000xf32, #tpu.memory_space<hbm>> -> memref<64x128xf32, #tpu.memory_space<hbm>>
          %dma_start3A_930 = arith.constant 0 : i32
          %dma_start3A_931 = arith.constant 0 : i32
          %dma_start3A_932 = tpu.memref_slice %arg7[%dma_start3A, %dma_start3A_930, %dma_start3A_931] : memref<4x64x128xf32, #tpu.memory_space<vmem>> -> memref<1x64x128xf32, #tpu.memory_space<vmem>>
          %dma_start3A_933 = tpu.memref_squeeze %dma_start3A_932 : memref<1x64x128xf32, #tpu.memory_space<vmem>> -> memref<64x128xf32, #tpu.memory_space<vmem>>
          %dma_start3A_934 = arith.constant 0 : i32
          %dma_start3A_935 = tpu.memref_slice %arg2[%dma_start3A_934, %multiple_of3A_884] : memref<64x1000000xf32, #tpu.memory_space<hbm>> -> memref<64x128xf32, #tpu.memory_space<hbm>>
          tpu.enqueue_dma source(%dma_start3A_935 : memref<64x128xf32, #tpu.memory_space<hbm>>) target(%dma_start3A_933 : memref<64x128xf32, #tpu.memory_space<vmem>>) target_semaphore(%arg10 : memref<!tpu.dma_semaphore, #tpu.memory_space<semaphore_mem>>)
        } else {
        }
        %eq3A_893 = arith.constant 1 : i32
        %eq3A_894 = arith.cmpi eq, %select_n3A_879, %eq3A_893 : i32
        %not3A_895 = arith.constant true
        %not3A_896 = arith.xori %eq3A_881, %not3A_895 : i1
        %and3A_897 = arith.andi %eq3A_894, %not3A_896 : i1
        %convert_element_type3A_898 = arith.extui %and3A_897 : i1 to i32
        %cond3A_899 = arith.constant 0 : i32
        %cond3A_900 = arith.cmpi ne, %convert_element_type3A_898, %cond3A_899 : i32
        scf.if %cond3A_900 {
          %dma_start3A = arith.constant 1 : i32
          %dma_start3A_924 = arith.constant 0 : i32
          %dma_start3A_925 = arith.constant 0 : i32
          %dma_start3A_926 = tpu.memref_slice %arg7[%dma_start3A, %dma_start3A_924, %dma_start3A_925] : memref<4x64x128xf32, #tpu.memory_space<vmem>> -> memref<1x64x128xf32, #tpu.memory_space<vmem>>
          %dma_start3A_927 = tpu.memref_squeeze %dma_start3A_926 : memref<1x64x128xf32, #tpu.memory_space<vmem>> -> memref<64x128xf32, #tpu.memory_space<vmem>>
          %dma_start3A_928 = arith.constant 0 : i32
          %dma_start3A_929 = tpu.memref_slice %arg2[%dma_start3A_928, %multiple_of3A_884] : memref<64x1000000xf32, #tpu.memory_space<hbm>> -> memref<64x128xf32, #tpu.memory_space<hbm>>
          %dma_start3A_930 = arith.constant 0 : i32
          %dma_start3A_931 = arith.constant 0 : i32
          %dma_start3A_932 = tpu.memref_slice %arg7[%dma_start3A, %dma_start3A_930, %dma_start3A_931] : memref<4x64x128xf32, #tpu.memory_space<vmem>> -> memref<1x64x128xf32, #tpu.memory_space<vmem>>
          %dma_start3A_933 = tpu.memref_squeeze %dma_start3A_932 : memref<1x64x128xf32, #tpu.memory_space<vmem>> -> memref<64x128xf32, #tpu.memory_space<vmem>>
          %dma_start3A_934 = arith.constant 0 : i32
          %dma_start3A_935 = tpu.memref_slice %arg2[%dma_start3A_934, %multiple_of3A_884] : memref<64x1000000xf32, #tpu.memory_space<hbm>> -> memref<64x128xf32, #tpu.memory_space<hbm>>
          tpu.enqueue_dma source(%dma_start3A_935 : memref<64x128xf32, #tpu.memory_space<hbm>>) target(%dma_start3A_933 : memref<64x128xf32, #tpu.memory_space<vmem>>) target_semaphore(%arg11 : memref<!tpu.dma_semaphore, #tpu.memory_space<semaphore_mem>>)
        } else {
        }
        %eq3A_901 = arith.constant 2 : i32
        %eq3A_902 = arith.cmpi eq, %select_n3A_879, %eq3A_901 : i32
        %not3A_903 = arith.constant true
        %not3A_904 = arith.xori %eq3A_881, %not3A_903 : i1
        %and3A_905 = arith.andi %eq3A_902, %not3A_904 : i1
        %convert_element_type3A_906 = arith.extui %and3A_905 : i1 to i32
        %cond3A_907 = arith.constant 0 : i32
        %cond3A_908 = arith.cmpi ne, %convert_element_type3A_906, %cond3A_907 : i32
        scf.if %cond3A_908 {
          %dma_start3A = arith.constant 2 : i32
          %dma_start3A_924 = arith.constant 0 : i32
          %dma_start3A_925 = arith.constant 0 : i32
          %dma_start3A_926 = tpu.memref_slice %arg7[%dma_start3A, %dma_start3A_924, %dma_start3A_925] : memref<4x64x128xf32, #tpu.memory_space<vmem>> -> memref<1x64x128xf32, #tpu.memory_space<vmem>>
          %dma_start3A_927 = tpu.memref_squeeze %dma_start3A_926 : memref<1x64x128xf32, #tpu.memory_space<vmem>> -> memref<64x128xf32, #tpu.memory_space<vmem>>
          %dma_start3A_928 = arith.constant 0 : i32
          %dma_start3A_929 = tpu.memref_slice %arg2[%dma_start3A_928, %multiple_of3A_884] : memref<64x1000000xf32, #tpu.memory_space<hbm>> -> memref<64x128xf32, #tpu.memory_space<hbm>>
          %dma_start3A_930 = arith.constant 0 : i32
          %dma_start3A_931 = arith.constant 0 : i32
          %dma_start3A_932 = tpu.memref_slice %arg7[%dma_start3A, %dma_start3A_930, %dma_start3A_931] : memref<4x64x128xf32, #tpu.memory_space<vmem>> -> memref<1x64x128xf32, #tpu.memory_space<vmem>>
          %dma_start3A_933 = tpu.memref_squeeze %dma_start3A_932 : memref<1x64x128xf32, #tpu.memory_space<vmem>> -> memref<64x128xf32, #tpu.memory_space<vmem>>
          %dma_start3A_934 = arith.constant 0 : i32
          %dma_start3A_935 = tpu.memref_slice %arg2[%dma_start3A_934, %multiple_of3A_884] : memref<64x1000000xf32, #tpu.memory_space<hbm>> -> memref<64x128xf32, #tpu.memory_space<hbm>>
          tpu.enqueue_dma source(%dma_start3A_935 : memref<64x128xf32, #tpu.memory_space<hbm>>) target(%dma_start3A_933 : memref<64x128xf32, #tpu.memory_space<vmem>>) target_semaphore(%arg12 : memref<!tpu.dma_semaphore, #tpu.memory_space<semaphore_mem>>)
        } else {
        }
        %eq3A_909 = arith.constant 0 : i32
        %eq3A_910 = arith.cmpi eq, %select_n3A_656, %eq3A_909 : i32
        %convert_element_type3A_911 = arith.extui %eq3A_910 : i1 to i32
        %cond3A_912 = arith.constant 0 : i32
        %cond3A_913 = arith.cmpi ne, %convert_element_type3A_911, %cond3A_912 : i32
        scf.if %cond3A_913 {
          %dma_wait3A = arith.constant 0 : i32
          %dma_wait3A_924 = arith.constant 0 : i32
          %dma_wait3A_925 = arith.constant 0 : i32
          %dma_wait3A_926 = tpu.memref_slice %arg7[%dma_wait3A, %dma_wait3A_924, %dma_wait3A_925] : memref<4x64x128xf32, #tpu.memory_space<vmem>> -> memref<1x64x128xf32, #tpu.memory_space<vmem>>
          %dma_wait3A_927 = tpu.memref_squeeze %dma_wait3A_926 : memref<1x64x128xf32, #tpu.memory_space<vmem>> -> memref<64x128xf32, #tpu.memory_space<vmem>>
          %dma_wait3A_928 = arith.constant 0 : i32
          %dma_wait3A_929 = arith.constant 0 : i32
          %dma_wait3A_930 = tpu.memref_slice %arg2[%dma_wait3A_928, %dma_wait3A_929] : memref<64x1000000xf32, #tpu.memory_space<hbm>> -> memref<64x128xf32, #tpu.memory_space<hbm>>
          %dma_wait3A_931 = arith.constant 0 : i32
          %dma_wait3A_932 = arith.constant 0 : i32
          %dma_wait3A_933 = tpu.memref_slice %arg7[%dma_wait3A, %dma_wait3A_931, %dma_wait3A_932] : memref<4x64x128xf32, #tpu.memory_space<vmem>> -> memref<1x64x128xf32, #tpu.memory_space<vmem>>
          %dma_wait3A_934 = tpu.memref_squeeze %dma_wait3A_933 : memref<1x64x128xf32, #tpu.memory_space<vmem>> -> memref<64x128xf32, #tpu.memory_space<vmem>>
          %dma_wait3A_935 = arith.constant 0 : i32
          %dma_wait3A_936 = arith.constant 0 : i32
          %dma_wait3A_937 = tpu.memref_slice %arg2[%dma_wait3A_935, %dma_wait3A_936] : memref<64x1000000xf32, #tpu.memory_space<hbm>> -> memref<64x128xf32, #tpu.memory_space<hbm>>
          tpu.wait_dma2 semaphore(%arg10 : memref<!tpu.dma_semaphore, #tpu.memory_space<semaphore_mem>>) src(%dma_wait3A_937 : memref<64x128xf32, #tpu.memory_space<hbm>>) dst(%dma_wait3A_934 : memref<64x128xf32, #tpu.memory_space<vmem>>)
        } else {
        }
        %eq3A_914 = arith.constant 1 : i32
        %eq3A_915 = arith.cmpi eq, %select_n3A_656, %eq3A_914 : i32
        %convert_element_type3A_916 = arith.extui %eq3A_915 : i1 to i32
        %cond3A_917 = arith.constant 0 : i32
        %cond3A_918 = arith.cmpi ne, %convert_element_type3A_916, %cond3A_917 : i32
        scf.if %cond3A_918 {
          %dma_wait3A = arith.constant 1 : i32
          %dma_wait3A_924 = arith.constant 0 : i32
          %dma_wait3A_925 = arith.constant 0 : i32
          %dma_wait3A_926 = tpu.memref_slice %arg7[%dma_wait3A, %dma_wait3A_924, %dma_wait3A_925] : memref<4x64x128xf32, #tpu.memory_space<vmem>> -> memref<1x64x128xf32, #tpu.memory_space<vmem>>
          %dma_wait3A_927 = tpu.memref_squeeze %dma_wait3A_926 : memref<1x64x128xf32, #tpu.memory_space<vmem>> -> memref<64x128xf32, #tpu.memory_space<vmem>>
          %dma_wait3A_928 = arith.constant 0 : i32
          %dma_wait3A_929 = arith.constant 0 : i32
          %dma_wait3A_930 = tpu.memref_slice %arg2[%dma_wait3A_928, %dma_wait3A_929] : memref<64x1000000xf32, #tpu.memory_space<hbm>> -> memref<64x128xf32, #tpu.memory_space<hbm>>
          %dma_wait3A_931 = arith.constant 0 : i32
          %dma_wait3A_932 = arith.constant 0 : i32
          %dma_wait3A_933 = tpu.memref_slice %arg7[%dma_wait3A, %dma_wait3A_931, %dma_wait3A_932] : memref<4x64x128xf32, #tpu.memory_space<vmem>> -> memref<1x64x128xf32, #tpu.memory_space<vmem>>
          %dma_wait3A_934 = tpu.memref_squeeze %dma_wait3A_933 : memref<1x64x128xf32, #tpu.memory_space<vmem>> -> memref<64x128xf32, #tpu.memory_space<vmem>>
          %dma_wait3A_935 = arith.constant 0 : i32
          %dma_wait3A_936 = arith.constant 0 : i32
          %dma_wait3A_937 = tpu.memref_slice %arg2[%dma_wait3A_935, %dma_wait3A_936] : memref<64x1000000xf32, #tpu.memory_space<hbm>> -> memref<64x128xf32, #tpu.memory_space<hbm>>
          tpu.wait_dma2 semaphore(%arg11 : memref<!tpu.dma_semaphore, #tpu.memory_space<semaphore_mem>>) src(%dma_wait3A_937 : memref<64x128xf32, #tpu.memory_space<hbm>>) dst(%dma_wait3A_934 : memref<64x128xf32, #tpu.memory_space<vmem>>)
        } else {
        }
        %eq3A_919 = arith.constant 2 : i32
        %eq3A_920 = arith.cmpi eq, %select_n3A_656, %eq3A_919 : i32
        %convert_element_type3A_921 = arith.extui %eq3A_920 : i1 to i32
        %cond3A_922 = arith.constant 0 : i32
        %cond3A_923 = arith.cmpi ne, %convert_element_type3A_921, %cond3A_922 : i32
        scf.if %cond3A_923 {
          %dma_wait3A = arith.constant 2 : i32
          %dma_wait3A_924 = arith.constant 0 : i32
          %dma_wait3A_925 = arith.constant 0 : i32
          %dma_wait3A_926 = tpu.memref_slice %arg7[%dma_wait3A, %dma_wait3A_924, %dma_wait3A_925] : memref<4x64x128xf32, #tpu.memory_space<vmem>> -> memref<1x64x128xf32, #tpu.memory_space<vmem>>
          %dma_wait3A_927 = tpu.memref_squeeze %dma_wait3A_926 : memref<1x64x128xf32, #tpu.memory_space<vmem>> -> memref<64x128xf32, #tpu.memory_space<vmem>>
          %dma_wait3A_928 = arith.constant 0 : i32
          %dma_wait3A_929 = arith.constant 0 : i32
          %dma_wait3A_930 = tpu.memref_slice %arg2[%dma_wait3A_928, %dma_wait3A_929] : memref<64x1000000xf32, #tpu.memory_space<hbm>> -> memref<64x128xf32, #tpu.memory_space<hbm>>
          %dma_wait3A_931 = arith.constant 0 : i32
          %dma_wait3A_932 = arith.constant 0 : i32
          %dma_wait3A_933 = tpu.memref_slice %arg7[%dma_wait3A, %dma_wait3A_931, %dma_wait3A_932] : memref<4x64x128xf32, #tpu.memory_space<vmem>> -> memref<1x64x128xf32, #tpu.memory_space<vmem>>
          %dma_wait3A_934 = tpu.memref_squeeze %dma_wait3A_933 : memref<1x64x128xf32, #tpu.memory_space<vmem>> -> memref<64x128xf32, #tpu.memory_space<vmem>>
          %dma_wait3A_935 = arith.constant 0 : i32
          %dma_wait3A_936 = arith.constant 0 : i32
          %dma_wait3A_937 = tpu.memref_slice %arg2[%dma_wait3A_935, %dma_wait3A_936] : memref<64x1000000xf32, #tpu.memory_space<hbm>> -> memref<64x128xf32, #tpu.memory_space<hbm>>
          tpu.wait_dma2 semaphore(%arg12 : memref<!tpu.dma_semaphore, #tpu.memory_space<semaphore_mem>>) src(%dma_wait3A_937 : memref<64x128xf32, #tpu.memory_space<hbm>>) dst(%dma_wait3A_934 : memref<64x128xf32, #tpu.memory_space<vmem>>)
        } else {
        }
      } else {
      }
      %broadcast_in_dim3A_660 = vector.broadcast %select_n3A_656 : i32 to vector<16xi32>
      %slice3A_661 = vector.extract_strided_slice %and3A_160 {offsets = [11], sizes = [1], strides = [1]} : vector<16xi32> to vector<1xi32>
      %squeeze3A_662 = vector.extract %slice3A_661[0] : i32 from vector<1xi32>
      %broadcast_in_dim3A_663 = vector.broadcast %squeeze3A_662 : i32 to vector<16xi32>
      %mul3A_664 = arith.constant 16 : i32
      %mul3A_665 = arith.muli %scan3A_143, %mul3A_664 : i32
      %add3A_666 = arith.constant 11 : i32
      %add3A_667 = arith.addi %mul3A_665, %add3A_666 : i32
      %gather3A_668 = tpu.vector_load_idx %arg7[%broadcast_in_dim3A_660, %add3A_84, %broadcast_in_dim3A_663] : memref<4x64x128xf32, #tpu.memory_space<vmem>>[vector<16xi32>, vector<16xi32>, vector<16xi32>], vector<16xf32>,
      %swap3A_669 = arith.index_cast %add3A_667 : i32 to index
      %swap3A_670 = arith.constant 0 : index
      %swap3A_671 = tpu.vector_load %arg8[%swap3A_669, %swap3A_670] {strides = array<i32>} : memref<512x64xf32, #tpu.memory_space<vmem>>, vector<16xf32>,
      tpu.vector_store %arg8[%swap3A_669, %swap3A_670], %gather3A_668 {strides = array<i32>} : memref<512x64xf32, #tpu.memory_space<vmem>>, vector<16xf32>,
      %gather3A_672 = tpu.vector_load_idx %arg7[%broadcast_in_dim3A_660, %add3A_88, %broadcast_in_dim3A_663] : memref<4x64x128xf32, #tpu.memory_space<vmem>>[vector<16xi32>, vector<16xi32>, vector<16xi32>], vector<16xf32>,
      %swap3A_673 = arith.index_cast %add3A_667 : i32 to index
      %swap3A_674 = arith.constant 16 : index
      %swap3A_675 = tpu.vector_load %arg8[%swap3A_673, %swap3A_674] {strides = array<i32>} : memref<512x64xf32, #tpu.memory_space<vmem>>, vector<16xf32>,
      tpu.vector_store %arg8[%swap3A_673, %swap3A_674], %gather3A_672 {strides = array<i32>} : memref<512x64xf32, #tpu.memory_space<vmem>>, vector<16xf32>,
      %gather3A_676 = tpu.vector_load_idx %arg7[%broadcast_in_dim3A_660, %add3A_92, %broadcast_in_dim3A_663] : memref<4x64x128xf32, #tpu.memory_space<vmem>>[vector<16xi32>, vector<16xi32>, vector<16xi32>], vector<16xf32>,
      %swap3A_677 = arith.index_cast %add3A_667 : i32 to index
      %swap3A_678 = arith.constant 32 : index
      %swap3A_679 = tpu.vector_load %arg8[%swap3A_677, %swap3A_678] {strides = array<i32>} : memref<512x64xf32, #tpu.memory_space<vmem>>, vector<16xf32>,
      tpu.vector_store %arg8[%swap3A_677, %swap3A_678], %gather3A_676 {strides = array<i32>} : memref<512x64xf32, #tpu.memory_space<vmem>>, vector<16xf32>,
      %gather3A_680 = tpu.vector_load_idx %arg7[%broadcast_in_dim3A_660, %add3A_96, %broadcast_in_dim3A_663] : memref<4x64x128xf32, #tpu.memory_space<vmem>>[vector<16xi32>, vector<16xi32>, vector<16xi32>], vector<16xf32>,
      %swap3A_681 = arith.index_cast %add3A_667 : i32 to index
      %swap3A_682 = arith.constant 48 : index
      %swap3A_683 = tpu.vector_load %arg8[%swap3A_681, %swap3A_682] {strides = array<i32>} : memref<512x64xf32, #tpu.memory_space<vmem>>, vector<16xf32>,
      tpu.vector_store %arg8[%swap3A_681, %swap3A_682], %gather3A_680 {strides = array<i32>} : memref<512x64xf32, #tpu.memory_space<vmem>>, vector<16xf32>,
      %slice3A_684 = vector.extract_strided_slice %shift_right_arithmetic3A_157 {offsets = [12], sizes = [1], strides = [1]} : vector<16xi32> to vector<1xi32>
      %squeeze3A_685 = vector.extract %slice3A_684[0] : i32 from vector<1xi32>
      %ne3A_686 = arith.cmpi ne, %squeeze3A_685, %squeeze3A_641 : i32
      %add3A_687 = arith.constant 1 : i32
      %add3A_688 = arith.addi %select_n3A_645, %add3A_687 : i32
      %select_n3A_689 = arith.select %ne3A_686, %add3A_688, %select_n3A_645 : i32
      %eq3A_690 = arith.constant 2 : i32
      %eq3A_691 = arith.cmpi eq, %select_n3A_652, %eq3A_690 : i32
      %add3A_692 = arith.constant 1 : i32
      %add3A_693 = arith.addi %select_n3A_652, %add3A_692 : i32
      %jit3A_694 = arith.constant 0 : i32
      %select_n3A_695 = arith.select %eq3A_691, %jit3A_694, %add3A_693 : i32
      %select_n3A_696 = arith.select %ne3A_686, %select_n3A_695, %select_n3A_652 : i32
      %eq3A_697 = arith.constant 7812 : i32
      %eq3A_698 = arith.cmpi eq, %squeeze3A_685, %eq3A_697 : i32
      %jit3A_699 = arith.constant 3 : i32
      %select_n3A_700 = arith.select %eq3A_698, %jit3A_699, %select_n3A_696 : i32
      %convert_element_type3A_701 = arith.extui %ne3A_686 : i1 to i32
      %cond3A_702 = arith.constant 0 : i32
      %cond3A_703 = arith.cmpi ne, %convert_element_type3A_701, %cond3A_702 : i32
      scf.if %cond3A_703 {
        %add3A_860 = arith.constant 2 : i32
        %add3A_861 = arith.addi %select_n3A_689, %add3A_860 : i32
        %get3A_862 = arith.index_cast %add3A_861 : i32 to index
        %get3A_863 = memref.load %arg9[%get3A_862] : memref<520xi32, #tpu.memory_space<smem>>
        %eq3A_864 = arith.constant 2 : i32
        %eq3A_865 = arith.cmpi eq, %select_n3A_696, %eq3A_864 : i32
        %add3A_866 = arith.constant 1 : i32
        %add3A_867 = arith.addi %select_n3A_696, %add3A_866 : i32
        %jit3A_868 = arith.constant 0 : i32
        %select_n3A_869 = arith.select %eq3A_865, %jit3A_868, %add3A_867 : i32
        %eq3A_870 = arith.constant 2 : i32
        %eq3A_871 = arith.cmpi eq, %select_n3A_869, %eq3A_870 : i32
        %add3A_872 = arith.constant 1 : i32
        %add3A_873 = arith.addi %select_n3A_869, %add3A_872 : i32
        %jit3A_874 = arith.constant 0 : i32
        %select_n3A_875 = arith.select %eq3A_871, %jit3A_874, %add3A_873 : i32
        %eq3A_876 = arith.constant 7812 : i32
        %eq3A_877 = arith.cmpi eq, %get3A_863, %eq3A_876 : i32
        %jit3A_878 = arith.constant 3 : i32
        %select_n3A_879 = arith.select %eq3A_877, %jit3A_878, %select_n3A_875 : i32
        %eq3A_880 = arith.constant 7812 : i32
        %eq3A_881 = arith.cmpi eq, %get3A_863, %eq3A_880 : i32
        %mul3A_882 = arith.constant 128 : i32
        %mul3A_883 = arith.muli %get3A_863, %mul3A_882 : i32
        %multiple_of3A_884 = tpu.assume_multiple %mul3A_883, 128 : i32
        %eq3A_885 = arith.constant 0 : i32
        %eq3A_886 = arith.cmpi eq, %select_n3A_879, %eq3A_885 : i32
        %not3A_887 = arith.constant true
        %not3A_888 = arith.xori %eq3A_881, %not3A_887 : i1
        %and3A_889 = arith.andi %eq3A_886, %not3A_888 : i1
        %convert_element_type3A_890 = arith.extui %and3A_889 : i1 to i32
        %cond3A_891 = arith.constant 0 : i32
        %cond3A_892 = arith.cmpi ne, %convert_element_type3A_890, %cond3A_891 : i32
        scf.if %cond3A_892 {
          %dma_start3A = arith.constant 0 : i32
          %dma_start3A_924 = arith.constant 0 : i32
          %dma_start3A_925 = arith.constant 0 : i32
          %dma_start3A_926 = tpu.memref_slice %arg7[%dma_start3A, %dma_start3A_924, %dma_start3A_925] : memref<4x64x128xf32, #tpu.memory_space<vmem>> -> memref<1x64x128xf32, #tpu.memory_space<vmem>>
          %dma_start3A_927 = tpu.memref_squeeze %dma_start3A_926 : memref<1x64x128xf32, #tpu.memory_space<vmem>> -> memref<64x128xf32, #tpu.memory_space<vmem>>
          %dma_start3A_928 = arith.constant 0 : i32
          %dma_start3A_929 = tpu.memref_slice %arg2[%dma_start3A_928, %multiple_of3A_884] : memref<64x1000000xf32, #tpu.memory_space<hbm>> -> memref<64x128xf32, #tpu.memory_space<hbm>>
          %dma_start3A_930 = arith.constant 0 : i32
          %dma_start3A_931 = arith.constant 0 : i32
          %dma_start3A_932 = tpu.memref_slice %arg7[%dma_start3A, %dma_start3A_930, %dma_start3A_931] : memref<4x64x128xf32, #tpu.memory_space<vmem>> -> memref<1x64x128xf32, #tpu.memory_space<vmem>>
          %dma_start3A_933 = tpu.memref_squeeze %dma_start3A_932 : memref<1x64x128xf32, #tpu.memory_space<vmem>> -> memref<64x128xf32, #tpu.memory_space<vmem>>
          %dma_start3A_934 = arith.constant 0 : i32
          %dma_start3A_935 = tpu.memref_slice %arg2[%dma_start3A_934, %multiple_of3A_884] : memref<64x1000000xf32, #tpu.memory_space<hbm>> -> memref<64x128xf32, #tpu.memory_space<hbm>>
          tpu.enqueue_dma source(%dma_start3A_935 : memref<64x128xf32, #tpu.memory_space<hbm>>) target(%dma_start3A_933 : memref<64x128xf32, #tpu.memory_space<vmem>>) target_semaphore(%arg10 : memref<!tpu.dma_semaphore, #tpu.memory_space<semaphore_mem>>)
        } else {
        }
        %eq3A_893 = arith.constant 1 : i32
        %eq3A_894 = arith.cmpi eq, %select_n3A_879, %eq3A_893 : i32
        %not3A_895 = arith.constant true
        %not3A_896 = arith.xori %eq3A_881, %not3A_895 : i1
        %and3A_897 = arith.andi %eq3A_894, %not3A_896 : i1
        %convert_element_type3A_898 = arith.extui %and3A_897 : i1 to i32
        %cond3A_899 = arith.constant 0 : i32
        %cond3A_900 = arith.cmpi ne, %convert_element_type3A_898, %cond3A_899 : i32
        scf.if %cond3A_900 {
          %dma_start3A = arith.constant 1 : i32
          %dma_start3A_924 = arith.constant 0 : i32
          %dma_start3A_925 = arith.constant 0 : i32
          %dma_start3A_926 = tpu.memref_slice %arg7[%dma_start3A, %dma_start3A_924, %dma_start3A_925] : memref<4x64x128xf32, #tpu.memory_space<vmem>> -> memref<1x64x128xf32, #tpu.memory_space<vmem>>
          %dma_start3A_927 = tpu.memref_squeeze %dma_start3A_926 : memref<1x64x128xf32, #tpu.memory_space<vmem>> -> memref<64x128xf32, #tpu.memory_space<vmem>>
          %dma_start3A_928 = arith.constant 0 : i32
          %dma_start3A_929 = tpu.memref_slice %arg2[%dma_start3A_928, %multiple_of3A_884] : memref<64x1000000xf32, #tpu.memory_space<hbm>> -> memref<64x128xf32, #tpu.memory_space<hbm>>
          %dma_start3A_930 = arith.constant 0 : i32
          %dma_start3A_931 = arith.constant 0 : i32
          %dma_start3A_932 = tpu.memref_slice %arg7[%dma_start3A, %dma_start3A_930, %dma_start3A_931] : memref<4x64x128xf32, #tpu.memory_space<vmem>> -> memref<1x64x128xf32, #tpu.memory_space<vmem>>
          %dma_start3A_933 = tpu.memref_squeeze %dma_start3A_932 : memref<1x64x128xf32, #tpu.memory_space<vmem>> -> memref<64x128xf32, #tpu.memory_space<vmem>>
          %dma_start3A_934 = arith.constant 0 : i32
          %dma_start3A_935 = tpu.memref_slice %arg2[%dma_start3A_934, %multiple_of3A_884] : memref<64x1000000xf32, #tpu.memory_space<hbm>> -> memref<64x128xf32, #tpu.memory_space<hbm>>
          tpu.enqueue_dma source(%dma_start3A_935 : memref<64x128xf32, #tpu.memory_space<hbm>>) target(%dma_start3A_933 : memref<64x128xf32, #tpu.memory_space<vmem>>) target_semaphore(%arg11 : memref<!tpu.dma_semaphore, #tpu.memory_space<semaphore_mem>>)
        } else {
        }
        %eq3A_901 = arith.constant 2 : i32
        %eq3A_902 = arith.cmpi eq, %select_n3A_879, %eq3A_901 : i32
        %not3A_903 = arith.constant true
        %not3A_904 = arith.xori %eq3A_881, %not3A_903 : i1
        %and3A_905 = arith.andi %eq3A_902, %not3A_904 : i1
        %convert_element_type3A_906 = arith.extui %and3A_905 : i1 to i32
        %cond3A_907 = arith.constant 0 : i32
        %cond3A_908 = arith.cmpi ne, %convert_element_type3A_906, %cond3A_907 : i32
        scf.if %cond3A_908 {
          %dma_start3A = arith.constant 2 : i32
          %dma_start3A_924 = arith.constant 0 : i32
          %dma_start3A_925 = arith.constant 0 : i32
          %dma_start3A_926 = tpu.memref_slice %arg7[%dma_start3A, %dma_start3A_924, %dma_start3A_925] : memref<4x64x128xf32, #tpu.memory_space<vmem>> -> memref<1x64x128xf32, #tpu.memory_space<vmem>>
          %dma_start3A_927 = tpu.memref_squeeze %dma_start3A_926 : memref<1x64x128xf32, #tpu.memory_space<vmem>> -> memref<64x128xf32, #tpu.memory_space<vmem>>
          %dma_start3A_928 = arith.constant 0 : i32
          %dma_start3A_929 = tpu.memref_slice %arg2[%dma_start3A_928, %multiple_of3A_884] : memref<64x1000000xf32, #tpu.memory_space<hbm>> -> memref<64x128xf32, #tpu.memory_space<hbm>>
          %dma_start3A_930 = arith.constant 0 : i32
          %dma_start3A_931 = arith.constant 0 : i32
          %dma_start3A_932 = tpu.memref_slice %arg7[%dma_start3A, %dma_start3A_930, %dma_start3A_931] : memref<4x64x128xf32, #tpu.memory_space<vmem>> -> memref<1x64x128xf32, #tpu.memory_space<vmem>>
          %dma_start3A_933 = tpu.memref_squeeze %dma_start3A_932 : memref<1x64x128xf32, #tpu.memory_space<vmem>> -> memref<64x128xf32, #tpu.memory_space<vmem>>
          %dma_start3A_934 = arith.constant 0 : i32
          %dma_start3A_935 = tpu.memref_slice %arg2[%dma_start3A_934, %multiple_of3A_884] : memref<64x1000000xf32, #tpu.memory_space<hbm>> -> memref<64x128xf32, #tpu.memory_space<hbm>>
          tpu.enqueue_dma source(%dma_start3A_935 : memref<64x128xf32, #tpu.memory_space<hbm>>) target(%dma_start3A_933 : memref<64x128xf32, #tpu.memory_space<vmem>>) target_semaphore(%arg12 : memref<!tpu.dma_semaphore, #tpu.memory_space<semaphore_mem>>)
        } else {
        }
        %eq3A_909 = arith.constant 0 : i32
        %eq3A_910 = arith.cmpi eq, %select_n3A_700, %eq3A_909 : i32
        %convert_element_type3A_911 = arith.extui %eq3A_910 : i1 to i32
        %cond3A_912 = arith.constant 0 : i32
        %cond3A_913 = arith.cmpi ne, %convert_element_type3A_911, %cond3A_912 : i32
        scf.if %cond3A_913 {
          %dma_wait3A = arith.constant 0 : i32
          %dma_wait3A_924 = arith.constant 0 : i32
          %dma_wait3A_925 = arith.constant 0 : i32
          %dma_wait3A_926 = tpu.memref_slice %arg7[%dma_wait3A, %dma_wait3A_924, %dma_wait3A_925] : memref<4x64x128xf32, #tpu.memory_space<vmem>> -> memref<1x64x128xf32, #tpu.memory_space<vmem>>
          %dma_wait3A_927 = tpu.memref_squeeze %dma_wait3A_926 : memref<1x64x128xf32, #tpu.memory_space<vmem>> -> memref<64x128xf32, #tpu.memory_space<vmem>>
          %dma_wait3A_928 = arith.constant 0 : i32
          %dma_wait3A_929 = arith.constant 0 : i32
          %dma_wait3A_930 = tpu.memref_slice %arg2[%dma_wait3A_928, %dma_wait3A_929] : memref<64x1000000xf32, #tpu.memory_space<hbm>> -> memref<64x128xf32, #tpu.memory_space<hbm>>
          %dma_wait3A_931 = arith.constant 0 : i32
          %dma_wait3A_932 = arith.constant 0 : i32
          %dma_wait3A_933 = tpu.memref_slice %arg7[%dma_wait3A, %dma_wait3A_931, %dma_wait3A_932] : memref<4x64x128xf32, #tpu.memory_space<vmem>> -> memref<1x64x128xf32, #tpu.memory_space<vmem>>
          %dma_wait3A_934 = tpu.memref_squeeze %dma_wait3A_933 : memref<1x64x128xf32, #tpu.memory_space<vmem>> -> memref<64x128xf32, #tpu.memory_space<vmem>>
          %dma_wait3A_935 = arith.constant 0 : i32
          %dma_wait3A_936 = arith.constant 0 : i32
          %dma_wait3A_937 = tpu.memref_slice %arg2[%dma_wait3A_935, %dma_wait3A_936] : memref<64x1000000xf32, #tpu.memory_space<hbm>> -> memref<64x128xf32, #tpu.memory_space<hbm>>
          tpu.wait_dma2 semaphore(%arg10 : memref<!tpu.dma_semaphore, #tpu.memory_space<semaphore_mem>>) src(%dma_wait3A_937 : memref<64x128xf32, #tpu.memory_space<hbm>>) dst(%dma_wait3A_934 : memref<64x128xf32, #tpu.memory_space<vmem>>)
        } else {
        }
        %eq3A_914 = arith.constant 1 : i32
        %eq3A_915 = arith.cmpi eq, %select_n3A_700, %eq3A_914 : i32
        %convert_element_type3A_916 = arith.extui %eq3A_915 : i1 to i32
        %cond3A_917 = arith.constant 0 : i32
        %cond3A_918 = arith.cmpi ne, %convert_element_type3A_916, %cond3A_917 : i32
        scf.if %cond3A_918 {
          %dma_wait3A = arith.constant 1 : i32
          %dma_wait3A_924 = arith.constant 0 : i32
          %dma_wait3A_925 = arith.constant 0 : i32
          %dma_wait3A_926 = tpu.memref_slice %arg7[%dma_wait3A, %dma_wait3A_924, %dma_wait3A_925] : memref<4x64x128xf32, #tpu.memory_space<vmem>> -> memref<1x64x128xf32, #tpu.memory_space<vmem>>
          %dma_wait3A_927 = tpu.memref_squeeze %dma_wait3A_926 : memref<1x64x128xf32, #tpu.memory_space<vmem>> -> memref<64x128xf32, #tpu.memory_space<vmem>>
          %dma_wait3A_928 = arith.constant 0 : i32
          %dma_wait3A_929 = arith.constant 0 : i32
          %dma_wait3A_930 = tpu.memref_slice %arg2[%dma_wait3A_928, %dma_wait3A_929] : memref<64x1000000xf32, #tpu.memory_space<hbm>> -> memref<64x128xf32, #tpu.memory_space<hbm>>
          %dma_wait3A_931 = arith.constant 0 : i32
          %dma_wait3A_932 = arith.constant 0 : i32
          %dma_wait3A_933 = tpu.memref_slice %arg7[%dma_wait3A, %dma_wait3A_931, %dma_wait3A_932] : memref<4x64x128xf32, #tpu.memory_space<vmem>> -> memref<1x64x128xf32, #tpu.memory_space<vmem>>
          %dma_wait3A_934 = tpu.memref_squeeze %dma_wait3A_933 : memref<1x64x128xf32, #tpu.memory_space<vmem>> -> memref<64x128xf32, #tpu.memory_space<vmem>>
          %dma_wait3A_935 = arith.constant 0 : i32
          %dma_wait3A_936 = arith.constant 0 : i32
          %dma_wait3A_937 = tpu.memref_slice %arg2[%dma_wait3A_935, %dma_wait3A_936] : memref<64x1000000xf32, #tpu.memory_space<hbm>> -> memref<64x128xf32, #tpu.memory_space<hbm>>
          tpu.wait_dma2 semaphore(%arg11 : memref<!tpu.dma_semaphore, #tpu.memory_space<semaphore_mem>>) src(%dma_wait3A_937 : memref<64x128xf32, #tpu.memory_space<hbm>>) dst(%dma_wait3A_934 : memref<64x128xf32, #tpu.memory_space<vmem>>)
        } else {
        }
        %eq3A_919 = arith.constant 2 : i32
        %eq3A_920 = arith.cmpi eq, %select_n3A_700, %eq3A_919 : i32
        %convert_element_type3A_921 = arith.extui %eq3A_920 : i1 to i32
        %cond3A_922 = arith.constant 0 : i32
        %cond3A_923 = arith.cmpi ne, %convert_element_type3A_921, %cond3A_922 : i32
        scf.if %cond3A_923 {
          %dma_wait3A = arith.constant 2 : i32
          %dma_wait3A_924 = arith.constant 0 : i32
          %dma_wait3A_925 = arith.constant 0 : i32
          %dma_wait3A_926 = tpu.memref_slice %arg7[%dma_wait3A, %dma_wait3A_924, %dma_wait3A_925] : memref<4x64x128xf32, #tpu.memory_space<vmem>> -> memref<1x64x128xf32, #tpu.memory_space<vmem>>
          %dma_wait3A_927 = tpu.memref_squeeze %dma_wait3A_926 : memref<1x64x128xf32, #tpu.memory_space<vmem>> -> memref<64x128xf32, #tpu.memory_space<vmem>>
          %dma_wait3A_928 = arith.constant 0 : i32
          %dma_wait3A_929 = arith.constant 0 : i32
          %dma_wait3A_930 = tpu.memref_slice %arg2[%dma_wait3A_928, %dma_wait3A_929] : memref<64x1000000xf32, #tpu.memory_space<hbm>> -> memref<64x128xf32, #tpu.memory_space<hbm>>
          %dma_wait3A_931 = arith.constant 0 : i32
          %dma_wait3A_932 = arith.constant 0 : i32
          %dma_wait3A_933 = tpu.memref_slice %arg7[%dma_wait3A, %dma_wait3A_931, %dma_wait3A_932] : memref<4x64x128xf32, #tpu.memory_space<vmem>> -> memref<1x64x128xf32, #tpu.memory_space<vmem>>
          %dma_wait3A_934 = tpu.memref_squeeze %dma_wait3A_933 : memref<1x64x128xf32, #tpu.memory_space<vmem>> -> memref<64x128xf32, #tpu.memory_space<vmem>>
          %dma_wait3A_935 = arith.constant 0 : i32
          %dma_wait3A_936 = arith.constant 0 : i32
          %dma_wait3A_937 = tpu.memref_slice %arg2[%dma_wait3A_935, %dma_wait3A_936] : memref<64x1000000xf32, #tpu.memory_space<hbm>> -> memref<64x128xf32, #tpu.memory_space<hbm>>
          tpu.wait_dma2 semaphore(%arg12 : memref<!tpu.dma_semaphore, #tpu.memory_space<semaphore_mem>>) src(%dma_wait3A_937 : memref<64x128xf32, #tpu.memory_space<hbm>>) dst(%dma_wait3A_934 : memref<64x128xf32, #tpu.memory_space<vmem>>)
        } else {
        }
      } else {
      }
      %broadcast_in_dim3A_704 = vector.broadcast %select_n3A_700 : i32 to vector<16xi32>
      %slice3A_705 = vector.extract_strided_slice %and3A_160 {offsets = [12], sizes = [1], strides = [1]} : vector<16xi32> to vector<1xi32>
      %squeeze3A_706 = vector.extract %slice3A_705[0] : i32 from vector<1xi32>
      %broadcast_in_dim3A_707 = vector.broadcast %squeeze3A_706 : i32 to vector<16xi32>
      %mul3A_708 = arith.constant 16 : i32
      %mul3A_709 = arith.muli %scan3A_143, %mul3A_708 : i32
      %add3A_710 = arith.constant 12 : i32
      %add3A_711 = arith.addi %mul3A_709, %add3A_710 : i32
      %gather3A_712 = tpu.vector_load_idx %arg7[%broadcast_in_dim3A_704, %add3A_84, %broadcast_in_dim3A_707] : memref<4x64x128xf32, #tpu.memory_space<vmem>>[vector<16xi32>, vector<16xi32>, vector<16xi32>], vector<16xf32>,
      %swap3A_713 = arith.index_cast %add3A_711 : i32 to index
      %swap3A_714 = arith.constant 0 : index
      %swap3A_715 = tpu.vector_load %arg8[%swap3A_713, %swap3A_714] {strides = array<i32>} : memref<512x64xf32, #tpu.memory_space<vmem>>, vector<16xf32>,
      tpu.vector_store %arg8[%swap3A_713, %swap3A_714], %gather3A_712 {strides = array<i32>} : memref<512x64xf32, #tpu.memory_space<vmem>>, vector<16xf32>,
      %gather3A_716 = tpu.vector_load_idx %arg7[%broadcast_in_dim3A_704, %add3A_88, %broadcast_in_dim3A_707] : memref<4x64x128xf32, #tpu.memory_space<vmem>>[vector<16xi32>, vector<16xi32>, vector<16xi32>], vector<16xf32>,
      %swap3A_717 = arith.index_cast %add3A_711 : i32 to index
      %swap3A_718 = arith.constant 16 : index
      %swap3A_719 = tpu.vector_load %arg8[%swap3A_717, %swap3A_718] {strides = array<i32>} : memref<512x64xf32, #tpu.memory_space<vmem>>, vector<16xf32>,
      tpu.vector_store %arg8[%swap3A_717, %swap3A_718], %gather3A_716 {strides = array<i32>} : memref<512x64xf32, #tpu.memory_space<vmem>>, vector<16xf32>,
      %gather3A_720 = tpu.vector_load_idx %arg7[%broadcast_in_dim3A_704, %add3A_92, %broadcast_in_dim3A_707] : memref<4x64x128xf32, #tpu.memory_space<vmem>>[vector<16xi32>, vector<16xi32>, vector<16xi32>], vector<16xf32>,
      %swap3A_721 = arith.index_cast %add3A_711 : i32 to index
      %swap3A_722 = arith.constant 32 : index
      %swap3A_723 = tpu.vector_load %arg8[%swap3A_721, %swap3A_722] {strides = array<i32>} : memref<512x64xf32, #tpu.memory_space<vmem>>, vector<16xf32>,
      tpu.vector_store %arg8[%swap3A_721, %swap3A_722], %gather3A_720 {strides = array<i32>} : memref<512x64xf32, #tpu.memory_space<vmem>>, vector<16xf32>,
      %gather3A_724 = tpu.vector_load_idx %arg7[%broadcast_in_dim3A_704, %add3A_96, %broadcast_in_dim3A_707] : memref<4x64x128xf32, #tpu.memory_space<vmem>>[vector<16xi32>, vector<16xi32>, vector<16xi32>], vector<16xf32>,
      %swap3A_725 = arith.index_cast %add3A_711 : i32 to index
      %swap3A_726 = arith.constant 48 : index
      %swap3A_727 = tpu.vector_load %arg8[%swap3A_725, %swap3A_726] {strides = array<i32>} : memref<512x64xf32, #tpu.memory_space<vmem>>, vector<16xf32>,
      tpu.vector_store %arg8[%swap3A_725, %swap3A_726], %gather3A_724 {strides = array<i32>} : memref<512x64xf32, #tpu.memory_space<vmem>>, vector<16xf32>,
      %slice3A_728 = vector.extract_strided_slice %shift_right_arithmetic3A_157 {offsets = [13], sizes = [1], strides = [1]} : vector<16xi32> to vector<1xi32>
      %squeeze3A_729 = vector.extract %slice3A_728[0] : i32 from vector<1xi32>
      %ne3A_730 = arith.cmpi ne, %squeeze3A_729, %squeeze3A_685 : i32
      %add3A_731 = arith.constant 1 : i32
      %add3A_732 = arith.addi %select_n3A_689, %add3A_731 : i32
      %select_n3A_733 = arith.select %ne3A_730, %add3A_732, %select_n3A_689 : i32
      %eq3A_734 = arith.constant 2 : i32
      %eq3A_735 = arith.cmpi eq, %select_n3A_696, %eq3A_734 : i32
      %add3A_736 = arith.constant 1 : i32
      %add3A_737 = arith.addi %select_n3A_696, %add3A_736 : i32
      %jit3A_738 = arith.constant 0 : i32
      %select_n3A_739 = arith.select %eq3A_735, %jit3A_738, %add3A_737 : i32
      %select_n3A_740 = arith.select %ne3A_730, %select_n3A_739, %select_n3A_696 : i32
      %eq3A_741 = arith.constant 7812 : i32
      %eq3A_742 = arith.cmpi eq, %squeeze3A_729, %eq3A_741 : i32
      %jit3A_743 = arith.constant 3 : i32
      %select_n3A_744 = arith.select %eq3A_742, %jit3A_743, %select_n3A_740 : i32
      %convert_element_type3A_745 = arith.extui %ne3A_730 : i1 to i32
      %cond3A_746 = arith.constant 0 : i32
      %cond3A_747 = arith.cmpi ne, %convert_element_type3A_745, %cond3A_746 : i32
      scf.if %cond3A_747 {
        %add3A_860 = arith.constant 2 : i32
        %add3A_861 = arith.addi %select_n3A_733, %add3A_860 : i32
        %get3A_862 = arith.index_cast %add3A_861 : i32 to index
        %get3A_863 = memref.load %arg9[%get3A_862] : memref<520xi32, #tpu.memory_space<smem>>
        %eq3A_864 = arith.constant 2 : i32
        %eq3A_865 = arith.cmpi eq, %select_n3A_740, %eq3A_864 : i32
        %add3A_866 = arith.constant 1 : i32
        %add3A_867 = arith.addi %select_n3A_740, %add3A_866 : i32
        %jit3A_868 = arith.constant 0 : i32
        %select_n3A_869 = arith.select %eq3A_865, %jit3A_868, %add3A_867 : i32
        %eq3A_870 = arith.constant 2 : i32
        %eq3A_871 = arith.cmpi eq, %select_n3A_869, %eq3A_870 : i32
        %add3A_872 = arith.constant 1 : i32
        %add3A_873 = arith.addi %select_n3A_869, %add3A_872 : i32
        %jit3A_874 = arith.constant 0 : i32
        %select_n3A_875 = arith.select %eq3A_871, %jit3A_874, %add3A_873 : i32
        %eq3A_876 = arith.constant 7812 : i32
        %eq3A_877 = arith.cmpi eq, %get3A_863, %eq3A_876 : i32
        %jit3A_878 = arith.constant 3 : i32
        %select_n3A_879 = arith.select %eq3A_877, %jit3A_878, %select_n3A_875 : i32
        %eq3A_880 = arith.constant 7812 : i32
        %eq3A_881 = arith.cmpi eq, %get3A_863, %eq3A_880 : i32
        %mul3A_882 = arith.constant 128 : i32
        %mul3A_883 = arith.muli %get3A_863, %mul3A_882 : i32
        %multiple_of3A_884 = tpu.assume_multiple %mul3A_883, 128 : i32
        %eq3A_885 = arith.constant 0 : i32
        %eq3A_886 = arith.cmpi eq, %select_n3A_879, %eq3A_885 : i32
        %not3A_887 = arith.constant true
        %not3A_888 = arith.xori %eq3A_881, %not3A_887 : i1
        %and3A_889 = arith.andi %eq3A_886, %not3A_888 : i1
        %convert_element_type3A_890 = arith.extui %and3A_889 : i1 to i32
        %cond3A_891 = arith.constant 0 : i32
        %cond3A_892 = arith.cmpi ne, %convert_element_type3A_890, %cond3A_891 : i32
        scf.if %cond3A_892 {
          %dma_start3A = arith.constant 0 : i32
          %dma_start3A_924 = arith.constant 0 : i32
          %dma_start3A_925 = arith.constant 0 : i32
          %dma_start3A_926 = tpu.memref_slice %arg7[%dma_start3A, %dma_start3A_924, %dma_start3A_925] : memref<4x64x128xf32, #tpu.memory_space<vmem>> -> memref<1x64x128xf32, #tpu.memory_space<vmem>>
          %dma_start3A_927 = tpu.memref_squeeze %dma_start3A_926 : memref<1x64x128xf32, #tpu.memory_space<vmem>> -> memref<64x128xf32, #tpu.memory_space<vmem>>
          %dma_start3A_928 = arith.constant 0 : i32
          %dma_start3A_929 = tpu.memref_slice %arg2[%dma_start3A_928, %multiple_of3A_884] : memref<64x1000000xf32, #tpu.memory_space<hbm>> -> memref<64x128xf32, #tpu.memory_space<hbm>>
          %dma_start3A_930 = arith.constant 0 : i32
          %dma_start3A_931 = arith.constant 0 : i32
          %dma_start3A_932 = tpu.memref_slice %arg7[%dma_start3A, %dma_start3A_930, %dma_start3A_931] : memref<4x64x128xf32, #tpu.memory_space<vmem>> -> memref<1x64x128xf32, #tpu.memory_space<vmem>>
          %dma_start3A_933 = tpu.memref_squeeze %dma_start3A_932 : memref<1x64x128xf32, #tpu.memory_space<vmem>> -> memref<64x128xf32, #tpu.memory_space<vmem>>
          %dma_start3A_934 = arith.constant 0 : i32
          %dma_start3A_935 = tpu.memref_slice %arg2[%dma_start3A_934, %multiple_of3A_884] : memref<64x1000000xf32, #tpu.memory_space<hbm>> -> memref<64x128xf32, #tpu.memory_space<hbm>>
          tpu.enqueue_dma source(%dma_start3A_935 : memref<64x128xf32, #tpu.memory_space<hbm>>) target(%dma_start3A_933 : memref<64x128xf32, #tpu.memory_space<vmem>>) target_semaphore(%arg10 : memref<!tpu.dma_semaphore, #tpu.memory_space<semaphore_mem>>)
        } else {
        }
        %eq3A_893 = arith.constant 1 : i32
        %eq3A_894 = arith.cmpi eq, %select_n3A_879, %eq3A_893 : i32
        %not3A_895 = arith.constant true
        %not3A_896 = arith.xori %eq3A_881, %not3A_895 : i1
        %and3A_897 = arith.andi %eq3A_894, %not3A_896 : i1
        %convert_element_type3A_898 = arith.extui %and3A_897 : i1 to i32
        %cond3A_899 = arith.constant 0 : i32
        %cond3A_900 = arith.cmpi ne, %convert_element_type3A_898, %cond3A_899 : i32
        scf.if %cond3A_900 {
          %dma_start3A = arith.constant 1 : i32
          %dma_start3A_924 = arith.constant 0 : i32
          %dma_start3A_925 = arith.constant 0 : i32
          %dma_start3A_926 = tpu.memref_slice %arg7[%dma_start3A, %dma_start3A_924, %dma_start3A_925] : memref<4x64x128xf32, #tpu.memory_space<vmem>> -> memref<1x64x128xf32, #tpu.memory_space<vmem>>
          %dma_start3A_927 = tpu.memref_squeeze %dma_start3A_926 : memref<1x64x128xf32, #tpu.memory_space<vmem>> -> memref<64x128xf32, #tpu.memory_space<vmem>>
          %dma_start3A_928 = arith.constant 0 : i32
          %dma_start3A_929 = tpu.memref_slice %arg2[%dma_start3A_928, %multiple_of3A_884] : memref<64x1000000xf32, #tpu.memory_space<hbm>> -> memref<64x128xf32, #tpu.memory_space<hbm>>
          %dma_start3A_930 = arith.constant 0 : i32
          %dma_start3A_931 = arith.constant 0 : i32
          %dma_start3A_932 = tpu.memref_slice %arg7[%dma_start3A, %dma_start3A_930, %dma_start3A_931] : memref<4x64x128xf32, #tpu.memory_space<vmem>> -> memref<1x64x128xf32, #tpu.memory_space<vmem>>
          %dma_start3A_933 = tpu.memref_squeeze %dma_start3A_932 : memref<1x64x128xf32, #tpu.memory_space<vmem>> -> memref<64x128xf32, #tpu.memory_space<vmem>>
          %dma_start3A_934 = arith.constant 0 : i32
          %dma_start3A_935 = tpu.memref_slice %arg2[%dma_start3A_934, %multiple_of3A_884] : memref<64x1000000xf32, #tpu.memory_space<hbm>> -> memref<64x128xf32, #tpu.memory_space<hbm>>
          tpu.enqueue_dma source(%dma_start3A_935 : memref<64x128xf32, #tpu.memory_space<hbm>>) target(%dma_start3A_933 : memref<64x128xf32, #tpu.memory_space<vmem>>) target_semaphore(%arg11 : memref<!tpu.dma_semaphore, #tpu.memory_space<semaphore_mem>>)
        } else {
        }
        %eq3A_901 = arith.constant 2 : i32
        %eq3A_902 = arith.cmpi eq, %select_n3A_879, %eq3A_901 : i32
        %not3A_903 = arith.constant true
        %not3A_904 = arith.xori %eq3A_881, %not3A_903 : i1
        %and3A_905 = arith.andi %eq3A_902, %not3A_904 : i1
        %convert_element_type3A_906 = arith.extui %and3A_905 : i1 to i32
        %cond3A_907 = arith.constant 0 : i32
        %cond3A_908 = arith.cmpi ne, %convert_element_type3A_906, %cond3A_907 : i32
        scf.if %cond3A_908 {
          %dma_start3A = arith.constant 2 : i32
          %dma_start3A_924 = arith.constant 0 : i32
          %dma_start3A_925 = arith.constant 0 : i32
          %dma_start3A_926 = tpu.memref_slice %arg7[%dma_start3A, %dma_start3A_924, %dma_start3A_925] : memref<4x64x128xf32, #tpu.memory_space<vmem>> -> memref<1x64x128xf32, #tpu.memory_space<vmem>>
          %dma_start3A_927 = tpu.memref_squeeze %dma_start3A_926 : memref<1x64x128xf32, #tpu.memory_space<vmem>> -> memref<64x128xf32, #tpu.memory_space<vmem>>
          %dma_start3A_928 = arith.constant 0 : i32
          %dma_start3A_929 = tpu.memref_slice %arg2[%dma_start3A_928, %multiple_of3A_884] : memref<64x1000000xf32, #tpu.memory_space<hbm>> -> memref<64x128xf32, #tpu.memory_space<hbm>>
          %dma_start3A_930 = arith.constant 0 : i32
          %dma_start3A_931 = arith.constant 0 : i32
          %dma_start3A_932 = tpu.memref_slice %arg7[%dma_start3A, %dma_start3A_930, %dma_start3A_931] : memref<4x64x128xf32, #tpu.memory_space<vmem>> -> memref<1x64x128xf32, #tpu.memory_space<vmem>>
          %dma_start3A_933 = tpu.memref_squeeze %dma_start3A_932 : memref<1x64x128xf32, #tpu.memory_space<vmem>> -> memref<64x128xf32, #tpu.memory_space<vmem>>
          %dma_start3A_934 = arith.constant 0 : i32
          %dma_start3A_935 = tpu.memref_slice %arg2[%dma_start3A_934, %multiple_of3A_884] : memref<64x1000000xf32, #tpu.memory_space<hbm>> -> memref<64x128xf32, #tpu.memory_space<hbm>>
          tpu.enqueue_dma source(%dma_start3A_935 : memref<64x128xf32, #tpu.memory_space<hbm>>) target(%dma_start3A_933 : memref<64x128xf32, #tpu.memory_space<vmem>>) target_semaphore(%arg12 : memref<!tpu.dma_semaphore, #tpu.memory_space<semaphore_mem>>)
        } else {
        }
        %eq3A_909 = arith.constant 0 : i32
        %eq3A_910 = arith.cmpi eq, %select_n3A_744, %eq3A_909 : i32
        %convert_element_type3A_911 = arith.extui %eq3A_910 : i1 to i32
        %cond3A_912 = arith.constant 0 : i32
        %cond3A_913 = arith.cmpi ne, %convert_element_type3A_911, %cond3A_912 : i32
        scf.if %cond3A_913 {
          %dma_wait3A = arith.constant 0 : i32
          %dma_wait3A_924 = arith.constant 0 : i32
          %dma_wait3A_925 = arith.constant 0 : i32
          %dma_wait3A_926 = tpu.memref_slice %arg7[%dma_wait3A, %dma_wait3A_924, %dma_wait3A_925] : memref<4x64x128xf32, #tpu.memory_space<vmem>> -> memref<1x64x128xf32, #tpu.memory_space<vmem>>
          %dma_wait3A_927 = tpu.memref_squeeze %dma_wait3A_926 : memref<1x64x128xf32, #tpu.memory_space<vmem>> -> memref<64x128xf32, #tpu.memory_space<vmem>>
          %dma_wait3A_928 = arith.constant 0 : i32
          %dma_wait3A_929 = arith.constant 0 : i32
          %dma_wait3A_930 = tpu.memref_slice %arg2[%dma_wait3A_928, %dma_wait3A_929] : memref<64x1000000xf32, #tpu.memory_space<hbm>> -> memref<64x128xf32, #tpu.memory_space<hbm>>
          %dma_wait3A_931 = arith.constant 0 : i32
          %dma_wait3A_932 = arith.constant 0 : i32
          %dma_wait3A_933 = tpu.memref_slice %arg7[%dma_wait3A, %dma_wait3A_931, %dma_wait3A_932] : memref<4x64x128xf32, #tpu.memory_space<vmem>> -> memref<1x64x128xf32, #tpu.memory_space<vmem>>
          %dma_wait3A_934 = tpu.memref_squeeze %dma_wait3A_933 : memref<1x64x128xf32, #tpu.memory_space<vmem>> -> memref<64x128xf32, #tpu.memory_space<vmem>>
          %dma_wait3A_935 = arith.constant 0 : i32
          %dma_wait3A_936 = arith.constant 0 : i32
          %dma_wait3A_937 = tpu.memref_slice %arg2[%dma_wait3A_935, %dma_wait3A_936] : memref<64x1000000xf32, #tpu.memory_space<hbm>> -> memref<64x128xf32, #tpu.memory_space<hbm>>
          tpu.wait_dma2 semaphore(%arg10 : memref<!tpu.dma_semaphore, #tpu.memory_space<semaphore_mem>>) src(%dma_wait3A_937 : memref<64x128xf32, #tpu.memory_space<hbm>>) dst(%dma_wait3A_934 : memref<64x128xf32, #tpu.memory_space<vmem>>)
        } else {
        }
        %eq3A_914 = arith.constant 1 : i32
        %eq3A_915 = arith.cmpi eq, %select_n3A_744, %eq3A_914 : i32
        %convert_element_type3A_916 = arith.extui %eq3A_915 : i1 to i32
        %cond3A_917 = arith.constant 0 : i32
        %cond3A_918 = arith.cmpi ne, %convert_element_type3A_916, %cond3A_917 : i32
        scf.if %cond3A_918 {
          %dma_wait3A = arith.constant 1 : i32
          %dma_wait3A_924 = arith.constant 0 : i32
          %dma_wait3A_925 = arith.constant 0 : i32
          %dma_wait3A_926 = tpu.memref_slice %arg7[%dma_wait3A, %dma_wait3A_924, %dma_wait3A_925] : memref<4x64x128xf32, #tpu.memory_space<vmem>> -> memref<1x64x128xf32, #tpu.memory_space<vmem>>
          %dma_wait3A_927 = tpu.memref_squeeze %dma_wait3A_926 : memref<1x64x128xf32, #tpu.memory_space<vmem>> -> memref<64x128xf32, #tpu.memory_space<vmem>>
          %dma_wait3A_928 = arith.constant 0 : i32
          %dma_wait3A_929 = arith.constant 0 : i32
          %dma_wait3A_930 = tpu.memref_slice %arg2[%dma_wait3A_928, %dma_wait3A_929] : memref<64x1000000xf32, #tpu.memory_space<hbm>> -> memref<64x128xf32, #tpu.memory_space<hbm>>
          %dma_wait3A_931 = arith.constant 0 : i32
          %dma_wait3A_932 = arith.constant 0 : i32
          %dma_wait3A_933 = tpu.memref_slice %arg7[%dma_wait3A, %dma_wait3A_931, %dma_wait3A_932] : memref<4x64x128xf32, #tpu.memory_space<vmem>> -> memref<1x64x128xf32, #tpu.memory_space<vmem>>
          %dma_wait3A_934 = tpu.memref_squeeze %dma_wait3A_933 : memref<1x64x128xf32, #tpu.memory_space<vmem>> -> memref<64x128xf32, #tpu.memory_space<vmem>>
          %dma_wait3A_935 = arith.constant 0 : i32
          %dma_wait3A_936 = arith.constant 0 : i32
          %dma_wait3A_937 = tpu.memref_slice %arg2[%dma_wait3A_935, %dma_wait3A_936] : memref<64x1000000xf32, #tpu.memory_space<hbm>> -> memref<64x128xf32, #tpu.memory_space<hbm>>
          tpu.wait_dma2 semaphore(%arg11 : memref<!tpu.dma_semaphore, #tpu.memory_space<semaphore_mem>>) src(%dma_wait3A_937 : memref<64x128xf32, #tpu.memory_space<hbm>>) dst(%dma_wait3A_934 : memref<64x128xf32, #tpu.memory_space<vmem>>)
        } else {
        }
        %eq3A_919 = arith.constant 2 : i32
        %eq3A_920 = arith.cmpi eq, %select_n3A_744, %eq3A_919 : i32
        %convert_element_type3A_921 = arith.extui %eq3A_920 : i1 to i32
        %cond3A_922 = arith.constant 0 : i32
        %cond3A_923 = arith.cmpi ne, %convert_element_type3A_921, %cond3A_922 : i32
        scf.if %cond3A_923 {
          %dma_wait3A = arith.constant 2 : i32
          %dma_wait3A_924 = arith.constant 0 : i32
          %dma_wait3A_925 = arith.constant 0 : i32
          %dma_wait3A_926 = tpu.memref_slice %arg7[%dma_wait3A, %dma_wait3A_924, %dma_wait3A_925] : memref<4x64x128xf32, #tpu.memory_space<vmem>> -> memref<1x64x128xf32, #tpu.memory_space<vmem>>
          %dma_wait3A_927 = tpu.memref_squeeze %dma_wait3A_926 : memref<1x64x128xf32, #tpu.memory_space<vmem>> -> memref<64x128xf32, #tpu.memory_space<vmem>>
          %dma_wait3A_928 = arith.constant 0 : i32
          %dma_wait3A_929 = arith.constant 0 : i32
          %dma_wait3A_930 = tpu.memref_slice %arg2[%dma_wait3A_928, %dma_wait3A_929] : memref<64x1000000xf32, #tpu.memory_space<hbm>> -> memref<64x128xf32, #tpu.memory_space<hbm>>
          %dma_wait3A_931 = arith.constant 0 : i32
          %dma_wait3A_932 = arith.constant 0 : i32
          %dma_wait3A_933 = tpu.memref_slice %arg7[%dma_wait3A, %dma_wait3A_931, %dma_wait3A_932] : memref<4x64x128xf32, #tpu.memory_space<vmem>> -> memref<1x64x128xf32, #tpu.memory_space<vmem>>
          %dma_wait3A_934 = tpu.memref_squeeze %dma_wait3A_933 : memref<1x64x128xf32, #tpu.memory_space<vmem>> -> memref<64x128xf32, #tpu.memory_space<vmem>>
          %dma_wait3A_935 = arith.constant 0 : i32
          %dma_wait3A_936 = arith.constant 0 : i32
          %dma_wait3A_937 = tpu.memref_slice %arg2[%dma_wait3A_935, %dma_wait3A_936] : memref<64x1000000xf32, #tpu.memory_space<hbm>> -> memref<64x128xf32, #tpu.memory_space<hbm>>
          tpu.wait_dma2 semaphore(%arg12 : memref<!tpu.dma_semaphore, #tpu.memory_space<semaphore_mem>>) src(%dma_wait3A_937 : memref<64x128xf32, #tpu.memory_space<hbm>>) dst(%dma_wait3A_934 : memref<64x128xf32, #tpu.memory_space<vmem>>)
        } else {
        }
      } else {
      }
      %broadcast_in_dim3A_748 = vector.broadcast %select_n3A_744 : i32 to vector<16xi32>
      %slice3A_749 = vector.extract_strided_slice %and3A_160 {offsets = [13], sizes = [1], strides = [1]} : vector<16xi32> to vector<1xi32>
      %squeeze3A_750 = vector.extract %slice3A_749[0] : i32 from vector<1xi32>
      %broadcast_in_dim3A_751 = vector.broadcast %squeeze3A_750 : i32 to vector<16xi32>
      %mul3A_752 = arith.constant 16 : i32
      %mul3A_753 = arith.muli %scan3A_143, %mul3A_752 : i32
      %add3A_754 = arith.constant 13 : i32
      %add3A_755 = arith.addi %mul3A_753, %add3A_754 : i32
      %gather3A_756 = tpu.vector_load_idx %arg7[%broadcast_in_dim3A_748, %add3A_84, %broadcast_in_dim3A_751] : memref<4x64x128xf32, #tpu.memory_space<vmem>>[vector<16xi32>, vector<16xi32>, vector<16xi32>], vector<16xf32>,
      %swap3A_757 = arith.index_cast %add3A_755 : i32 to index
      %swap3A_758 = arith.constant 0 : index
      %swap3A_759 = tpu.vector_load %arg8[%swap3A_757, %swap3A_758] {strides = array<i32>} : memref<512x64xf32, #tpu.memory_space<vmem>>, vector<16xf32>,
      tpu.vector_store %arg8[%swap3A_757, %swap3A_758], %gather3A_756 {strides = array<i32>} : memref<512x64xf32, #tpu.memory_space<vmem>>, vector<16xf32>,
      %gather3A_760 = tpu.vector_load_idx %arg7[%broadcast_in_dim3A_748, %add3A_88, %broadcast_in_dim3A_751] : memref<4x64x128xf32, #tpu.memory_space<vmem>>[vector<16xi32>, vector<16xi32>, vector<16xi32>], vector<16xf32>,
      %swap3A_761 = arith.index_cast %add3A_755 : i32 to index
      %swap3A_762 = arith.constant 16 : index
      %swap3A_763 = tpu.vector_load %arg8[%swap3A_761, %swap3A_762] {strides = array<i32>} : memref<512x64xf32, #tpu.memory_space<vmem>>, vector<16xf32>,
      tpu.vector_store %arg8[%swap3A_761, %swap3A_762], %gather3A_760 {strides = array<i32>} : memref<512x64xf32, #tpu.memory_space<vmem>>, vector<16xf32>,
      %gather3A_764 = tpu.vector_load_idx %arg7[%broadcast_in_dim3A_748, %add3A_92, %broadcast_in_dim3A_751] : memref<4x64x128xf32, #tpu.memory_space<vmem>>[vector<16xi32>, vector<16xi32>, vector<16xi32>], vector<16xf32>,
      %swap3A_765 = arith.index_cast %add3A_755 : i32 to index
      %swap3A_766 = arith.constant 32 : index
      %swap3A_767 = tpu.vector_load %arg8[%swap3A_765, %swap3A_766] {strides = array<i32>} : memref<512x64xf32, #tpu.memory_space<vmem>>, vector<16xf32>,
      tpu.vector_store %arg8[%swap3A_765, %swap3A_766], %gather3A_764 {strides = array<i32>} : memref<512x64xf32, #tpu.memory_space<vmem>>, vector<16xf32>,
      %gather3A_768 = tpu.vector_load_idx %arg7[%broadcast_in_dim3A_748, %add3A_96, %broadcast_in_dim3A_751] : memref<4x64x128xf32, #tpu.memory_space<vmem>>[vector<16xi32>, vector<16xi32>, vector<16xi32>], vector<16xf32>,
      %swap3A_769 = arith.index_cast %add3A_755 : i32 to index
      %swap3A_770 = arith.constant 48 : index
      %swap3A_771 = tpu.vector_load %arg8[%swap3A_769, %swap3A_770] {strides = array<i32>} : memref<512x64xf32, #tpu.memory_space<vmem>>, vector<16xf32>,
      tpu.vector_store %arg8[%swap3A_769, %swap3A_770], %gather3A_768 {strides = array<i32>} : memref<512x64xf32, #tpu.memory_space<vmem>>, vector<16xf32>,
      %slice3A_772 = vector.extract_strided_slice %shift_right_arithmetic3A_157 {offsets = [14], sizes = [1], strides = [1]} : vector<16xi32> to vector<1xi32>
      %squeeze3A_773 = vector.extract %slice3A_772[0] : i32 from vector<1xi32>
      %ne3A_774 = arith.cmpi ne, %squeeze3A_773, %squeeze3A_729 : i32
      %add3A_775 = arith.constant 1 : i32
      %add3A_776 = arith.addi %select_n3A_733, %add3A_775 : i32
      %select_n3A_777 = arith.select %ne3A_774, %add3A_776, %select_n3A_733 : i32
      %eq3A_778 = arith.constant 2 : i32
      %eq3A_779 = arith.cmpi eq, %select_n3A_740, %eq3A_778 : i32
      %add3A_780 = arith.constant 1 : i32
      %add3A_781 = arith.addi %select_n3A_740, %add3A_780 : i32
      %jit3A_782 = arith.constant 0 : i32
      %select_n3A_783 = arith.select %eq3A_779, %jit3A_782, %add3A_781 : i32
      %select_n3A_784 = arith.select %ne3A_774, %select_n3A_783, %select_n3A_740 : i32
      %eq3A_785 = arith.constant 7812 : i32
      %eq3A_786 = arith.cmpi eq, %squeeze3A_773, %eq3A_785 : i32
      %jit3A_787 = arith.constant 3 : i32
      %select_n3A_788 = arith.select %eq3A_786, %jit3A_787, %select_n3A_784 : i32
      %convert_element_type3A_789 = arith.extui %ne3A_774 : i1 to i32
      %cond3A_790 = arith.constant 0 : i32
      %cond3A_791 = arith.cmpi ne, %convert_element_type3A_789, %cond3A_790 : i32
      scf.if %cond3A_791 {
        %add3A_860 = arith.constant 2 : i32
        %add3A_861 = arith.addi %select_n3A_777, %add3A_860 : i32
        %get3A_862 = arith.index_cast %add3A_861 : i32 to index
        %get3A_863 = memref.load %arg9[%get3A_862] : memref<520xi32, #tpu.memory_space<smem>>
        %eq3A_864 = arith.constant 2 : i32
        %eq3A_865 = arith.cmpi eq, %select_n3A_784, %eq3A_864 : i32
        %add3A_866 = arith.constant 1 : i32
        %add3A_867 = arith.addi %select_n3A_784, %add3A_866 : i32
        %jit3A_868 = arith.constant 0 : i32
        %select_n3A_869 = arith.select %eq3A_865, %jit3A_868, %add3A_867 : i32
        %eq3A_870 = arith.constant 2 : i32
        %eq3A_871 = arith.cmpi eq, %select_n3A_869, %eq3A_870 : i32
        %add3A_872 = arith.constant 1 : i32
        %add3A_873 = arith.addi %select_n3A_869, %add3A_872 : i32
        %jit3A_874 = arith.constant 0 : i32
        %select_n3A_875 = arith.select %eq3A_871, %jit3A_874, %add3A_873 : i32
        %eq3A_876 = arith.constant 7812 : i32
        %eq3A_877 = arith.cmpi eq, %get3A_863, %eq3A_876 : i32
        %jit3A_878 = arith.constant 3 : i32
        %select_n3A_879 = arith.select %eq3A_877, %jit3A_878, %select_n3A_875 : i32
        %eq3A_880 = arith.constant 7812 : i32
        %eq3A_881 = arith.cmpi eq, %get3A_863, %eq3A_880 : i32
        %mul3A_882 = arith.constant 128 : i32
        %mul3A_883 = arith.muli %get3A_863, %mul3A_882 : i32
        %multiple_of3A_884 = tpu.assume_multiple %mul3A_883, 128 : i32
        %eq3A_885 = arith.constant 0 : i32
        %eq3A_886 = arith.cmpi eq, %select_n3A_879, %eq3A_885 : i32
        %not3A_887 = arith.constant true
        %not3A_888 = arith.xori %eq3A_881, %not3A_887 : i1
        %and3A_889 = arith.andi %eq3A_886, %not3A_888 : i1
        %convert_element_type3A_890 = arith.extui %and3A_889 : i1 to i32
        %cond3A_891 = arith.constant 0 : i32
        %cond3A_892 = arith.cmpi ne, %convert_element_type3A_890, %cond3A_891 : i32
        scf.if %cond3A_892 {
          %dma_start3A = arith.constant 0 : i32
          %dma_start3A_924 = arith.constant 0 : i32
          %dma_start3A_925 = arith.constant 0 : i32
          %dma_start3A_926 = tpu.memref_slice %arg7[%dma_start3A, %dma_start3A_924, %dma_start3A_925] : memref<4x64x128xf32, #tpu.memory_space<vmem>> -> memref<1x64x128xf32, #tpu.memory_space<vmem>>
          %dma_start3A_927 = tpu.memref_squeeze %dma_start3A_926 : memref<1x64x128xf32, #tpu.memory_space<vmem>> -> memref<64x128xf32, #tpu.memory_space<vmem>>
          %dma_start3A_928 = arith.constant 0 : i32
          %dma_start3A_929 = tpu.memref_slice %arg2[%dma_start3A_928, %multiple_of3A_884] : memref<64x1000000xf32, #tpu.memory_space<hbm>> -> memref<64x128xf32, #tpu.memory_space<hbm>>
          %dma_start3A_930 = arith.constant 0 : i32
          %dma_start3A_931 = arith.constant 0 : i32
          %dma_start3A_932 = tpu.memref_slice %arg7[%dma_start3A, %dma_start3A_930, %dma_start3A_931] : memref<4x64x128xf32, #tpu.memory_space<vmem>> -> memref<1x64x128xf32, #tpu.memory_space<vmem>>
          %dma_start3A_933 = tpu.memref_squeeze %dma_start3A_932 : memref<1x64x128xf32, #tpu.memory_space<vmem>> -> memref<64x128xf32, #tpu.memory_space<vmem>>
          %dma_start3A_934 = arith.constant 0 : i32
          %dma_start3A_935 = tpu.memref_slice %arg2[%dma_start3A_934, %multiple_of3A_884] : memref<64x1000000xf32, #tpu.memory_space<hbm>> -> memref<64x128xf32, #tpu.memory_space<hbm>>
          tpu.enqueue_dma source(%dma_start3A_935 : memref<64x128xf32, #tpu.memory_space<hbm>>) target(%dma_start3A_933 : memref<64x128xf32, #tpu.memory_space<vmem>>) target_semaphore(%arg10 : memref<!tpu.dma_semaphore, #tpu.memory_space<semaphore_mem>>)
        } else {
        }
        %eq3A_893 = arith.constant 1 : i32
        %eq3A_894 = arith.cmpi eq, %select_n3A_879, %eq3A_893 : i32
        %not3A_895 = arith.constant true
        %not3A_896 = arith.xori %eq3A_881, %not3A_895 : i1
        %and3A_897 = arith.andi %eq3A_894, %not3A_896 : i1
        %convert_element_type3A_898 = arith.extui %and3A_897 : i1 to i32
        %cond3A_899 = arith.constant 0 : i32
        %cond3A_900 = arith.cmpi ne, %convert_element_type3A_898, %cond3A_899 : i32
        scf.if %cond3A_900 {
          %dma_start3A = arith.constant 1 : i32
          %dma_start3A_924 = arith.constant 0 : i32
          %dma_start3A_925 = arith.constant 0 : i32
          %dma_start3A_926 = tpu.memref_slice %arg7[%dma_start3A, %dma_start3A_924, %dma_start3A_925] : memref<4x64x128xf32, #tpu.memory_space<vmem>> -> memref<1x64x128xf32, #tpu.memory_space<vmem>>
          %dma_start3A_927 = tpu.memref_squeeze %dma_start3A_926 : memref<1x64x128xf32, #tpu.memory_space<vmem>> -> memref<64x128xf32, #tpu.memory_space<vmem>>
          %dma_start3A_928 = arith.constant 0 : i32
          %dma_start3A_929 = tpu.memref_slice %arg2[%dma_start3A_928, %multiple_of3A_884] : memref<64x1000000xf32, #tpu.memory_space<hbm>> -> memref<64x128xf32, #tpu.memory_space<hbm>>
          %dma_start3A_930 = arith.constant 0 : i32
          %dma_start3A_931 = arith.constant 0 : i32
          %dma_start3A_932 = tpu.memref_slice %arg7[%dma_start3A, %dma_start3A_930, %dma_start3A_931] : memref<4x64x128xf32, #tpu.memory_space<vmem>> -> memref<1x64x128xf32, #tpu.memory_space<vmem>>
          %dma_start3A_933 = tpu.memref_squeeze %dma_start3A_932 : memref<1x64x128xf32, #tpu.memory_space<vmem>> -> memref<64x128xf32, #tpu.memory_space<vmem>>
          %dma_start3A_934 = arith.constant 0 : i32
          %dma_start3A_935 = tpu.memref_slice %arg2[%dma_start3A_934, %multiple_of3A_884] : memref<64x1000000xf32, #tpu.memory_space<hbm>> -> memref<64x128xf32, #tpu.memory_space<hbm>>
          tpu.enqueue_dma source(%dma_start3A_935 : memref<64x128xf32, #tpu.memory_space<hbm>>) target(%dma_start3A_933 : memref<64x128xf32, #tpu.memory_space<vmem>>) target_semaphore(%arg11 : memref<!tpu.dma_semaphore, #tpu.memory_space<semaphore_mem>>)
        } else {
        }
        %eq3A_901 = arith.constant 2 : i32
        %eq3A_902 = arith.cmpi eq, %select_n3A_879, %eq3A_901 : i32
        %not3A_903 = arith.constant true
        %not3A_904 = arith.xori %eq3A_881, %not3A_903 : i1
        %and3A_905 = arith.andi %eq3A_902, %not3A_904 : i1
        %convert_element_type3A_906 = arith.extui %and3A_905 : i1 to i32
        %cond3A_907 = arith.constant 0 : i32
        %cond3A_908 = arith.cmpi ne, %convert_element_type3A_906, %cond3A_907 : i32
        scf.if %cond3A_908 {
          %dma_start3A = arith.constant 2 : i32
          %dma_start3A_924 = arith.constant 0 : i32
          %dma_start3A_925 = arith.constant 0 : i32
          %dma_start3A_926 = tpu.memref_slice %arg7[%dma_start3A, %dma_start3A_924, %dma_start3A_925] : memref<4x64x128xf32, #tpu.memory_space<vmem>> -> memref<1x64x128xf32, #tpu.memory_space<vmem>>
          %dma_start3A_927 = tpu.memref_squeeze %dma_start3A_926 : memref<1x64x128xf32, #tpu.memory_space<vmem>> -> memref<64x128xf32, #tpu.memory_space<vmem>>
          %dma_start3A_928 = arith.constant 0 : i32
          %dma_start3A_929 = tpu.memref_slice %arg2[%dma_start3A_928, %multiple_of3A_884] : memref<64x1000000xf32, #tpu.memory_space<hbm>> -> memref<64x128xf32, #tpu.memory_space<hbm>>
          %dma_start3A_930 = arith.constant 0 : i32
          %dma_start3A_931 = arith.constant 0 : i32
          %dma_start3A_932 = tpu.memref_slice %arg7[%dma_start3A, %dma_start3A_930, %dma_start3A_931] : memref<4x64x128xf32, #tpu.memory_space<vmem>> -> memref<1x64x128xf32, #tpu.memory_space<vmem>>
          %dma_start3A_933 = tpu.memref_squeeze %dma_start3A_932 : memref<1x64x128xf32, #tpu.memory_space<vmem>> -> memref<64x128xf32, #tpu.memory_space<vmem>>
          %dma_start3A_934 = arith.constant 0 : i32
          %dma_start3A_935 = tpu.memref_slice %arg2[%dma_start3A_934, %multiple_of3A_884] : memref<64x1000000xf32, #tpu.memory_space<hbm>> -> memref<64x128xf32, #tpu.memory_space<hbm>>
          tpu.enqueue_dma source(%dma_start3A_935 : memref<64x128xf32, #tpu.memory_space<hbm>>) target(%dma_start3A_933 : memref<64x128xf32, #tpu.memory_space<vmem>>) target_semaphore(%arg12 : memref<!tpu.dma_semaphore, #tpu.memory_space<semaphore_mem>>)
        } else {
        }
        %eq3A_909 = arith.constant 0 : i32
        %eq3A_910 = arith.cmpi eq, %select_n3A_788, %eq3A_909 : i32
        %convert_element_type3A_911 = arith.extui %eq3A_910 : i1 to i32
        %cond3A_912 = arith.constant 0 : i32
        %cond3A_913 = arith.cmpi ne, %convert_element_type3A_911, %cond3A_912 : i32
        scf.if %cond3A_913 {
          %dma_wait3A = arith.constant 0 : i32
          %dma_wait3A_924 = arith.constant 0 : i32
          %dma_wait3A_925 = arith.constant 0 : i32
          %dma_wait3A_926 = tpu.memref_slice %arg7[%dma_wait3A, %dma_wait3A_924, %dma_wait3A_925] : memref<4x64x128xf32, #tpu.memory_space<vmem>> -> memref<1x64x128xf32, #tpu.memory_space<vmem>>
          %dma_wait3A_927 = tpu.memref_squeeze %dma_wait3A_926 : memref<1x64x128xf32, #tpu.memory_space<vmem>> -> memref<64x128xf32, #tpu.memory_space<vmem>>
          %dma_wait3A_928 = arith.constant 0 : i32
          %dma_wait3A_929 = arith.constant 0 : i32
          %dma_wait3A_930 = tpu.memref_slice %arg2[%dma_wait3A_928, %dma_wait3A_929] : memref<64x1000000xf32, #tpu.memory_space<hbm>> -> memref<64x128xf32, #tpu.memory_space<hbm>>
          %dma_wait3A_931 = arith.constant 0 : i32
          %dma_wait3A_932 = arith.constant 0 : i32
          %dma_wait3A_933 = tpu.memref_slice %arg7[%dma_wait3A, %dma_wait3A_931, %dma_wait3A_932] : memref<4x64x128xf32, #tpu.memory_space<vmem>> -> memref<1x64x128xf32, #tpu.memory_space<vmem>>
          %dma_wait3A_934 = tpu.memref_squeeze %dma_wait3A_933 : memref<1x64x128xf32, #tpu.memory_space<vmem>> -> memref<64x128xf32, #tpu.memory_space<vmem>>
          %dma_wait3A_935 = arith.constant 0 : i32
          %dma_wait3A_936 = arith.constant 0 : i32
          %dma_wait3A_937 = tpu.memref_slice %arg2[%dma_wait3A_935, %dma_wait3A_936] : memref<64x1000000xf32, #tpu.memory_space<hbm>> -> memref<64x128xf32, #tpu.memory_space<hbm>>
          tpu.wait_dma2 semaphore(%arg10 : memref<!tpu.dma_semaphore, #tpu.memory_space<semaphore_mem>>) src(%dma_wait3A_937 : memref<64x128xf32, #tpu.memory_space<hbm>>) dst(%dma_wait3A_934 : memref<64x128xf32, #tpu.memory_space<vmem>>)
        } else {
        }
        %eq3A_914 = arith.constant 1 : i32
        %eq3A_915 = arith.cmpi eq, %select_n3A_788, %eq3A_914 : i32
        %convert_element_type3A_916 = arith.extui %eq3A_915 : i1 to i32
        %cond3A_917 = arith.constant 0 : i32
        %cond3A_918 = arith.cmpi ne, %convert_element_type3A_916, %cond3A_917 : i32
        scf.if %cond3A_918 {
          %dma_wait3A = arith.constant 1 : i32
          %dma_wait3A_924 = arith.constant 0 : i32
          %dma_wait3A_925 = arith.constant 0 : i32
          %dma_wait3A_926 = tpu.memref_slice %arg7[%dma_wait3A, %dma_wait3A_924, %dma_wait3A_925] : memref<4x64x128xf32, #tpu.memory_space<vmem>> -> memref<1x64x128xf32, #tpu.memory_space<vmem>>
          %dma_wait3A_927 = tpu.memref_squeeze %dma_wait3A_926 : memref<1x64x128xf32, #tpu.memory_space<vmem>> -> memref<64x128xf32, #tpu.memory_space<vmem>>
          %dma_wait3A_928 = arith.constant 0 : i32
          %dma_wait3A_929 = arith.constant 0 : i32
          %dma_wait3A_930 = tpu.memref_slice %arg2[%dma_wait3A_928, %dma_wait3A_929] : memref<64x1000000xf32, #tpu.memory_space<hbm>> -> memref<64x128xf32, #tpu.memory_space<hbm>>
          %dma_wait3A_931 = arith.constant 0 : i32
          %dma_wait3A_932 = arith.constant 0 : i32
          %dma_wait3A_933 = tpu.memref_slice %arg7[%dma_wait3A, %dma_wait3A_931, %dma_wait3A_932] : memref<4x64x128xf32, #tpu.memory_space<vmem>> -> memref<1x64x128xf32, #tpu.memory_space<vmem>>
          %dma_wait3A_934 = tpu.memref_squeeze %dma_wait3A_933 : memref<1x64x128xf32, #tpu.memory_space<vmem>> -> memref<64x128xf32, #tpu.memory_space<vmem>>
          %dma_wait3A_935 = arith.constant 0 : i32
          %dma_wait3A_936 = arith.constant 0 : i32
          %dma_wait3A_937 = tpu.memref_slice %arg2[%dma_wait3A_935, %dma_wait3A_936] : memref<64x1000000xf32, #tpu.memory_space<hbm>> -> memref<64x128xf32, #tpu.memory_space<hbm>>
          tpu.wait_dma2 semaphore(%arg11 : memref<!tpu.dma_semaphore, #tpu.memory_space<semaphore_mem>>) src(%dma_wait3A_937 : memref<64x128xf32, #tpu.memory_space<hbm>>) dst(%dma_wait3A_934 : memref<64x128xf32, #tpu.memory_space<vmem>>)
        } else {
        }
        %eq3A_919 = arith.constant 2 : i32
        %eq3A_920 = arith.cmpi eq, %select_n3A_788, %eq3A_919 : i32
        %convert_element_type3A_921 = arith.extui %eq3A_920 : i1 to i32
        %cond3A_922 = arith.constant 0 : i32
        %cond3A_923 = arith.cmpi ne, %convert_element_type3A_921, %cond3A_922 : i32
        scf.if %cond3A_923 {
          %dma_wait3A = arith.constant 2 : i32
          %dma_wait3A_924 = arith.constant 0 : i32
          %dma_wait3A_925 = arith.constant 0 : i32
          %dma_wait3A_926 = tpu.memref_slice %arg7[%dma_wait3A, %dma_wait3A_924, %dma_wait3A_925] : memref<4x64x128xf32, #tpu.memory_space<vmem>> -> memref<1x64x128xf32, #tpu.memory_space<vmem>>
          %dma_wait3A_927 = tpu.memref_squeeze %dma_wait3A_926 : memref<1x64x128xf32, #tpu.memory_space<vmem>> -> memref<64x128xf32, #tpu.memory_space<vmem>>
          %dma_wait3A_928 = arith.constant 0 : i32
          %dma_wait3A_929 = arith.constant 0 : i32
          %dma_wait3A_930 = tpu.memref_slice %arg2[%dma_wait3A_928, %dma_wait3A_929] : memref<64x1000000xf32, #tpu.memory_space<hbm>> -> memref<64x128xf32, #tpu.memory_space<hbm>>
          %dma_wait3A_931 = arith.constant 0 : i32
          %dma_wait3A_932 = arith.constant 0 : i32
          %dma_wait3A_933 = tpu.memref_slice %arg7[%dma_wait3A, %dma_wait3A_931, %dma_wait3A_932] : memref<4x64x128xf32, #tpu.memory_space<vmem>> -> memref<1x64x128xf32, #tpu.memory_space<vmem>>
          %dma_wait3A_934 = tpu.memref_squeeze %dma_wait3A_933 : memref<1x64x128xf32, #tpu.memory_space<vmem>> -> memref<64x128xf32, #tpu.memory_space<vmem>>
          %dma_wait3A_935 = arith.constant 0 : i32
          %dma_wait3A_936 = arith.constant 0 : i32
          %dma_wait3A_937 = tpu.memref_slice %arg2[%dma_wait3A_935, %dma_wait3A_936] : memref<64x1000000xf32, #tpu.memory_space<hbm>> -> memref<64x128xf32, #tpu.memory_space<hbm>>
          tpu.wait_dma2 semaphore(%arg12 : memref<!tpu.dma_semaphore, #tpu.memory_space<semaphore_mem>>) src(%dma_wait3A_937 : memref<64x128xf32, #tpu.memory_space<hbm>>) dst(%dma_wait3A_934 : memref<64x128xf32, #tpu.memory_space<vmem>>)
        } else {
        }
      } else {
      }
      %broadcast_in_dim3A_792 = vector.broadcast %select_n3A_788 : i32 to vector<16xi32>
      %slice3A_793 = vector.extract_strided_slice %and3A_160 {offsets = [14], sizes = [1], strides = [1]} : vector<16xi32> to vector<1xi32>
      %squeeze3A_794 = vector.extract %slice3A_793[0] : i32 from vector<1xi32>
      %broadcast_in_dim3A_795 = vector.broadcast %squeeze3A_794 : i32 to vector<16xi32>
      %mul3A_796 = arith.constant 16 : i32
      %mul3A_797 = arith.muli %scan3A_143, %mul3A_796 : i32
      %add3A_798 = arith.constant 14 : i32
      %add3A_799 = arith.addi %mul3A_797, %add3A_798 : i32
      %gather3A_800 = tpu.vector_load_idx %arg7[%broadcast_in_dim3A_792, %add3A_84, %broadcast_in_dim3A_795] : memref<4x64x128xf32, #tpu.memory_space<vmem>>[vector<16xi32>, vector<16xi32>, vector<16xi32>], vector<16xf32>,
      %swap3A_801 = arith.index_cast %add3A_799 : i32 to index
      %swap3A_802 = arith.constant 0 : index
      %swap3A_803 = tpu.vector_load %arg8[%swap3A_801, %swap3A_802] {strides = array<i32>} : memref<512x64xf32, #tpu.memory_space<vmem>>, vector<16xf32>,
      tpu.vector_store %arg8[%swap3A_801, %swap3A_802], %gather3A_800 {strides = array<i32>} : memref<512x64xf32, #tpu.memory_space<vmem>>, vector<16xf32>,
      %gather3A_804 = tpu.vector_load_idx %arg7[%broadcast_in_dim3A_792, %add3A_88, %broadcast_in_dim3A_795] : memref<4x64x128xf32, #tpu.memory_space<vmem>>[vector<16xi32>, vector<16xi32>, vector<16xi32>], vector<16xf32>,
      %swap3A_805 = arith.index_cast %add3A_799 : i32 to index
      %swap3A_806 = arith.constant 16 : index
      %swap3A_807 = tpu.vector_load %arg8[%swap3A_805, %swap3A_806] {strides = array<i32>} : memref<512x64xf32, #tpu.memory_space<vmem>>, vector<16xf32>,
      tpu.vector_store %arg8[%swap3A_805, %swap3A_806], %gather3A_804 {strides = array<i32>} : memref<512x64xf32, #tpu.memory_space<vmem>>, vector<16xf32>,
      %gather3A_808 = tpu.vector_load_idx %arg7[%broadcast_in_dim3A_792, %add3A_92, %broadcast_in_dim3A_795] : memref<4x64x128xf32, #tpu.memory_space<vmem>>[vector<16xi32>, vector<16xi32>, vector<16xi32>], vector<16xf32>,
      %swap3A_809 = arith.index_cast %add3A_799 : i32 to index
      %swap3A_810 = arith.constant 32 : index
      %swap3A_811 = tpu.vector_load %arg8[%swap3A_809, %swap3A_810] {strides = array<i32>} : memref<512x64xf32, #tpu.memory_space<vmem>>, vector<16xf32>,
      tpu.vector_store %arg8[%swap3A_809, %swap3A_810], %gather3A_808 {strides = array<i32>} : memref<512x64xf32, #tpu.memory_space<vmem>>, vector<16xf32>,
      %gather3A_812 = tpu.vector_load_idx %arg7[%broadcast_in_dim3A_792, %add3A_96, %broadcast_in_dim3A_795] : memref<4x64x128xf32, #tpu.memory_space<vmem>>[vector<16xi32>, vector<16xi32>, vector<16xi32>], vector<16xf32>,
      %swap3A_813 = arith.index_cast %add3A_799 : i32 to index
      %swap3A_814 = arith.constant 48 : index
      %swap3A_815 = tpu.vector_load %arg8[%swap3A_813, %swap3A_814] {strides = array<i32>} : memref<512x64xf32, #tpu.memory_space<vmem>>, vector<16xf32>,
      tpu.vector_store %arg8[%swap3A_813, %swap3A_814], %gather3A_812 {strides = array<i32>} : memref<512x64xf32, #tpu.memory_space<vmem>>, vector<16xf32>,
      %slice3A_816 = vector.extract_strided_slice %shift_right_arithmetic3A_157 {offsets = [15], sizes = [1], strides = [1]} : vector<16xi32> to vector<1xi32>
      %squeeze3A_817 = vector.extract %slice3A_816[0] : i32 from vector<1xi32>
      %ne3A_818 = arith.cmpi ne, %squeeze3A_817, %squeeze3A_773 : i32
      %add3A_819 = arith.constant 1 : i32
      %add3A_820 = arith.addi %select_n3A_777, %add3A_819 : i32
      %select_n3A_821 = arith.select %ne3A_818, %add3A_820, %select_n3A_777 : i32
      %eq3A_822 = arith.constant 2 : i32
      %eq3A_823 = arith.cmpi eq, %select_n3A_784, %eq3A_822 : i32
      %add3A_824 = arith.constant 1 : i32
      %add3A_825 = arith.addi %select_n3A_784, %add3A_824 : i32
      %jit3A_826 = arith.constant 0 : i32
      %select_n3A_827 = arith.select %eq3A_823, %jit3A_826, %add3A_825 : i32
      %select_n3A_828 = arith.select %ne3A_818, %select_n3A_827, %select_n3A_784 : i32
      %eq3A_829 = arith.constant 7812 : i32
      %eq3A_830 = arith.cmpi eq, %squeeze3A_817, %eq3A_829 : i32
      %jit3A_831 = arith.constant 3 : i32
      %select_n3A_832 = arith.select %eq3A_830, %jit3A_831, %select_n3A_828 : i32
      %convert_element_type3A_833 = arith.extui %ne3A_818 : i1 to i32
      %cond3A_834 = arith.constant 0 : i32
      %cond3A_835 = arith.cmpi ne, %convert_element_type3A_833, %cond3A_834 : i32
      scf.if %cond3A_835 {
        %add3A_860 = arith.constant 2 : i32
        %add3A_861 = arith.addi %select_n3A_821, %add3A_860 : i32
        %get3A_862 = arith.index_cast %add3A_861 : i32 to index
        %get3A_863 = memref.load %arg9[%get3A_862] : memref<520xi32, #tpu.memory_space<smem>>
        %eq3A_864 = arith.constant 2 : i32
        %eq3A_865 = arith.cmpi eq, %select_n3A_828, %eq3A_864 : i32
        %add3A_866 = arith.constant 1 : i32
        %add3A_867 = arith.addi %select_n3A_828, %add3A_866 : i32
        %jit3A_868 = arith.constant 0 : i32
        %select_n3A_869 = arith.select %eq3A_865, %jit3A_868, %add3A_867 : i32
        %eq3A_870 = arith.constant 2 : i32
        %eq3A_871 = arith.cmpi eq, %select_n3A_869, %eq3A_870 : i32
        %add3A_872 = arith.constant 1 : i32
        %add3A_873 = arith.addi %select_n3A_869, %add3A_872 : i32
        %jit3A_874 = arith.constant 0 : i32
        %select_n3A_875 = arith.select %eq3A_871, %jit3A_874, %add3A_873 : i32
        %eq3A_876 = arith.constant 7812 : i32
        %eq3A_877 = arith.cmpi eq, %get3A_863, %eq3A_876 : i32
        %jit3A_878 = arith.constant 3 : i32
        %select_n3A_879 = arith.select %eq3A_877, %jit3A_878, %select_n3A_875 : i32
        %eq3A_880 = arith.constant 7812 : i32
        %eq3A_881 = arith.cmpi eq, %get3A_863, %eq3A_880 : i32
        %mul3A_882 = arith.constant 128 : i32
        %mul3A_883 = arith.muli %get3A_863, %mul3A_882 : i32
        %multiple_of3A_884 = tpu.assume_multiple %mul3A_883, 128 : i32
        %eq3A_885 = arith.constant 0 : i32
        %eq3A_886 = arith.cmpi eq, %select_n3A_879, %eq3A_885 : i32
        %not3A_887 = arith.constant true
        %not3A_888 = arith.xori %eq3A_881, %not3A_887 : i1
        %and3A_889 = arith.andi %eq3A_886, %not3A_888 : i1
        %convert_element_type3A_890 = arith.extui %and3A_889 : i1 to i32
        %cond3A_891 = arith.constant 0 : i32
        %cond3A_892 = arith.cmpi ne, %convert_element_type3A_890, %cond3A_891 : i32
        scf.if %cond3A_892 {
          %dma_start3A = arith.constant 0 : i32
          %dma_start3A_924 = arith.constant 0 : i32
          %dma_start3A_925 = arith.constant 0 : i32
          %dma_start3A_926 = tpu.memref_slice %arg7[%dma_start3A, %dma_start3A_924, %dma_start3A_925] : memref<4x64x128xf32, #tpu.memory_space<vmem>> -> memref<1x64x128xf32, #tpu.memory_space<vmem>>
          %dma_start3A_927 = tpu.memref_squeeze %dma_start3A_926 : memref<1x64x128xf32, #tpu.memory_space<vmem>> -> memref<64x128xf32, #tpu.memory_space<vmem>>
          %dma_start3A_928 = arith.constant 0 : i32
          %dma_start3A_929 = tpu.memref_slice %arg2[%dma_start3A_928, %multiple_of3A_884] : memref<64x1000000xf32, #tpu.memory_space<hbm>> -> memref<64x128xf32, #tpu.memory_space<hbm>>
          %dma_start3A_930 = arith.constant 0 : i32
          %dma_start3A_931 = arith.constant 0 : i32
          %dma_start3A_932 = tpu.memref_slice %arg7[%dma_start3A, %dma_start3A_930, %dma_start3A_931] : memref<4x64x128xf32, #tpu.memory_space<vmem>> -> memref<1x64x128xf32, #tpu.memory_space<vmem>>
          %dma_start3A_933 = tpu.memref_squeeze %dma_start3A_932 : memref<1x64x128xf32, #tpu.memory_space<vmem>> -> memref<64x128xf32, #tpu.memory_space<vmem>>
          %dma_start3A_934 = arith.constant 0 : i32
          %dma_start3A_935 = tpu.memref_slice %arg2[%dma_start3A_934, %multiple_of3A_884] : memref<64x1000000xf32, #tpu.memory_space<hbm>> -> memref<64x128xf32, #tpu.memory_space<hbm>>
          tpu.enqueue_dma source(%dma_start3A_935 : memref<64x128xf32, #tpu.memory_space<hbm>>) target(%dma_start3A_933 : memref<64x128xf32, #tpu.memory_space<vmem>>) target_semaphore(%arg10 : memref<!tpu.dma_semaphore, #tpu.memory_space<semaphore_mem>>)
        } else {
        }
        %eq3A_893 = arith.constant 1 : i32
        %eq3A_894 = arith.cmpi eq, %select_n3A_879, %eq3A_893 : i32
        %not3A_895 = arith.constant true
        %not3A_896 = arith.xori %eq3A_881, %not3A_895 : i1
        %and3A_897 = arith.andi %eq3A_894, %not3A_896 : i1
        %convert_element_type3A_898 = arith.extui %and3A_897 : i1 to i32
        %cond3A_899 = arith.constant 0 : i32
        %cond3A_900 = arith.cmpi ne, %convert_element_type3A_898, %cond3A_899 : i32
        scf.if %cond3A_900 {
          %dma_start3A = arith.constant 1 : i32
          %dma_start3A_924 = arith.constant 0 : i32
          %dma_start3A_925 = arith.constant 0 : i32
          %dma_start3A_926 = tpu.memref_slice %arg7[%dma_start3A, %dma_start3A_924, %dma_start3A_925] : memref<4x64x128xf32, #tpu.memory_space<vmem>> -> memref<1x64x128xf32, #tpu.memory_space<vmem>>
          %dma_start3A_927 = tpu.memref_squeeze %dma_start3A_926 : memref<1x64x128xf32, #tpu.memory_space<vmem>> -> memref<64x128xf32, #tpu.memory_space<vmem>>
          %dma_start3A_928 = arith.constant 0 : i32
          %dma_start3A_929 = tpu.memref_slice %arg2[%dma_start3A_928, %multiple_of3A_884] : memref<64x1000000xf32, #tpu.memory_space<hbm>> -> memref<64x128xf32, #tpu.memory_space<hbm>>
          %dma_start3A_930 = arith.constant 0 : i32
          %dma_start3A_931 = arith.constant 0 : i32
          %dma_start3A_932 = tpu.memref_slice %arg7[%dma_start3A, %dma_start3A_930, %dma_start3A_931] : memref<4x64x128xf32, #tpu.memory_space<vmem>> -> memref<1x64x128xf32, #tpu.memory_space<vmem>>
          %dma_start3A_933 = tpu.memref_squeeze %dma_start3A_932 : memref<1x64x128xf32, #tpu.memory_space<vmem>> -> memref<64x128xf32, #tpu.memory_space<vmem>>
          %dma_start3A_934 = arith.constant 0 : i32
          %dma_start3A_935 = tpu.memref_slice %arg2[%dma_start3A_934, %multiple_of3A_884] : memref<64x1000000xf32, #tpu.memory_space<hbm>> -> memref<64x128xf32, #tpu.memory_space<hbm>>
          tpu.enqueue_dma source(%dma_start3A_935 : memref<64x128xf32, #tpu.memory_space<hbm>>) target(%dma_start3A_933 : memref<64x128xf32, #tpu.memory_space<vmem>>) target_semaphore(%arg11 : memref<!tpu.dma_semaphore, #tpu.memory_space<semaphore_mem>>)
        } else {
        }
        %eq3A_901 = arith.constant 2 : i32
        %eq3A_902 = arith.cmpi eq, %select_n3A_879, %eq3A_901 : i32
        %not3A_903 = arith.constant true
        %not3A_904 = arith.xori %eq3A_881, %not3A_903 : i1
        %and3A_905 = arith.andi %eq3A_902, %not3A_904 : i1
        %convert_element_type3A_906 = arith.extui %and3A_905 : i1 to i32
        %cond3A_907 = arith.constant 0 : i32
        %cond3A_908 = arith.cmpi ne, %convert_element_type3A_906, %cond3A_907 : i32
        scf.if %cond3A_908 {
          %dma_start3A = arith.constant 2 : i32
          %dma_start3A_924 = arith.constant 0 : i32
          %dma_start3A_925 = arith.constant 0 : i32
          %dma_start3A_926 = tpu.memref_slice %arg7[%dma_start3A, %dma_start3A_924, %dma_start3A_925] : memref<4x64x128xf32, #tpu.memory_space<vmem>> -> memref<1x64x128xf32, #tpu.memory_space<vmem>>
          %dma_start3A_927 = tpu.memref_squeeze %dma_start3A_926 : memref<1x64x128xf32, #tpu.memory_space<vmem>> -> memref<64x128xf32, #tpu.memory_space<vmem>>
          %dma_start3A_928 = arith.constant 0 : i32
          %dma_start3A_929 = tpu.memref_slice %arg2[%dma_start3A_928, %multiple_of3A_884] : memref<64x1000000xf32, #tpu.memory_space<hbm>> -> memref<64x128xf32, #tpu.memory_space<hbm>>
          %dma_start3A_930 = arith.constant 0 : i32
          %dma_start3A_931 = arith.constant 0 : i32
          %dma_start3A_932 = tpu.memref_slice %arg7[%dma_start3A, %dma_start3A_930, %dma_start3A_931] : memref<4x64x128xf32, #tpu.memory_space<vmem>> -> memref<1x64x128xf32, #tpu.memory_space<vmem>>
          %dma_start3A_933 = tpu.memref_squeeze %dma_start3A_932 : memref<1x64x128xf32, #tpu.memory_space<vmem>> -> memref<64x128xf32, #tpu.memory_space<vmem>>
          %dma_start3A_934 = arith.constant 0 : i32
          %dma_start3A_935 = tpu.memref_slice %arg2[%dma_start3A_934, %multiple_of3A_884] : memref<64x1000000xf32, #tpu.memory_space<hbm>> -> memref<64x128xf32, #tpu.memory_space<hbm>>
          tpu.enqueue_dma source(%dma_start3A_935 : memref<64x128xf32, #tpu.memory_space<hbm>>) target(%dma_start3A_933 : memref<64x128xf32, #tpu.memory_space<vmem>>) target_semaphore(%arg12 : memref<!tpu.dma_semaphore, #tpu.memory_space<semaphore_mem>>)
        } else {
        }
        %eq3A_909 = arith.constant 0 : i32
        %eq3A_910 = arith.cmpi eq, %select_n3A_832, %eq3A_909 : i32
        %convert_element_type3A_911 = arith.extui %eq3A_910 : i1 to i32
        %cond3A_912 = arith.constant 0 : i32
        %cond3A_913 = arith.cmpi ne, %convert_element_type3A_911, %cond3A_912 : i32
        scf.if %cond3A_913 {
          %dma_wait3A = arith.constant 0 : i32
          %dma_wait3A_924 = arith.constant 0 : i32
          %dma_wait3A_925 = arith.constant 0 : i32
          %dma_wait3A_926 = tpu.memref_slice %arg7[%dma_wait3A, %dma_wait3A_924, %dma_wait3A_925] : memref<4x64x128xf32, #tpu.memory_space<vmem>> -> memref<1x64x128xf32, #tpu.memory_space<vmem>>
          %dma_wait3A_927 = tpu.memref_squeeze %dma_wait3A_926 : memref<1x64x128xf32, #tpu.memory_space<vmem>> -> memref<64x128xf32, #tpu.memory_space<vmem>>
          %dma_wait3A_928 = arith.constant 0 : i32
          %dma_wait3A_929 = arith.constant 0 : i32
          %dma_wait3A_930 = tpu.memref_slice %arg2[%dma_wait3A_928, %dma_wait3A_929] : memref<64x1000000xf32, #tpu.memory_space<hbm>> -> memref<64x128xf32, #tpu.memory_space<hbm>>
          %dma_wait3A_931 = arith.constant 0 : i32
          %dma_wait3A_932 = arith.constant 0 : i32
          %dma_wait3A_933 = tpu.memref_slice %arg7[%dma_wait3A, %dma_wait3A_931, %dma_wait3A_932] : memref<4x64x128xf32, #tpu.memory_space<vmem>> -> memref<1x64x128xf32, #tpu.memory_space<vmem>>
          %dma_wait3A_934 = tpu.memref_squeeze %dma_wait3A_933 : memref<1x64x128xf32, #tpu.memory_space<vmem>> -> memref<64x128xf32, #tpu.memory_space<vmem>>
          %dma_wait3A_935 = arith.constant 0 : i32
          %dma_wait3A_936 = arith.constant 0 : i32
          %dma_wait3A_937 = tpu.memref_slice %arg2[%dma_wait3A_935, %dma_wait3A_936] : memref<64x1000000xf32, #tpu.memory_space<hbm>> -> memref<64x128xf32, #tpu.memory_space<hbm>>
          tpu.wait_dma2 semaphore(%arg10 : memref<!tpu.dma_semaphore, #tpu.memory_space<semaphore_mem>>) src(%dma_wait3A_937 : memref<64x128xf32, #tpu.memory_space<hbm>>) dst(%dma_wait3A_934 : memref<64x128xf32, #tpu.memory_space<vmem>>)
        } else {
        }
        %eq3A_914 = arith.constant 1 : i32
        %eq3A_915 = arith.cmpi eq, %select_n3A_832, %eq3A_914 : i32
        %convert_element_type3A_916 = arith.extui %eq3A_915 : i1 to i32
        %cond3A_917 = arith.constant 0 : i32
        %cond3A_918 = arith.cmpi ne, %convert_element_type3A_916, %cond3A_917 : i32
        scf.if %cond3A_918 {
          %dma_wait3A = arith.constant 1 : i32
          %dma_wait3A_924 = arith.constant 0 : i32
          %dma_wait3A_925 = arith.constant 0 : i32
          %dma_wait3A_926 = tpu.memref_slice %arg7[%dma_wait3A, %dma_wait3A_924, %dma_wait3A_925] : memref<4x64x128xf32, #tpu.memory_space<vmem>> -> memref<1x64x128xf32, #tpu.memory_space<vmem>>
          %dma_wait3A_927 = tpu.memref_squeeze %dma_wait3A_926 : memref<1x64x128xf32, #tpu.memory_space<vmem>> -> memref<64x128xf32, #tpu.memory_space<vmem>>
          %dma_wait3A_928 = arith.constant 0 : i32
          %dma_wait3A_929 = arith.constant 0 : i32
          %dma_wait3A_930 = tpu.memref_slice %arg2[%dma_wait3A_928, %dma_wait3A_929] : memref<64x1000000xf32, #tpu.memory_space<hbm>> -> memref<64x128xf32, #tpu.memory_space<hbm>>
          %dma_wait3A_931 = arith.constant 0 : i32
          %dma_wait3A_932 = arith.constant 0 : i32
          %dma_wait3A_933 = tpu.memref_slice %arg7[%dma_wait3A, %dma_wait3A_931, %dma_wait3A_932] : memref<4x64x128xf32, #tpu.memory_space<vmem>> -> memref<1x64x128xf32, #tpu.memory_space<vmem>>
          %dma_wait3A_934 = tpu.memref_squeeze %dma_wait3A_933 : memref<1x64x128xf32, #tpu.memory_space<vmem>> -> memref<64x128xf32, #tpu.memory_space<vmem>>
          %dma_wait3A_935 = arith.constant 0 : i32
          %dma_wait3A_936 = arith.constant 0 : i32
          %dma_wait3A_937 = tpu.memref_slice %arg2[%dma_wait3A_935, %dma_wait3A_936] : memref<64x1000000xf32, #tpu.memory_space<hbm>> -> memref<64x128xf32, #tpu.memory_space<hbm>>
          tpu.wait_dma2 semaphore(%arg11 : memref<!tpu.dma_semaphore, #tpu.memory_space<semaphore_mem>>) src(%dma_wait3A_937 : memref<64x128xf32, #tpu.memory_space<hbm>>) dst(%dma_wait3A_934 : memref<64x128xf32, #tpu.memory_space<vmem>>)
        } else {
        }
        %eq3A_919 = arith.constant 2 : i32
        %eq3A_920 = arith.cmpi eq, %select_n3A_832, %eq3A_919 : i32
        %convert_element_type3A_921 = arith.extui %eq3A_920 : i1 to i32
        %cond3A_922 = arith.constant 0 : i32
        %cond3A_923 = arith.cmpi ne, %convert_element_type3A_921, %cond3A_922 : i32
        scf.if %cond3A_923 {
          %dma_wait3A = arith.constant 2 : i32
          %dma_wait3A_924 = arith.constant 0 : i32
          %dma_wait3A_925 = arith.constant 0 : i32
          %dma_wait3A_926 = tpu.memref_slice %arg7[%dma_wait3A, %dma_wait3A_924, %dma_wait3A_925] : memref<4x64x128xf32, #tpu.memory_space<vmem>> -> memref<1x64x128xf32, #tpu.memory_space<vmem>>
          %dma_wait3A_927 = tpu.memref_squeeze %dma_wait3A_926 : memref<1x64x128xf32, #tpu.memory_space<vmem>> -> memref<64x128xf32, #tpu.memory_space<vmem>>
          %dma_wait3A_928 = arith.constant 0 : i32
          %dma_wait3A_929 = arith.constant 0 : i32
          %dma_wait3A_930 = tpu.memref_slice %arg2[%dma_wait3A_928, %dma_wait3A_929] : memref<64x1000000xf32, #tpu.memory_space<hbm>> -> memref<64x128xf32, #tpu.memory_space<hbm>>
          %dma_wait3A_931 = arith.constant 0 : i32
          %dma_wait3A_932 = arith.constant 0 : i32
          %dma_wait3A_933 = tpu.memref_slice %arg7[%dma_wait3A, %dma_wait3A_931, %dma_wait3A_932] : memref<4x64x128xf32, #tpu.memory_space<vmem>> -> memref<1x64x128xf32, #tpu.memory_space<vmem>>
          %dma_wait3A_934 = tpu.memref_squeeze %dma_wait3A_933 : memref<1x64x128xf32, #tpu.memory_space<vmem>> -> memref<64x128xf32, #tpu.memory_space<vmem>>
          %dma_wait3A_935 = arith.constant 0 : i32
          %dma_wait3A_936 = arith.constant 0 : i32
          %dma_wait3A_937 = tpu.memref_slice %arg2[%dma_wait3A_935, %dma_wait3A_936] : memref<64x1000000xf32, #tpu.memory_space<hbm>> -> memref<64x128xf32, #tpu.memory_space<hbm>>
          tpu.wait_dma2 semaphore(%arg12 : memref<!tpu.dma_semaphore, #tpu.memory_space<semaphore_mem>>) src(%dma_wait3A_937 : memref<64x128xf32, #tpu.memory_space<hbm>>) dst(%dma_wait3A_934 : memref<64x128xf32, #tpu.memory_space<vmem>>)
        } else {
        }
      } else {
      }
      %broadcast_in_dim3A_836 = vector.broadcast %select_n3A_832 : i32 to vector<16xi32>
      %slice3A_837 = vector.extract_strided_slice %and3A_160 {offsets = [15], sizes = [1], strides = [1]} : vector<16xi32> to vector<1xi32>
      %squeeze3A_838 = vector.extract %slice3A_837[0] : i32 from vector<1xi32>
      %broadcast_in_dim3A_839 = vector.broadcast %squeeze3A_838 : i32 to vector<16xi32>
      %mul3A_840 = arith.constant 16 : i32
      %mul3A_841 = arith.muli %scan3A_143, %mul3A_840 : i32
      %add3A_842 = arith.constant 15 : i32
      %add3A_843 = arith.addi %mul3A_841, %add3A_842 : i32
      %gather3A_844 = tpu.vector_load_idx %arg7[%broadcast_in_dim3A_836, %add3A_84, %broadcast_in_dim3A_839] : memref<4x64x128xf32, #tpu.memory_space<vmem>>[vector<16xi32>, vector<16xi32>, vector<16xi32>], vector<16xf32>,
      %swap3A_845 = arith.index_cast %add3A_843 : i32 to index
      %swap3A_846 = arith.constant 0 : index
      %swap3A_847 = tpu.vector_load %arg8[%swap3A_845, %swap3A_846] {strides = array<i32>} : memref<512x64xf32, #tpu.memory_space<vmem>>, vector<16xf32>,
      tpu.vector_store %arg8[%swap3A_845, %swap3A_846], %gather3A_844 {strides = array<i32>} : memref<512x64xf32, #tpu.memory_space<vmem>>, vector<16xf32>,
      %gather3A_848 = tpu.vector_load_idx %arg7[%broadcast_in_dim3A_836, %add3A_88, %broadcast_in_dim3A_839] : memref<4x64x128xf32, #tpu.memory_space<vmem>>[vector<16xi32>, vector<16xi32>, vector<16xi32>], vector<16xf32>,
      %swap3A_849 = arith.index_cast %add3A_843 : i32 to index
      %swap3A_850 = arith.constant 16 : index
      %swap3A_851 = tpu.vector_load %arg8[%swap3A_849, %swap3A_850] {strides = array<i32>} : memref<512x64xf32, #tpu.memory_space<vmem>>, vector<16xf32>,
      tpu.vector_store %arg8[%swap3A_849, %swap3A_850], %gather3A_848 {strides = array<i32>} : memref<512x64xf32, #tpu.memory_space<vmem>>, vector<16xf32>,
      %gather3A_852 = tpu.vector_load_idx %arg7[%broadcast_in_dim3A_836, %add3A_92, %broadcast_in_dim3A_839] : memref<4x64x128xf32, #tpu.memory_space<vmem>>[vector<16xi32>, vector<16xi32>, vector<16xi32>], vector<16xf32>,
      %swap3A_853 = arith.index_cast %add3A_843 : i32 to index
      %swap3A_854 = arith.constant 32 : index
      %swap3A_855 = tpu.vector_load %arg8[%swap3A_853, %swap3A_854] {strides = array<i32>} : memref<512x64xf32, #tpu.memory_space<vmem>>, vector<16xf32>,
      tpu.vector_store %arg8[%swap3A_853, %swap3A_854], %gather3A_852 {strides = array<i32>} : memref<512x64xf32, #tpu.memory_space<vmem>>, vector<16xf32>,
      %gather3A_856 = tpu.vector_load_idx %arg7[%broadcast_in_dim3A_836, %add3A_96, %broadcast_in_dim3A_839] : memref<4x64x128xf32, #tpu.memory_space<vmem>>[vector<16xi32>, vector<16xi32>, vector<16xi32>], vector<16xf32>,
      %swap3A_857 = arith.index_cast %add3A_843 : i32 to index
      %swap3A_858 = arith.constant 48 : index
      %swap3A_859 = tpu.vector_load %arg8[%swap3A_857, %swap3A_858] {strides = array<i32>} : memref<512x64xf32, #tpu.memory_space<vmem>>, vector<16xf32>,
      tpu.vector_store %arg8[%swap3A_857, %swap3A_858], %gather3A_856 {strides = array<i32>} : memref<512x64xf32, #tpu.memory_space<vmem>>, vector<16xf32>,
      scf.yield %squeeze3A_817, %select_n3A_821, %select_n3A_828 : i32, i32, i32
    }
    %scan3A_105 = arith.constant 32 : i32
    %rem3A = arith.constant 3 : i32
    %rem3A_106 = arith.remsi %add3A_9, %rem3A : i32
    %eq3A_107 = arith.constant 0 : i32
    %eq3A_108 = arith.cmpi eq, %rem3A_106, %eq3A_107 : i32
    %convert_element_type3A_109 = arith.extui %eq3A_108 : i1 to i32
    %cond3A_110 = arith.constant 0 : i32
    %cond3A_111 = arith.cmpi ne, %convert_element_type3A_109, %cond3A_110 : i32
    scf.if %cond3A_111 {
      %dma_wait3A = arith.constant 0 : i32
      %dma_wait3A_143 = arith.constant 0 : i32
      %dma_wait3A_144 = arith.constant 0 : i32
      %dma_wait3A_145 = tpu.memref_slice %arg7[%dma_wait3A, %dma_wait3A_143, %dma_wait3A_144] : memref<4x64x128xf32, #tpu.memory_space<vmem>> -> memref<1x64x128xf32, #tpu.memory_space<vmem>>
      %dma_wait3A_146 = tpu.memref_squeeze %dma_wait3A_145 : memref<1x64x128xf32, #tpu.memory_space<vmem>> -> memref<64x128xf32, #tpu.memory_space<vmem>>
      %dma_wait3A_147 = arith.constant 0 : i32
      %dma_wait3A_148 = arith.constant 0 : i32
      %dma_wait3A_149 = tpu.memref_slice %arg2[%dma_wait3A_147, %dma_wait3A_148] : memref<64x1000000xf32, #tpu.memory_space<hbm>> -> memref<64x128xf32, #tpu.memory_space<hbm>>
      %dma_wait3A_150 = arith.constant 0 : i32
      %dma_wait3A_151 = arith.constant 0 : i32
      %dma_wait3A_152 = tpu.memref_slice %arg7[%dma_wait3A, %dma_wait3A_150, %dma_wait3A_151] : memref<4x64x128xf32, #tpu.memory_space<vmem>> -> memref<1x64x128xf32, #tpu.memory_space<vmem>>
      %dma_wait3A_153 = tpu.memref_squeeze %dma_wait3A_152 : memref<1x64x128xf32, #tpu.memory_space<vmem>> -> memref<64x128xf32, #tpu.memory_space<vmem>>
      %dma_wait3A_154 = arith.constant 0 : i32
      %dma_wait3A_155 = arith.constant 0 : i32
      %dma_wait3A_156 = tpu.memref_slice %arg2[%dma_wait3A_154, %dma_wait3A_155] : memref<64x1000000xf32, #tpu.memory_space<hbm>> -> memref<64x128xf32, #tpu.memory_space<hbm>>
      tpu.wait_dma2 semaphore(%arg10 : memref<!tpu.dma_semaphore, #tpu.memory_space<semaphore_mem>>) src(%dma_wait3A_156 : memref<64x128xf32, #tpu.memory_space<hbm>>) dst(%dma_wait3A_153 : memref<64x128xf32, #tpu.memory_space<vmem>>)
    } else {
    }
    %eq3A_112 = arith.constant 1 : i32
    %eq3A_113 = arith.cmpi eq, %rem3A_106, %eq3A_112 : i32
    %convert_element_type3A_114 = arith.extui %eq3A_113 : i1 to i32
    %cond3A_115 = arith.constant 0 : i32
    %cond3A_116 = arith.cmpi ne, %convert_element_type3A_114, %cond3A_115 : i32
    scf.if %cond3A_116 {
      %dma_wait3A = arith.constant 1 : i32
      %dma_wait3A_143 = arith.constant 0 : i32
      %dma_wait3A_144 = arith.constant 0 : i32
      %dma_wait3A_145 = tpu.memref_slice %arg7[%dma_wait3A, %dma_wait3A_143, %dma_wait3A_144] : memref<4x64x128xf32, #tpu.memory_space<vmem>> -> memref<1x64x128xf32, #tpu.memory_space<vmem>>
      %dma_wait3A_146 = tpu.memref_squeeze %dma_wait3A_145 : memref<1x64x128xf32, #tpu.memory_space<vmem>> -> memref<64x128xf32, #tpu.memory_space<vmem>>
      %dma_wait3A_147 = arith.constant 0 : i32
      %dma_wait3A_148 = arith.constant 0 : i32
      %dma_wait3A_149 = tpu.memref_slice %arg2[%dma_wait3A_147, %dma_wait3A_148] : memref<64x1000000xf32, #tpu.memory_space<hbm>> -> memref<64x128xf32, #tpu.memory_space<hbm>>
      %dma_wait3A_150 = arith.constant 0 : i32
      %dma_wait3A_151 = arith.constant 0 : i32
      %dma_wait3A_152 = tpu.memref_slice %arg7[%dma_wait3A, %dma_wait3A_150, %dma_wait3A_151] : memref<4x64x128xf32, #tpu.memory_space<vmem>> -> memref<1x64x128xf32, #tpu.memory_space<vmem>>
      %dma_wait3A_153 = tpu.memref_squeeze %dma_wait3A_152 : memref<1x64x128xf32, #tpu.memory_space<vmem>> -> memref<64x128xf32, #tpu.memory_space<vmem>>
      %dma_wait3A_154 = arith.constant 0 : i32
      %dma_wait3A_155 = arith.constant 0 : i32
      %dma_wait3A_156 = tpu.memref_slice %arg2[%dma_wait3A_154, %dma_wait3A_155] : memref<64x1000000xf32, #tpu.memory_space<hbm>> -> memref<64x128xf32, #tpu.memory_space<hbm>>
      tpu.wait_dma2 semaphore(%arg11 : memref<!tpu.dma_semaphore, #tpu.memory_space<semaphore_mem>>) src(%dma_wait3A_156 : memref<64x128xf32, #tpu.memory_space<hbm>>) dst(%dma_wait3A_153 : memref<64x128xf32, #tpu.memory_space<vmem>>)
    } else {
    }
    %eq3A_117 = arith.constant 2 : i32
    %eq3A_118 = arith.cmpi eq, %rem3A_106, %eq3A_117 : i32
    %convert_element_type3A_119 = arith.extui %eq3A_118 : i1 to i32
    %cond3A_120 = arith.constant 0 : i32
    %cond3A_121 = arith.cmpi ne, %convert_element_type3A_119, %cond3A_120 : i32
    scf.if %cond3A_121 {
      %dma_wait3A = arith.constant 2 : i32
      %dma_wait3A_143 = arith.constant 0 : i32
      %dma_wait3A_144 = arith.constant 0 : i32
      %dma_wait3A_145 = tpu.memref_slice %arg7[%dma_wait3A, %dma_wait3A_143, %dma_wait3A_144] : memref<4x64x128xf32, #tpu.memory_space<vmem>> -> memref<1x64x128xf32, #tpu.memory_space<vmem>>
      %dma_wait3A_146 = tpu.memref_squeeze %dma_wait3A_145 : memref<1x64x128xf32, #tpu.memory_space<vmem>> -> memref<64x128xf32, #tpu.memory_space<vmem>>
      %dma_wait3A_147 = arith.constant 0 : i32
      %dma_wait3A_148 = arith.constant 0 : i32
      %dma_wait3A_149 = tpu.memref_slice %arg2[%dma_wait3A_147, %dma_wait3A_148] : memref<64x1000000xf32, #tpu.memory_space<hbm>> -> memref<64x128xf32, #tpu.memory_space<hbm>>
      %dma_wait3A_150 = arith.constant 0 : i32
      %dma_wait3A_151 = arith.constant 0 : i32
      %dma_wait3A_152 = tpu.memref_slice %arg7[%dma_wait3A, %dma_wait3A_150, %dma_wait3A_151] : memref<4x64x128xf32, #tpu.memory_space<vmem>> -> memref<1x64x128xf32, #tpu.memory_space<vmem>>
      %dma_wait3A_153 = tpu.memref_squeeze %dma_wait3A_152 : memref<1x64x128xf32, #tpu.memory_space<vmem>> -> memref<64x128xf32, #tpu.memory_space<vmem>>
      %dma_wait3A_154 = arith.constant 0 : i32
      %dma_wait3A_155 = arith.constant 0 : i32
      %dma_wait3A_156 = tpu.memref_slice %arg2[%dma_wait3A_154, %dma_wait3A_155] : memref<64x1000000xf32, #tpu.memory_space<hbm>> -> memref<64x128xf32, #tpu.memory_space<hbm>>
      tpu.wait_dma2 semaphore(%arg12 : memref<!tpu.dma_semaphore, #tpu.memory_space<semaphore_mem>>) src(%dma_wait3A_156 : memref<64x128xf32, #tpu.memory_space<hbm>>) dst(%dma_wait3A_153 : memref<64x128xf32, #tpu.memory_space<vmem>>)
    } else {
    }
    %add3A_122 = arith.constant 1 : i32
    %add3A_123 = arith.addi %add3A_9, %add3A_122 : i32
    %rem3A_124 = arith.constant 3 : i32
    %rem3A_125 = arith.remsi %add3A_123, %rem3A_124 : i32
    %eq3A_126 = arith.constant 0 : i32
    %eq3A_127 = arith.cmpi eq, %rem3A_125, %eq3A_126 : i32
    %convert_element_type3A_128 = arith.extui %eq3A_127 : i1 to i32
    %cond3A_129 = arith.constant 0 : i32
    %cond3A_130 = arith.cmpi ne, %convert_element_type3A_128, %cond3A_129 : i32
    scf.if %cond3A_130 {
      %dma_wait3A = arith.constant 0 : i32
      %dma_wait3A_143 = arith.constant 0 : i32
      %dma_wait3A_144 = arith.constant 0 : i32
      %dma_wait3A_145 = tpu.memref_slice %arg7[%dma_wait3A, %dma_wait3A_143, %dma_wait3A_144] : memref<4x64x128xf32, #tpu.memory_space<vmem>> -> memref<1x64x128xf32, #tpu.memory_space<vmem>>
      %dma_wait3A_146 = tpu.memref_squeeze %dma_wait3A_145 : memref<1x64x128xf32, #tpu.memory_space<vmem>> -> memref<64x128xf32, #tpu.memory_space<vmem>>
      %dma_wait3A_147 = arith.constant 0 : i32
      %dma_wait3A_148 = arith.constant 0 : i32
      %dma_wait3A_149 = tpu.memref_slice %arg2[%dma_wait3A_147, %dma_wait3A_148] : memref<64x1000000xf32, #tpu.memory_space<hbm>> -> memref<64x128xf32, #tpu.memory_space<hbm>>
      %dma_wait3A_150 = arith.constant 0 : i32
      %dma_wait3A_151 = arith.constant 0 : i32
      %dma_wait3A_152 = tpu.memref_slice %arg7[%dma_wait3A, %dma_wait3A_150, %dma_wait3A_151] : memref<4x64x128xf32, #tpu.memory_space<vmem>> -> memref<1x64x128xf32, #tpu.memory_space<vmem>>
      %dma_wait3A_153 = tpu.memref_squeeze %dma_wait3A_152 : memref<1x64x128xf32, #tpu.memory_space<vmem>> -> memref<64x128xf32, #tpu.memory_space<vmem>>
      %dma_wait3A_154 = arith.constant 0 : i32
      %dma_wait3A_155 = arith.constant 0 : i32
      %dma_wait3A_156 = tpu.memref_slice %arg2[%dma_wait3A_154, %dma_wait3A_155] : memref<64x1000000xf32, #tpu.memory_space<hbm>> -> memref<64x128xf32, #tpu.memory_space<hbm>>
      tpu.wait_dma2 semaphore(%arg10 : memref<!tpu.dma_semaphore, #tpu.memory_space<semaphore_mem>>) src(%dma_wait3A_156 : memref<64x128xf32, #tpu.memory_space<hbm>>) dst(%dma_wait3A_153 : memref<64x128xf32, #tpu.memory_space<vmem>>)
    } else {
    }
    %eq3A_131 = arith.constant 1 : i32
    %eq3A_132 = arith.cmpi eq, %rem3A_125, %eq3A_131 : i32
    %convert_element_type3A_133 = arith.extui %eq3A_132 : i1 to i32
    %cond3A_134 = arith.constant 0 : i32
    %cond3A_135 = arith.cmpi ne, %convert_element_type3A_133, %cond3A_134 : i32
    scf.if %cond3A_135 {
      %dma_wait3A = arith.constant 1 : i32
      %dma_wait3A_143 = arith.constant 0 : i32
      %dma_wait3A_144 = arith.constant 0 : i32
      %dma_wait3A_145 = tpu.memref_slice %arg7[%dma_wait3A, %dma_wait3A_143, %dma_wait3A_144] : memref<4x64x128xf32, #tpu.memory_space<vmem>> -> memref<1x64x128xf32, #tpu.memory_space<vmem>>
      %dma_wait3A_146 = tpu.memref_squeeze %dma_wait3A_145 : memref<1x64x128xf32, #tpu.memory_space<vmem>> -> memref<64x128xf32, #tpu.memory_space<vmem>>
      %dma_wait3A_147 = arith.constant 0 : i32
      %dma_wait3A_148 = arith.constant 0 : i32
      %dma_wait3A_149 = tpu.memref_slice %arg2[%dma_wait3A_147, %dma_wait3A_148] : memref<64x1000000xf32, #tpu.memory_space<hbm>> -> memref<64x128xf32, #tpu.memory_space<hbm>>
      %dma_wait3A_150 = arith.constant 0 : i32
      %dma_wait3A_151 = arith.constant 0 : i32
      %dma_wait3A_152 = tpu.memref_slice %arg7[%dma_wait3A, %dma_wait3A_150, %dma_wait3A_151] : memref<4x64x128xf32, #tpu.memory_space<vmem>> -> memref<1x64x128xf32, #tpu.memory_space<vmem>>
      %dma_wait3A_153 = tpu.memref_squeeze %dma_wait3A_152 : memref<1x64x128xf32, #tpu.memory_space<vmem>> -> memref<64x128xf32, #tpu.memory_space<vmem>>
      %dma_wait3A_154 = arith.constant 0 : i32
      %dma_wait3A_155 = arith.constant 0 : i32
      %dma_wait3A_156 = tpu.memref_slice %arg2[%dma_wait3A_154, %dma_wait3A_155] : memref<64x1000000xf32, #tpu.memory_space<hbm>> -> memref<64x128xf32, #tpu.memory_space<hbm>>
      tpu.wait_dma2 semaphore(%arg11 : memref<!tpu.dma_semaphore, #tpu.memory_space<semaphore_mem>>) src(%dma_wait3A_156 : memref<64x128xf32, #tpu.memory_space<hbm>>) dst(%dma_wait3A_153 : memref<64x128xf32, #tpu.memory_space<vmem>>)
    } else {
    }
    %eq3A_136 = arith.constant 2 : i32
    %eq3A_137 = arith.cmpi eq, %rem3A_125, %eq3A_136 : i32
    %convert_element_type3A_138 = arith.extui %eq3A_137 : i1 to i32
    %cond3A_139 = arith.constant 0 : i32
    %cond3A_140 = arith.cmpi ne, %convert_element_type3A_138, %cond3A_139 : i32
    scf.if %cond3A_140 {
      %dma_wait3A = arith.constant 2 : i32
      %dma_wait3A_143 = arith.constant 0 : i32
      %dma_wait3A_144 = arith.constant 0 : i32
      %dma_wait3A_145 = tpu.memref_slice %arg7[%dma_wait3A, %dma_wait3A_143, %dma_wait3A_144] : memref<4x64x128xf32, #tpu.memory_space<vmem>> -> memref<1x64x128xf32, #tpu.memory_space<vmem>>
      %dma_wait3A_146 = tpu.memref_squeeze %dma_wait3A_145 : memref<1x64x128xf32, #tpu.memory_space<vmem>> -> memref<64x128xf32, #tpu.memory_space<vmem>>
      %dma_wait3A_147 = arith.constant 0 : i32
      %dma_wait3A_148 = arith.constant 0 : i32
      %dma_wait3A_149 = tpu.memref_slice %arg2[%dma_wait3A_147, %dma_wait3A_148] : memref<64x1000000xf32, #tpu.memory_space<hbm>> -> memref<64x128xf32, #tpu.memory_space<hbm>>
      %dma_wait3A_150 = arith.constant 0 : i32
      %dma_wait3A_151 = arith.constant 0 : i32
      %dma_wait3A_152 = tpu.memref_slice %arg7[%dma_wait3A, %dma_wait3A_150, %dma_wait3A_151] : memref<4x64x128xf32, #tpu.memory_space<vmem>> -> memref<1x64x128xf32, #tpu.memory_space<vmem>>
      %dma_wait3A_153 = tpu.memref_squeeze %dma_wait3A_152 : memref<1x64x128xf32, #tpu.memory_space<vmem>> -> memref<64x128xf32, #tpu.memory_space<vmem>>
      %dma_wait3A_154 = arith.constant 0 : i32
      %dma_wait3A_155 = arith.constant 0 : i32
      %dma_wait3A_156 = tpu.memref_slice %arg2[%dma_wait3A_154, %dma_wait3A_155] : memref<64x1000000xf32, #tpu.memory_space<hbm>> -> memref<64x128xf32, #tpu.memory_space<hbm>>
      tpu.wait_dma2 semaphore(%arg12 : memref<!tpu.dma_semaphore, #tpu.memory_space<semaphore_mem>>) src(%dma_wait3A_156 : memref<64x128xf32, #tpu.memory_space<hbm>>) dst(%dma_wait3A_153 : memref<64x128xf32, #tpu.memory_space<vmem>>)
    } else {
    }
    %mul3A_141 = arith.constant 512 : i32
    %mul3A_142 = arith.muli %add3A, %mul3A_141 : i32
    "tpu.region"() ({
      %run_scoped3A_143 = tpu.sem_alloc : memref<!tpu.dma_semaphore, #tpu.memory_space<semaphore_mem>>
      %dma_start3A = arith.constant 0 : i32
      %dma_start3A_144 = tpu.memref_slice %arg5[%mul3A_142, %dma_start3A] : memref<16384x64xf32, #tpu.memory_space<hbm>> -> memref<512x64xf32, #tpu.memory_space<hbm>>
      %dma_start3A_145 = arith.constant 0 : i32
      %dma_start3A_146 = tpu.memref_slice %arg5[%mul3A_142, %dma_start3A_145] : memref<16384x64xf32, #tpu.memory_space<hbm>> -> memref<512x64xf32, #tpu.memory_space<hbm>>
      tpu.enqueue_dma source(%arg8 : memref<512x64xf32, #tpu.memory_space<vmem>>) target(%dma_start3A_146 : memref<512x64xf32, #tpu.memory_space<hbm>>) target_semaphore(%run_scoped3A_143 : memref<!tpu.dma_semaphore, #tpu.memory_space<semaphore_mem>>)
      %dma_wait3A = arith.constant 0 : i32
      %dma_wait3A_147 = tpu.memref_slice %arg5[%mul3A_142, %dma_wait3A] : memref<16384x64xf32, #tpu.memory_space<hbm>> -> memref<512x64xf32, #tpu.memory_space<hbm>>
      %dma_wait3A_148 = arith.constant 0 : i32
      %dma_wait3A_149 = tpu.memref_slice %arg5[%mul3A_142, %dma_wait3A_148] : memref<16384x64xf32, #tpu.memory_space<hbm>> -> memref<512x64xf32, #tpu.memory_space<hbm>>
      tpu.wait_dma2 semaphore(%run_scoped3A_143 : memref<!tpu.dma_semaphore, #tpu.memory_space<semaphore_mem>>) src(%arg8 : memref<512x64xf32, #tpu.memory_space<vmem>>) dst(%dma_wait3A_149 : memref<512x64xf32, #tpu.memory_space<hbm>>)
      tpu.yield
    }) : () -> ()
    return
  }
}

</mosaic_0001>

<sc_bundles>
// kernel: gather_offload_async_start
scs
__scs_entry_jumppad:
0x0: {  	(pc) =	sbr.rel $0x88, $3  }
0x1: {  	(tag) =	ssettag $0x0;
	lr =	simm.s32 $0x1  }
0x2: {  	[smem:$0x3F9F] =	sst lr;
	_ =	strace $0xD0000000  }
0x3: {  	_ = 	snop  }
0x4: {  	_ = 	snop  }
0x5: {  	_ = 	snop  }
0x6: {  	_ = 	snop  }
0x7: {  	_ = 	snop  }
__scs_overlays_trampoline_lowered:
0x8: {  	[smem:$0x3FAE] =	sst s0  }
0x9: {  	[smem:$0x3FAF] =	sst s1  }
0xa: {  	[smem:$0x3FB0] =	sst s2  }
0xb: {  	[smem:$0x3FB1] =	sst s3  }
0xc: {  	[smem:$0x3FB2] =	sst s4  }
0xd: {  	[smem:$0x3FB3] =	sst s5  }
0xe: {  	[smem:$0x3FB4] =	sst s6  }
0xf: {  	[smem:$0x3FB5] =	sst s7  }
0x10: {  	[smem:$0x3FB6] =	sst s8  }
0x11: {  	[smem:$0x3FB7] =	sst s9;
	s0 =	simm.s32 @!p0 $0x0  }
0x12: {  	s1 =	sld [smem:$0x3F9D];
	s0 =	simm.s32 @p0 $0x1  }
0x13: {  	[smem:$0x3FB8] =	sst s0;
	s0 =	simm.s32 @!p1 $0x0  }
0x14: {  	s2 =	sld [smem:$0x3F9C];
	s0 =	simm.s32 @p1 $0x1  }
0x15: {  	[smem:$0x3FB9] =	sst s0;
	s0 =	simm.s32 @!p2 $0x0  }
0x16: {  	s3 =	sld [smem:$0x3FDB];
	s0 =	simm.s32 @p2 $0x1  }
0x17: {  	s4 =	simm.s32 $0x1BF5;
	[smem:$0x3FBB] =	sst s0  }
0x18: {  	s0 =	sld [smem:$0x3F9E];
	_ =	swait.ge [sflag:s4], $0x0  }
0x19: {  	s7 =	sld [smem:$0x3F9F]  }
0x1a: {  	s8 =	sadd.s32 $0xFFFFE003, lr  }
0x1b: {  	s9 =	sadd.s32 $0xFFFFFEF7, lr;
	s5 =	simm.s32 $0xFFFFFFFF;
	p2 =	slt.u32 s8, $0xFFFFF086  }
0x1c: {  	p1 =	slt.u32 s9, $0xF7A;
	s5 =	simm.s32 @!p2 $0x0  }
0x1d: {  	s5 =	simm.s32 @p1 $0x1;
	p0 =	seq.s32 s7, s2  }
0x1e: {  	s7 =	smul.u32 @!p0 $0xF7A, s2;
	p2 =	seq.s32 @!p0 s5, $0x0  }
0x1f: {  	s9 =	smul.u32 $0xF7A, s1;
	s8 =	simm.s32 @!p0 $0x1BF5;
	p2 =	por !p2, p0  }
0x20: {  	[sflag:s8] =	ssyncset.s32 @!p0 $0xFFFFF086;
	s6 =	sadd.s32 @!p0 s3, s7;
	s7 =	simm.s32 @!p0 $0x108  }
0x21: {  	s3 =	sadd.s32 s3, s9;
	s6 =	sadd.s32 @!p0 $0x88, s6;
	s7 =	simm.s32 @p2 $0x1082  }
0x22: {  	[simem:s7], [sflag:s8] =	dma.local @!p0 [hbm:s6], $0xF7A  }
0x23: {  	s9 =	sor.u32 $0xD0000000, s2;
	s6 =	simm.s32 $0x108;
	_ =	swait.ge @!p0 [sflag:s8], $0x0  }
0x24: {  	s3 =	sadd.s32 $0x88, s3;
	s6 =	simm.s32 @!p1 $0x1082;
	[sflag:s4] =	ssyncset.s32 $0xFFFFF086  }
0x25: {  	[simem:s6], [sflag:s4] =	dma.local [hbm:s3], $0xF7A  }
0x26: {  	[smem:$0x3F9F] =	sst s1;
	(tag) =	ssettag s2;
	_ =	strace s9  }
0x27: {  	s1 =	sld [smem:$0x3FAF]  }
0x28: {  	s2 =	sld [smem:$0x3FB0]  }
0x29: {  	s4 =	sld [smem:$0x3FB2]  }
0x2a: {  	p0 =	seq.s32 s5, $0x0;
	s5 =	sld [smem:$0x3FB3]  }
0x2b: {  	s6 =	sld [smem:$0x3FB4]  }
0x2c: {  	s7 =	sld [smem:$0x3FB5]  }
0x2d: {  	s3 =	simm.s32 $0x108;
	s8 =	sld [smem:$0x3FB6]  }
0x2e: {  	s3 =	simm.s32 @!p0 $0x1082;
	s9 =	sld [smem:$0x3FB7]  }
0x2f: {  	lr =	sadd.s32 s0, s3;
	s0 =	sld [smem:$0x3FAE]  }
0x30: {  	s3 =	sld [smem:$0x3FB1]  }
0x31: {  	[smem:$0x3FBA] =	sst s10  }
0x32: {  	s10 =	sld [smem:$0x3FB8];
	_ =	sdelay $0x3  }
0x33: {  	p0 =	seq.s32 s10, $0x1;
	s10 =	sld [smem:$0x3FBA];
	_ =	sdelay $0x3  }
0x34: {  	[smem:$0x3FBA] =	sst s10  }
0x35: {  	s10 =	sld [smem:$0x3FB9];
	_ =	sdelay $0x3  }
0x36: {  	p1 =	seq.s32 s10, $0x1;
	s10 =	sld [smem:$0x3FBA];
	_ =	sdelay $0x3  }
0x37: {  	[smem:$0x3FBA] =	sst s10  }
0x38: {  	s10 =	sld [smem:$0x3FBB]  }
0x39: {  	_ = 	snop;
	(pc) =	sbr.ind lr, $3  }
0x3a: {  	_ = 	snop  }
0x3b: {  	_ = 	snop  }
0x3c: {  	p2 =	seq.s32 s10, $0x1;
	s10 =	sld [smem:$0x3FBA]  }
0x3d: {  	_ =	shalt  }
0x3e: {  	_ =	shalt  }
0x3f: {  	_ =	shalt  }
0x40: {  	_ =	shalt  }
0x41: {  	_ =	shalt  }
0x42: {  	_ =	shalt  }
0x43: {  	_ =	shalt  }
0x44: {  	_ =	shalt  }
0x45: {  	_ =	shalt  }
0x46: {  	_ =	shalt  }
0x47: {  	_ =	shalt  }
0x48: {  	_ =	shalt  }
0x49: {  	_ =	shalt  }
0x4a: {  	_ =	shalt  }
0x4b: {  	_ =	shalt  }
0x4c: {  	_ =	shalt  }
0x4d: {  	_ =	shalt  }
0x4e: {  	_ =	shalt  }
0x4f: {  	_ =	shalt  }
0x50: {  	_ =	shalt  }
0x51: {  	_ =	shalt  }
0x52: {  	_ =	shalt  }
0x53: {  	_ =	shalt  }
0x54: {  	_ =	shalt  }
0x55: {  	_ =	shalt  }
0x56: {  	_ =	shalt  }
0x57: {  	_ =	shalt  }
0x58: {  	_ =	shalt  }
0x59: {  	_ =	shalt  }
0x5a: {  	_ =	shalt  }
0x5b: {  	_ =	shalt  }
0x5c: {  	_ =	shalt  }
0x5d: {  	_ =	shalt  }
0x5e: {  	_ =	shalt  }
0x5f: {  	_ =	shalt  }
0x60: {  	_ =	shalt  }
0x61: {  	_ =	shalt  }
0x62: {  	_ =	shalt  }
0x63: {  	_ =	shalt  }
0x64: {  	_ =	shalt  }
0x65: {  	_ =	shalt  }
0x66: {  	_ =	shalt  }
0x67: {  	_ =	shalt  }
0x68: {  	_ =	shalt  }
0x69: {  	_ =	shalt  }
0x6a: {  	_ =	shalt  }
0x6b: {  	_ =	shalt  }
0x6c: {  	_ =	shalt  }
0x6d: {  	_ =	shalt  }
0x6e: {  	_ =	shalt  }
0x6f: {  	_ =	shalt  }
0x70: {  	_ =	shalt  }
0x71: {  	_ =	shalt  }
0x72: {  	_ =	shalt  }
0x73: {  	_ =	shalt  }
0x74: {  	_ =	shalt  }
0x75: {  	_ =	shalt  }
0x76: {  	_ =	shalt  }
0x77: {  	_ =	shalt  }
0x78: {  	_ =	shalt  }
0x79: {  	_ =	shalt  }
0x7a: {  	_ =	shalt  }
0x7b: {  	_ =	shalt  }
0x7c: {  	_ =	shalt  }
0x7d: {  	_ =	shalt  }
0x7e: {  	_ =	shalt  }
0x7f: {  	_ =	shalt  }
0x80: {  	_ =	shalt  }
0x81: {  	_ =	shalt  }
0x82: {  	_ =	shalt  }
0x83: {  	_ =	shalt  }
0x84: {  	_ =	shalt  }
0x85: {  	_ =	shalt  }
0x86: {  	_ =	shalt  }
0x87: {  	_ =	shalt  }
.Lfunc_end0:
.L_simem_size_0:
called_computation_lowered:
.L_overlay_start_0:
0x88: {  	s2 =	sld [smem:$0x3FD9]  }
0x89: {  	s3 =	sld [smem:$0x3FFE];
	_ =	sdelay $0x1  }
0x8a: {  	s1 =	srdreg.scid  }
0x8b: {  	s0 =	sand.u32 $0x1, s1  }
0x8c: {  	s16 =	sshll.u32 s0, $0xA;
	s2 =	sadd.s32 s3, s2  }
0x8d: {  	s2 =	sadd.s32 s2, s16  }
0x8e: {  	[smem:$0x3FC6] =	sst s2  }
0x8f: {  	_ = 	snop  }
0x90: {  	(tm) =	ssettm $0x1  }
0x91: {  	s17 =	sld [smem:$0x3FFB];
	_ =	sdelay $0x3  }
0x92: {  	_ =	strace s17  }
0x93: {  	s2 =	sld [smem:$0x3FFC];
	_ =	sdelay $0x3  }
0x94: {  	_ =	strace s2  }
0x95: {  	s2 =	sld [smem:$0x3FFD];
	_ =	sdelay $0x3  }
0x96: {  	_ =	strace s2  }
0x97: {  	_ =	strace $0x8FFFFFFF  }
0x98: {  	s18 =	sld [smem:$0x3FDB];
	_ =	sdelay $0x1  }
0x99: {  	s19 =	simm.s32 $_scs_section_size  }
0x9a: {  	s4 =	simm.s32 $_size__tile_overlayer_lowered;
	s5 =	simm.s32 $_tile_overlayer_lowered  }
0x9b: {  	s22 =	simm.s32 $0x1BFF;
	s21 =	sshll.u32 s5, $0x1;
	s2 =	sadd.s32 s19, s18  }
0x9c: {  	s6 =	simm.s32 $0x0;
	s20 =	sshll.u32 s4, $0x1;
	s4 =	sadd.s32 s21, s2  }
0x9d: {  	[timem:s6], [sflag:s22] =	dma.local [hbm:s4], s20  }
0x9e: {  	_ =	swait.ge [sflag:s22], s20  }
0x9f: {  	s3 =	ssub.s32 $0x0, s20;
	[sflag:s22] =	ssyncset.done $0x0  }
0xa0: {  	[sflag:s22] =	ssyncadd.s32 s3;
	_ =	sdelay $0x1  }
0xa1: {  	s23 =	simm.s32 $0x1B8B  }
0xa2: {  	_ =	swait.ge [sflag:s23], $0x1  }
0xa3: {  	[sflag:s23] =	ssyncset.done $0x0  }
0xa4: {  	s25 =	simm.s32 $0x1B8E;
	s24 =	sld [smem:$0x3FFE];
	[sflag:s23] =	ssyncadd.s32 $0xFFFFFFFF  }
0xa5: {  	s26 =	simm.s32 $execute0_lowered;
	[smem:$0x3FD2] =	sst s25  }
0xa6: {  	s4 =	sshll.u32 s26, $0x1;
	_ =	strace $0x80000049;
	[dreg:$0x1] =	wrdreg $0xFFFFFFFF  }
0xa7: {  	s28 =	simm.s32 $_size_execute0_lowered;
	s2 =	sadd.s32 s2, s4;
	[dreg:$0x0] =	wrdreg $0x0  }
0xa8: {  	s4 =	sshll.u32 s28, $0x1;
	[dreg:$0x2] =	wrdreg s2  }
0xa9: {  	[dreg:$0x3] =	wrdreg s4  }
0xaa: {  	[dreg:$0x4] =	wrdreg $0xC0  }
0xab: {  	_ =	task [dreg:s6], $0x5FFFF  }
0xac: {  	[dreg:$0x1] =	wrdreg $0xFFFFFFFF  }
0xad: {  	[dreg:$0x0] =	wrdreg $0x60  }
0xae: {  	[dreg:$0x2] =	wrdreg s24  }
0xaf: {  	[dreg:$0x3] =	wrdreg $0x9  }
0xb0: {  	_ =	task.clear_ibuf [dreg:s6], $0x4FFFF;
	_ =	strace $0x90000049  }
0xb1: {  	s29 =	simm.s32 $0x9;
	_ =	strace $0x8000004B  }
0xb2: {  	_ =	swait.ge [sflag:s29], $0x1  }
0xb3: {  	[sflag:s29] =	ssyncadd.s32 $0xFFFFFFFF  }
0xb4: {  	_ =	strace $0x9000004B  }
0xb5: {  	_ =	sfence  }
0xb6: {  	s30 =	sld [smem:$0x0];
	_ =	sdelay $0x2  }
0xb7: {  	s31 =	sshll.u32 s1, $0xD;
	s1 =	sshrl.u32 s1, $0x2  }
0xb8: {  	s3 =	sand.u32 $0x4000, s31;
	s1 =	sadd.s32 s1, s30  }
0xb9: {  	s0 =	sor.u32 s3, s0;
	s1 =	sshll.u32 s1, $0x11  }
0xba: {  	s0 =	sor.u32 s1, s0  }
0xbb: {  	s0 =	sadd.s32 $0x8F2B, s0  }
0xbc: {  	[sflag:s0] =	ssyncadd.remote.s32 $0x1  }
0xbd: {  	_ =	sfence.sel $0xFFFF  }
0xbe: {  	[dreg:$0x0] =	wrdreg $0xFFFFFFFF;
	(pc) =	sbr.abs _section_cstart, $3  }
0xbf: {  	[dreg:$0x1] =	wrdreg $0xFFFFFFFF  }
0xc0: {  	_ =	task.clear_ibuf [dreg:s6], $0x2FFFF;
	_ =	strace $0x9FFFFFFF  }
0xc1: {  	(tm) =	ssettm $0x7FFFFFFF  }
tec
execute0_lowered:
.L_overlay_start_1:
0x0: {  	(tag) =	ssettag $0x1  }
0x1: {  	s7 =	rddreg [dreg:$0x0]  }
0x2: {  	s0 =	rddreg [dreg:$0x1];
	_ =	strace $0x8000004A  }
0x3: {  	s1 =	srdreg.scid;
	s4 =	simm.s32 $0x1;
	s9 =	simm.s32 $0x3  }
0x4: {  	s11 =	simm.s32 $0x0;
	p0 =	por $0x0, $0x0;
	s5 =	sshll.u32 s1, $0x4  }
.Ltmp0:
0x5: {  	s1 =	stileid.u32;
	s5 =	sand.u32 $0x10, s5;
	(pc) =	sbr.rel .LBB2_1-.Ltmp0, $4  }
0x6: {  	s2 =	sadd.s32 $0x1400, s7;
	s3 =	sadd.s32 $0x400, s7;
	s6 =	sor.u32 s1, s5  }
0x7: {  	[sflag:s4] =	ssyncpa.u1 $0x0;
	s5 =	simm.s32 $0x2;
	s6 =	sshll.u32 s6, $0x9  }
0x8: {  	s7 =	sadd.s32 $0x41400, s7;
	[sflag:s5] =	ssyncpa.u1 $0x0;
	s8 =	sadd.s32 $0x200, s6  }
0x9: {  	vm0 =	vmmov $0xff;
	vm1 =	vcmask $0x3F20;
	[sflag:s9] =	ssyncpa.u1 $0x0;
	s10 =	smov.u32 s6;
	s9 =	simm.s32 $0x0  }
.LBB2_7:
0xa: {  	p1 =	slt.u32 s9, $0x2;
	s11 =	sadd.s32 $0x100, s10  }
0xb: {  	s13 =	smov.u32 s6;
	s9 =	sadd.s32 $0x1, s9;
	p2 =	slt.s32 s11, s8  }
0xc: {  	s13 =	smov.u32 @p2 s11;
	p2 =	sne.s32 s9, $0x4  }
.Ltmp1:
0xd: {  	_ = 	snop;
	(pc) =	sbr.rel @!p2 .LBB2_8-.Ltmp1, $4  }
0xe: {  	s12 =	simm.s32 @!p1 $0x3  }
0xf: {  	_ =	swait.ge @!p1 [sflag:s12], $0x8000  }
0x10: {  	p0 =	por !p0, !p0;
	[sflag:s12] =	ssyncset.done @!p1 $0x0  }
0x11: {  	s11 =	smov.u32 s10;
	s10 =	smov.u32 s13;
	[sflag:s12] =	ssyncadd.s32 @!p1 $0xFFFF8000  }
.LBB2_1:
0x12: {  	p1 =	sgt.u32 s9, $0x1  }
0x13: {  	s12 =	sshll.u32 @!p1 s9, $0x8;
	s13 =	sshrl.u32 @!p1 s10, $0x3  }
0x14: {  	s14 =	sand.u32 @!p1 $0x7, s10;
	s12 =	sxor.u32 @!p1 $0x100, s12;
	s13 =	sadd.s32 @!p1 s3, s13  }
0x15: {  	[tilespmem:s12], [sflag:$0x2] =	stream.linear.gather @!p1 [hbm4b:s13+s14], $0x100, $0x38;
	[tilespmem:$0x10200] =	vst v63  }
0x16: {  	p1 =	seq.s32 s9, $0x0  }
0x17: {  	p2 =	seq.s32 @!p1 s9, $0x3  }
0x18: {  	p1 =	por p1, p2  }
.Ltmp2:
0x19: {  	_ = 	snop;
	(pc) =	sbr.rel @p1 .LBB2_7-.Ltmp2, $1  }
0x1a: {  	_ =	sdelay $0x3  }
0x1b: {  	s12 =	simm.s32 $0x1  }
0x1c: {  	_ =	swait.ge [sflag:s5], $0x100;
	s12 =	simm.s32 @!p0 $0x0  }
0x1d: {  	[sflag:s5] =	ssyncset.done $0x0;
	s14 =	sshll.u32 s12, $0x8  }
0x1e: {  	[sflag:s5] =	ssyncadd.s32 $0xFFFFFF00;
	s13 =	sadd.s32 $0x0, s14  }
0x1f: {  	v0 =	vld.msk [tilespmem:s13+$0x0 ss:$0x1], $0xffff;
	_ =	sdelay $0x4  }
0x20: {  	vm2 =	vgt.s32 v0, $0x0  }
0x21: {  	v0 =	vnsel vm2, $0x0, v0  }
0x22: {  	v0 =	vmin.u32 v0, $0x3FFF  }
0x23: {  	v0 =	vshll.u32 v0, $0x4;
	_ =	sdelay $0x2  }
0x24: {  	s12 =	sshll.u32 s12, $0xF  }
0x25: {  	s12 =	sor.u32 $0x200, s12  }
0x26: {  	[tilespmem:s12], [sflag:$0x1] =	stream.indirect_vreg.gather [hbm:s2], $0x80, v0, vm0, $0x38;
	[tilespmem:$0x10200] =	vst v63  }
0x27: {  	s15 =	sadd.s32 $0x10, s14;
	s13 =	sadd.s32 $0x400, s12  }
0x28: {  	[tilespmem:s13], [sflag:$0x1] =	stream.indirect_vreg.gather [hbm:s2], $0x80, v0, vm1, $0x38;
	[tilespmem:$0x10200] =	vst v63  }
0x29: {  	s16 =	simm.s32 $0x80;
	v0 =	vld.msk [tilespmem:s15+$0x0 ss:$0x1], $0xffff;
	s15 =	smov.u32 s12  }
.LBB2_3:
0x2a: {  	p1 =	sne.s32 s16, $0x3C0;
	_ =	sdelay $0x4  }
0x2b: {  	vm2 =	vgt.s32 v0, $0x0  }
0x2c: {  	v0 =	vnsel vm2, $0x0, v0  }
0x2d: {  	v0 =	vmin.u32 v0, $0x3FFF  }
0x2e: {  	v0 =	vshll.u32 v0, $0x4;
	_ =	sdelay $0x3  }
.Ltmp3:
0x2f: {  	s17 =	sshra.s32 s16, $0x2;
	s15 =	sadd.s32 $0x800, s15;
	(pc) =	sbr.rel @p1 .LBB2_3-.Ltmp3, $4  }
0x30: {  	[tilespmem:s15], [sflag:$0x1] =	stream.indirect_vreg.gather [hbm:s2], $0x80, v0, vm0, $0x38;
	[tilespmem:$0x10200] =	vst v63  }
0x31: {  	s17 =	sadd.s32 s17, s14;
	s18 =	sadd.s32 $0x400, s15  }
0x32: {  	[tilespmem:s18], [sflag:$0x1] =	stream.indirect_vreg.gather [hbm:s2], $0x80, v0, vm1, $0x38;
	[tilespmem:$0x10200] =	vst v63  }
0x33: {  	s16 =	sadd.s32 $0x40, s16;
	v0 =	vld.msk [tilespmem:s17+$0x0 ss:$0x1], $0xffff  }
0x34: {  	_ =	sdelay $0x3  }
0x35: {  	vm2 =	vgt.s32 v0, $0x0  }
0x36: {  	v0 =	vnsel vm2, $0x0, v0  }
0x37: {  	v0 =	vmin.u32 v0, $0x3FFF  }
0x38: {  	v0 =	vshll.u32 v0, $0x4;
	_ =	sdelay $0x3  }
0x39: {  	s14 =	sadd.s32 $0x800, s15  }
0x3a: {  	[tilespmem:s14], [sflag:$0x1] =	stream.indirect_vreg.gather [hbm:s2], $0x80, v0, vm0, $0x38;
	[tilespmem:$0x10200] =	vst v63  }
0x3b: {  	s14 =	sadd.s32 $0x400, s14  }
0x3c: {  	[tilespmem:s14], [sflag:$0x1] =	stream.indirect_vreg.gather [hbm:s2], $0x80, v0, vm1, $0x38;
	[tilespmem:$0x10200] =	vst v63  }
0x3d: {  	s11 =	sshll.u32 s11, $0x4;
	_ =	swait.ge [sflag:s4], $0x8000  }
0x3e: {  	s11 =	sadd.s32 s11, s7;
	[sflag:s4] =	ssyncset.done $0x0  }
0x3f: {  	s15 =	sadd.s32 $0x0, s11;
	s14 =	simm.s32 $0x80;
	[sflag:s4] =	ssyncadd.s32 $0xFFFF8000  }
.LBB2_5:
0x40: {  	[hbm:s15] =	stream.linear.scatter [tilespmem:s12], [sflag:$0x3], $0x400, $0x38;
	[tilespmem:$0x10200] =	vst v63  }
0x41: {  	s15 =	smov.u32 s14;
	s12 =	smov.u32 s13;
	p1 =	sne.s32 s14, $0xF80  }
.Ltmp4:
0x42: {  	s14 =	sadd.s32 $0x80, s14;
	(pc) =	sbr.rel @p1 .LBB2_5-.Ltmp4, $2  }
0x43: {  	_ =	sdelay $0x2  }
0x44: {  	s13 =	sadd.s32 $0x400, s13;
	s15 =	sadd.s32 s15, s11  }
.Ltmp5:
0x45: {  	(pc) =	sbr.rel .LBB2_7-.Ltmp5, $2  }
0x46: {  	_ =	sdelay $0x2  }
0x47: {  	[hbm:s15] =	stream.linear.scatter [tilespmem:s12], [sflag:$0x3], $0x400, $0x38;
	[tilespmem:$0x10200] =	vst v63  }
.LBB2_8:
0x48: {  	_ =	sfence.sel $0x180000  }
0x49: {  	s2 =	simm.s32 $0x2;
	[bflag:$0x0] =	sbarrier.arrive $0xFFFF  }
0x4a: {  	s30 =	simm.s32 $0x3;
	[sflag:s2] =	ssyncpa.u1 $0x1  }
0x4b: {  	s31 =	simm.s32 $0x1;
	[sflag:s30] =	ssyncpa.u1 $0x1  }
0x4c: {  	[sflag:s31] =	ssyncpa.u1 $0x1  }
0x4d: {  	p0 =	sne.s32 s1, $0x0;
	_ =	strace $0x9000004A  }
0x4e: {  	s0 =	sadd.s32 @!p0 $0x100000, s0;
	[bflag:$0x2] =	sbarrier.arrive $0xFFFF  }
0x4f: {  	[sflag:s0] =	ssyncadd.tile.s32 @!p0 $0x1;
	_ =	shalt  }
.Lfunc_end2:
_tile_overlayer_lowered:
.L_overlay_start_2:
0x50: {  	(tag) =	ssettag $0x2  }
0x51: {  	s0 =	rddreg [dreg:$0x0];
	s2 =	stileid.u32  }
0x52: {  	s1 =	rddreg [dreg:$0x1];
	p0 =	sne.s32 s2, $0x0  }
0x53: {  	s3 =	rddreg [dreg:$0x2];
	[bflag:$0x3] =	sbarrier.arrive $0xFFFF;
	s2 =	simm.s32 @!p0 $0x1C01  }
0x54: {  	[timem:s3], [sflag:s2] =	dma.local @!p0 [hbm:s0], s1  }
0x55: {  	s0 =	simm.s32 @!p0 $0x1  }
0x56: {  	_ =	swait.ge @!p0 [sflag:s0], s1  }
0x57: {  	s1 =	ssub.s32 @!p0 $0x0, s1;
	[sflag:s0] =	ssyncset.done @!p0 $0x0  }
0x58: {  	[sflag:s0] =	ssyncadd.s32 @!p0 s1  }
0x59: {  	[bflag:$0x3] =	sbarrier.arrive $0xFFFF  }
0x5a: {  	_ =	shalt  }

// kernel: kernel.3.cloned.1.call-start
scs
__scs_entry_jumppad:
0x0: {  	(pc) =	sbr.rel $0x88, $3  }
0x1: {  	(tag) =	ssettag $0x0;
	lr =	simm.s32 $0x1  }
0x2: {  	[smem:$0x3F9F] =	sst lr;
	_ =	strace $0xD0000000  }
0x3: {  	_ = 	snop  }
0x4: {  	_ = 	snop  }
0x5: {  	_ = 	snop  }
0x6: {  	_ = 	snop  }
0x7: {  	_ = 	snop  }
__scs_overlays_trampoline_lowered:
0x8: {  	[smem:$0x3FAE] =	sst s0  }
0x9: {  	[smem:$0x3FAF] =	sst s1  }
0xa: {  	[smem:$0x3FB0] =	sst s2  }
0xb: {  	[smem:$0x3FB1] =	sst s3  }
0xc: {  	[smem:$0x3FB2] =	sst s4  }
0xd: {  	[smem:$0x3FB3] =	sst s5  }
0xe: {  	[smem:$0x3FB4] =	sst s6  }
0xf: {  	[smem:$0x3FB5] =	sst s7  }
0x10: {  	[smem:$0x3FB6] =	sst s8  }
0x11: {  	[smem:$0x3FB7] =	sst s9;
	s0 =	simm.s32 @!p0 $0x0  }
0x12: {  	s1 =	sld [smem:$0x3F9D];
	s0 =	simm.s32 @p0 $0x1  }
0x13: {  	[smem:$0x3FB8] =	sst s0;
	s0 =	simm.s32 @!p1 $0x0  }
0x14: {  	s2 =	sld [smem:$0x3F9C];
	s0 =	simm.s32 @p1 $0x1  }
0x15: {  	[smem:$0x3FB9] =	sst s0;
	s0 =	simm.s32 @!p2 $0x0  }
0x16: {  	s3 =	sld [smem:$0x3FDB];
	s0 =	simm.s32 @p2 $0x1  }
0x17: {  	s4 =	simm.s32 $0x1BF5;
	[smem:$0x3FBB] =	sst s0  }
0x18: {  	s0 =	sld [smem:$0x3F9E];
	_ =	swait.ge [sflag:s4], $0x0  }
0x19: {  	s7 =	sld [smem:$0x3F9F]  }
0x1a: {  	s8 =	sadd.s32 $0xFFFFE003, lr  }
0x1b: {  	s9 =	sadd.s32 $0xFFFFFEF7, lr;
	s5 =	simm.s32 $0xFFFFFFFF;
	p2 =	slt.u32 s8, $0xFFFFF086  }
0x1c: {  	p1 =	slt.u32 s9, $0xF7A;
	s5 =	simm.s32 @!p2 $0x0  }
0x1d: {  	s5 =	simm.s32 @p1 $0x1;
	p0 =	seq.s32 s7, s2  }
0x1e: {  	s7 =	smul.u32 @!p0 $0xF7A, s2;
	p2 =	seq.s32 @!p0 s5, $0x0  }
0x1f: {  	s9 =	smul.u32 $0xF7A, s1;
	s8 =	simm.s32 @!p0 $0x1BF5;
	p2 =	por !p2, p0  }
0x20: {  	[sflag:s8] =	ssyncset.s32 @!p0 $0xFFFFF086;
	s6 =	sadd.s32 @!p0 s3, s7;
	s7 =	simm.s32 @!p0 $0x108  }
0x21: {  	s3 =	sadd.s32 s3, s9;
	s6 =	sadd.s32 @!p0 $0x88, s6;
	s7 =	simm.s32 @p2 $0x1082  }
0x22: {  	[simem:s7], [sflag:s8] =	dma.local @!p0 [hbm:s6], $0xF7A  }
0x23: {  	s9 =	sor.u32 $0xD0000000, s2;
	s6 =	simm.s32 $0x108;
	_ =	swait.ge @!p0 [sflag:s8], $0x0  }
0x24: {  	s3 =	sadd.s32 $0x88, s3;
	s6 =	simm.s32 @!p1 $0x1082;
	[sflag:s4] =	ssyncset.s32 $0xFFFFF086  }
0x25: {  	[simem:s6], [sflag:s4] =	dma.local [hbm:s3], $0xF7A  }
0x26: {  	[smem:$0x3F9F] =	sst s1;
	(tag) =	ssettag s2;
	_ =	strace s9  }
0x27: {  	s1 =	sld [smem:$0x3FAF]  }
0x28: {  	s2 =	sld [smem:$0x3FB0]  }
0x29: {  	s4 =	sld [smem:$0x3FB2]  }
0x2a: {  	p0 =	seq.s32 s5, $0x0;
	s5 =	sld [smem:$0x3FB3]  }
0x2b: {  	s6 =	sld [smem:$0x3FB4]  }
0x2c: {  	s7 =	sld [smem:$0x3FB5]  }
0x2d: {  	s3 =	simm.s32 $0x108;
	s8 =	sld [smem:$0x3FB6]  }
0x2e: {  	s3 =	simm.s32 @!p0 $0x1082;
	s9 =	sld [smem:$0x3FB7]  }
0x2f: {  	lr =	sadd.s32 s0, s3;
	s0 =	sld [smem:$0x3FAE]  }
0x30: {  	s3 =	sld [smem:$0x3FB1]  }
0x31: {  	[smem:$0x3FBA] =	sst s10  }
0x32: {  	s10 =	sld [smem:$0x3FB8];
	_ =	sdelay $0x3  }
0x33: {  	p0 =	seq.s32 s10, $0x1;
	s10 =	sld [smem:$0x3FBA];
	_ =	sdelay $0x3  }
0x34: {  	[smem:$0x3FBA] =	sst s10  }
0x35: {  	s10 =	sld [smem:$0x3FB9];
	_ =	sdelay $0x3  }
0x36: {  	p1 =	seq.s32 s10, $0x1;
	s10 =	sld [smem:$0x3FBA];
	_ =	sdelay $0x3  }
0x37: {  	[smem:$0x3FBA] =	sst s10  }
0x38: {  	s10 =	sld [smem:$0x3FBB]  }
0x39: {  	_ = 	snop;
	(pc) =	sbr.ind lr, $3  }
0x3a: {  	_ = 	snop  }
0x3b: {  	_ = 	snop  }
0x3c: {  	p2 =	seq.s32 s10, $0x1;
	s10 =	sld [smem:$0x3FBA]  }
0x3d: {  	_ =	shalt  }
0x3e: {  	_ =	shalt  }
0x3f: {  	_ =	shalt  }
0x40: {  	_ =	shalt  }
0x41: {  	_ =	shalt  }
0x42: {  	_ =	shalt  }
0x43: {  	_ =	shalt  }
0x44: {  	_ =	shalt  }
0x45: {  	_ =	shalt  }
0x46: {  	_ =	shalt  }
0x47: {  	_ =	shalt  }
0x48: {  	_ =	shalt  }
0x49: {  	_ =	shalt  }
0x4a: {  	_ =	shalt  }
0x4b: {  	_ =	shalt  }
0x4c: {  	_ =	shalt  }
0x4d: {  	_ =	shalt  }
0x4e: {  	_ =	shalt  }
0x4f: {  	_ =	shalt  }
0x50: {  	_ =	shalt  }
0x51: {  	_ =	shalt  }
0x52: {  	_ =	shalt  }
0x53: {  	_ =	shalt  }
0x54: {  	_ =	shalt  }
0x55: {  	_ =	shalt  }
0x56: {  	_ =	shalt  }
0x57: {  	_ =	shalt  }
0x58: {  	_ =	shalt  }
0x59: {  	_ =	shalt  }
0x5a: {  	_ =	shalt  }
0x5b: {  	_ =	shalt  }
0x5c: {  	_ =	shalt  }
0x5d: {  	_ =	shalt  }
0x5e: {  	_ =	shalt  }
0x5f: {  	_ =	shalt  }
0x60: {  	_ =	shalt  }
0x61: {  	_ =	shalt  }
0x62: {  	_ =	shalt  }
0x63: {  	_ =	shalt  }
0x64: {  	_ =	shalt  }
0x65: {  	_ =	shalt  }
0x66: {  	_ =	shalt  }
0x67: {  	_ =	shalt  }
0x68: {  	_ =	shalt  }
0x69: {  	_ =	shalt  }
0x6a: {  	_ =	shalt  }
0x6b: {  	_ =	shalt  }
0x6c: {  	_ =	shalt  }
0x6d: {  	_ =	shalt  }
0x6e: {  	_ =	shalt  }
0x6f: {  	_ =	shalt  }
0x70: {  	_ =	shalt  }
0x71: {  	_ =	shalt  }
0x72: {  	_ =	shalt  }
0x73: {  	_ =	shalt  }
0x74: {  	_ =	shalt  }
0x75: {  	_ =	shalt  }
0x76: {  	_ =	shalt  }
0x77: {  	_ =	shalt  }
0x78: {  	_ =	shalt  }
0x79: {  	_ =	shalt  }
0x7a: {  	_ =	shalt  }
0x7b: {  	_ =	shalt  }
0x7c: {  	_ =	shalt  }
0x7d: {  	_ =	shalt  }
0x7e: {  	_ =	shalt  }
0x7f: {  	_ =	shalt  }
0x80: {  	_ =	shalt  }
0x81: {  	_ =	shalt  }
0x82: {  	_ =	shalt  }
0x83: {  	_ =	shalt  }
0x84: {  	_ =	shalt  }
0x85: {  	_ =	shalt  }
0x86: {  	_ =	shalt  }
0x87: {  	_ =	shalt  }
.Lfunc_end0:
.L_simem_size_0:
called_computation.1_lowered:
.L_overlay_start_0:
0x88: {  	s2 =	sld [smem:$0x3FD9]  }
0x89: {  	s3 =	sld [smem:$0x3FFE];
	_ =	sdelay $0x1  }
0x8a: {  	s1 =	srdreg.scid  }
0x8b: {  	s0 =	sand.u32 $0x1, s1  }
0x8c: {  	s17 =	sshll.u32 s0, $0xA;
	s2 =	sadd.s32 s3, s2  }
0x8d: {  	s2 =	sadd.s32 s2, s17  }
0x8e: {  	[smem:$0x3FC6] =	sst s2  }
0x8f: {  	_ = 	snop  }
0x90: {  	s2 =	sld [smem:$0x3FC8]  }
0x91: {  	s18 =	sld [smem:$0x3FD0];
	(tm) =	ssettm $0x1  }
0x92: {  	s4 =	sld [smem:$0x3FFB];
	_ =	sdelay $0x3  }
0x93: {  	_ =	strace s4  }
0x94: {  	s4 =	sld [smem:$0x3FFC];
	_ =	sdelay $0x3  }
0x95: {  	_ =	strace s4  }
0x96: {  	s4 =	sld [smem:$0x3FFD];
	_ =	sdelay $0x3  }
0x97: {  	_ =	strace s4  }
0x98: {  	_ =	strace $0x8FFFFFFF  }
0x99: {  	s19 =	sld [smem:$0x3FDB];
	_ =	sdelay $0x1  }
0x9a: {  	s5 =	simm.s32 $_scs_section_size  }
0x9b: {  	s6 =	simm.s32 $_size__tile_overlayer_lowered;
	s7 =	simm.s32 $_tile_overlayer_lowered  }
0x9c: {  	s22 =	simm.s32 $0x1BFF;
	s21 =	sshll.u32 s7, $0x1;
	s4 =	sadd.s32 s5, s19  }
0x9d: {  	s8 =	simm.s32 $0x0;
	s20 =	sshll.u32 s6, $0x1;
	s6 =	sadd.s32 s21, s4  }
0x9e: {  	[timem:s8], [sflag:s22] =	dma.local [hbm:s6], s20  }
0x9f: {  	_ =	swait.ge [sflag:s22], s20  }
0xa0: {  	s5 =	ssub.s32 $0x0, s20;
	[sflag:s22] =	ssyncset.done $0x0  }
0xa1: {  	[sflag:s22] =	ssyncadd.s32 s5;
	_ =	sdelay $0x1  }
0xa2: {  	s23 =	simm.s32 $0x1B8B  }
0xa3: {  	_ =	swait.ge [sflag:s23], $0x1  }
0xa4: {  	[sflag:s23] =	ssyncset.done $0x0  }
0xa5: {  	s25 =	simm.s32 $0x1B8E;
	s24 =	sld [smem:$0x3FFE];
	[sflag:s23] =	ssyncadd.s32 $0xFFFFFFFF  }
0xa6: {  	s26 =	simm.s32 $execute0_lowered;
	[smem:$0x3FD2] =	sst s25  }
0xa7: {  	s6 =	sshll.u32 s26, $0x1;
	_ =	strace $0x80000046;
	[dreg:$0x1] =	wrdreg $0xFFFFFFFF  }
0xa8: {  	s28 =	simm.s32 $_size_execute0_lowered;
	s4 =	sadd.s32 s4, s6;
	[dreg:$0x0] =	wrdreg $0x0  }
0xa9: {  	s6 =	sshll.u32 s28, $0x1;
	[dreg:$0x2] =	wrdreg s4  }
0xaa: {  	[dreg:$0x3] =	wrdreg s6  }
0xab: {  	[dreg:$0x4] =	wrdreg $0xC0  }
0xac: {  	_ =	task [dreg:s8], $0x5FFFF  }
0xad: {  	[dreg:$0x1] =	wrdreg $0xFFFFFFFF  }
0xae: {  	[dreg:$0x0] =	wrdreg $0x60  }
0xaf: {  	[dreg:$0x2] =	wrdreg s2  }
0xb0: {  	[dreg:$0x3] =	wrdreg s24  }
0xb1: {  	[dreg:$0x4] =	wrdreg s18  }
0xb2: {  	[dreg:$0x5] =	wrdreg $0x9  }
0xb3: {  	_ =	task.clear_ibuf [dreg:s8], $0x6FFFF;
	_ =	strace $0x90000046  }
0xb4: {  	s29 =	simm.s32 $0x9;
	_ =	strace $0x80000048  }
0xb5: {  	_ =	swait.ge [sflag:s29], $0x1  }
0xb6: {  	[sflag:s29] =	ssyncadd.s32 $0xFFFFFFFF  }
0xb7: {  	_ =	strace $0x90000048  }
0xb8: {  	_ =	sfence  }
0xb9: {  	s30 =	sld [smem:$0x0];
	_ =	sdelay $0x2  }
0xba: {  	s31 =	sshll.u32 s1, $0xD;
	s1 =	sshrl.u32 s1, $0x2  }
0xbb: {  	s3 =	sand.u32 $0x4000, s31;
	s1 =	sadd.s32 s1, s30  }
0xbc: {  	s0 =	sor.u32 s3, s0;
	s1 =	sshll.u32 s1, $0x11  }
0xbd: {  	s0 =	sor.u32 s1, s0  }
0xbe: {  	s0 =	sadd.s32 $0x8F2B, s0  }
0xbf: {  	[sflag:s0] =	ssyncadd.remote.s32 $0x1  }
0xc0: {  	_ =	sfence.sel $0xFFFF  }
0xc1: {  	[dreg:$0x0] =	wrdreg $0xFFFFFFFF;
	(pc) =	sbr.abs _section_cstart, $3  }
0xc2: {  	[dreg:$0x1] =	wrdreg $0xFFFFFFFF  }
0xc3: {  	_ =	task.clear_ibuf [dreg:s8], $0x2FFFF;
	_ =	strace $0x9FFFFFFF  }
0xc4: {  	(tm) =	ssettm $0x7FFFFFFF  }
0xc5: {  	_ =	shalt  }
tec
execute0_lowered:
.L_overlay_start_1:
0x0: {  	(tag) =	ssettag $0x1  }
0x1: {  	s1 =	rddreg [dreg:$0x0]  }
0x2: {  	s3 =	rddreg [dreg:$0x1]  }
0x3: {  	s5 =	rddreg [dreg:$0x2];
	s4 =	srdreg.scid  }
0x4: {  	s0 =	rddreg [dreg:$0x3];
	s2 =	stileid.u32;
	s10 =	simm.s32 $0x200  }
0x5: {  	s11 =	simm.s32 $0x8200;
	s12 =	simm.s32 $0x0;
	s6 =	sand.u32 $0x1, s4  }
0x6: {  	s4 =	simm.s32 $0x0;
	s7 =	sshll.u32 s2, $0xA;
	s8 =	sshll.u32 s6, $0x9  }
.Ltmp0:
0x7: {  	[smem:$0x7FF] =	sst s4;
	s6 =	ssub.s32 $0x2, s6;
	(pc) =	sbr.rel .LBB2_1-.Ltmp0, $4  }
0x8: {  	v0 =	vlaneseq.u32;
	s7 =	sor.u32 s8, s7;
	_ =	strace $0x80000047;
	s9 =	sshrl.u32 s6, $0x1  }
0x9: {  	v0 =	vmul.u32 $0x80, v0;
	s8 =	sshll.u32 s7, $0x4;
	s7 =	sshrl.u32 s7, $0x3;
	s9 =	ssub.s32 s6, s9  }
0xa: {  	s8 =	sadd.s32 s8, s3;
	s5 =	sadd.s32 s5, s7;
	s7 =	smax.u32 s9, $0x1  }
0xb: {  	v1 =	vor.u32 $0x800, v0;
	v2 =	vor.u32 $0x1000, v0;
	v3 =	vor.u32 $0x1800, v0;
	s9 =	simm.s32 $0x6200;
	s6 =	sadd.s32 $0x1400, s8;
	s8 =	simm.s32 $0x4  }
.LBB2_145:
0xc: {  	s13 =	simm.s32 $0x3  }
.LBB2_146:
0xd: {  	_ =	swait.ge [sflag:s13], $0x2000  }
0xe: {  	[sflag:s13] =	ssyncset.done $0x0  }
0xf: {  	[sflag:s13] =	ssyncadd.s32 $0xFFFFE000  }
.LBB2_147:
0x10: {  	s12 =	sadd.s32 $0x1, s12  }
0x11: {  	p0 =	sne.s32 s12, s7  }
.Ltmp1:
0x12: {  	_ = 	snop;
	(pc) =	sbr.rel @!p0 .LBB2_148-.Ltmp1, $4  }
0x13: {  	[hbm4b:s6+s4] =	stream.linear.scatter [tilespmem:s11], [sflag:$0x4], $0x10000, $0x38;
	[tilespmem:$0x18200] =	vst v63  }
0x14: {  	_ =	swait.ge [sflag:s8], $0x10000  }
0x15: {  	[sflag:s8] =	ssyncset.done $0x0  }
0x16: {  	[sflag:s8] =	ssyncadd.s32 $0xFFFF0000  }
.LBB2_1:
0x17: {  	[tilespmem:s4], [sflag:$0x4] =	stream.linear.gather [hbm4b:s5+s4], $0x200, $0x38;
	[tilespmem:$0x18200] =	vst v63  }
0x18: {  	_ =	swait.ge [sflag:s8], $0x200  }
0x19: {  	[sflag:s8] =	ssyncset.done $0x0  }
0x1a: {  	[sflag:s8] =	ssyncadd.s32 $0xFFFFFE00  }
0x1b: {  	[tilespmem:s9], [sflag:$0x4] =	stream.linear.gather [hbm4b:s3+s4], $0x2000, $0x38;
	[tilespmem:$0x18200] =	vst v63  }
0x1c: {  	_ =	swait.ge [sflag:s8], $0x2000  }
0x1d: {  	[sflag:s8] =	ssyncset.done $0x0  }
0x1e: {  	s13 =	sand.u32 $0x1F0, s4;
	[sflag:s8] =	ssyncadd.s32 $0xFFFFE000  }
0x1f: {  	v4 =	vld [tilespmem:s13+$0x0];
	_ =	sdelay $0x4  }
0x20: {  	v4 =	vshra.s32 v4, $0x7  }
0x21: {  	(v2sf) =	vpush v4, $0xA  }
0x22: {  	(v2sf) =	vpush v4, $0x7  }
0x23: {  	(v2sf) =	vpush v4, $0x5  }
0x24: {  	(v2sf) =	vpush v4, $0x4;
	_ =	sdelay $0x1  }
0x25: {  	(v2sf) =	vpush v4, $0x2  }
0x26: {  	(v2sf) =	vpush v4, $0x1;
	_ =	sdelay $0x1  }
0x27: {  	(v2sf) =	vpush v4, $0x0  }
0x28: {  	(v2sf) =	vpush v4, $0x3;
	_ =	sdelay $0x3  }
0x29: {  	(v2sf) =	vpush v4, $0x6;
	_ =	sdelay $0x1  }
0x2a: {  	s13 =	spop (v2sf)  }
0x2b: {  	s16 =	spop (v2sf)  }
0x2c: {  	s14 =	simm.s32 $0x10;
	s17 =	spop (v2sf)  }
0x2d: {  	s15 =	simm.s32 $0x20;
	s22 =	simm.s32 $0x1;
	(v2sf) =	vpush v4, $0x9;
	s18 =	spop (v2sf)  }
0x2e: {  	s30 =	simm.s32 $0x1;
	s26 =	simm.s32 $0x1;
	p0 =	sne.s32 s17, s18  }
0x2f: {  	s23 =	simm.s32 $0x1;
	s21 =	spop (v2sf);
	s19 =	simm.s32 @!p0 $0x0  }
0x30: {  	s14 =	sand.u32 $0x1F0, s14;
	s24 =	spop (v2sf);
	s19 =	simm.s32 @p0 $0x1  }
0x31: {  	(v2sf) =	vpush v4, $0x8;
	p0 =	seq.s32 s17, s18;
	p6 =	seq.s32 s21, s24;
	p2 =	sne.s32 s21, s24  }
0x32: {  	(v2sf) =	vpush v4, $0xF;
	s20 =	spop (v2sf);
	[smem:$0x7FA] =	sst s19;
	s19 =	simm.s32 @!p0 $0x0  }
0x33: {  	p1 =	sne.s32 s24, s20;
	s29 =	spop (v2sf);
	s30 =	simm.s32 @!p2 $0x0  }
0x34: {  	s19 =	simm.s32 @p0 $0x1;
	p0 =	sne.s32 s20, $0xFFFFFFFF;
	s22 =	simm.s32 @!p1 $0x0  }
0x35: {  	p1 =	seq.s32 s24, s20;
	[smem:$0x7FB] =	sst s19;
	s19 =	simm.s32 $0x1  }
0x36: {  	p2 =	sne.s32 s18, s29;
	p3 =	seq.s32 s29, s21;
	s19 =	simm.s32 @!p0 $0x0  }
0x37: {  	s26 =	simm.s32 @!p2 $0x0;
	s25 =	sadd.s32 $0xFFFFFFFF, s19;
	s19 =	spop (v2sf)  }
0x38: {  	s28 =	sadd.s32 s22, s25;
	p2 =	sne.s32 s19, s17;
	s22 =	simm.s32 $0x1  }
0x39: {  	p4 =	seq.s32 s18, s29;
	s22 =	simm.s32 @!p2 $0x0;
	p2 =	seq.s32 s20, $0xFFFFFFFF  }
0x3a: {  	(v2sf) =	vpush v4, $0xE;
	p5 =	sne.s32 s16, s19;
	[smem:s25] =	sst @!p2 s20;
	p2 =	seq.s32 s19, s17  }
0x3b: {  	v5 =	vld [tilespmem:s14+$0x0];
	p0 =	sne.s32 s29, s21;
	s23 =	simm.s32 @!p5 $0x0;
	s14 =	simm.s32 @!p2 $0x0  }
0x3c: {  	(v2sf) =	vpush v4, $0xD;
	s20 =	spop (v2sf);
	[smem:s28] =	sst @!p1 s24;
	s24 =	simm.s32 $0x1  }
0x3d: {  	s14 =	simm.s32 @p2 $0x1;
	s24 =	simm.s32 @!p0 $0x0;
	p0 =	seq.s32 s13, s20  }
0x3e: {  	(v2sf) =	vpush v4, $0xC;
	[smem:$0x7FC] =	sst s14;
	s14 =	sadd.s32 s30, s28;
	s25 =	simm.s32 @!p0 $0x0  }
0x3f: {  	(v2sf) =	vpush v4, $0xB;
	p5 =	seq.s32 s16, s19;
	s25 =	simm.s32 @p0 $0x1;
	[smem:s14] =	sst @!p6 s21  }
0x40: {  	v4 =	vshra.s32 v5, $0x7;
	s28 =	sadd.s32 s24, s14;
	[smem:$0x7FD] =	sst s25;
	s25 =	spop (v2sf)  }
0x41: {  	(v2sf) =	vpush v4, $0xA;
	[smem:s28] =	sst @!p3 s29;
	p3 =	seq.s32 s20, s25;
	s14 =	spop (v2sf)  }
.LBB2_2:
0x42: {  	s29 =	simm.s32 $0x1;
	s21 =	sld [smem:$0x7FA];
	s26 =	sadd.s32 s26, s28  }
0x43: {  	p1 =	sne.s32 s25, s16;
	p2 =	sne.s32 s20, s25;
	s28 =	simm.s32 $0x1  }
0x44: {  	s30 =	simm.s32 $0x1;
	s31 =	sld [smem:$0x7FB];
	s28 =	simm.s32 @!p1 $0x0  }
0x45: {  	s30 =	simm.s32 @!p2 $0x0;
	p1 =	sne.s32 s13, s20;
	p0 =	seq.s32 s21, $0x1  }
0x46: {  	[smem:s26] =	sst @!p4 s18;
	s21 =	smov.u32 s15;
	s29 =	simm.s32 @!p0 $0x0  }
0x47: {  	s15 =	sadd.s32 $0x10, s15;
	s18 =	sadd.s32 s29, s26;
	s26 =	simm.s32 $0x1  }
0x48: {  	(v2sf) =	vpush v4, $0x7;
	s26 =	simm.s32 @!p1 $0x0;
	p1 =	seq.s32 s31, $0x1;
	s31 =	sld [smem:$0x7FC]  }
0x49: {  	p0 =	seq.s32 s25, s16;
	s24 =	spop (v2sf);
	(v2sf) =	vpush v4, $0x5;
	s29 =	sld [smem:$0x7FD]  }
0x4a: {  	s21 =	sand.u32 $0x1F0, s21;
	(v2sf) =	vpush v4, $0x4;
	[smem:s18] =	sst @!p1 s17;
	s17 =	sadd.s32 s22, s18  }
0x4b: {  	s18 =	spop (v2sf);
	s22 =	simm.s32 $0x1;
	p1 =	seq.s32 s31, $0x1  }
0x4c: {  	(v2sf) =	vpush v4, $0x2;
	p2 =	seq.s32 s29, $0x1;
	[smem:s17] =	sst @!p1 s19;
	s17 =	sadd.s32 s23, s17  }
0x4d: {  	(v2sf) =	vpush v4, $0x1;
	s19 =	spop (v2sf);
	[smem:s17] =	sst @!p5 s16;
	s16 =	sadd.s32 s28, s17  }
0x4e: {  	s17 =	spop (v2sf);
	[smem:s16] =	sst @!p0 s25;
	s16 =	sadd.s32 s30, s16  }
0x4f: {  	(v2sf) =	vpush v4, $0x0;
	p0 =	seq.s32 s24, s18;
	p1 =	seq.s32 s19, s17;
	p4 =	sne.s32 s17, s13  }
0x50: {  	[smem:s16] =	sst @!p3 s20;
	s16 =	sadd.s32 s26, s16;
	p3 =	seq.s32 s17, s13  }
0x51: {  	s20 =	simm.s32 $0x1;
	s26 =	simm.s32 $0x1;
	[smem:s16] =	sst @!p2 s13  }
0x52: {  	(v2sf) =	vpush v4, $0x3;
	p2 =	sne.s32 s19, s17;
	s13 =	simm.s32 $0x1;
	s20 =	simm.s32 @!p4 $0x0  }
0x53: {  	s13 =	simm.s32 @!p2 $0x0;
	p2 =	sne.s32 s18, s19;
	s16 =	sadd.s32 s20, s16  }
0x54: {  	s20 =	simm.s32 $0x1;
	s22 =	simm.s32 @!p2 $0x0;
	p2 =	sne.s32 s24, s18  }
0x55: {  	[smem:s16] =	sst @!p3 s17;
	s16 =	sadd.s32 s13, s16;
	p3 =	seq.s32 s18, s19  }
0x56: {  	(v2sf) =	vpush v4, $0x6;
	s13 =	spop (v2sf);
	s20 =	simm.s32 @!p2 $0x0;
	p2 =	sne.s32 s14, s24  }
0x57: {  	[smem:s16] =	sst @!p1 s19;
	s17 =	sadd.s32 s22, s16;
	s16 =	spop (v2sf)  }
0x58: {  	[smem:s17] =	sst @!p3 s18;
	s19 =	sadd.s32 s20, s17;
	s17 =	spop (v2sf)  }
0x59: {  	s20 =	simm.s32 $0x1;
	[smem:s19] =	sst @!p0 s24;
	s18 =	spop (v2sf)  }
0x5a: {  	p0 =	seq.s32 s14, s24;
	s20 =	simm.s32 @!p2 $0x0;
	p1 =	sne.s32 s17, s18  }
0x5b: {  	s19 =	sadd.s32 s20, s19;
	s24 =	spop (v2sf);
	s22 =	simm.s32 @!p1 $0x0  }
0x5c: {  	(v2sf) =	vpush v4, $0x9;
	[smem:s19] =	sst @!p0 s14;
	s25 =	spop (v2sf);
	s22 =	simm.s32 @p1 $0x1  }
0x5d: {  	p1 =	seq.s32 s17, s18;
	p0 =	seq.s32 s24, s25;
	p2 =	sne.s32 s24, s25  }
0x5e: {  	s23 =	spop (v2sf);
	[smem:$0x7FA] =	sst s22;
	s20 =	simm.s32 @!p1 $0x0  }
0x5f: {  	s22 =	simm.s32 $0x1;
	p6 =	seq.s32 s23, s14;
	s20 =	simm.s32 @p1 $0x1  }
0x60: {  	(v2sf) =	vpush v4, $0x8;
	p1 =	sne.s32 s25, s23;
	[smem:$0x7FB] =	sst s20;
	s20 =	simm.s32 @!p0 $0x0  }
0x61: {  	s29 =	spop (v2sf);
	s22 =	simm.s32 @!p1 $0x0;
	s20 =	simm.s32 @p0 $0x1  }
0x62: {  	p0 =	sne.s32 s23, s14;
	[smem:$0x7F8] =	sst s20;
	s20 =	simm.s32 $0x1  }
0x63: {  	(v2sf) =	vpush v4, $0xF;
	p5 =	sne.s32 s29, s24;
	p1 =	seq.s32 s25, s23;
	s20 =	simm.s32 @!p0 $0x0  }
0x64: {  	(v2sf) =	vpush v4, $0xE;
	p4 =	seq.s32 s18, s29;
	p0 =	seq.s32 s29, s24;
	s28 =	sadd.s32 s20, s19  }
0x65: {  	(v2sf) =	vpush v4, $0xD;
	s19 =	spop (v2sf);
	s20 =	simm.s32 @!p0 $0x0;
	s30 =	sadd.s32 s22, s28  }
0x66: {  	(v2sf) =	vpush v4, $0xC;
	s20 =	simm.s32 @p0 $0x1;
	p3 =	sne.s32 s16, s19;
	p0 =	seq.s32 s19, s17  }
0x67: {  	(v2sf) =	vpush v4, $0xB;
	v4 =	vld [tilespmem:s21+$0x0];
	s21 =	simm.s32 $0x1;
	s22 =	simm.s32 $0x1;
	[smem:s28] =	sst @!p6 s23  }
0x68: {  	s23 =	simm.s32 $0x1;
	[smem:$0x7F9] =	sst s20;
	s20 =	simm.s32 @!p0 $0x0  }
0x69: {  	s21 =	simm.s32 @!p2 $0x0;
	p2 =	sne.s32 s18, s29;
	s23 =	simm.s32 @!p3 $0x0  }
0x6a: {  	[smem:s30] =	sst @!p1 s25;
	s20 =	simm.s32 @p0 $0x1;
	p0 =	sne.s32 s19, s17  }
0x6b: {  	s21 =	sadd.s32 s21, s30;
	[smem:$0x7FC] =	sst s20;
	s20 =	spop (v2sf)  }
0x6c: {  	s26 =	simm.s32 @!p2 $0x0;
	s22 =	simm.s32 @!p0 $0x0;
	p0 =	seq.s32 s13, s20  }
0x6d: {  	p2 =	sne.s32 s15, $0x200;
	s30 =	sld [smem:$0x7F8];
	s14 =	simm.s32 @!p0 $0x0  }
.Ltmp2:
0x6e: {  	s31 =	sld [smem:$0x7F9];
	s14 =	simm.s32 @p0 $0x1;
	(pc) =	sbr.rel @p2 .LBB2_2-.Ltmp2, $4  }
0x6f: {  	s25 =	spop (v2sf);
	[smem:$0x7FD] =	sst s14;
	s14 =	simm.s32 $0x1  }
0x70: {  	p3 =	seq.s32 s20, s25;
	p0 =	seq.s32 s30, $0x1;
	s14 =	simm.s32 @!p5 $0x0  }
0x71: {  	v4 =	vshra.s32 v4, $0x7;
	[smem:s21] =	sst @!p0 s24;
	p0 =	seq.s32 s31, $0x1;
	s28 =	sadd.s32 s14, s21  }
0x72: {  	(v2sf) =	vpush v4, $0xA;
	p5 =	seq.s32 s16, s19;
	s14 =	spop (v2sf);
	[smem:s28] =	sst @!p0 s29  }
0x73: {  	s21 =	sld [smem:$0x7FA]  }
0x74: {  	s31 =	sld [smem:$0x7FD]  }
0x75: {  	s15 =	simm.s32 $0x1;
	s24 =	simm.s32 $0x1;
	s29 =	sld [smem:$0x7FB]  }
0x76: {  	s30 =	sld [smem:$0x7FC];
	p0 =	seq.s32 s21, $0x1;
	s21 =	sadd.s32 s26, s28  }
0x77: {  	p1 =	seq.s32 s31, $0x1;
	s26 =	simm.s32 $0x1;
	s28 =	simm.s32 $0x1  }
0x78: {  	s15 =	simm.s32 @!p0 $0x0;
	p0 =	sne.s32 s25, s16;
	[smem:s21] =	sst @!p4 s18  }
0x79: {  	(v2sf) =	vpush v4, $0x7;
	s18 =	simm.s32 $0x1;
	s24 =	simm.s32 @!p0 $0x0;
	p0 =	sne.s32 s20, s25  }
0x7a: {  	(v2sf) =	vpush v4, $0x5;
	s15 =	sadd.s32 s15, s21;
	s18 =	simm.s32 @!p0 $0x0;
	p0 =	seq.s32 s29, $0x1  }
0x7b: {  	(v2sf) =	vpush v4, $0x4;
	[smem:s15] =	sst @!p0 s17;
	p0 =	sne.s32 s13, s20;
	s17 =	simm.s32 $0x1  }
0x7c: {  	(v2sf) =	vpush v4, $0x2;
	s15 =	sadd.s32 s22, s15;
	s17 =	simm.s32 @!p0 $0x0;
	p0 =	seq.s32 s30, $0x1  }
0x7d: {  	[smem:s15] =	sst @!p0 s19;
	s15 =	sadd.s32 s23, s15;
	s19 =	spop (v2sf);
	(v2sf) =	vpush v4, $0x1  }
0x7e: {  	p0 =	seq.s32 s25, s16;
	[smem:s15] =	sst @!p5 s16;
	s16 =	spop (v2sf);
	(v2sf) =	vpush v4, $0x0  }
0x7f: {  	s22 =	simm.s32 $0x1;
	s15 =	sadd.s32 s24, s15;
	s21 =	spop (v2sf)  }
0x80: {  	[smem:s15] =	sst @!p0 s25;
	s15 =	sadd.s32 s18, s15;
	s18 =	spop (v2sf)  }
0x81: {  	(v2sf) =	vpush v4, $0x3;
	[smem:s15] =	sst @!p3 s20;
	s15 =	sadd.s32 s17, s15;
	s17 =	simm.s32 $0x1  }
0x82: {  	(v2sf) =	vpush v4, $0x6;
	s20 =	simm.s32 $0x1;
	p0 =	sne.s32 s21, s18;
	[smem:s15] =	sst @!p1 s13  }
0x83: {  	p1 =	sne.s32 s18, s13;
	s17 =	simm.s32 @!p0 $0x0;
	p0 =	sne.s32 s16, s21  }
0x84: {  	s20 =	simm.s32 @!p1 $0x0;
	p1 =	seq.s32 s18, s13;
	s22 =	simm.s32 @!p0 $0x0  }
0x85: {  	p0 =	sne.s32 s19, s16;
	s13 =	sadd.s32 s20, s15;
	s20 =	simm.s32 $0x1  }
0x86: {  	s20 =	simm.s32 @!p0 $0x0;
	p0 =	seq.s32 s21, s18;
	[smem:s13] =	sst @!p1 s18  }
0x87: {  	s15 =	sadd.s32 s17, s13;
	p1 =	seq.s32 s16, s21;
	s13 =	spop (v2sf)  }
0x88: {  	[smem:s15] =	sst @!p0 s21;
	s17 =	sadd.s32 s22, s15;
	s15 =	spop (v2sf)  }
0x89: {  	p0 =	seq.s32 s19, s16;
	[smem:s17] =	sst @!p1 s16;
	s16 =	spop (v2sf)  }
0x8a: {  	s23 =	simm.s32 $0x1;
	(v2sf) =	vpush v4, $0x9;
	s18 =	sadd.s32 s20, s17;
	s17 =	spop (v2sf)  }
0x8b: {  	(v2sf) =	vpush v4, $0x8;
	p1 =	sne.s32 s14, s19;
	s20 =	simm.s32 $0x1;
	s21 =	spop (v2sf)  }
0x8c: {  	[smem:s18] =	sst @!p0 s19;
	s20 =	simm.s32 @!p1 $0x0;
	s22 =	spop (v2sf)  }
0x8d: {  	p0 =	seq.s32 s14, s19;
	s18 =	sadd.s32 s20, s18;
	s19 =	spop (v2sf)  }
0x8e: {  	s20 =	simm.s32 $0x1;
	[smem:s18] =	sst @!p0 s14;
	p0 =	sne.s32 s19, s14  }
0x8f: {  	s25 =	simm.s32 $0x1;
	p1 =	sne.s32 s22, s19;
	s20 =	simm.s32 @!p0 $0x0  }
0x90: {  	s24 =	spop (v2sf);
	p0 =	sne.s32 s21, s22;
	s18 =	sadd.s32 s20, s18  }
0x91: {  	s20 =	spop (v2sf);
	s25 =	simm.s32 @!p0 $0x0;
	p0 =	sne.s32 s17, s24  }
0x92: {  	(v2sf) =	vpush v4, $0xF;
	s23 =	simm.s32 @!p1 $0x0;
	p1 =	sne.s32 s20, s16;
	s26 =	simm.s32 @!p0 $0x0  }
0x93: {  	p0 =	sne.s32 s16, s17;
	s28 =	simm.s32 @!p1 $0x0;
	p1 =	seq.s32 s19, s14  }
0x94: {  	(v2sf) =	vpush v4, $0xE;
	s14 =	simm.s32 $0x1;
	[smem:s18] =	sst @!p1 s19;
	p1 =	sne.s32 s15, s20  }
0x95: {  	(v2sf) =	vpush v4, $0xD;
	s18 =	sadd.s32 s23, s18;
	s14 =	simm.s32 @!p1 $0x0;
	p1 =	seq.s32 s22, s19  }
0x96: {  	(v2sf) =	vpush v4, $0xC;
	s19 =	simm.s32 $0x1;
	[smem:s18] =	sst @!p1 s22;
	p1 =	sne.s32 s24, s21  }
0x97: {  	(v2sf) =	vpush v4, $0xB;
	s18 =	sadd.s32 s25, s18;
	s19 =	simm.s32 @!p1 $0x0;
	p1 =	seq.s32 s21, s22  }
0x98: {  	s23 =	simm.s32 $0x1;
	[smem:s18] =	sst @!p1 s21;
	p1 =	seq.s32 s24, s21  }
0x99: {  	s18 =	sadd.s32 s19, s18;
	s19 =	spop (v2sf);
	s21 =	simm.s32 $0x1  }
0x9a: {  	[smem:s18] =	sst @!p1 s24;
	p1 =	seq.s32 s17, s24;
	s22 =	spop (v2sf)  }
0x9b: {  	s21 =	simm.s32 @!p0 $0x0;
	s18 =	sadd.s32 s26, s18;
	p0 =	sne.s32 s22, s15  }
0x9c: {  	[smem:s18] =	sst @!p1 s17;
	p1 =	sne.s32 s19, s22;
	s18 =	sadd.s32 s21, s18  }
0x9d: {  	s23 =	simm.s32 @!p0 $0x0;
	p0 =	seq.s32 s16, s17;
	s17 =	simm.s32 $0x1  }
0x9e: {  	s17 =	simm.s32 @!p1 $0x0;
	p1 =	seq.s32 s20, s16;
	[smem:s18] =	sst @!p0 s16  }
0x9f: {  	p0 =	sne.s32 s13, s19;
	s16 =	simm.s32 $0x1;
	s18 =	sadd.s32 s28, s18  }
0xa0: {  	s16 =	simm.s32 @!p0 $0x0;
	[smem:s18] =	sst @!p1 s20  }
0xa1: {  	p0 =	seq.s32 s15, s20;
	s20 =	spop (v2sf);
	s14 =	sadd.s32 s14, s18  }
0xa2: {  	[smem:s14] =	sst @!p0 s15;
	p0 =	seq.s32 s22, s15;
	s14 =	sadd.s32 s23, s14  }
0xa3: {  	s15 =	spop (v2sf);
	[smem:s14] =	sst @!p0 s22  }
0xa4: {  	p0 =	seq.s32 s19, s22;
	s14 =	sadd.s32 s17, s14;
	s18 =	spop (v2sf)  }
0xa5: {  	[smem:s14] =	sst @!p0 s19;
	s17 =	spop (v2sf)  }
0xa6: {  	p0 =	seq.s32 s13, s19;
	s14 =	sadd.s32 s16, s14;
	s19 =	spop (v2sf)  }
0xa7: {  	s16 =	simm.s32 $0x1;
	[smem:s14] =	sst @!p0 s13;
	p0 =	sne.s32 s17, s19  }
0xa8: {  	s21 =	simm.s32 $0x1;
	s16 =	simm.s32 @!p0 $0x0;
	p0 =	sne.s32 s19, s13  }
0xa9: {  	s22 =	simm.s32 $0x1;
	s21 =	simm.s32 @!p0 $0x0;
	p0 =	sne.s32 s18, s17  }
0xaa: {  	s23 =	simm.s32 $0x1;
	s22 =	simm.s32 @!p0 $0x0;
	p0 =	sne.s32 s15, s18  }
0xab: {  	s23 =	simm.s32 @!p0 $0x0;
	p0 =	seq.s32 s19, s13;
	s13 =	sadd.s32 s21, s14  }
0xac: {  	[smem:s13] =	sst @!p0 s19;
	p0 =	seq.s32 s17, s19;
	s13 =	sadd.s32 s16, s13  }
0xad: {  	[smem:s13] =	sst @!p0 s17;
	p0 =	seq.s32 s18, s17;
	s13 =	sadd.s32 s22, s13  }
0xae: {  	s14 =	simm.s32 $0x1;
	[smem:s13] =	sst @!p0 s18;
	p0 =	sne.s32 s20, s15  }
0xaf: {  	s13 =	sadd.s32 s23, s13;
	s14 =	simm.s32 @!p0 $0x0;
	p0 =	seq.s32 s15, s18  }
0xb0: {  	[smem:s13] =	sst @!p0 s15;
	p0 =	seq.s32 s20, s15;
	s13 =	sadd.s32 s14, s13  }
0xb1: {  	[smem:s13] =	sst @!p0 s20  }
0xb2: {  	[smem:s13+$0x1] =	sst s4  }
0xb3: {  	[smem:s13+$0x2] =	sst s4  }
0xb4: {  	s14 =	sld [smem:$0x0];
	_ =	sdelay $0x2  }
0xb5: {  	p0 =	seq.s32 s14, $0x1E84  }
0xb6: {  	s14 =	sshll.u32 @!p0 s14, $0x7  }
0xb7: {  	s15 =	sld [smem:$0x1];
	s16 =	simm.s32 @!p0 $0x400;
	s14 =	sand.u32 @!p0 $0x1FFFFF80, s14  }
0xb8: {  	s17 =	simm.s32 @!p0 $0x7A1400;
	s18 =	simm.s32 @!p0 $0x200;
	s14 =	sadd.s32 @!p0 s1, s14  }
0xb9: {  	[tilespmem:s18], [sflag:$0x1] =	stream.strided.gather @!p0 [hbm4b:s14+s16], $0x2000, s17, s16, $0x38;
	[tilespmem:$0x18200] =	vst v63  }
0xba: {  	p0 =	seq.s32 s15, $0x1E84  }
0xbb: {  	s19 =	simm.s32 $0xFFFFFFFF;
	s14 =	sshll.u32 @!p0 s15, $0x7  }
.Ltmp3:
0xbc: {  	s15 =	simm.s32 @!p0 $0x400;
	s14 =	sand.u32 @!p0 $0x1FFFFF80, s14;
	(pc) =	sbr.rel .LBB2_4-.Ltmp3, $4  }
0xbd: {  	s16 =	simm.s32 @!p0 $0x7A1400;
	s17 =	simm.s32 @!p0 $0x2200;
	s14 =	sadd.s32 @!p0 s1, s14  }
0xbe: {  	[tilespmem:s17], [sflag:$0x2] =	stream.strided.gather @!p0 [hbm4b:s14+s15], $0x2000, s16, s15, $0x38;
	[tilespmem:$0x18200] =	vst v63  }
0xbf: {  	s18 =	simm.s32 $0xFFFFFFFF;
	s14 =	sadd.s32 $0x1, s13;
	s13 =	sadd.s32 $0x2, s13  }
0xc0: {  	s15 =	simm.s32 $0xFFFFFFFF;
	s16 =	simm.s32 $0x0;
	s17 =	simm.s32 $0x8600  }
.LBB2_130:
0xc1: {  	s20 =	simm.s32 $0x3  }
.LBB2_131:
0xc2: {  	_ =	swait.ge [sflag:s20], $0x2000  }
0xc3: {  	[sflag:s20] =	ssyncset.done $0x0  }
0xc4: {  	[sflag:s20] =	ssyncadd.s32 $0xFFFFE000  }
.LBB2_132:
0xc5: {  	v4 =	vbroadcast v4, $0xF  }
0xc6: {  	s20 =	sshll.u32 s21, $0xD  }
0xc7: {  	v4 =	vor.u32 s20, v4  }
0xc8: {  	v5 =	vor.u32 v0, v4;
	_ =	sdelay $0x4  }
0xc9: {  	v5 =	vld.idx.msk [tilespmem:v5+s10+$0x0], $0xffff  }
0xca: {  	v6 =	vor.u32 v1, v4;
	_ =	sdelay $0x3  }
0xcb: {  	[tilespmem:s17+$0x380] =	vst v5  }
0xcc: {  	v5 =	vld.idx.msk [tilespmem:v6+s10+$0x0], $0xffff  }
0xcd: {  	v63 =	vor.u32 v2, v4;
	_ =	sdelay $0x3  }
0xce: {  	[tilespmem:s17+$0x390] =	vst v5  }
0xcf: {  	v5 =	vld.idx.msk [tilespmem:v63+s10+$0x0], $0xffff  }
0xd0: {  	v4 =	vor.u32 v3, v4;
	_ =	sdelay $0x3  }
0xd1: {  	s16 =	sadd.s32 $0x10, s16;
	[tilespmem:s17+$0x3A0] =	vst v5  }
0xd2: {  	p0 =	sne.s32 s16, $0x200;
	v4 =	vld.idx.msk [tilespmem:v4+s10+$0x0], $0xffff  }
.Ltmp4:
0xd3: {  	_ = 	snop;
	(pc) =	sbr.rel @!p0 .LBB2_133-.Ltmp4, $2  }
0xd4: {  	_ =	sdelay $0x2  }
0xd5: {  	[tilespmem:s17+$0x3B0] =	vst v4;
	s17 =	sadd.s32 $0x800, s17  }
.LBB2_4:
0xd6: {  	s20 =	sand.u32 $0x1F0, s16  }
0xd7: {  	v4 =	vld [tilespmem:s20+$0x0];
	_ =	sdelay $0x4  }
0xd8: {  	v5 =	vshra.s32 v4, $0x7  }
0xd9: {  	(v2sf) =	vpush v5, $0x0;
	_ =	sdelay $0xe  }
0xda: {  	p0 =	seq.s32 s15, $0x2;
	s21 =	sadd.s32 $0x1, s15;
	s20 =	spop (v2sf)  }
0xdb: {  	s21 =	simm.s32 @p0 $0x0;
	p0 =	seq.s32 s20, s18  }
.Ltmp5:
0xdc: {  	_ = 	snop;
	(pc) =	sbr.rel @p0 .LBB2_12-.Ltmp5, $4  }
0xdd: {  	p1 =	sne.s32 s20, s18  }
0xde: {  	s22 =	simm.s32 $0x1;
	s15 =	smov.u32 @p1 s21  }
0xdf: {  	s22 =	simm.s32 @!p1 $0x0;
	p1 =	seq.s32 s20, $0x1E84;
	s18 =	smov.u32 s15  }
0xe0: {  	s19 =	sadd.s32 s22, s19;
	s18 =	simm.s32 @p1 $0x3  }
0xe1: {  	s22 =	sld [smem:s19+$0x2];
	p0 =	seq.s32 s21, $0x2;
	s21 =	sadd.s32 $0x1, s21  }
0xe2: {  	s21 =	simm.s32 @p0 $0x0  }
0xe3: {  	p0 =	seq.s32 s21, $0x2;
	s21 =	sadd.s32 $0x1, s21  }
0xe4: {  	s21 =	simm.s32 @p0 $0x0;
	p0 =	seq.s32 s22, $0x1E84  }
0xe5: {  	s21 =	simm.s32 @p0 $0x3  }
0xe6: {  	p0 =	seq.s32 s21, $0x2  }
0xe7: {  	s23 =	sshll.u32 @p0 s22, $0x7;
	s24 =	simm.s32 @p0 $0x400  }
0xe8: {  	s25 =	simm.s32 @p0 $0x7A1400;
	p1 =	seq.s32 @!p0 s21, $0x1;
	s23 =	sand.u32 @p0 $0x1FFFFF80, s23  }
0xe9: {  	s26 =	simm.s32 @p0 $0x4200;
	p2 =	por !p1, p0;
	s23 =	sadd.s32 @p0 s1, s23  }
0xea: {  	[tilespmem:s26], [sflag:$0x3] =	stream.strided.gather @p0 [hbm4b:s23+s24], $0x2000, s25, s24, $0x38;
	[tilespmem:$0x18200] =	vst v63  }
0xeb: {  	s23 =	sshll.u32 @!p2 s22, $0x7  }
0xec: {  	s24 =	simm.s32 @!p2 $0x400;
	s23 =	sand.u32 @!p2 $0x1FFFFF80, s23  }
0xed: {  	s25 =	simm.s32 @!p2 $0x7A1400;
	s26 =	simm.s32 @!p2 $0x2200;
	s23 =	sadd.s32 @!p2 s1, s23  }
0xee: {  	[tilespmem:s26], [sflag:$0x2] =	stream.strided.gather @!p2 [hbm4b:s23+s24], $0x2000, s25, s24, $0x38;
	[tilespmem:$0x18200] =	vst v63  }
0xef: {  	p2 =	por p1, p0  }
0xf0: {  	p2 =	sne.s32 @!p2 s21, $0x0  }
0xf1: {  	p1 =	por @!p0 p2, p1  }
0xf2: {  	p0 =	por p1, p0  }
0xf3: {  	s21 =	sshll.u32 @!p0 s22, $0x7  }
0xf4: {  	s22 =	simm.s32 @!p0 $0x400;
	s21 =	sand.u32 @!p0 $0x1FFFFF80, s21  }
0xf5: {  	s23 =	simm.s32 @!p0 $0x7A1400;
	s24 =	simm.s32 @!p0 $0x200;
	s21 =	sadd.s32 @!p0 s1, s21  }
0xf6: {  	[tilespmem:s24], [sflag:$0x1] =	stream.strided.gather @!p0 [hbm4b:s21+s22], $0x2000, s23, s22, $0x38;
	[tilespmem:$0x18200] =	vst v63  }
0xf7: {  	p0 =	seq.s32 s18, $0x0  }
.Ltmp6:
0xf8: {  	_ = 	snop;
	(pc) =	sbr.rel @p0 .LBB2_6-.Ltmp6, $1  }
0xf9: {  	_ =	sdelay $0x3  }
0xfa: {  	p0 =	seq.s32 s18, $0x2  }
.Ltmp7:
0xfb: {  	_ = 	snop;
	(pc) =	sbr.rel @p0 .LBB2_10-.Ltmp7, $1  }
0xfc: {  	_ =	sdelay $0x3  }
0xfd: {  	p0 =	sne.s32 s18, $0x1  }
.Ltmp8:
0xfe: {  	_ = 	snop;
	(pc) =	sbr.rel @p0 .LBB2_12-.Ltmp8, $1  }
0xff: {  	_ =	sdelay $0x3  }
.Ltmp9:
0x100: {  	(pc) =	sbr.rel .LBB2_11-.Ltmp9, $2  }
0x101: {  	_ =	sdelay $0x2  }
0x102: {  	s21 =	simm.s32 $0x2  }
.LBB2_10:
.Ltmp10:
0x103: {  	(pc) =	sbr.rel .LBB2_11-.Ltmp10, $2  }
0x104: {  	_ =	sdelay $0x2  }
0x105: {  	s21 =	simm.s32 $0x3  }
.LBB2_6:
0x106: {  	s21 =	simm.s32 $0x1  }
.LBB2_11:
0x107: {  	_ =	swait.ge [sflag:s21], $0x2000  }
0x108: {  	[sflag:s21] =	ssyncset.done $0x0  }
0x109: {  	[sflag:s21] =	ssyncadd.s32 $0xFFFFE000  }
.LBB2_12:
0x10a: {  	v4 =	vand.u32 $0x7F, v4;
	s18 =	sshll.u32 s18, $0xD  }
0x10b: {  	v6 =	vor.u32 s18, v4  }
0x10c: {  	v6 =	vbroadcast v6, $0x0;
	_ =	sdelay $0x1  }
0x10d: {  	v7 =	vor.u32 v0, v6;
	_ =	sdelay $0x4  }
0x10e: {  	v7 =	vld.idx.msk [tilespmem:v7+s10+$0x0], $0xffff  }
0x10f: {  	v8 =	vor.u32 v1, v6  }
0x110: {  	(v2sf) =	vpush v5, $0x1;
	_ =	sdelay $0x2  }
0x111: {  	[tilespmem:s17+$0xFFFFFC00] =	vst v7  }
0x112: {  	v7 =	vld.idx.msk [tilespmem:v8+s10+$0x0], $0xffff  }
0x113: {  	v63 =	vor.u32 v2, v6;
	_ =	sdelay $0x3  }
0x114: {  	[tilespmem:s17+$0xFFFFFC10] =	vst v7  }
0x115: {  	v7 =	vld.idx.msk [tilespmem:v63+s10+$0x0], $0xffff  }
0x116: {  	v6 =	vor.u32 v3, v6;
	_ =	sdelay $0x3  }
0x117: {  	p0 =	seq.s32 s15, $0x2;
	s22 =	sadd.s32 $0x1, s15;
	s18 =	spop (v2sf);
	[tilespmem:s17+$0xFFFFFC20] =	vst v7  }
0x118: {  	s22 =	simm.s32 @p0 $0x0;
	p0 =	seq.s32 s18, s20;
	v6 =	vld.idx.msk [tilespmem:v6+s10+$0x0], $0xffff  }
.Ltmp11:
0x119: {  	_ = 	snop;
	(pc) =	sbr.rel @p0 .LBB2_20-.Ltmp11, $4  }
0x11a: {  	p1 =	sne.s32 s18, s20  }
0x11b: {  	s23 =	simm.s32 $0x1;
	s15 =	smov.u32 @p1 s22  }
0x11c: {  	s23 =	simm.s32 @!p1 $0x0;
	p1 =	seq.s32 s18, $0x1E84;
	s21 =	smov.u32 s15  }
0x11d: {  	s20 =	sadd.s32 s23, s19;
	s21 =	simm.s32 @p1 $0x3;
	[tilespmem:s17+$0xFFFFFC30] =	vst v6  }
0x11e: {  	s19 =	sld [smem:s20+$0x2];
	p0 =	seq.s32 s22, $0x2;
	s22 =	sadd.s32 $0x1, s22  }
0x11f: {  	s22 =	simm.s32 @p0 $0x0  }
0x120: {  	p0 =	seq.s32 s22, $0x2;
	s22 =	sadd.s32 $0x1, s22  }
0x121: {  	s22 =	simm.s32 @p0 $0x0;
	p0 =	seq.s32 s19, $0x1E84  }
0x122: {  	s22 =	simm.s32 @p0 $0x3  }
0x123: {  	p0 =	seq.s32 s22, $0x2  }
0x124: {  	s23 =	sshll.u32 @p0 s19, $0x7;
	s24 =	simm.s32 @p0 $0x400  }
0x125: {  	s25 =	simm.s32 @p0 $0x7A1400;
	p1 =	seq.s32 @!p0 s22, $0x1;
	s23 =	sand.u32 @p0 $0x1FFFFF80, s23  }
0x126: {  	s26 =	simm.s32 @p0 $0x4200;
	p2 =	por !p1, p0;
	s23 =	sadd.s32 @p0 s1, s23  }
0x127: {  	[tilespmem:s26], [sflag:$0x3] =	stream.strided.gather @p0 [hbm4b:s23+s24], $0x2000, s25, s24, $0x38;
	[tilespmem:$0x18200] =	vst v63  }
0x128: {  	s23 =	sshll.u32 @!p2 s19, $0x7  }
0x129: {  	s24 =	simm.s32 @!p2 $0x400;
	s23 =	sand.u32 @!p2 $0x1FFFFF80, s23  }
0x12a: {  	s25 =	simm.s32 @!p2 $0x7A1400;
	s26 =	simm.s32 @!p2 $0x2200;
	s23 =	sadd.s32 @!p2 s1, s23  }
0x12b: {  	[tilespmem:s26], [sflag:$0x2] =	stream.strided.gather @!p2 [hbm4b:s23+s24], $0x2000, s25, s24, $0x38;
	[tilespmem:$0x18200] =	vst v63  }
0x12c: {  	p2 =	por p1, p0  }
0x12d: {  	p2 =	sne.s32 @!p2 s22, $0x0  }
0x12e: {  	p1 =	por @!p0 p2, p1  }
0x12f: {  	p0 =	por p1, p0  }
0x130: {  	s19 =	sshll.u32 @!p0 s19, $0x7  }
0x131: {  	s22 =	simm.s32 @!p0 $0x400;
	s19 =	sand.u32 @!p0 $0x1FFFFF80, s19  }
0x132: {  	s23 =	simm.s32 @!p0 $0x7A1400;
	s24 =	simm.s32 @!p0 $0x200;
	s19 =	sadd.s32 @!p0 s1, s19  }
0x133: {  	[tilespmem:s24], [sflag:$0x1] =	stream.strided.gather @!p0 [hbm4b:s19+s22], $0x2000, s23, s22, $0x38;
	[tilespmem:$0x18200] =	vst v63  }
0x134: {  	p0 =	seq.s32 s21, $0x0  }
.Ltmp12:
0x135: {  	_ = 	snop;
	(pc) =	sbr.rel @p0 .LBB2_14-.Ltmp12, $1  }
0x136: {  	_ =	sdelay $0x3  }
0x137: {  	p0 =	seq.s32 s21, $0x2  }
.Ltmp13:
0x138: {  	_ = 	snop;
	(pc) =	sbr.rel @p0 .LBB2_18-.Ltmp13, $1  }
0x139: {  	_ =	sdelay $0x3  }
0x13a: {  	p0 =	sne.s32 s21, $0x1  }
.Ltmp14:
0x13b: {  	_ = 	snop;
	(pc) =	sbr.rel @p0 .LBB2_20-.Ltmp14, $1  }
0x13c: {  	_ =	sdelay $0x3  }
.Ltmp15:
0x13d: {  	(pc) =	sbr.rel .LBB2_19-.Ltmp15, $2  }
0x13e: {  	_ =	sdelay $0x2  }
0x13f: {  	s19 =	simm.s32 $0x2  }
.LBB2_18:
.Ltmp16:
0x140: {  	(pc) =	sbr.rel .LBB2_19-.Ltmp16, $2  }
0x141: {  	_ =	sdelay $0x2  }
0x142: {  	s19 =	simm.s32 $0x3  }
.LBB2_14:
0x143: {  	s19 =	simm.s32 $0x1  }
.LBB2_19:
0x144: {  	_ =	swait.ge [sflag:s19], $0x2000  }
0x145: {  	[sflag:s19] =	ssyncset.done $0x0  }
0x146: {  	[sflag:s19] =	ssyncadd.s32 $0xFFFFE000  }
.LBB2_20:
0x147: {  	v6 =	vbroadcast v4, $0x1  }
0x148: {  	s19 =	sshll.u32 s21, $0xD  }
0x149: {  	v6 =	vor.u32 s19, v6  }
0x14a: {  	v7 =	vor.u32 v0, v6;
	_ =	sdelay $0x4  }
0x14b: {  	v7 =	vld.idx.msk [tilespmem:v7+s10+$0x0], $0xffff  }
0x14c: {  	v8 =	vor.u32 v1, v6  }
0x14d: {  	(v2sf) =	vpush v5, $0x2;
	_ =	sdelay $0x2  }
0x14e: {  	[tilespmem:s17+$0xFFFFFC80] =	vst v7  }
0x14f: {  	v7 =	vld.idx.msk [tilespmem:v8+s10+$0x0], $0xffff  }
0x150: {  	v63 =	vor.u32 v2, v6;
	_ =	sdelay $0x3  }
0x151: {  	[tilespmem:s17+$0xFFFFFC90] =	vst v7  }
0x152: {  	v7 =	vld.idx.msk [tilespmem:v63+s10+$0x0], $0xffff  }
0x153: {  	v6 =	vor.u32 v3, v6;
	_ =	sdelay $0x3  }
0x154: {  	p0 =	seq.s32 s15, $0x2;
	s21 =	sadd.s32 $0x1, s15;
	s19 =	spop (v2sf);
	[tilespmem:s17+$0xFFFFFCA0] =	vst v7  }
0x155: {  	s21 =	simm.s32 @p0 $0x0;
	p0 =	seq.s32 s19, s18;
	v6 =	vld.idx.msk [tilespmem:v6+s10+$0x0], $0xffff  }
.Ltmp17:
0x156: {  	_ = 	snop;
	(pc) =	sbr.rel @p0 .LBB2_28-.Ltmp17, $4  }
0x157: {  	p1 =	sne.s32 s19, s18  }
0x158: {  	s22 =	simm.s32 $0x1;
	s15 =	smov.u32 @p1 s21  }
0x159: {  	s22 =	simm.s32 @!p1 $0x0;
	p1 =	seq.s32 s19, $0x1E84;
	s18 =	smov.u32 s15  }
0x15a: {  	s20 =	sadd.s32 s22, s20;
	s18 =	simm.s32 @p1 $0x3;
	[tilespmem:s17+$0xFFFFFCB0] =	vst v6  }
0x15b: {  	s22 =	sld [smem:s20+$0x2];
	p0 =	seq.s32 s21, $0x2;
	s21 =	sadd.s32 $0x1, s21  }
0x15c: {  	s21 =	simm.s32 @p0 $0x0  }
0x15d: {  	p0 =	seq.s32 s21, $0x2;
	s21 =	sadd.s32 $0x1, s21  }
0x15e: {  	s21 =	simm.s32 @p0 $0x0;
	p0 =	seq.s32 s22, $0x1E84  }
0x15f: {  	s21 =	simm.s32 @p0 $0x3  }
0x160: {  	p0 =	seq.s32 s21, $0x2  }
0x161: {  	s23 =	sshll.u32 @p0 s22, $0x7;
	s24 =	simm.s32 @p0 $0x400  }
0x162: {  	s25 =	simm.s32 @p0 $0x7A1400;
	p1 =	seq.s32 @!p0 s21, $0x1;
	s23 =	sand.u32 @p0 $0x1FFFFF80, s23  }
0x163: {  	s26 =	simm.s32 @p0 $0x4200;
	p2 =	por !p1, p0;
	s23 =	sadd.s32 @p0 s1, s23  }
0x164: {  	[tilespmem:s26], [sflag:$0x3] =	stream.strided.gather @p0 [hbm4b:s23+s24], $0x2000, s25, s24, $0x38;
	[tilespmem:$0x18200] =	vst v63  }
0x165: {  	s23 =	sshll.u32 @!p2 s22, $0x7  }
0x166: {  	s24 =	simm.s32 @!p2 $0x400;
	s23 =	sand.u32 @!p2 $0x1FFFFF80, s23  }
0x167: {  	s25 =	simm.s32 @!p2 $0x7A1400;
	s26 =	simm.s32 @!p2 $0x2200;
	s23 =	sadd.s32 @!p2 s1, s23  }
0x168: {  	[tilespmem:s26], [sflag:$0x2] =	stream.strided.gather @!p2 [hbm4b:s23+s24], $0x2000, s25, s24, $0x38;
	[tilespmem:$0x18200] =	vst v63  }
0x169: {  	p2 =	por p1, p0  }
0x16a: {  	p2 =	sne.s32 @!p2 s21, $0x0  }
0x16b: {  	p1 =	por @!p0 p2, p1  }
0x16c: {  	p0 =	por p1, p0  }
0x16d: {  	s21 =	sshll.u32 @!p0 s22, $0x7  }
0x16e: {  	s22 =	simm.s32 @!p0 $0x400;
	s21 =	sand.u32 @!p0 $0x1FFFFF80, s21  }
0x16f: {  	s23 =	simm.s32 @!p0 $0x7A1400;
	s24 =	simm.s32 @!p0 $0x200;
	s21 =	sadd.s32 @!p0 s1, s21  }
0x170: {  	[tilespmem:s24], [sflag:$0x1] =	stream.strided.gather @!p0 [hbm4b:s21+s22], $0x2000, s23, s22, $0x38;
	[tilespmem:$0x18200] =	vst v63  }
0x171: {  	p0 =	seq.s32 s18, $0x0  }
.Ltmp18:
0x172: {  	_ = 	snop;
	(pc) =	sbr.rel @p0 .LBB2_22-.Ltmp18, $1  }
0x173: {  	_ =	sdelay $0x3  }
0x174: {  	p0 =	seq.s32 s18, $0x2  }
.Ltmp19:
0x175: {  	_ = 	snop;
	(pc) =	sbr.rel @p0 .LBB2_26-.Ltmp19, $1  }
0x176: {  	_ =	sdelay $0x3  }
0x177: {  	p0 =	sne.s32 s18, $0x1  }
.Ltmp20:
0x178: {  	_ = 	snop;
	(pc) =	sbr.rel @p0 .LBB2_28-.Ltmp20, $1  }
0x179: {  	_ =	sdelay $0x3  }
.Ltmp21:
0x17a: {  	(pc) =	sbr.rel .LBB2_27-.Ltmp21, $2  }
0x17b: {  	_ =	sdelay $0x2  }
0x17c: {  	s21 =	simm.s32 $0x2  }
.LBB2_26:
.Ltmp22:
0x17d: {  	(pc) =	sbr.rel .LBB2_27-.Ltmp22, $2  }
0x17e: {  	_ =	sdelay $0x2  }
0x17f: {  	s21 =	simm.s32 $0x3  }
.LBB2_22:
0x180: {  	s21 =	simm.s32 $0x1  }
.LBB2_27:
0x181: {  	_ =	swait.ge [sflag:s21], $0x2000  }
0x182: {  	[sflag:s21] =	ssyncset.done $0x0  }
0x183: {  	[sflag:s21] =	ssyncadd.s32 $0xFFFFE000  }
.LBB2_28:
0x184: {  	v6 =	vbroadcast v4, $0x2  }
0x185: {  	s18 =	sshll.u32 s18, $0xD  }
0x186: {  	v6 =	vor.u32 s18, v6  }
0x187: {  	v7 =	vor.u32 v0, v6;
	_ =	sdelay $0x4  }
0x188: {  	v7 =	vld.idx.msk [tilespmem:v7+s10+$0x0], $0xffff  }
0x189: {  	v8 =	vor.u32 v1, v6  }
0x18a: {  	(v2sf) =	vpush v5, $0x3;
	_ =	sdelay $0x2  }
0x18b: {  	[tilespmem:s17+$0xFFFFFD00] =	vst v7  }
0x18c: {  	v7 =	vld.idx.msk [tilespmem:v8+s10+$0x0], $0xffff  }
0x18d: {  	v63 =	vor.u32 v2, v6;
	_ =	sdelay $0x3  }
0x18e: {  	[tilespmem:s17+$0xFFFFFD10] =	vst v7  }
0x18f: {  	v7 =	vld.idx.msk [tilespmem:v63+s10+$0x0], $0xffff  }
0x190: {  	v6 =	vor.u32 v3, v6;
	_ =	sdelay $0x3  }
0x191: {  	p0 =	seq.s32 s15, $0x2;
	s21 =	sadd.s32 $0x1, s15;
	s18 =	spop (v2sf);
	[tilespmem:s17+$0xFFFFFD20] =	vst v7  }
0x192: {  	s21 =	simm.s32 @p0 $0x0;
	p0 =	seq.s32 s18, s19;
	v6 =	vld.idx.msk [tilespmem:v6+s10+$0x0], $0xffff  }
.Ltmp23:
0x193: {  	_ = 	snop;
	(pc) =	sbr.rel @p0 .LBB2_36-.Ltmp23, $4  }
0x194: {  	p1 =	sne.s32 s18, s19  }
0x195: {  	s22 =	simm.s32 $0x1;
	s15 =	smov.u32 @p1 s21  }
0x196: {  	s22 =	simm.s32 @!p1 $0x0;
	p1 =	seq.s32 s18, $0x1E84;
	s19 =	smov.u32 s15  }
0x197: {  	s20 =	sadd.s32 s22, s20;
	s19 =	simm.s32 @p1 $0x3;
	[tilespmem:s17+$0xFFFFFD30] =	vst v6  }
0x198: {  	s22 =	sld [smem:s20+$0x2];
	p0 =	seq.s32 s21, $0x2;
	s21 =	sadd.s32 $0x1, s21  }
0x199: {  	s21 =	simm.s32 @p0 $0x0  }
0x19a: {  	p0 =	seq.s32 s21, $0x2;
	s21 =	sadd.s32 $0x1, s21  }
0x19b: {  	s21 =	simm.s32 @p0 $0x0;
	p0 =	seq.s32 s22, $0x1E84  }
0x19c: {  	s21 =	simm.s32 @p0 $0x3  }
0x19d: {  	p0 =	seq.s32 s21, $0x2  }
0x19e: {  	s23 =	sshll.u32 @p0 s22, $0x7;
	s24 =	simm.s32 @p0 $0x400  }
0x19f: {  	s25 =	simm.s32 @p0 $0x7A1400;
	p1 =	seq.s32 @!p0 s21, $0x1;
	s23 =	sand.u32 @p0 $0x1FFFFF80, s23  }
0x1a0: {  	s26 =	simm.s32 @p0 $0x4200;
	p2 =	por !p1, p0;
	s23 =	sadd.s32 @p0 s1, s23  }
0x1a1: {  	[tilespmem:s26], [sflag:$0x3] =	stream.strided.gather @p0 [hbm4b:s23+s24], $0x2000, s25, s24, $0x38;
	[tilespmem:$0x18200] =	vst v63  }
0x1a2: {  	s23 =	sshll.u32 @!p2 s22, $0x7  }
0x1a3: {  	s24 =	simm.s32 @!p2 $0x400;
	s23 =	sand.u32 @!p2 $0x1FFFFF80, s23  }
0x1a4: {  	s25 =	simm.s32 @!p2 $0x7A1400;
	s26 =	simm.s32 @!p2 $0x2200;
	s23 =	sadd.s32 @!p2 s1, s23  }
0x1a5: {  	[tilespmem:s26], [sflag:$0x2] =	stream.strided.gather @!p2 [hbm4b:s23+s24], $0x2000, s25, s24, $0x38;
	[tilespmem:$0x18200] =	vst v63  }
0x1a6: {  	p2 =	por p1, p0  }
0x1a7: {  	p2 =	sne.s32 @!p2 s21, $0x0  }
0x1a8: {  	p1 =	por @!p0 p2, p1  }
0x1a9: {  	p0 =	por p1, p0  }
0x1aa: {  	s21 =	sshll.u32 @!p0 s22, $0x7  }
0x1ab: {  	s22 =	simm.s32 @!p0 $0x400;
	s21 =	sand.u32 @!p0 $0x1FFFFF80, s21  }
0x1ac: {  	s23 =	simm.s32 @!p0 $0x7A1400;
	s24 =	simm.s32 @!p0 $0x200;
	s21 =	sadd.s32 @!p0 s1, s21  }
0x1ad: {  	[tilespmem:s24], [sflag:$0x1] =	stream.strided.gather @!p0 [hbm4b:s21+s22], $0x2000, s23, s22, $0x38;
	[tilespmem:$0x18200] =	vst v63  }
0x1ae: {  	p0 =	seq.s32 s19, $0x0  }
.Ltmp24:
0x1af: {  	_ = 	snop;
	(pc) =	sbr.rel @p0 .LBB2_30-.Ltmp24, $1  }
0x1b0: {  	_ =	sdelay $0x3  }
0x1b1: {  	p0 =	seq.s32 s19, $0x2  }
.Ltmp25:
0x1b2: {  	_ = 	snop;
	(pc) =	sbr.rel @p0 .LBB2_34-.Ltmp25, $1  }
0x1b3: {  	_ =	sdelay $0x3  }
0x1b4: {  	p0 =	sne.s32 s19, $0x1  }
.Ltmp26:
0x1b5: {  	_ = 	snop;
	(pc) =	sbr.rel @p0 .LBB2_36-.Ltmp26, $1  }
0x1b6: {  	_ =	sdelay $0x3  }
.Ltmp27:
0x1b7: {  	(pc) =	sbr.rel .LBB2_35-.Ltmp27, $2  }
0x1b8: {  	_ =	sdelay $0x2  }
0x1b9: {  	s21 =	simm.s32 $0x2  }
.LBB2_34:
.Ltmp28:
0x1ba: {  	(pc) =	sbr.rel .LBB2_35-.Ltmp28, $2  }
0x1bb: {  	_ =	sdelay $0x2  }
0x1bc: {  	s21 =	simm.s32 $0x3  }
.LBB2_30:
0x1bd: {  	s21 =	simm.s32 $0x1  }
.LBB2_35:
0x1be: {  	_ =	swait.ge [sflag:s21], $0x2000  }
0x1bf: {  	[sflag:s21] =	ssyncset.done $0x0  }
0x1c0: {  	[sflag:s21] =	ssyncadd.s32 $0xFFFFE000  }
.LBB2_36:
0x1c1: {  	v6 =	vbroadcast v4, $0x3  }
0x1c2: {  	s19 =	sshll.u32 s19, $0xD  }
0x1c3: {  	v6 =	vor.u32 s19, v6  }
0x1c4: {  	v7 =	vor.u32 v0, v6;
	_ =	sdelay $0x4  }
0x1c5: {  	v7 =	vld.idx.msk [tilespmem:v7+s10+$0x0], $0xffff  }
0x1c6: {  	v8 =	vor.u32 v1, v6  }
0x1c7: {  	(v2sf) =	vpush v5, $0x4;
	_ =	sdelay $0x2  }
0x1c8: {  	[tilespmem:s17+$0xFFFFFD80] =	vst v7  }
0x1c9: {  	v7 =	vld.idx.msk [tilespmem:v8+s10+$0x0], $0xffff  }
0x1ca: {  	v63 =	vor.u32 v2, v6;
	_ =	sdelay $0x3  }
0x1cb: {  	[tilespmem:s17+$0xFFFFFD90] =	vst v7  }
0x1cc: {  	v7 =	vld.idx.msk [tilespmem:v63+s10+$0x0], $0xffff  }
0x1cd: {  	v6 =	vor.u32 v3, v6;
	_ =	sdelay $0x3  }
0x1ce: {  	p0 =	seq.s32 s15, $0x2;
	s21 =	sadd.s32 $0x1, s15;
	s19 =	spop (v2sf);
	[tilespmem:s17+$0xFFFFFDA0] =	vst v7  }
0x1cf: {  	s21 =	simm.s32 @p0 $0x0;
	p0 =	seq.s32 s19, s18;
	v6 =	vld.idx.msk [tilespmem:v6+s10+$0x0], $0xffff  }
.Ltmp29:
0x1d0: {  	_ = 	snop;
	(pc) =	sbr.rel @p0 .LBB2_44-.Ltmp29, $4  }
0x1d1: {  	p1 =	sne.s32 s19, s18  }
0x1d2: {  	s22 =	simm.s32 $0x1;
	s15 =	smov.u32 @p1 s21  }
0x1d3: {  	s22 =	simm.s32 @!p1 $0x0;
	p1 =	seq.s32 s19, $0x1E84;
	s18 =	smov.u32 s15  }
0x1d4: {  	s20 =	sadd.s32 s22, s20;
	s18 =	simm.s32 @p1 $0x3;
	[tilespmem:s17+$0xFFFFFDB0] =	vst v6  }
0x1d5: {  	s22 =	sld [smem:s20+$0x2];
	p0 =	seq.s32 s21, $0x2;
	s21 =	sadd.s32 $0x1, s21  }
0x1d6: {  	s21 =	simm.s32 @p0 $0x0  }
0x1d7: {  	p0 =	seq.s32 s21, $0x2;
	s21 =	sadd.s32 $0x1, s21  }
0x1d8: {  	s21 =	simm.s32 @p0 $0x0;
	p0 =	seq.s32 s22, $0x1E84  }
0x1d9: {  	s21 =	simm.s32 @p0 $0x3  }
0x1da: {  	p0 =	seq.s32 s21, $0x2  }
0x1db: {  	s23 =	sshll.u32 @p0 s22, $0x7;
	s24 =	simm.s32 @p0 $0x400  }
0x1dc: {  	s25 =	simm.s32 @p0 $0x7A1400;
	p1 =	seq.s32 @!p0 s21, $0x1;
	s23 =	sand.u32 @p0 $0x1FFFFF80, s23  }
0x1dd: {  	s26 =	simm.s32 @p0 $0x4200;
	p2 =	por !p1, p0;
	s23 =	sadd.s32 @p0 s1, s23  }
0x1de: {  	[tilespmem:s26], [sflag:$0x3] =	stream.strided.gather @p0 [hbm4b:s23+s24], $0x2000, s25, s24, $0x38;
	[tilespmem:$0x18200] =	vst v63  }
0x1df: {  	s23 =	sshll.u32 @!p2 s22, $0x7  }
0x1e0: {  	s24 =	simm.s32 @!p2 $0x400;
	s23 =	sand.u32 @!p2 $0x1FFFFF80, s23  }
0x1e1: {  	s25 =	simm.s32 @!p2 $0x7A1400;
	s26 =	simm.s32 @!p2 $0x2200;
	s23 =	sadd.s32 @!p2 s1, s23  }
0x1e2: {  	[tilespmem:s26], [sflag:$0x2] =	stream.strided.gather @!p2 [hbm4b:s23+s24], $0x2000, s25, s24, $0x38;
	[tilespmem:$0x18200] =	vst v63  }
0x1e3: {  	p2 =	por p1, p0  }
0x1e4: {  	p2 =	sne.s32 @!p2 s21, $0x0  }
0x1e5: {  	p1 =	por @!p0 p2, p1  }
0x1e6: {  	p0 =	por p1, p0  }
0x1e7: {  	s21 =	sshll.u32 @!p0 s22, $0x7  }
0x1e8: {  	s22 =	simm.s32 @!p0 $0x400;
	s21 =	sand.u32 @!p0 $0x1FFFFF80, s21  }
0x1e9: {  	s23 =	simm.s32 @!p0 $0x7A1400;
	s24 =	simm.s32 @!p0 $0x200;
	s21 =	sadd.s32 @!p0 s1, s21  }
0x1ea: {  	[tilespmem:s24], [sflag:$0x1] =	stream.strided.gather @!p0 [hbm4b:s21+s22], $0x2000, s23, s22, $0x38;
	[tilespmem:$0x18200] =	vst v63  }
0x1eb: {  	p0 =	seq.s32 s18, $0x0  }
.Ltmp30:
0x1ec: {  	_ = 	snop;
	(pc) =	sbr.rel @p0 .LBB2_38-.Ltmp30, $1  }
0x1ed: {  	_ =	sdelay $0x3  }
0x1ee: {  	p0 =	seq.s32 s18, $0x2  }
.Ltmp31:
0x1ef: {  	_ = 	snop;
	(pc) =	sbr.rel @p0 .LBB2_42-.Ltmp31, $1  }
0x1f0: {  	_ =	sdelay $0x3  }
0x1f1: {  	p0 =	sne.s32 s18, $0x1  }
.Ltmp32:
0x1f2: {  	_ = 	snop;
	(pc) =	sbr.rel @p0 .LBB2_44-.Ltmp32, $1  }
0x1f3: {  	_ =	sdelay $0x3  }
.Ltmp33:
0x1f4: {  	(pc) =	sbr.rel .LBB2_43-.Ltmp33, $2  }
0x1f5: {  	_ =	sdelay $0x2  }
0x1f6: {  	s21 =	simm.s32 $0x2  }
.LBB2_42:
.Ltmp34:
0x1f7: {  	(pc) =	sbr.rel .LBB2_43-.Ltmp34, $2  }
0x1f8: {  	_ =	sdelay $0x2  }
0x1f9: {  	s21 =	simm.s32 $0x3  }
.LBB2_38:
0x1fa: {  	s21 =	simm.s32 $0x1  }
.LBB2_43:
0x1fb: {  	_ =	swait.ge [sflag:s21], $0x2000  }
0x1fc: {  	[sflag:s21] =	ssyncset.done $0x0  }
0x1fd: {  	[sflag:s21] =	ssyncadd.s32 $0xFFFFE000  }
.LBB2_44:
0x1fe: {  	v6 =	vbroadcast v4, $0x4  }
0x1ff: {  	s18 =	sshll.u32 s18, $0xD  }
0x200: {  	v6 =	vor.u32 s18, v6  }
0x201: {  	v7 =	vor.u32 v0, v6;
	_ =	sdelay $0x4  }
0x202: {  	v7 =	vld.idx.msk [tilespmem:v7+s10+$0x0], $0xffff  }
0x203: {  	v8 =	vor.u32 v1, v6  }
0x204: {  	(v2sf) =	vpush v5, $0x5;
	_ =	sdelay $0x2  }
0x205: {  	[tilespmem:s17+$0xFFFFFE00] =	vst v7  }
0x206: {  	v7 =	vld.idx.msk [tilespmem:v8+s10+$0x0], $0xffff  }
0x207: {  	v63 =	vor.u32 v2, v6;
	_ =	sdelay $0x3  }
0x208: {  	[tilespmem:s17+$0xFFFFFE10] =	vst v7  }
0x209: {  	v7 =	vld.idx.msk [tilespmem:v63+s10+$0x0], $0xffff  }
0x20a: {  	v6 =	vor.u32 v3, v6;
	_ =	sdelay $0x3  }
0x20b: {  	p0 =	seq.s32 s15, $0x2;
	s21 =	sadd.s32 $0x1, s15;
	s18 =	spop (v2sf);
	[tilespmem:s17+$0xFFFFFE20] =	vst v7  }
0x20c: {  	s21 =	simm.s32 @p0 $0x0;
	p0 =	seq.s32 s18, s19;
	v6 =	vld.idx.msk [tilespmem:v6+s10+$0x0], $0xffff  }
.Ltmp35:
0x20d: {  	_ = 	snop;
	(pc) =	sbr.rel @p0 .LBB2_52-.Ltmp35, $4  }
0x20e: {  	p1 =	sne.s32 s18, s19  }
0x20f: {  	s22 =	simm.s32 $0x1;
	s15 =	smov.u32 @p1 s21  }
0x210: {  	s22 =	simm.s32 @!p1 $0x0;
	p1 =	seq.s32 s18, $0x1E84;
	s19 =	smov.u32 s15  }
0x211: {  	s20 =	sadd.s32 s22, s20;
	s19 =	simm.s32 @p1 $0x3;
	[tilespmem:s17+$0xFFFFFE30] =	vst v6  }
0x212: {  	s22 =	sld [smem:s20+$0x2];
	p0 =	seq.s32 s21, $0x2;
	s21 =	sadd.s32 $0x1, s21  }
0x213: {  	s21 =	simm.s32 @p0 $0x0  }
0x214: {  	p0 =	seq.s32 s21, $0x2;
	s21 =	sadd.s32 $0x1, s21  }
0x215: {  	s21 =	simm.s32 @p0 $0x0;
	p0 =	seq.s32 s22, $0x1E84  }
0x216: {  	s21 =	simm.s32 @p0 $0x3  }
0x217: {  	p0 =	seq.s32 s21, $0x2  }
0x218: {  	s23 =	sshll.u32 @p0 s22, $0x7;
	s24 =	simm.s32 @p0 $0x400  }
0x219: {  	s25 =	simm.s32 @p0 $0x7A1400;
	p1 =	seq.s32 @!p0 s21, $0x1;
	s23 =	sand.u32 @p0 $0x1FFFFF80, s23  }
0x21a: {  	s26 =	simm.s32 @p0 $0x4200;
	p2 =	por !p1, p0;
	s23 =	sadd.s32 @p0 s1, s23  }
0x21b: {  	[tilespmem:s26], [sflag:$0x3] =	stream.strided.gather @p0 [hbm4b:s23+s24], $0x2000, s25, s24, $0x38;
	[tilespmem:$0x18200] =	vst v63  }
0x21c: {  	s23 =	sshll.u32 @!p2 s22, $0x7  }
0x21d: {  	s24 =	simm.s32 @!p2 $0x400;
	s23 =	sand.u32 @!p2 $0x1FFFFF80, s23  }
0x21e: {  	s25 =	simm.s32 @!p2 $0x7A1400;
	s26 =	simm.s32 @!p2 $0x2200;
	s23 =	sadd.s32 @!p2 s1, s23  }
0x21f: {  	[tilespmem:s26], [sflag:$0x2] =	stream.strided.gather @!p2 [hbm4b:s23+s24], $0x2000, s25, s24, $0x38;
	[tilespmem:$0x18200] =	vst v63  }
0x220: {  	p2 =	por p1, p0  }
0x221: {  	p2 =	sne.s32 @!p2 s21, $0x0  }
0x222: {  	p1 =	por @!p0 p2, p1  }
0x223: {  	p0 =	por p1, p0  }
0x224: {  	s21 =	sshll.u32 @!p0 s22, $0x7  }
0x225: {  	s22 =	simm.s32 @!p0 $0x400;
	s21 =	sand.u32 @!p0 $0x1FFFFF80, s21  }
0x226: {  	s23 =	simm.s32 @!p0 $0x7A1400;
	s24 =	simm.s32 @!p0 $0x200;
	s21 =	sadd.s32 @!p0 s1, s21  }
0x227: {  	[tilespmem:s24], [sflag:$0x1] =	stream.strided.gather @!p0 [hbm4b:s21+s22], $0x2000, s23, s22, $0x38;
	[tilespmem:$0x18200] =	vst v63  }
0x228: {  	p0 =	seq.s32 s19, $0x0  }
.Ltmp36:
0x229: {  	_ = 	snop;
	(pc) =	sbr.rel @p0 .LBB2_46-.Ltmp36, $1  }
0x22a: {  	_ =	sdelay $0x3  }
0x22b: {  	p0 =	seq.s32 s19, $0x2  }
.Ltmp37:
0x22c: {  	_ = 	snop;
	(pc) =	sbr.rel @p0 .LBB2_50-.Ltmp37, $1  }
0x22d: {  	_ =	sdelay $0x3  }
0x22e: {  	p0 =	sne.s32 s19, $0x1  }
.Ltmp38:
0x22f: {  	_ = 	snop;
	(pc) =	sbr.rel @p0 .LBB2_52-.Ltmp38, $1  }
0x230: {  	_ =	sdelay $0x3  }
.Ltmp39:
0x231: {  	(pc) =	sbr.rel .LBB2_51-.Ltmp39, $2  }
0x232: {  	_ =	sdelay $0x2  }
0x233: {  	s21 =	simm.s32 $0x2  }
.LBB2_50:
.Ltmp40:
0x234: {  	(pc) =	sbr.rel .LBB2_51-.Ltmp40, $2  }
0x235: {  	_ =	sdelay $0x2  }
0x236: {  	s21 =	simm.s32 $0x3  }
.LBB2_46:
0x237: {  	s21 =	simm.s32 $0x1  }
.LBB2_51:
0x238: {  	_ =	swait.ge [sflag:s21], $0x2000  }
0x239: {  	[sflag:s21] =	ssyncset.done $0x0  }
0x23a: {  	[sflag:s21] =	ssyncadd.s32 $0xFFFFE000  }
.LBB2_52:
0x23b: {  	v6 =	vbroadcast v4, $0x5  }
0x23c: {  	s19 =	sshll.u32 s19, $0xD  }
0x23d: {  	v6 =	vor.u32 s19, v6  }
0x23e: {  	v7 =	vor.u32 v0, v6;
	_ =	sdelay $0x4  }
0x23f: {  	v7 =	vld.idx.msk [tilespmem:v7+s10+$0x0], $0xffff  }
0x240: {  	v8 =	vor.u32 v1, v6  }
0x241: {  	(v2sf) =	vpush v5, $0x6;
	_ =	sdelay $0x2  }
0x242: {  	[tilespmem:s17+$0xFFFFFE80] =	vst v7  }
0x243: {  	v7 =	vld.idx.msk [tilespmem:v8+s10+$0x0], $0xffff  }
0x244: {  	v63 =	vor.u32 v2, v6;
	_ =	sdelay $0x3  }
0x245: {  	[tilespmem:s17+$0xFFFFFE90] =	vst v7  }
0x246: {  	v7 =	vld.idx.msk [tilespmem:v63+s10+$0x0], $0xffff  }
0x247: {  	v6 =	vor.u32 v3, v6;
	_ =	sdelay $0x3  }
0x248: {  	p0 =	seq.s32 s15, $0x2;
	s21 =	sadd.s32 $0x1, s15;
	s19 =	spop (v2sf);
	[tilespmem:s17+$0xFFFFFEA0] =	vst v7  }
0x249: {  	s21 =	simm.s32 @p0 $0x0;
	p0 =	seq.s32 s19, s18;
	v6 =	vld.idx.msk [tilespmem:v6+s10+$0x0], $0xffff  }
.Ltmp41:
0x24a: {  	_ = 	snop;
	(pc) =	sbr.rel @p0 .LBB2_60-.Ltmp41, $4  }
0x24b: {  	p1 =	sne.s32 s19, s18  }
0x24c: {  	s22 =	simm.s32 $0x1;
	s15 =	smov.u32 @p1 s21  }
0x24d: {  	s22 =	simm.s32 @!p1 $0x0;
	p1 =	seq.s32 s19, $0x1E84;
	s18 =	smov.u32 s15  }
0x24e: {  	s20 =	sadd.s32 s22, s20;
	s18 =	simm.s32 @p1 $0x3;
	[tilespmem:s17+$0xFFFFFEB0] =	vst v6  }
0x24f: {  	s22 =	sld [smem:s20+$0x2];
	p0 =	seq.s32 s21, $0x2;
	s21 =	sadd.s32 $0x1, s21  }
0x250: {  	s21 =	simm.s32 @p0 $0x0  }
0x251: {  	p0 =	seq.s32 s21, $0x2;
	s21 =	sadd.s32 $0x1, s21  }
0x252: {  	s21 =	simm.s32 @p0 $0x0;
	p0 =	seq.s32 s22, $0x1E84  }
0x253: {  	s21 =	simm.s32 @p0 $0x3  }
0x254: {  	p0 =	seq.s32 s21, $0x2  }
0x255: {  	s23 =	sshll.u32 @p0 s22, $0x7;
	s24 =	simm.s32 @p0 $0x400  }
0x256: {  	s25 =	simm.s32 @p0 $0x7A1400;
	p1 =	seq.s32 @!p0 s21, $0x1;
	s23 =	sand.u32 @p0 $0x1FFFFF80, s23  }
0x257: {  	s26 =	simm.s32 @p0 $0x4200;
	p2 =	por !p1, p0;
	s23 =	sadd.s32 @p0 s1, s23  }
0x258: {  	[tilespmem:s26], [sflag:$0x3] =	stream.strided.gather @p0 [hbm4b:s23+s24], $0x2000, s25, s24, $0x38;
	[tilespmem:$0x18200] =	vst v63  }
0x259: {  	s23 =	sshll.u32 @!p2 s22, $0x7  }
0x25a: {  	s24 =	simm.s32 @!p2 $0x400;
	s23 =	sand.u32 @!p2 $0x1FFFFF80, s23  }
0x25b: {  	s25 =	simm.s32 @!p2 $0x7A1400;
	s26 =	simm.s32 @!p2 $0x2200;
	s23 =	sadd.s32 @!p2 s1, s23  }
0x25c: {  	[tilespmem:s26], [sflag:$0x2] =	stream.strided.gather @!p2 [hbm4b:s23+s24], $0x2000, s25, s24, $0x38;
	[tilespmem:$0x18200] =	vst v63  }
0x25d: {  	p2 =	por p1, p0  }
0x25e: {  	p2 =	sne.s32 @!p2 s21, $0x0  }
0x25f: {  	p1 =	por @!p0 p2, p1  }
0x260: {  	p0 =	por p1, p0  }
0x261: {  	s21 =	sshll.u32 @!p0 s22, $0x7  }
0x262: {  	s22 =	simm.s32 @!p0 $0x400;
	s21 =	sand.u32 @!p0 $0x1FFFFF80, s21  }
0x263: {  	s23 =	simm.s32 @!p0 $0x7A1400;
	s24 =	simm.s32 @!p0 $0x200;
	s21 =	sadd.s32 @!p0 s1, s21  }
0x264: {  	[tilespmem:s24], [sflag:$0x1] =	stream.strided.gather @!p0 [hbm4b:s21+s22], $0x2000, s23, s22, $0x38;
	[tilespmem:$0x18200] =	vst v63  }
0x265: {  	p0 =	seq.s32 s18, $0x0  }
.Ltmp42:
0x266: {  	_ = 	snop;
	(pc) =	sbr.rel @p0 .LBB2_54-.Ltmp42, $1  }
0x267: {  	_ =	sdelay $0x3  }
0x268: {  	p0 =	seq.s32 s18, $0x2  }
.Ltmp43:
0x269: {  	_ = 	snop;
	(pc) =	sbr.rel @p0 .LBB2_58-.Ltmp43, $1  }
0x26a: {  	_ =	sdelay $0x3  }
0x26b: {  	p0 =	sne.s32 s18, $0x1  }
.Ltmp44:
0x26c: {  	_ = 	snop;
	(pc) =	sbr.rel @p0 .LBB2_60-.Ltmp44, $1  }
0x26d: {  	_ =	sdelay $0x3  }
.Ltmp45:
0x26e: {  	(pc) =	sbr.rel .LBB2_59-.Ltmp45, $2  }
0x26f: {  	_ =	sdelay $0x2  }
0x270: {  	s21 =	simm.s32 $0x2  }
.LBB2_58:
.Ltmp46:
0x271: {  	(pc) =	sbr.rel .LBB2_59-.Ltmp46, $2  }
0x272: {  	_ =	sdelay $0x2  }
0x273: {  	s21 =	simm.s32 $0x3  }
.LBB2_54:
0x274: {  	s21 =	simm.s32 $0x1  }
.LBB2_59:
0x275: {  	_ =	swait.ge [sflag:s21], $0x2000  }
0x276: {  	[sflag:s21] =	ssyncset.done $0x0  }
0x277: {  	[sflag:s21] =	ssyncadd.s32 $0xFFFFE000  }
.LBB2_60:
0x278: {  	v6 =	vbroadcast v4, $0x6  }
0x279: {  	s18 =	sshll.u32 s18, $0xD  }
0x27a: {  	v6 =	vor.u32 s18, v6  }
0x27b: {  	v7 =	vor.u32 v0, v6;
	_ =	sdelay $0x4  }
0x27c: {  	v7 =	vld.idx.msk [tilespmem:v7+s10+$0x0], $0xffff  }
0x27d: {  	v8 =	vor.u32 v1, v6  }
0x27e: {  	(v2sf) =	vpush v5, $0x7;
	_ =	sdelay $0x2  }
0x27f: {  	[tilespmem:s17+$0xFFFFFF00] =	vst v7  }
0x280: {  	v7 =	vld.idx.msk [tilespmem:v8+s10+$0x0], $0xffff  }
0x281: {  	v63 =	vor.u32 v2, v6;
	_ =	sdelay $0x3  }
0x282: {  	[tilespmem:s17+$0xFFFFFF10] =	vst v7  }
0x283: {  	v7 =	vld.idx.msk [tilespmem:v63+s10+$0x0], $0xffff  }
0x284: {  	v6 =	vor.u32 v3, v6;
	_ =	sdelay $0x3  }
0x285: {  	p0 =	seq.s32 s15, $0x2;
	s21 =	sadd.s32 $0x1, s15;
	s18 =	spop (v2sf);
	[tilespmem:s17+$0xFFFFFF20] =	vst v7  }
0x286: {  	s21 =	simm.s32 @p0 $0x0;
	p0 =	seq.s32 s18, s19;
	v6 =	vld.idx.msk [tilespmem:v6+s10+$0x0], $0xffff  }
.Ltmp47:
0x287: {  	_ = 	snop;
	(pc) =	sbr.rel @p0 .LBB2_68-.Ltmp47, $4  }
0x288: {  	p1 =	sne.s32 s18, s19  }
0x289: {  	s22 =	simm.s32 $0x1;
	s15 =	smov.u32 @p1 s21  }
0x28a: {  	s22 =	simm.s32 @!p1 $0x0;
	p1 =	seq.s32 s18, $0x1E84;
	s19 =	smov.u32 s15  }
0x28b: {  	s20 =	sadd.s32 s22, s20;
	s19 =	simm.s32 @p1 $0x3;
	[tilespmem:s17+$0xFFFFFF30] =	vst v6  }
0x28c: {  	s22 =	sld [smem:s20+$0x2];
	p0 =	seq.s32 s21, $0x2;
	s21 =	sadd.s32 $0x1, s21  }
0x28d: {  	s21 =	simm.s32 @p0 $0x0  }
0x28e: {  	p0 =	seq.s32 s21, $0x2;
	s21 =	sadd.s32 $0x1, s21  }
0x28f: {  	s21 =	simm.s32 @p0 $0x0;
	p0 =	seq.s32 s22, $0x1E84  }
0x290: {  	s21 =	simm.s32 @p0 $0x3  }
0x291: {  	p0 =	seq.s32 s21, $0x2  }
0x292: {  	s23 =	sshll.u32 @p0 s22, $0x7;
	s24 =	simm.s32 @p0 $0x400  }
0x293: {  	s25 =	simm.s32 @p0 $0x7A1400;
	p1 =	seq.s32 @!p0 s21, $0x1;
	s23 =	sand.u32 @p0 $0x1FFFFF80, s23  }
0x294: {  	s26 =	simm.s32 @p0 $0x4200;
	p2 =	por !p1, p0;
	s23 =	sadd.s32 @p0 s1, s23  }
0x295: {  	[tilespmem:s26], [sflag:$0x3] =	stream.strided.gather @p0 [hbm4b:s23+s24], $0x2000, s25, s24, $0x38;
	[tilespmem:$0x18200] =	vst v63  }
0x296: {  	s23 =	sshll.u32 @!p2 s22, $0x7  }
0x297: {  	s24 =	simm.s32 @!p2 $0x400;
	s23 =	sand.u32 @!p2 $0x1FFFFF80, s23  }
0x298: {  	s25 =	simm.s32 @!p2 $0x7A1400;
	s26 =	simm.s32 @!p2 $0x2200;
	s23 =	sadd.s32 @!p2 s1, s23  }
0x299: {  	[tilespmem:s26], [sflag:$0x2] =	stream.strided.gather @!p2 [hbm4b:s23+s24], $0x2000, s25, s24, $0x38;
	[tilespmem:$0x18200] =	vst v63  }
0x29a: {  	p2 =	por p1, p0  }
0x29b: {  	p2 =	sne.s32 @!p2 s21, $0x0  }
0x29c: {  	p1 =	por @!p0 p2, p1  }
0x29d: {  	p0 =	por p1, p0  }
0x29e: {  	s21 =	sshll.u32 @!p0 s22, $0x7  }
0x29f: {  	s22 =	simm.s32 @!p0 $0x400;
	s21 =	sand.u32 @!p0 $0x1FFFFF80, s21  }
0x2a0: {  	s23 =	simm.s32 @!p0 $0x7A1400;
	s24 =	simm.s32 @!p0 $0x200;
	s21 =	sadd.s32 @!p0 s1, s21  }
0x2a1: {  	[tilespmem:s24], [sflag:$0x1] =	stream.strided.gather @!p0 [hbm4b:s21+s22], $0x2000, s23, s22, $0x38;
	[tilespmem:$0x18200] =	vst v63  }
0x2a2: {  	p0 =	seq.s32 s19, $0x0  }
.Ltmp48:
0x2a3: {  	_ = 	snop;
	(pc) =	sbr.rel @p0 .LBB2_62-.Ltmp48, $1  }
0x2a4: {  	_ =	sdelay $0x3  }
0x2a5: {  	p0 =	seq.s32 s19, $0x2  }
.Ltmp49:
0x2a6: {  	_ = 	snop;
	(pc) =	sbr.rel @p0 .LBB2_66-.Ltmp49, $1  }
0x2a7: {  	_ =	sdelay $0x3  }
0x2a8: {  	p0 =	sne.s32 s19, $0x1  }
.Ltmp50:
0x2a9: {  	_ = 	snop;
	(pc) =	sbr.rel @p0 .LBB2_68-.Ltmp50, $1  }
0x2aa: {  	_ =	sdelay $0x3  }
.Ltmp51:
0x2ab: {  	(pc) =	sbr.rel .LBB2_67-.Ltmp51, $2  }
0x2ac: {  	_ =	sdelay $0x2  }
0x2ad: {  	s21 =	simm.s32 $0x2  }
.LBB2_66:
.Ltmp52:
0x2ae: {  	(pc) =	sbr.rel .LBB2_67-.Ltmp52, $2  }
0x2af: {  	_ =	sdelay $0x2  }
0x2b0: {  	s21 =	simm.s32 $0x3  }
.LBB2_62:
0x2b1: {  	s21 =	simm.s32 $0x1  }
.LBB2_67:
0x2b2: {  	_ =	swait.ge [sflag:s21], $0x2000  }
0x2b3: {  	[sflag:s21] =	ssyncset.done $0x0  }
0x2b4: {  	[sflag:s21] =	ssyncadd.s32 $0xFFFFE000  }
.LBB2_68:
0x2b5: {  	v6 =	vbroadcast v4, $0x7  }
0x2b6: {  	s19 =	sshll.u32 s19, $0xD  }
0x2b7: {  	v6 =	vor.u32 s19, v6  }
0x2b8: {  	v7 =	vor.u32 v0, v6;
	_ =	sdelay $0x4  }
0x2b9: {  	v7 =	vld.idx.msk [tilespmem:v7+s10+$0x0], $0xffff  }
0x2ba: {  	v8 =	vor.u32 v1, v6  }
0x2bb: {  	(v2sf) =	vpush v5, $0x8;
	_ =	sdelay $0x2  }
0x2bc: {  	[tilespmem:s17+$0xFFFFFF80] =	vst v7  }
0x2bd: {  	v7 =	vld.idx.msk [tilespmem:v8+s10+$0x0], $0xffff  }
0x2be: {  	v63 =	vor.u32 v2, v6;
	_ =	sdelay $0x3  }
0x2bf: {  	[tilespmem:s17+$0xFFFFFF90] =	vst v7  }
0x2c0: {  	v7 =	vld.idx.msk [tilespmem:v63+s10+$0x0], $0xffff  }
0x2c1: {  	v6 =	vor.u32 v3, v6;
	_ =	sdelay $0x3  }
0x2c2: {  	p0 =	seq.s32 s15, $0x2;
	s21 =	sadd.s32 $0x1, s15;
	s19 =	spop (v2sf);
	[tilespmem:s17+$0xFFFFFFA0] =	vst v7  }
0x2c3: {  	s21 =	simm.s32 @p0 $0x0;
	p0 =	seq.s32 s19, s18;
	v6 =	vld.idx.msk [tilespmem:v6+s10+$0x0], $0xffff  }
.Ltmp53:
0x2c4: {  	_ = 	snop;
	(pc) =	sbr.rel @p0 .LBB2_76-.Ltmp53, $4  }
0x2c5: {  	p1 =	sne.s32 s19, s18  }
0x2c6: {  	s22 =	simm.s32 $0x1;
	s15 =	smov.u32 @p1 s21  }
0x2c7: {  	s22 =	simm.s32 @!p1 $0x0;
	p1 =	seq.s32 s19, $0x1E84;
	s18 =	smov.u32 s15  }
0x2c8: {  	s20 =	sadd.s32 s22, s20;
	s18 =	simm.s32 @p1 $0x3;
	[tilespmem:s17+$0xFFFFFFB0] =	vst v6  }
0x2c9: {  	s22 =	sld [smem:s20+$0x2];
	p0 =	seq.s32 s21, $0x2;
	s21 =	sadd.s32 $0x1, s21  }
0x2ca: {  	s21 =	simm.s32 @p0 $0x0  }
0x2cb: {  	p0 =	seq.s32 s21, $0x2;
	s21 =	sadd.s32 $0x1, s21  }
0x2cc: {  	s21 =	simm.s32 @p0 $0x0;
	p0 =	seq.s32 s22, $0x1E84  }
0x2cd: {  	s21 =	simm.s32 @p0 $0x3  }
0x2ce: {  	p0 =	seq.s32 s21, $0x2  }
0x2cf: {  	s23 =	sshll.u32 @p0 s22, $0x7;
	s24 =	simm.s32 @p0 $0x400  }
0x2d0: {  	s25 =	simm.s32 @p0 $0x7A1400;
	p1 =	seq.s32 @!p0 s21, $0x1;
	s23 =	sand.u32 @p0 $0x1FFFFF80, s23  }
0x2d1: {  	s26 =	simm.s32 @p0 $0x4200;
	p2 =	por !p1, p0;
	s23 =	sadd.s32 @p0 s1, s23  }
0x2d2: {  	[tilespmem:s26], [sflag:$0x3] =	stream.strided.gather @p0 [hbm4b:s23+s24], $0x2000, s25, s24, $0x38;
	[tilespmem:$0x18200] =	vst v63  }
0x2d3: {  	s23 =	sshll.u32 @!p2 s22, $0x7  }
0x2d4: {  	s24 =	simm.s32 @!p2 $0x400;
	s23 =	sand.u32 @!p2 $0x1FFFFF80, s23  }
0x2d5: {  	s25 =	simm.s32 @!p2 $0x7A1400;
	s26 =	simm.s32 @!p2 $0x2200;
	s23 =	sadd.s32 @!p2 s1, s23  }
0x2d6: {  	[tilespmem:s26], [sflag:$0x2] =	stream.strided.gather @!p2 [hbm4b:s23+s24], $0x2000, s25, s24, $0x38;
	[tilespmem:$0x18200] =	vst v63  }
0x2d7: {  	p2 =	por p1, p0  }
0x2d8: {  	p2 =	sne.s32 @!p2 s21, $0x0  }
0x2d9: {  	p1 =	por @!p0 p2, p1  }
0x2da: {  	p0 =	por p1, p0  }
0x2db: {  	s21 =	sshll.u32 @!p0 s22, $0x7  }
0x2dc: {  	s22 =	simm.s32 @!p0 $0x400;
	s21 =	sand.u32 @!p0 $0x1FFFFF80, s21  }
0x2dd: {  	s23 =	simm.s32 @!p0 $0x7A1400;
	s24 =	simm.s32 @!p0 $0x200;
	s21 =	sadd.s32 @!p0 s1, s21  }
0x2de: {  	[tilespmem:s24], [sflag:$0x1] =	stream.strided.gather @!p0 [hbm4b:s21+s22], $0x2000, s23, s22, $0x38;
	[tilespmem:$0x18200] =	vst v63  }
0x2df: {  	p0 =	seq.s32 s18, $0x0  }
.Ltmp54:
0x2e0: {  	_ = 	snop;
	(pc) =	sbr.rel @p0 .LBB2_70-.Ltmp54, $1  }
0x2e1: {  	_ =	sdelay $0x3  }
0x2e2: {  	p0 =	seq.s32 s18, $0x2  }
.Ltmp55:
0x2e3: {  	_ = 	snop;
	(pc) =	sbr.rel @p0 .LBB2_74-.Ltmp55, $1  }
0x2e4: {  	_ =	sdelay $0x3  }
0x2e5: {  	p0 =	sne.s32 s18, $0x1  }
.Ltmp56:
0x2e6: {  	_ = 	snop;
	(pc) =	sbr.rel @p0 .LBB2_76-.Ltmp56, $1  }
0x2e7: {  	_ =	sdelay $0x3  }
.Ltmp57:
0x2e8: {  	(pc) =	sbr.rel .LBB2_75-.Ltmp57, $2  }
0x2e9: {  	_ =	sdelay $0x2  }
0x2ea: {  	s21 =	simm.s32 $0x2  }
.LBB2_74:
.Ltmp58:
0x2eb: {  	(pc) =	sbr.rel .LBB2_75-.Ltmp58, $2  }
0x2ec: {  	_ =	sdelay $0x2  }
0x2ed: {  	s21 =	simm.s32 $0x3  }
.LBB2_70:
0x2ee: {  	s21 =	simm.s32 $0x1  }
.LBB2_75:
0x2ef: {  	_ =	swait.ge [sflag:s21], $0x2000  }
0x2f0: {  	[sflag:s21] =	ssyncset.done $0x0  }
0x2f1: {  	[sflag:s21] =	ssyncadd.s32 $0xFFFFE000  }
.LBB2_76:
0x2f2: {  	v6 =	vbroadcast v4, $0x8  }
0x2f3: {  	s18 =	sshll.u32 s18, $0xD  }
0x2f4: {  	v6 =	vor.u32 s18, v6  }
0x2f5: {  	v7 =	vor.u32 v0, v6;
	_ =	sdelay $0x4  }
0x2f6: {  	v7 =	vld.idx.msk [tilespmem:v7+s10+$0x0], $0xffff  }
0x2f7: {  	v8 =	vor.u32 v1, v6  }
0x2f8: {  	(v2sf) =	vpush v5, $0x9;
	_ =	sdelay $0x2  }
0x2f9: {  	[tilespmem:s17+$0x0] =	vst v7  }
0x2fa: {  	v7 =	vld.idx.msk [tilespmem:v8+s10+$0x0], $0xffff  }
0x2fb: {  	v63 =	vor.u32 v2, v6;
	_ =	sdelay $0x3  }
0x2fc: {  	[tilespmem:s17+$0x10] =	vst v7  }
0x2fd: {  	v7 =	vld.idx.msk [tilespmem:v63+s10+$0x0], $0xffff  }
0x2fe: {  	v6 =	vor.u32 v3, v6;
	_ =	sdelay $0x3  }
0x2ff: {  	p0 =	seq.s32 s15, $0x2;
	s21 =	sadd.s32 $0x1, s15;
	s18 =	spop (v2sf);
	[tilespmem:s17+$0x20] =	vst v7  }
0x300: {  	s21 =	simm.s32 @p0 $0x0;
	p0 =	seq.s32 s18, s19;
	v6 =	vld.idx.msk [tilespmem:v6+s10+$0x0], $0xffff  }
.Ltmp59:
0x301: {  	_ = 	snop;
	(pc) =	sbr.rel @p0 .LBB2_84-.Ltmp59, $4  }
0x302: {  	p1 =	sne.s32 s18, s19  }
0x303: {  	s22 =	simm.s32 $0x1;
	s15 =	smov.u32 @p1 s21  }
0x304: {  	s22 =	simm.s32 @!p1 $0x0;
	p1 =	seq.s32 s18, $0x1E84;
	s19 =	smov.u32 s15  }
0x305: {  	s20 =	sadd.s32 s22, s20;
	s19 =	simm.s32 @p1 $0x3;
	[tilespmem:s17+$0x30] =	vst v6  }
0x306: {  	s22 =	sld [smem:s20+$0x2];
	p0 =	seq.s32 s21, $0x2;
	s21 =	sadd.s32 $0x1, s21  }
0x307: {  	s21 =	simm.s32 @p0 $0x0  }
0x308: {  	p0 =	seq.s32 s21, $0x2;
	s21 =	sadd.s32 $0x1, s21  }
0x309: {  	s21 =	simm.s32 @p0 $0x0;
	p0 =	seq.s32 s22, $0x1E84  }
0x30a: {  	s21 =	simm.s32 @p0 $0x3  }
0x30b: {  	p0 =	seq.s32 s21, $0x2  }
0x30c: {  	s23 =	sshll.u32 @p0 s22, $0x7;
	s24 =	simm.s32 @p0 $0x400  }
0x30d: {  	s25 =	simm.s32 @p0 $0x7A1400;
	p1 =	seq.s32 @!p0 s21, $0x1;
	s23 =	sand.u32 @p0 $0x1FFFFF80, s23  }
0x30e: {  	s26 =	simm.s32 @p0 $0x4200;
	p2 =	por !p1, p0;
	s23 =	sadd.s32 @p0 s1, s23  }
0x30f: {  	[tilespmem:s26], [sflag:$0x3] =	stream.strided.gather @p0 [hbm4b:s23+s24], $0x2000, s25, s24, $0x38;
	[tilespmem:$0x18200] =	vst v63  }
0x310: {  	s23 =	sshll.u32 @!p2 s22, $0x7  }
0x311: {  	s24 =	simm.s32 @!p2 $0x400;
	s23 =	sand.u32 @!p2 $0x1FFFFF80, s23  }
0x312: {  	s25 =	simm.s32 @!p2 $0x7A1400;
	s26 =	simm.s32 @!p2 $0x2200;
	s23 =	sadd.s32 @!p2 s1, s23  }
0x313: {  	[tilespmem:s26], [sflag:$0x2] =	stream.strided.gather @!p2 [hbm4b:s23+s24], $0x2000, s25, s24, $0x38;
	[tilespmem:$0x18200] =	vst v63  }
0x314: {  	p2 =	por p1, p0  }
0x315: {  	p2 =	sne.s32 @!p2 s21, $0x0  }
0x316: {  	p1 =	por @!p0 p2, p1  }
0x317: {  	p0 =	por p1, p0  }
0x318: {  	s21 =	sshll.u32 @!p0 s22, $0x7  }
0x319: {  	s22 =	simm.s32 @!p0 $0x400;
	s21 =	sand.u32 @!p0 $0x1FFFFF80, s21  }
0x31a: {  	s23 =	simm.s32 @!p0 $0x7A1400;
	s24 =	simm.s32 @!p0 $0x200;
	s21 =	sadd.s32 @!p0 s1, s21  }
0x31b: {  	[tilespmem:s24], [sflag:$0x1] =	stream.strided.gather @!p0 [hbm4b:s21+s22], $0x2000, s23, s22, $0x38;
	[tilespmem:$0x18200] =	vst v63  }
0x31c: {  	p0 =	seq.s32 s19, $0x0  }
.Ltmp60:
0x31d: {  	_ = 	snop;
	(pc) =	sbr.rel @p0 .LBB2_78-.Ltmp60, $1  }
0x31e: {  	_ =	sdelay $0x3  }
0x31f: {  	p0 =	seq.s32 s19, $0x2  }
.Ltmp61:
0x320: {  	_ = 	snop;
	(pc) =	sbr.rel @p0 .LBB2_82-.Ltmp61, $1  }
0x321: {  	_ =	sdelay $0x3  }
0x322: {  	p0 =	sne.s32 s19, $0x1  }
.Ltmp62:
0x323: {  	_ = 	snop;
	(pc) =	sbr.rel @p0 .LBB2_84-.Ltmp62, $1  }
0x324: {  	_ =	sdelay $0x3  }
.Ltmp63:
0x325: {  	(pc) =	sbr.rel .LBB2_83-.Ltmp63, $2  }
0x326: {  	_ =	sdelay $0x2  }
0x327: {  	s21 =	simm.s32 $0x2  }
.LBB2_82:
.Ltmp64:
0x328: {  	(pc) =	sbr.rel .LBB2_83-.Ltmp64, $2  }
0x329: {  	_ =	sdelay $0x2  }
0x32a: {  	s21 =	simm.s32 $0x3  }
.LBB2_78:
0x32b: {  	s21 =	simm.s32 $0x1  }
.LBB2_83:
0x32c: {  	_ =	swait.ge [sflag:s21], $0x2000  }
0x32d: {  	[sflag:s21] =	ssyncset.done $0x0  }
0x32e: {  	[sflag:s21] =	ssyncadd.s32 $0xFFFFE000  }
.LBB2_84:
0x32f: {  	v6 =	vbroadcast v4, $0x9  }
0x330: {  	s19 =	sshll.u32 s19, $0xD  }
0x331: {  	v6 =	vor.u32 s19, v6  }
0x332: {  	v7 =	vor.u32 v0, v6;
	_ =	sdelay $0x4  }
0x333: {  	v7 =	vld.idx.msk [tilespmem:v7+s10+$0x0], $0xffff  }
0x334: {  	v8 =	vor.u32 v1, v6  }
0x335: {  	(v2sf) =	vpush v5, $0xA;
	_ =	sdelay $0x2  }
0x336: {  	[tilespmem:s17+$0x80] =	vst v7  }
0x337: {  	v7 =	vld.idx.msk [tilespmem:v8+s10+$0x0], $0xffff  }
0x338: {  	v63 =	vor.u32 v2, v6;
	_ =	sdelay $0x3  }
0x339: {  	[tilespmem:s17+$0x90] =	vst v7  }
0x33a: {  	v7 =	vld.idx.msk [tilespmem:v63+s10+$0x0], $0xffff  }
0x33b: {  	v6 =	vor.u32 v3, v6;
	_ =	sdelay $0x3  }
0x33c: {  	p0 =	seq.s32 s15, $0x2;
	s21 =	sadd.s32 $0x1, s15;
	s19 =	spop (v2sf);
	[tilespmem:s17+$0xA0] =	vst v7  }
0x33d: {  	s21 =	simm.s32 @p0 $0x0;
	p0 =	seq.s32 s19, s18;
	v6 =	vld.idx.msk [tilespmem:v6+s10+$0x0], $0xffff  }
.Ltmp65:
0x33e: {  	_ = 	snop;
	(pc) =	sbr.rel @p0 .LBB2_92-.Ltmp65, $4  }
0x33f: {  	p1 =	sne.s32 s19, s18  }
0x340: {  	s22 =	simm.s32 $0x1;
	s15 =	smov.u32 @p1 s21  }
0x341: {  	s22 =	simm.s32 @!p1 $0x0;
	p1 =	seq.s32 s19, $0x1E84;
	s18 =	smov.u32 s15  }
0x342: {  	s20 =	sadd.s32 s22, s20;
	s18 =	simm.s32 @p1 $0x3;
	[tilespmem:s17+$0xB0] =	vst v6  }
0x343: {  	s22 =	sld [smem:s20+$0x2];
	p0 =	seq.s32 s21, $0x2;
	s21 =	sadd.s32 $0x1, s21  }
0x344: {  	s21 =	simm.s32 @p0 $0x0  }
0x345: {  	p0 =	seq.s32 s21, $0x2;
	s21 =	sadd.s32 $0x1, s21  }
0x346: {  	s21 =	simm.s32 @p0 $0x0;
	p0 =	seq.s32 s22, $0x1E84  }
0x347: {  	s21 =	simm.s32 @p0 $0x3  }
0x348: {  	p0 =	seq.s32 s21, $0x2  }
0x349: {  	s23 =	sshll.u32 @p0 s22, $0x7;
	s24 =	simm.s32 @p0 $0x400  }
0x34a: {  	s25 =	simm.s32 @p0 $0x7A1400;
	p1 =	seq.s32 @!p0 s21, $0x1;
	s23 =	sand.u32 @p0 $0x1FFFFF80, s23  }
0x34b: {  	s26 =	simm.s32 @p0 $0x4200;
	p2 =	por !p1, p0;
	s23 =	sadd.s32 @p0 s1, s23  }
0x34c: {  	[tilespmem:s26], [sflag:$0x3] =	stream.strided.gather @p0 [hbm4b:s23+s24], $0x2000, s25, s24, $0x38;
	[tilespmem:$0x18200] =	vst v63  }
0x34d: {  	s23 =	sshll.u32 @!p2 s22, $0x7  }
0x34e: {  	s24 =	simm.s32 @!p2 $0x400;
	s23 =	sand.u32 @!p2 $0x1FFFFF80, s23  }
0x34f: {  	s25 =	simm.s32 @!p2 $0x7A1400;
	s26 =	simm.s32 @!p2 $0x2200;
	s23 =	sadd.s32 @!p2 s1, s23  }
0x350: {  	[tilespmem:s26], [sflag:$0x2] =	stream.strided.gather @!p2 [hbm4b:s23+s24], $0x2000, s25, s24, $0x38;
	[tilespmem:$0x18200] =	vst v63  }
0x351: {  	p2 =	por p1, p0  }
0x352: {  	p2 =	sne.s32 @!p2 s21, $0x0  }
0x353: {  	p1 =	por @!p0 p2, p1  }
0x354: {  	p0 =	por p1, p0  }
0x355: {  	s21 =	sshll.u32 @!p0 s22, $0x7  }
0x356: {  	s22 =	simm.s32 @!p0 $0x400;
	s21 =	sand.u32 @!p0 $0x1FFFFF80, s21  }
0x357: {  	s23 =	simm.s32 @!p0 $0x7A1400;
	s24 =	simm.s32 @!p0 $0x200;
	s21 =	sadd.s32 @!p0 s1, s21  }
0x358: {  	[tilespmem:s24], [sflag:$0x1] =	stream.strided.gather @!p0 [hbm4b:s21+s22], $0x2000, s23, s22, $0x38;
	[tilespmem:$0x18200] =	vst v63  }
0x359: {  	p0 =	seq.s32 s18, $0x0  }
.Ltmp66:
0x35a: {  	_ = 	snop;
	(pc) =	sbr.rel @p0 .LBB2_86-.Ltmp66, $1  }
0x35b: {  	_ =	sdelay $0x3  }
0x35c: {  	p0 =	seq.s32 s18, $0x2  }
.Ltmp67:
0x35d: {  	_ = 	snop;
	(pc) =	sbr.rel @p0 .LBB2_90-.Ltmp67, $1  }
0x35e: {  	_ =	sdelay $0x3  }
0x35f: {  	p0 =	sne.s32 s18, $0x1  }
.Ltmp68:
0x360: {  	_ = 	snop;
	(pc) =	sbr.rel @p0 .LBB2_92-.Ltmp68, $1  }
0x361: {  	_ =	sdelay $0x3  }
.Ltmp69:
0x362: {  	(pc) =	sbr.rel .LBB2_91-.Ltmp69, $2  }
0x363: {  	_ =	sdelay $0x2  }
0x364: {  	s21 =	simm.s32 $0x2  }
.LBB2_90:
.Ltmp70:
0x365: {  	(pc) =	sbr.rel .LBB2_91-.Ltmp70, $2  }
0x366: {  	_ =	sdelay $0x2  }
0x367: {  	s21 =	simm.s32 $0x3  }
.LBB2_86:
0x368: {  	s21 =	simm.s32 $0x1  }
.LBB2_91:
0x369: {  	_ =	swait.ge [sflag:s21], $0x2000  }
0x36a: {  	[sflag:s21] =	ssyncset.done $0x0  }
0x36b: {  	[sflag:s21] =	ssyncadd.s32 $0xFFFFE000  }
.LBB2_92:
0x36c: {  	v6 =	vbroadcast v4, $0xA  }
0x36d: {  	s18 =	sshll.u32 s18, $0xD  }
0x36e: {  	v6 =	vor.u32 s18, v6  }
0x36f: {  	v7 =	vor.u32 v0, v6;
	_ =	sdelay $0x4  }
0x370: {  	v7 =	vld.idx.msk [tilespmem:v7+s10+$0x0], $0xffff  }
0x371: {  	v8 =	vor.u32 v1, v6  }
0x372: {  	(v2sf) =	vpush v5, $0xB;
	_ =	sdelay $0x2  }
0x373: {  	[tilespmem:s17+$0x100] =	vst v7  }
0x374: {  	v7 =	vld.idx.msk [tilespmem:v8+s10+$0x0], $0xffff  }
0x375: {  	v63 =	vor.u32 v2, v6;
	_ =	sdelay $0x3  }
0x376: {  	[tilespmem:s17+$0x110] =	vst v7  }
0x377: {  	v7 =	vld.idx.msk [tilespmem:v63+s10+$0x0], $0xffff  }
0x378: {  	v6 =	vor.u32 v3, v6;
	_ =	sdelay $0x3  }
0x379: {  	p0 =	seq.s32 s15, $0x2;
	s21 =	sadd.s32 $0x1, s15;
	s18 =	spop (v2sf);
	[tilespmem:s17+$0x120] =	vst v7  }
0x37a: {  	s21 =	simm.s32 @p0 $0x0;
	p0 =	seq.s32 s18, s19;
	v6 =	vld.idx.msk [tilespmem:v6+s10+$0x0], $0xffff  }
.Ltmp71:
0x37b: {  	_ = 	snop;
	(pc) =	sbr.rel @p0 .LBB2_100-.Ltmp71, $4  }
0x37c: {  	p1 =	sne.s32 s18, s19  }
0x37d: {  	s22 =	simm.s32 $0x1;
	s15 =	smov.u32 @p1 s21  }
0x37e: {  	s22 =	simm.s32 @!p1 $0x0;
	p1 =	seq.s32 s18, $0x1E84;
	s19 =	smov.u32 s15  }
0x37f: {  	s20 =	sadd.s32 s22, s20;
	s19 =	simm.s32 @p1 $0x3;
	[tilespmem:s17+$0x130] =	vst v6  }
0x380: {  	s22 =	sld [smem:s20+$0x2];
	p0 =	seq.s32 s21, $0x2;
	s21 =	sadd.s32 $0x1, s21  }
0x381: {  	s21 =	simm.s32 @p0 $0x0  }
0x382: {  	p0 =	seq.s32 s21, $0x2;
	s21 =	sadd.s32 $0x1, s21  }
0x383: {  	s21 =	simm.s32 @p0 $0x0;
	p0 =	seq.s32 s22, $0x1E84  }
0x384: {  	s21 =	simm.s32 @p0 $0x3  }
0x385: {  	p0 =	seq.s32 s21, $0x2  }
0x386: {  	s23 =	sshll.u32 @p0 s22, $0x7;
	s24 =	simm.s32 @p0 $0x400  }
0x387: {  	s25 =	simm.s32 @p0 $0x7A1400;
	p1 =	seq.s32 @!p0 s21, $0x1;
	s23 =	sand.u32 @p0 $0x1FFFFF80, s23  }
0x388: {  	s26 =	simm.s32 @p0 $0x4200;
	p2 =	por !p1, p0;
	s23 =	sadd.s32 @p0 s1, s23  }
0x389: {  	[tilespmem:s26], [sflag:$0x3] =	stream.strided.gather @p0 [hbm4b:s23+s24], $0x2000, s25, s24, $0x38;
	[tilespmem:$0x18200] =	vst v63  }
0x38a: {  	s23 =	sshll.u32 @!p2 s22, $0x7  }
0x38b: {  	s24 =	simm.s32 @!p2 $0x400;
	s23 =	sand.u32 @!p2 $0x1FFFFF80, s23  }
0x38c: {  	s25 =	simm.s32 @!p2 $0x7A1400;
	s26 =	simm.s32 @!p2 $0x2200;
	s23 =	sadd.s32 @!p2 s1, s23  }
0x38d: {  	[tilespmem:s26], [sflag:$0x2] =	stream.strided.gather @!p2 [hbm4b:s23+s24], $0x2000, s25, s24, $0x38;
	[tilespmem:$0x18200] =	vst v63  }
0x38e: {  	p2 =	por p1, p0  }
0x38f: {  	p2 =	sne.s32 @!p2 s21, $0x0  }
0x390: {  	p1 =	por @!p0 p2, p1  }
0x391: {  	p0 =	por p1, p0  }
0x392: {  	s21 =	sshll.u32 @!p0 s22, $0x7  }
0x393: {  	s22 =	simm.s32 @!p0 $0x400;
	s21 =	sand.u32 @!p0 $0x1FFFFF80, s21  }
0x394: {  	s23 =	simm.s32 @!p0 $0x7A1400;
	s24 =	simm.s32 @!p0 $0x200;
	s21 =	sadd.s32 @!p0 s1, s21  }
0x395: {  	[tilespmem:s24], [sflag:$0x1] =	stream.strided.gather @!p0 [hbm4b:s21+s22], $0x2000, s23, s22, $0x38;
	[tilespmem:$0x18200] =	vst v63  }
0x396: {  	p0 =	seq.s32 s19, $0x0  }
.Ltmp72:
0x397: {  	_ = 	snop;
	(pc) =	sbr.rel @p0 .LBB2_94-.Ltmp72, $1  }
0x398: {  	_ =	sdelay $0x3  }
0x399: {  	p0 =	seq.s32 s19, $0x2  }
.Ltmp73:
0x39a: {  	_ = 	snop;
	(pc) =	sbr.rel @p0 .LBB2_98-.Ltmp73, $1  }
0x39b: {  	_ =	sdelay $0x3  }
0x39c: {  	p0 =	sne.s32 s19, $0x1  }
.Ltmp74:
0x39d: {  	_ = 	snop;
	(pc) =	sbr.rel @p0 .LBB2_100-.Ltmp74, $1  }
0x39e: {  	_ =	sdelay $0x3  }
.Ltmp75:
0x39f: {  	(pc) =	sbr.rel .LBB2_99-.Ltmp75, $2  }
0x3a0: {  	_ =	sdelay $0x2  }
0x3a1: {  	s21 =	simm.s32 $0x2  }
.LBB2_98:
.Ltmp76:
0x3a2: {  	(pc) =	sbr.rel .LBB2_99-.Ltmp76, $2  }
0x3a3: {  	_ =	sdelay $0x2  }
0x3a4: {  	s21 =	simm.s32 $0x3  }
.LBB2_94:
0x3a5: {  	s21 =	simm.s32 $0x1  }
.LBB2_99:
0x3a6: {  	_ =	swait.ge [sflag:s21], $0x2000  }
0x3a7: {  	[sflag:s21] =	ssyncset.done $0x0  }
0x3a8: {  	[sflag:s21] =	ssyncadd.s32 $0xFFFFE000  }
.LBB2_100:
0x3a9: {  	v6 =	vbroadcast v4, $0xB  }
0x3aa: {  	s19 =	sshll.u32 s19, $0xD  }
0x3ab: {  	v6 =	vor.u32 s19, v6  }
0x3ac: {  	v7 =	vor.u32 v0, v6;
	_ =	sdelay $0x4  }
0x3ad: {  	v7 =	vld.idx.msk [tilespmem:v7+s10+$0x0], $0xffff  }
0x3ae: {  	v8 =	vor.u32 v1, v6  }
0x3af: {  	(v2sf) =	vpush v5, $0xC;
	_ =	sdelay $0x2  }
0x3b0: {  	[tilespmem:s17+$0x180] =	vst v7  }
0x3b1: {  	v7 =	vld.idx.msk [tilespmem:v8+s10+$0x0], $0xffff  }
0x3b2: {  	v63 =	vor.u32 v2, v6;
	_ =	sdelay $0x3  }
0x3b3: {  	[tilespmem:s17+$0x190] =	vst v7  }
0x3b4: {  	v7 =	vld.idx.msk [tilespmem:v63+s10+$0x0], $0xffff  }
0x3b5: {  	v6 =	vor.u32 v3, v6;
	_ =	sdelay $0x3  }
0x3b6: {  	p0 =	seq.s32 s15, $0x2;
	s21 =	sadd.s32 $0x1, s15;
	s19 =	spop (v2sf);
	[tilespmem:s17+$0x1A0] =	vst v7  }
0x3b7: {  	s21 =	simm.s32 @p0 $0x0;
	p0 =	seq.s32 s19, s18;
	v6 =	vld.idx.msk [tilespmem:v6+s10+$0x0], $0xffff  }
.Ltmp77:
0x3b8: {  	_ = 	snop;
	(pc) =	sbr.rel @p0 .LBB2_108-.Ltmp77, $4  }
0x3b9: {  	p1 =	sne.s32 s19, s18  }
0x3ba: {  	s22 =	simm.s32 $0x1;
	s15 =	smov.u32 @p1 s21  }
0x3bb: {  	s22 =	simm.s32 @!p1 $0x0;
	p1 =	seq.s32 s19, $0x1E84;
	s18 =	smov.u32 s15  }
0x3bc: {  	s20 =	sadd.s32 s22, s20;
	s18 =	simm.s32 @p1 $0x3;
	[tilespmem:s17+$0x1B0] =	vst v6  }
0x3bd: {  	s22 =	sld [smem:s20+$0x2];
	p0 =	seq.s32 s21, $0x2;
	s21 =	sadd.s32 $0x1, s21  }
0x3be: {  	s21 =	simm.s32 @p0 $0x0  }
0x3bf: {  	p0 =	seq.s32 s21, $0x2;
	s21 =	sadd.s32 $0x1, s21  }
0x3c0: {  	s21 =	simm.s32 @p0 $0x0;
	p0 =	seq.s32 s22, $0x1E84  }
0x3c1: {  	s21 =	simm.s32 @p0 $0x3  }
0x3c2: {  	p0 =	seq.s32 s21, $0x2  }
0x3c3: {  	s23 =	sshll.u32 @p0 s22, $0x7;
	s24 =	simm.s32 @p0 $0x400  }
0x3c4: {  	s25 =	simm.s32 @p0 $0x7A1400;
	p1 =	seq.s32 @!p0 s21, $0x1;
	s23 =	sand.u32 @p0 $0x1FFFFF80, s23  }
0x3c5: {  	s26 =	simm.s32 @p0 $0x4200;
	p2 =	por !p1, p0;
	s23 =	sadd.s32 @p0 s1, s23  }
0x3c6: {  	[tilespmem:s26], [sflag:$0x3] =	stream.strided.gather @p0 [hbm4b:s23+s24], $0x2000, s25, s24, $0x38;
	[tilespmem:$0x18200] =	vst v63  }
0x3c7: {  	s23 =	sshll.u32 @!p2 s22, $0x7  }
0x3c8: {  	s24 =	simm.s32 @!p2 $0x400;
	s23 =	sand.u32 @!p2 $0x1FFFFF80, s23  }
0x3c9: {  	s25 =	simm.s32 @!p2 $0x7A1400;
	s26 =	simm.s32 @!p2 $0x2200;
	s23 =	sadd.s32 @!p2 s1, s23  }
0x3ca: {  	[tilespmem:s26], [sflag:$0x2] =	stream.strided.gather @!p2 [hbm4b:s23+s24], $0x2000, s25, s24, $0x38;
	[tilespmem:$0x18200] =	vst v63  }
0x3cb: {  	p2 =	por p1, p0  }
0x3cc: {  	p2 =	sne.s32 @!p2 s21, $0x0  }
0x3cd: {  	p1 =	por @!p0 p2, p1  }
0x3ce: {  	p0 =	por p1, p0  }
0x3cf: {  	s21 =	sshll.u32 @!p0 s22, $0x7  }
0x3d0: {  	s22 =	simm.s32 @!p0 $0x400;
	s21 =	sand.u32 @!p0 $0x1FFFFF80, s21  }
0x3d1: {  	s23 =	simm.s32 @!p0 $0x7A1400;
	s24 =	simm.s32 @!p0 $0x200;
	s21 =	sadd.s32 @!p0 s1, s21  }
0x3d2: {  	[tilespmem:s24], [sflag:$0x1] =	stream.strided.gather @!p0 [hbm4b:s21+s22], $0x2000, s23, s22, $0x38;
	[tilespmem:$0x18200] =	vst v63  }
0x3d3: {  	p0 =	seq.s32 s18, $0x0  }
.Ltmp78:
0x3d4: {  	_ = 	snop;
	(pc) =	sbr.rel @p0 .LBB2_102-.Ltmp78, $1  }
0x3d5: {  	_ =	sdelay $0x3  }
0x3d6: {  	p0 =	seq.s32 s18, $0x2  }
.Ltmp79:
0x3d7: {  	_ = 	snop;
	(pc) =	sbr.rel @p0 .LBB2_106-.Ltmp79, $1  }
0x3d8: {  	_ =	sdelay $0x3  }
0x3d9: {  	p0 =	sne.s32 s18, $0x1  }
.Ltmp80:
0x3da: {  	_ = 	snop;
	(pc) =	sbr.rel @p0 .LBB2_108-.Ltmp80, $1  }
0x3db: {  	_ =	sdelay $0x3  }
.Ltmp81:
0x3dc: {  	(pc) =	sbr.rel .LBB2_107-.Ltmp81, $2  }
0x3dd: {  	_ =	sdelay $0x2  }
0x3de: {  	s21 =	simm.s32 $0x2  }
.LBB2_106:
.Ltmp82:
0x3df: {  	(pc) =	sbr.rel .LBB2_107-.Ltmp82, $2  }
0x3e0: {  	_ =	sdelay $0x2  }
0x3e1: {  	s21 =	simm.s32 $0x3  }
.LBB2_102:
0x3e2: {  	s21 =	simm.s32 $0x1  }
.LBB2_107:
0x3e3: {  	_ =	swait.ge [sflag:s21], $0x2000  }
0x3e4: {  	[sflag:s21] =	ssyncset.done $0x0  }
0x3e5: {  	[sflag:s21] =	ssyncadd.s32 $0xFFFFE000  }
.LBB2_108:
0x3e6: {  	v6 =	vbroadcast v4, $0xC  }
0x3e7: {  	s18 =	sshll.u32 s18, $0xD  }
0x3e8: {  	v6 =	vor.u32 s18, v6  }
0x3e9: {  	v7 =	vor.u32 v0, v6;
	_ =	sdelay $0x4  }
0x3ea: {  	v7 =	vld.idx.msk [tilespmem:v7+s10+$0x0], $0xffff  }
0x3eb: {  	v8 =	vor.u32 v1, v6  }
0x3ec: {  	(v2sf) =	vpush v5, $0xD;
	_ =	sdelay $0x2  }
0x3ed: {  	[tilespmem:s17+$0x200] =	vst v7  }
0x3ee: {  	v7 =	vld.idx.msk [tilespmem:v8+s10+$0x0], $0xffff  }
0x3ef: {  	v63 =	vor.u32 v2, v6;
	_ =	sdelay $0x3  }
0x3f0: {  	[tilespmem:s17+$0x210] =	vst v7  }
0x3f1: {  	v7 =	vld.idx.msk [tilespmem:v63+s10+$0x0], $0xffff  }
0x3f2: {  	v6 =	vor.u32 v3, v6;
	_ =	sdelay $0x3  }
0x3f3: {  	p0 =	seq.s32 s15, $0x2;
	s21 =	sadd.s32 $0x1, s15;
	s18 =	spop (v2sf);
	[tilespmem:s17+$0x220] =	vst v7  }
0x3f4: {  	s21 =	simm.s32 @p0 $0x0;
	p0 =	seq.s32 s18, s19;
	v6 =	vld.idx.msk [tilespmem:v6+s10+$0x0], $0xffff  }
.Ltmp83:
0x3f5: {  	_ = 	snop;
	(pc) =	sbr.rel @p0 .LBB2_116-.Ltmp83, $4  }
0x3f6: {  	p1 =	sne.s32 s18, s19  }
0x3f7: {  	s22 =	simm.s32 $0x1;
	s15 =	smov.u32 @p1 s21  }
0x3f8: {  	s22 =	simm.s32 @!p1 $0x0;
	p1 =	seq.s32 s18, $0x1E84;
	s19 =	smov.u32 s15  }
0x3f9: {  	s20 =	sadd.s32 s22, s20;
	s19 =	simm.s32 @p1 $0x3;
	[tilespmem:s17+$0x230] =	vst v6  }
0x3fa: {  	s22 =	sld [smem:s20+$0x2];
	p0 =	seq.s32 s21, $0x2;
	s21 =	sadd.s32 $0x1, s21  }
0x3fb: {  	s21 =	simm.s32 @p0 $0x0  }
0x3fc: {  	p0 =	seq.s32 s21, $0x2;
	s21 =	sadd.s32 $0x1, s21  }
0x3fd: {  	s21 =	simm.s32 @p0 $0x0;
	p0 =	seq.s32 s22, $0x1E84  }
0x3fe: {  	s21 =	simm.s32 @p0 $0x3  }
0x3ff: {  	p0 =	seq.s32 s21, $0x2  }
0x400: {  	s23 =	sshll.u32 @p0 s22, $0x7;
	s24 =	simm.s32 @p0 $0x400  }
0x401: {  	s25 =	simm.s32 @p0 $0x7A1400;
	p1 =	seq.s32 @!p0 s21, $0x1;
	s23 =	sand.u32 @p0 $0x1FFFFF80, s23  }
0x402: {  	s26 =	simm.s32 @p0 $0x4200;
	p2 =	por !p1, p0;
	s23 =	sadd.s32 @p0 s1, s23  }
0x403: {  	[tilespmem:s26], [sflag:$0x3] =	stream.strided.gather @p0 [hbm4b:s23+s24], $0x2000, s25, s24, $0x38;
	[tilespmem:$0x18200] =	vst v63  }
0x404: {  	s23 =	sshll.u32 @!p2 s22, $0x7  }
0x405: {  	s24 =	simm.s32 @!p2 $0x400;
	s23 =	sand.u32 @!p2 $0x1FFFFF80, s23  }
0x406: {  	s25 =	simm.s32 @!p2 $0x7A1400;
	s26 =	simm.s32 @!p2 $0x2200;
	s23 =	sadd.s32 @!p2 s1, s23  }
0x407: {  	[tilespmem:s26], [sflag:$0x2] =	stream.strided.gather @!p2 [hbm4b:s23+s24], $0x2000, s25, s24, $0x38;
	[tilespmem:$0x18200] =	vst v63  }
0x408: {  	p2 =	por p1, p0  }
0x409: {  	p2 =	sne.s32 @!p2 s21, $0x0  }
0x40a: {  	p1 =	por @!p0 p2, p1  }
0x40b: {  	p0 =	por p1, p0  }
0x40c: {  	s21 =	sshll.u32 @!p0 s22, $0x7  }
0x40d: {  	s22 =	simm.s32 @!p0 $0x400;
	s21 =	sand.u32 @!p0 $0x1FFFFF80, s21  }
0x40e: {  	s23 =	simm.s32 @!p0 $0x7A1400;
	s24 =	simm.s32 @!p0 $0x200;
	s21 =	sadd.s32 @!p0 s1, s21  }
0x40f: {  	[tilespmem:s24], [sflag:$0x1] =	stream.strided.gather @!p0 [hbm4b:s21+s22], $0x2000, s23, s22, $0x38;
	[tilespmem:$0x18200] =	vst v63  }
0x410: {  	p0 =	seq.s32 s19, $0x0  }
.Ltmp84:
0x411: {  	_ = 	snop;
	(pc) =	sbr.rel @p0 .LBB2_110-.Ltmp84, $1  }
0x412: {  	_ =	sdelay $0x3  }
0x413: {  	p0 =	seq.s32 s19, $0x2  }
.Ltmp85:
0x414: {  	_ = 	snop;
	(pc) =	sbr.rel @p0 .LBB2_114-.Ltmp85, $1  }
0x415: {  	_ =	sdelay $0x3  }
0x416: {  	p0 =	sne.s32 s19, $0x1  }
.Ltmp86:
0x417: {  	_ = 	snop;
	(pc) =	sbr.rel @p0 .LBB2_116-.Ltmp86, $1  }
0x418: {  	_ =	sdelay $0x3  }
.Ltmp87:
0x419: {  	(pc) =	sbr.rel .LBB2_115-.Ltmp87, $2  }
0x41a: {  	_ =	sdelay $0x2  }
0x41b: {  	s21 =	simm.s32 $0x2  }
.LBB2_114:
.Ltmp88:
0x41c: {  	(pc) =	sbr.rel .LBB2_115-.Ltmp88, $2  }
0x41d: {  	_ =	sdelay $0x2  }
0x41e: {  	s21 =	simm.s32 $0x3  }
.LBB2_110:
0x41f: {  	s21 =	simm.s32 $0x1  }
.LBB2_115:
0x420: {  	_ =	swait.ge [sflag:s21], $0x2000  }
0x421: {  	[sflag:s21] =	ssyncset.done $0x0  }
0x422: {  	[sflag:s21] =	ssyncadd.s32 $0xFFFFE000  }
.LBB2_116:
0x423: {  	v6 =	vbroadcast v4, $0xD  }
0x424: {  	s19 =	sshll.u32 s19, $0xD  }
0x425: {  	v6 =	vor.u32 s19, v6  }
0x426: {  	v7 =	vor.u32 v0, v6;
	_ =	sdelay $0x4  }
0x427: {  	v7 =	vld.idx.msk [tilespmem:v7+s10+$0x0], $0xffff  }
0x428: {  	v8 =	vor.u32 v1, v6  }
0x429: {  	(v2sf) =	vpush v5, $0xE;
	_ =	sdelay $0x2  }
0x42a: {  	[tilespmem:s17+$0x280] =	vst v7  }
0x42b: {  	v7 =	vld.idx.msk [tilespmem:v8+s10+$0x0], $0xffff  }
0x42c: {  	v63 =	vor.u32 v2, v6;
	_ =	sdelay $0x3  }
0x42d: {  	[tilespmem:s17+$0x290] =	vst v7  }
0x42e: {  	v7 =	vld.idx.msk [tilespmem:v63+s10+$0x0], $0xffff  }
0x42f: {  	v6 =	vor.u32 v3, v6;
	_ =	sdelay $0x3  }
0x430: {  	p0 =	seq.s32 s15, $0x2;
	s21 =	sadd.s32 $0x1, s15;
	s19 =	spop (v2sf);
	[tilespmem:s17+$0x2A0] =	vst v7  }
0x431: {  	s21 =	simm.s32 @p0 $0x0;
	p0 =	seq.s32 s19, s18;
	v6 =	vld.idx.msk [tilespmem:v6+s10+$0x0], $0xffff  }
.Ltmp89:
0x432: {  	_ = 	snop;
	(pc) =	sbr.rel @p0 .LBB2_124-.Ltmp89, $4  }
0x433: {  	p1 =	sne.s32 s19, s18  }
0x434: {  	s22 =	simm.s32 $0x1;
	s15 =	smov.u32 @p1 s21  }
0x435: {  	s22 =	simm.s32 @!p1 $0x0;
	p1 =	seq.s32 s19, $0x1E84;
	s18 =	smov.u32 s15  }
0x436: {  	s20 =	sadd.s32 s22, s20;
	s18 =	simm.s32 @p1 $0x3;
	[tilespmem:s17+$0x2B0] =	vst v6  }
0x437: {  	s22 =	sld [smem:s20+$0x2];
	p0 =	seq.s32 s21, $0x2;
	s21 =	sadd.s32 $0x1, s21  }
0x438: {  	s21 =	simm.s32 @p0 $0x0  }
0x439: {  	p0 =	seq.s32 s21, $0x2;
	s21 =	sadd.s32 $0x1, s21  }
0x43a: {  	s21 =	simm.s32 @p0 $0x0;
	p0 =	seq.s32 s22, $0x1E84  }
0x43b: {  	s21 =	simm.s32 @p0 $0x3  }
0x43c: {  	p0 =	seq.s32 s21, $0x2  }
0x43d: {  	s23 =	sshll.u32 @p0 s22, $0x7;
	s24 =	simm.s32 @p0 $0x400  }
0x43e: {  	s25 =	simm.s32 @p0 $0x7A1400;
	p1 =	seq.s32 @!p0 s21, $0x1;
	s23 =	sand.u32 @p0 $0x1FFFFF80, s23  }
0x43f: {  	s26 =	simm.s32 @p0 $0x4200;
	p2 =	por !p1, p0;
	s23 =	sadd.s32 @p0 s1, s23  }
0x440: {  	[tilespmem:s26], [sflag:$0x3] =	stream.strided.gather @p0 [hbm4b:s23+s24], $0x2000, s25, s24, $0x38;
	[tilespmem:$0x18200] =	vst v63  }
0x441: {  	s23 =	sshll.u32 @!p2 s22, $0x7  }
0x442: {  	s24 =	simm.s32 @!p2 $0x400;
	s23 =	sand.u32 @!p2 $0x1FFFFF80, s23  }
0x443: {  	s25 =	simm.s32 @!p2 $0x7A1400;
	s26 =	simm.s32 @!p2 $0x2200;
	s23 =	sadd.s32 @!p2 s1, s23  }
0x444: {  	[tilespmem:s26], [sflag:$0x2] =	stream.strided.gather @!p2 [hbm4b:s23+s24], $0x2000, s25, s24, $0x38;
	[tilespmem:$0x18200] =	vst v63  }
0x445: {  	p2 =	por p1, p0  }
0x446: {  	p2 =	sne.s32 @!p2 s21, $0x0  }
0x447: {  	p1 =	por @!p0 p2, p1  }
0x448: {  	p0 =	por p1, p0  }
0x449: {  	s21 =	sshll.u32 @!p0 s22, $0x7  }
0x44a: {  	s22 =	simm.s32 @!p0 $0x400;
	s21 =	sand.u32 @!p0 $0x1FFFFF80, s21  }
0x44b: {  	s23 =	simm.s32 @!p0 $0x7A1400;
	s24 =	simm.s32 @!p0 $0x200;
	s21 =	sadd.s32 @!p0 s1, s21  }
0x44c: {  	[tilespmem:s24], [sflag:$0x1] =	stream.strided.gather @!p0 [hbm4b:s21+s22], $0x2000, s23, s22, $0x38;
	[tilespmem:$0x18200] =	vst v63  }
0x44d: {  	p0 =	seq.s32 s18, $0x0  }
.Ltmp90:
0x44e: {  	_ = 	snop;
	(pc) =	sbr.rel @p0 .LBB2_118-.Ltmp90, $1  }
0x44f: {  	_ =	sdelay $0x3  }
0x450: {  	p0 =	seq.s32 s18, $0x2  }
.Ltmp91:
0x451: {  	_ = 	snop;
	(pc) =	sbr.rel @p0 .LBB2_122-.Ltmp91, $1  }
0x452: {  	_ =	sdelay $0x3  }
0x453: {  	p0 =	sne.s32 s18, $0x1  }
.Ltmp92:
0x454: {  	_ = 	snop;
	(pc) =	sbr.rel @p0 .LBB2_124-.Ltmp92, $1  }
0x455: {  	_ =	sdelay $0x3  }
.Ltmp93:
0x456: {  	(pc) =	sbr.rel .LBB2_123-.Ltmp93, $2  }
0x457: {  	_ =	sdelay $0x2  }
0x458: {  	s21 =	simm.s32 $0x2  }
.LBB2_122:
.Ltmp94:
0x459: {  	(pc) =	sbr.rel .LBB2_123-.Ltmp94, $2  }
0x45a: {  	_ =	sdelay $0x2  }
0x45b: {  	s21 =	simm.s32 $0x3  }
.LBB2_118:
0x45c: {  	s21 =	simm.s32 $0x1  }
.LBB2_123:
0x45d: {  	_ =	swait.ge [sflag:s21], $0x2000  }
0x45e: {  	[sflag:s21] =	ssyncset.done $0x0  }
0x45f: {  	[sflag:s21] =	ssyncadd.s32 $0xFFFFE000  }
.LBB2_124:
0x460: {  	v6 =	vbroadcast v4, $0xE  }
0x461: {  	s18 =	sshll.u32 s18, $0xD  }
0x462: {  	v6 =	vor.u32 s18, v6  }
0x463: {  	v7 =	vor.u32 v0, v6;
	_ =	sdelay $0x4  }
0x464: {  	v7 =	vld.idx.msk [tilespmem:v7+s10+$0x0], $0xffff  }
0x465: {  	v8 =	vor.u32 v1, v6  }
0x466: {  	(v2sf) =	vpush v5, $0xF;
	_ =	sdelay $0x2  }
0x467: {  	[tilespmem:s17+$0x300] =	vst v7  }
0x468: {  	v5 =	vld.idx.msk [tilespmem:v8+s10+$0x0], $0xffff  }
0x469: {  	v7 =	vor.u32 v2, v6;
	_ =	sdelay $0x3  }
0x46a: {  	[tilespmem:s17+$0x310] =	vst v5  }
0x46b: {  	v5 =	vld.idx.msk [tilespmem:v7+s10+$0x0], $0xffff  }
0x46c: {  	v6 =	vor.u32 v3, v6;
	_ =	sdelay $0x3  }
0x46d: {  	p0 =	seq.s32 s15, $0x2;
	s22 =	sadd.s32 $0x1, s15;
	s18 =	spop (v2sf);
	[tilespmem:s17+$0x320] =	vst v5  }
0x46e: {  	s22 =	simm.s32 @p0 $0x0;
	p0 =	seq.s32 s18, s19;
	v5 =	vld.idx.msk [tilespmem:v6+s10+$0x0], $0xffff  }
.Ltmp95:
0x46f: {  	_ = 	snop;
	(pc) =	sbr.rel @p0 .LBB2_132-.Ltmp95, $4  }
0x470: {  	p1 =	sne.s32 s18, s19  }
0x471: {  	s23 =	simm.s32 $0x1;
	s15 =	smov.u32 @p1 s22  }
0x472: {  	s23 =	simm.s32 @!p1 $0x0;
	p1 =	seq.s32 s18, $0x1E84;
	s21 =	smov.u32 s15  }
0x473: {  	s19 =	sadd.s32 s23, s20;
	s21 =	simm.s32 @p1 $0x3;
	[tilespmem:s17+$0x330] =	vst v5  }
0x474: {  	s20 =	sld [smem:s19+$0x2];
	p0 =	seq.s32 s22, $0x2;
	s22 =	sadd.s32 $0x1, s22  }
0x475: {  	s22 =	simm.s32 @p0 $0x0  }
0x476: {  	p0 =	seq.s32 s22, $0x2;
	s22 =	sadd.s32 $0x1, s22  }
0x477: {  	s22 =	simm.s32 @p0 $0x0;
	p0 =	seq.s32 s20, $0x1E84  }
0x478: {  	s22 =	simm.s32 @p0 $0x3  }
0x479: {  	p0 =	seq.s32 s22, $0x2  }
0x47a: {  	s23 =	sshll.u32 @p0 s20, $0x7;
	s24 =	simm.s32 @p0 $0x400  }
0x47b: {  	s25 =	simm.s32 @p0 $0x7A1400;
	p1 =	seq.s32 @!p0 s22, $0x1;
	s23 =	sand.u32 @p0 $0x1FFFFF80, s23  }
0x47c: {  	s26 =	simm.s32 @p0 $0x4200;
	p2 =	por !p1, p0;
	s23 =	sadd.s32 @p0 s1, s23  }
0x47d: {  	[tilespmem:s26], [sflag:$0x3] =	stream.strided.gather @p0 [hbm4b:s23+s24], $0x2000, s25, s24, $0x38;
	[tilespmem:$0x18200] =	vst v63  }
0x47e: {  	s23 =	sshll.u32 @!p2 s20, $0x7  }
0x47f: {  	s24 =	simm.s32 @!p2 $0x400;
	s23 =	sand.u32 @!p2 $0x1FFFFF80, s23  }
0x480: {  	s25 =	simm.s32 @!p2 $0x7A1400;
	s26 =	simm.s32 @!p2 $0x2200;
	s23 =	sadd.s32 @!p2 s1, s23  }
0x481: {  	[tilespmem:s26], [sflag:$0x2] =	stream.strided.gather @!p2 [hbm4b:s23+s24], $0x2000, s25, s24, $0x38;
	[tilespmem:$0x18200] =	vst v63  }
0x482: {  	p2 =	por p1, p0  }
0x483: {  	p2 =	sne.s32 @!p2 s22, $0x0  }
0x484: {  	p1 =	por @!p0 p2, p1  }
0x485: {  	p0 =	por p1, p0  }
0x486: {  	s20 =	sshll.u32 @!p0 s20, $0x7  }
0x487: {  	s22 =	simm.s32 @!p0 $0x400;
	s20 =	sand.u32 @!p0 $0x1FFFFF80, s20  }
0x488: {  	s23 =	simm.s32 @!p0 $0x7A1400;
	s24 =	simm.s32 @!p0 $0x200;
	s20 =	sadd.s32 @!p0 s1, s20  }
0x489: {  	[tilespmem:s24], [sflag:$0x1] =	stream.strided.gather @!p0 [hbm4b:s20+s22], $0x2000, s23, s22, $0x38;
	[tilespmem:$0x18200] =	vst v63  }
0x48a: {  	p0 =	seq.s32 s21, $0x0  }
.Ltmp96:
0x48b: {  	_ = 	snop;
	(pc) =	sbr.rel @p0 .LBB2_126-.Ltmp96, $1  }
0x48c: {  	_ =	sdelay $0x3  }
0x48d: {  	p0 =	seq.s32 s21, $0x2  }
.Ltmp97:
0x48e: {  	_ = 	snop;
	(pc) =	sbr.rel @p0 .LBB2_130-.Ltmp97, $1  }
0x48f: {  	_ =	sdelay $0x3  }
0x490: {  	p0 =	sne.s32 s21, $0x1  }
.Ltmp98:
0x491: {  	_ = 	snop;
	(pc) =	sbr.rel @p0 .LBB2_132-.Ltmp98, $1  }
0x492: {  	_ =	sdelay $0x3  }
.Ltmp99:
0x493: {  	(pc) =	sbr.rel .LBB2_131-.Ltmp99, $2  }
0x494: {  	_ =	sdelay $0x2  }
0x495: {  	s20 =	simm.s32 $0x2  }
.LBB2_126:
.Ltmp100:
0x496: {  	(pc) =	sbr.rel .LBB2_131-.Ltmp100, $2  }
0x497: {  	_ =	sdelay $0x2  }
0x498: {  	s20 =	simm.s32 $0x1  }
.LBB2_133:
0x499: {  	s15 =	smulhi.u32 $0x55555556, s14;
	s16 =	sshra.s32 s14, $0x1F  }
0x49a: {  	s16 =	smul.u32 $0x55555556, s16;
	_ =	sdelay $0x1  }
0x49b: {  	s15 =	sadd.s32 s16, s15  }
0x49c: {  	s16 =	sshrl.u32 s15, $0x1F  }
0x49d: {  	s15 =	sadd.s32 s16, s15  }
0x49e: {  	s15 =	smul.u32 $0x3, s15;
	_ =	sdelay $0x1  }
0x49f: {  	s14 =	ssub.s32 s14, s15  }
0x4a0: {  	p0 =	seq.s32 s14, $0x0  }
.Ltmp101:
0x4a1: {  	_ = 	snop;
	(pc) =	sbr.rel @p0 .LBB2_134-.Ltmp101, $1  }
0x4a2: {  	_ =	sdelay $0x3  }
0x4a3: {  	p0 =	seq.s32 s14, $0x2  }
.Ltmp102:
0x4a4: {  	_ = 	snop;
	(pc) =	sbr.rel @p0 .LBB2_138-.Ltmp102, $1  }
0x4a5: {  	_ =	sdelay $0x3  }
0x4a6: {  	p0 =	sne.s32 s14, $0x1  }
.Ltmp103:
0x4a7: {  	_ = 	snop;
	(pc) =	sbr.rel @p0 .LBB2_140-.Ltmp103, $1  }
0x4a8: {  	_ =	sdelay $0x3  }
.Ltmp104:
0x4a9: {  	(pc) =	sbr.rel .LBB2_139-.Ltmp104, $2  }
0x4aa: {  	_ =	sdelay $0x2  }
0x4ab: {  	s14 =	simm.s32 $0x2  }
.LBB2_138:
.Ltmp105:
0x4ac: {  	(pc) =	sbr.rel .LBB2_139-.Ltmp105, $2  }
0x4ad: {  	_ =	sdelay $0x2  }
0x4ae: {  	s14 =	simm.s32 $0x3  }
.LBB2_134:
0x4af: {  	s14 =	simm.s32 $0x1  }
.LBB2_139:
0x4b0: {  	_ =	swait.ge [sflag:s14], $0x2000  }
0x4b1: {  	[sflag:s14] =	ssyncset.done $0x0  }
0x4b2: {  	[sflag:s14] =	ssyncadd.s32 $0xFFFFE000  }
.LBB2_140:
0x4b3: {  	s14 =	smulhi.u32 $0x55555556, s13;
	s15 =	sshra.s32 s13, $0x1F  }
0x4b4: {  	s15 =	smul.u32 $0x55555556, s15;
	_ =	sdelay $0x1  }
0x4b5: {  	s14 =	sadd.s32 s15, s14  }
0x4b6: {  	s15 =	sshrl.u32 s14, $0x1F  }
0x4b7: {  	s14 =	sadd.s32 s15, s14  }
0x4b8: {  	s14 =	smul.u32 $0x3, s14;
	_ =	sdelay $0x1  }
0x4b9: {  	s13 =	ssub.s32 s13, s14  }
0x4ba: {  	p0 =	seq.s32 s13, $0x0  }
.Ltmp106:
0x4bb: {  	_ = 	snop;
	(pc) =	sbr.rel @p0 .LBB2_141-.Ltmp106, $1  }
0x4bc: {  	_ =	sdelay $0x3  }
0x4bd: {  	p0 =	seq.s32 s13, $0x2  }
.Ltmp107:
0x4be: {  	_ = 	snop;
	(pc) =	sbr.rel @p0 .LBB2_145-.Ltmp107, $1  }
0x4bf: {  	_ =	sdelay $0x3  }
0x4c0: {  	p0 =	sne.s32 s13, $0x1  }
.Ltmp108:
0x4c1: {  	_ = 	snop;
	(pc) =	sbr.rel @p0 .LBB2_147-.Ltmp108, $1  }
0x4c2: {  	_ =	sdelay $0x3  }
.Ltmp109:
0x4c3: {  	(pc) =	sbr.rel .LBB2_146-.Ltmp109, $2  }
0x4c4: {  	_ =	sdelay $0x2  }
0x4c5: {  	s13 =	simm.s32 $0x2  }
.LBB2_141:
.Ltmp110:
0x4c6: {  	(pc) =	sbr.rel .LBB2_146-.Ltmp110, $2  }
0x4c7: {  	_ =	sdelay $0x2  }
0x4c8: {  	s13 =	simm.s32 $0x1  }
.LBB2_148:
0x4c9: {  	_ =	sfence.sel $0x180000  }
0x4ca: {  	[bflag:$0x0] =	sbarrier.arrive $0xFFFF  }
0x4cb: {  	p0 =	sne.s32 s2, $0x0;
	_ =	strace $0x90000047  }
0x4cc: {  	s0 =	sadd.s32 @!p0 $0x100000, s0;
	[bflag:$0x2] =	sbarrier.arrive $0xFFFF  }
0x4cd: {  	[sflag:s0] =	ssyncadd.tile.s32 @!p0 $0x1;
	_ =	shalt  }
.Lfunc_end2:
_tile_overlayer_lowered:
.L_overlay_start_2:
0x4ce: {  	(tag) =	ssettag $0x2  }
0x4cf: {  	s0 =	rddreg [dreg:$0x0];
	s2 =	stileid.u32  }
0x4d0: {  	s1 =	rddreg [dreg:$0x1];
	p0 =	sne.s32 s2, $0x0  }
0x4d1: {  	s3 =	rddreg [dreg:$0x2];
	[bflag:$0x3] =	sbarrier.arrive $0xFFFF;
	s2 =	simm.s32 @!p0 $0x1C04  }
0x4d2: {  	[timem:s3], [sflag:s2] =	dma.local @!p0 [hbm:s0], s1  }
0x4d3: {  	s0 =	simm.s32 @!p0 $0x4  }
0x4d4: {  	_ =	swait.ge @!p0 [sflag:s0], s1  }
0x4d5: {  	s1 =	ssub.s32 @!p0 $0x0, s1;
	[sflag:s0] =	ssyncset.done @!p0 $0x0  }
0x4d6: {  	[sflag:s0] =	ssyncadd.s32 @!p0 s1  }
0x4d7: {  	[bflag:$0x3] =	sbarrier.arrive $0xFFFF  }
0x4d8: {  	_ =	shalt  }

</sc_bundles>
